<compile_context>
chip_gen: v7x
topology: tpu7x:2x2x1
jax: 0.10.2.dev20260603
libtpu: 0.0.44.dev20260713+nightly
codegen_flags: <defaults>
</compile_context>

<pallas_src>
import functools

import jax
import jax.numpy as jnp
from jax import lax
from jax.experimental import pallas as pl
from jax.experimental.pallas import tpu as pltpu
from jax.experimental.pallas import tpu_sc as plsc

_N = 10000
_E = 320000
_F_IN = 128
_HEADS = 8
_HID = 16
_C = 40
_C_PAD = 48

_NC = 2
_NS = 16
_NW = _NC * _NS
_EPT = _E // _NW
_CHUNK = 50
_NCH = _EPT // _CHUNK
_RS = 624
_TAIL = _N - _NS * _RS

_BR = 1000



def _pre1_body(x_ref, w_ref, asm_ref, adm_ref, h_ref, asp_ref, adp_ref):
    h = jnp.dot(x_ref[...], w_ref[...], preferred_element_type=jnp.float32)
    h_ref[...] = h
    asp_ref[...] = jnp.dot(h, asm_ref[...], preferred_element_type=jnp.float32)
    adp_ref[...] = jnp.dot(h, adm_ref[...], preferred_element_type=jnp.float32)


def _pre1(x, W, Asm, Adm):
    return pl.pallas_call(
        _pre1_body,
        grid=(_N // _BR,),
        in_specs=[
            pl.BlockSpec((_BR, _F_IN), lambda i: (i, 0)),
            pl.BlockSpec((_F_IN, 128), lambda i: (0, 0)),
            pl.BlockSpec((128, 16), lambda i: (0, 0)),
            pl.BlockSpec((128, 16), lambda i: (0, 0)),
        ],
        out_specs=[
            pl.BlockSpec((_BR, 128), lambda i: (i, 0)),
            pl.BlockSpec((_BR, 16), lambda i: (i, 0)),
            pl.BlockSpec((_BR, 16), lambda i: (i, 0)),
        ],
        out_shape=[
            jax.ShapeDtypeStruct((_N, 128), jnp.float32),
            jax.ShapeDtypeStruct((_N, 16), jnp.float32),
            jax.ShapeDtypeStruct((_N, 16), jnp.float32),
        ],
    )(x, W, Asm, Adm)


def _comb_body(acc_ref, den_ref, h_ref, asp_ref, adp_ref, b_ref, g_ref,
               be_ref, e8_ref, wn_ref, asn_ref, adn_ref,
               hn_ref, aspn_ref, adpn_ref):
    e = asp_ref[...] + adp_ref[...]
    wself = jnp.exp(jnp.where(e >= 0.0, e, 0.2 * e))
    den16 = den_ref[0] + den_ref[1] + wself
    e8 = e8_ref[...]
    den = jnp.dot(den16, e8, preferred_element_type=jnp.float32)
    acc = (acc_ref[0] + acc_ref[1]
           + jnp.dot(wself, e8, preferred_element_type=jnp.float32) * h_ref[...])
    out = acc / den + b_ref[0:1, :]
    out = jnp.where(out > 0.0, out, jnp.exp(out) - 1.0)
    out = out * g_ref[0:1, :] + be_ref[0:1, :]
    hn = jnp.dot(out, wn_ref[...], preferred_element_type=jnp.float32)
    hn_ref[...] = hn
    aspn_ref[...] = jnp.dot(hn, asn_ref[...], preferred_element_type=jnp.float32)
    adpn_ref[...] = jnp.dot(hn, adn_ref[...], preferred_element_type=jnp.float32)


def _combine_pre(acc, den, h, asp, adp, b8, g8, be8, E8, Wn, Asn, Adn, Fn):
    F = h.shape[1]
    return pl.pallas_call(
        _comb_body,
        grid=(_N // _BR,),
        in_specs=[
            pl.BlockSpec((2, _BR, F), lambda i: (0, i, 0)),
            pl.BlockSpec((2, _BR, 16), lambda i: (0, i, 0)),
            pl.BlockSpec((_BR, F), lambda i: (i, 0)),
            pl.BlockSpec((_BR, 16), lambda i: (i, 0)),
            pl.BlockSpec((_BR, 16), lambda i: (i, 0)),
            pl.BlockSpec((8, F), lambda i: (0, 0)),
            pl.BlockSpec((8, F), lambda i: (0, 0)),
            pl.BlockSpec((8, F), lambda i: (0, 0)),
            pl.BlockSpec((16, F), lambda i: (0, 0)),
            pl.BlockSpec((F, Fn), lambda i: (0, 0)),
            pl.BlockSpec((Fn, 16), lambda i: (0, 0)),
            pl.BlockSpec((Fn, 16), lambda i: (0, 0)),
        ],
        out_specs=[
            pl.BlockSpec((_BR, Fn), lambda i: (i, 0)),
            pl.BlockSpec((_BR, 16), lambda i: (i, 0)),
            pl.BlockSpec((_BR, 16), lambda i: (i, 0)),
        ],
        out_shape=[
            jax.ShapeDtypeStruct((_N, Fn), jnp.float32),
            jax.ShapeDtypeStruct((_N, 16), jnp.float32),
            jax.ShapeDtypeStruct((_N, 16), jnp.float32),
        ],
    )(acc, den, h, asp, adp, b8, g8, be8, E8, Wn, Asn, Adn)


def _final_body(acc_ref, den_ref, h_ref, asp_ref, adp_ref, b_ref, e3_ref,
                out_ref):
    e = asp_ref[...] + adp_ref[...]
    wself = jnp.exp(jnp.where(e >= 0.0, e, 0.2 * e))
    den16 = den_ref[0] + den_ref[1] + wself
    e3 = e3_ref[...]
    den = jnp.dot(den16, e3, preferred_element_type=jnp.float32)
    acc = (acc_ref[0] + acc_ref[1]
           + jnp.dot(wself, e3, preferred_element_type=jnp.float32) * h_ref[...])
    z = acc / den + b_ref[0:1, :]
    col = lax.broadcasted_iota(jnp.int32, (_BR, _C_PAD), 1)
    zm = jnp.where(col < _C, z, -1e30)
    m = jnp.max(zm, axis=1, keepdims=True)
    s = jnp.sum(jnp.exp(zm - m), axis=1, keepdims=True)
    out_ref[...] = z - (m + jnp.log(s))


def _final(acc, den, h, asp, adp, b8, E3):
    return pl.pallas_call(
        _final_body,
        grid=(_N // _BR,),
        in_specs=[
            pl.BlockSpec((2, _BR, _C_PAD), lambda i: (0, i, 0)),
            pl.BlockSpec((2, _BR, 16), lambda i: (0, i, 0)),
            pl.BlockSpec((_BR, _C_PAD), lambda i: (i, 0)),
            pl.BlockSpec((_BR, 16), lambda i: (i, 0)),
            pl.BlockSpec((_BR, 16), lambda i: (i, 0)),
            pl.BlockSpec((8, _C_PAD), lambda i: (0, 0)),
            pl.BlockSpec((16, _C_PAD), lambda i: (0, 0)),
        ],
        out_specs=[pl.BlockSpec((_BR, _C_PAD), lambda i: (i, 0))],
        out_shape=[jax.ShapeDtypeStruct((_N, _C_PAD), jnp.float32)],
    )(acc, den, h, asp, adp, b8, E3)[0]



def _build_sc(F, heads):
    mesh = plsc.VectorSubcoreMesh(core_axis_name="c", subcore_axis_name="s")

    @functools.partial(
        pl.kernel,
        out_type=[
            jax.ShapeDtypeStruct((_NC, _N, F), jnp.float32),
            jax.ShapeDtypeStruct((_NC, _N, 16), jnp.float32),
        ],
        mesh=mesh,
        compiler_params=pltpu.CompilerParams(use_tc_tiling_on_sc=False),
        scratch_types=[
            pltpu.VMEM((_NCH, _CHUNK), jnp.int32),
            pltpu.VMEM((_NCH, _CHUNK), jnp.int32),
            pltpu.VMEM((_CHUNK, F), jnp.float32),
            pltpu.VMEM((_CHUNK, F), jnp.float32),
            pltpu.VMEM((_CHUNK, 16), jnp.float32),
            pltpu.VMEM((_CHUNK, 16), jnp.float32),
            pltpu.VMEM((_CHUNK, 16), jnp.float32),
            pltpu.VMEM((_CHUNK, 16), jnp.float32),
            pltpu.VMEM((_CHUNK, 16), jnp.float32),
            pltpu.VMEM((_CHUNK, 16), jnp.float32),
            pltpu.SemaphoreType.DMA,
            pltpu.SemaphoreType.DMA,
            pltpu.SemaphoreType.DMA,
            pltpu.SemaphoreType.DMA,
            pltpu.VMEM_SHARED((_N, F), jnp.float32),
            pltpu.VMEM_SHARED((_N, 16), jnp.float32),
        ],
    )
    def sck(src_hbm, dst_hbm, h_hbm, asp_hbm, adp_hbm, zrow_hbm, zden_hbm,
            acc_out, den_out,
            sidx_all, didx_all, rows0, rows1, asr0, asr1, adr0, adr1,
            wbuf0, wbuf1, gsem0, gsem1, ssem0, ssem1, acc_sh, den_sh):
        c = lax.axis_index("c")
        s = lax.axis_index("s")
        wid = c * _NS + s
        rows = (rows0, rows1)
        asr = (asr0, asr1)
        adr = (adr0, adr1)
        wbuf = (wbuf0, wbuf1)
        gsem = (gsem0, gsem1)
        ssem = (ssem0, ssem1)

        pltpu.sync_copy(zrow_hbm, acc_sh.at[pl.ds(s * _RS, _RS)])
        pltpu.sync_copy(zden_hbm, den_sh.at[pl.ds(s * _RS, _RS)])

        @pl.when(s == _NS - 1)
        def _init_tail():
            pltpu.sync_copy(zrow_hbm.at[pl.ds(0, _TAIL)],
                            acc_sh.at[pl.ds(_NS * _RS, _TAIL)])
            pltpu.sync_copy(zden_hbm.at[pl.ds(0, _TAIL)],
                            den_sh.at[pl.ds(_NS * _RS, _TAIL)])

        pltpu.sync_copy(src_hbm.at[wid], sidx_all)
        pltpu.sync_copy(dst_hbm.at[wid], didx_all)
        plsc.subcore_barrier()

        def issue_gather(b, ci):
            pltpu.async_copy(h_hbm.at[sidx_all.at[ci]], rows[b], gsem[b])
            pltpu.async_copy(asp_hbm.at[sidx_all.at[ci]], asr[b], gsem[b])
            pltpu.async_copy(adp_hbm.at[didx_all.at[ci]], adr[b], gsem[b])

        def wait_gather(b):
            pltpu.make_async_copy(h_hbm.at[sidx_all.at[0]], rows[b], gsem[b]).wait()
            pltpu.make_async_copy(asp_hbm.at[sidx_all.at[0]], asr[b], gsem[b]).wait()
            pltpu.make_async_copy(adp_hbm.at[didx_all.at[0]], adr[b], gsem[b]).wait()

        def issue_scatter(b, ci):
            pltpu.async_copy(rows[b], acc_sh.at[didx_all.at[ci]], ssem[b], add=True)
            pltpu.async_copy(wbuf[b], den_sh.at[didx_all.at[ci]], ssem[b], add=True)

        def wait_scatter(b):
            pltpu.make_async_copy(rows[b], acc_sh.at[didx_all.at[0]], ssem[b]).wait()
            pltpu.make_async_copy(wbuf[b], den_sh.at[didx_all.at[0]], ssem[b]).wait()

        def compute(b):
            @plsc.parallel_loop(0, _CHUNK, 1, unroll=4)
            def edge_body(i):
                e = asr[b][i, :] + adr[b][i, :]
                w = jnp.exp(jnp.where(e >= 0.0, e, e * 0.2))
                wbuf[b][i, :] = w
                for k in range(F // 16):
                    hk = k if heads == 8 else 0
                    sw = w[hk]
                    rows[b][i, pl.ds(k * 16, 16)] = (
                        rows[b][i, pl.ds(k * 16, 16)] * sw)

        issue_gather(0, 0)

        def outer_body(g, carry):
            for b in (0, 1):
                ci = g * 2 + b
                nb = 1 - b

                @pl.when(ci + 1 < _NCH)
                def _prefetch():
                    @pl.when(ci >= 1)
                    def _recycle():
                        wait_scatter(nb)

                    issue_gather(nb, ci + 1)

                wait_gather(b)
                compute(b)
                issue_scatter(b, ci)
            return carry

        lax.fori_loop(0, _NCH // 2, outer_body, 0)
        wait_scatter(0)
        wait_scatter(1)
        plsc.subcore_barrier()

        pltpu.sync_copy(acc_sh.at[pl.ds(s * _RS, _RS)],
                        acc_out.at[c, pl.ds(s * _RS, _RS)])
        pltpu.sync_copy(den_sh.at[pl.ds(s * _RS, _RS)],
                        den_out.at[c, pl.ds(s * _RS, _RS)])

        @pl.when(s == _NS - 1)
        def _out_tail():
            pltpu.sync_copy(acc_sh.at[pl.ds(_NS * _RS, _TAIL)],
                            acc_out.at[c, pl.ds(_NS * _RS, _TAIL)])
            pltpu.sync_copy(den_sh.at[pl.ds(_NS * _RS, _TAIL)],
                            den_out.at[c, pl.ds(_NS * _RS, _TAIL)])

    return sck


_sc128 = _build_sc(128, 8)
_sc48 = _build_sc(_C_PAD, 1)



def _dup_head_mat(a):
    eye8 = jnp.eye(8, dtype=jnp.float32)
    m8 = (a[:, :, None] * eye8[:, None, :]).reshape(128, 8)
    return jnp.concatenate([m8, m8], axis=1)


def _single_head_mat(a):
    ap = jnp.concatenate([a.reshape(_C, 1),
                          jnp.zeros((_C_PAD - _C, 1), jnp.float32)], axis=0)
    return jnp.tile(ap, (1, 16))


def _row8(v, F):
    return jnp.tile(v.reshape(1, F), (8, 1))


def _impl(x, edge_index, W1, a_src1, a_dst1, b1, g1, be1,
          W2, a_src2, a_dst2, b2, g2, be2, W3, a_src3, a_dst3, b3):
    src = edge_index[0].reshape(_NW, _NCH, _CHUNK)
    dst = edge_index[1].reshape(_NW, _NCH, _CHUNK)
    bn_s = 1.0 / jnp.sqrt(jnp.float32(1.0 + 1e-5))

    As1 = _dup_head_mat(a_src1)
    Ad1 = _dup_head_mat(a_dst1)
    As2 = _dup_head_mat(a_src2)
    Ad2 = _dup_head_mat(a_dst2)
    As3 = _single_head_mat(a_src3)
    Ad3 = _single_head_mat(a_dst3)
    W3p = jnp.concatenate([W3, jnp.zeros((128, _C_PAD - _C), jnp.float32)], 1)
    b3p = jnp.concatenate([b3, jnp.zeros((_C_PAD - _C,), jnp.float32)])

    idx16 = jnp.arange(16, dtype=jnp.int32)
    E8 = (idx16[:, None] == (jnp.arange(128, dtype=jnp.int32) // 16)[None, :])
    E8 = E8.astype(jnp.float32)
    E3 = (idx16[:, None] == 0).astype(jnp.float32) * jnp.ones((1, _C_PAD), jnp.float32)

    zrow = jnp.zeros((_RS, 128), jnp.float32)
    zrow3 = jnp.zeros((_RS, _C_PAD), jnp.float32)
    zden = jnp.zeros((_RS, 16), jnp.float32)

    h1, asp1, adp1 = _pre1(x, W1, As1, Ad1)
    acc1, den1 = _sc128(src, dst, h1, asp1, adp1, zrow, zden)
    h2, asp2, adp2 = _combine_pre(
        acc1, den1, h1, asp1, adp1,
        _row8(b1, 128), _row8(g1 * bn_s, 128), _row8(be1, 128),
        E8, W2, As2, Ad2, 128)
    acc2, den2 = _sc128(src, dst, h2, asp2, adp2, zrow, zden)
    h3, asp3, adp3 = _combine_pre(
        acc2, den2, h2, asp2, adp2,
        _row8(b2, 128), _row8(g2 * bn_s, 128), _row8(be2, 128),
        E8, W3p, As3, Ad3, _C_PAD)
    acc3, den3 = _sc48(src, dst, h3, asp3, adp3, zrow3, zden)
    outp = _final(acc3, den3, h3, asp3, adp3, _row8(b3p, _C_PAD), E3)
    return outp[:, :_C]


_impl_jit = jax.jit(_impl)


def kernel(x, edge_index, W1, a_src1, a_dst1, b1, g1, be1,
           W2, a_src2, a_dst2, b2, g2, be2, W3, a_src3, a_dst3, b3):
    return _impl_jit(x, edge_index, W1, a_src1, a_dst1, b1, g1, be1,
                     W2, a_src2, a_dst2, b2, g2, be2, W3, a_src3, a_dst3, b3)

# --- scband reference (transcript-rebuilt; emitter-appended) ---
"""Pipeline reference for scband-gat-73332271612230 (READ-ONLY COPY).

The authoritative reference and input builder live on the scoring server;
editing this copy changes nothing except your own understanding.
"""

import jax, jax.numpy as jnp
import numpy as np

N = 10000
E = 320000
F_IN = 128
HID = 16
HEADS = 8
C = 40

def setup_inputs(seed: int = 0) -> dict:
    key = jax.random.key(seed)
    ks = jax.random.split(key, 20)
    s = 0.1
    inp = {}
    inp['x'] = jax.random.normal(ks[0], (N, F_IN), dtype=jnp.float32)
    inp['edge_index'] = jax.random.randint(ks[1], (2, E), 0, N, dtype=jnp.int32)
    # GATConv 1: in=128 -> heads=8, out=16
    inp['W1'] = jax.random.normal(ks[2], (F_IN, HEADS * HID), dtype=jnp.float32) * s
    inp['a_src1'] = jax.random.normal(ks[3], (HEADS, HID), dtype=jnp.float32) * s
    inp['a_dst1'] = jax.random.normal(ks[4], (HEADS, HID), dtype=jnp.float32) * s
    inp['b1'] = jnp.zeros((HEADS * HID,), dtype=jnp.float32)
    # BN1
    inp['g1'] = jnp.ones((HEADS * HID,), dtype=jnp.float32)
    inp['be1'] = jnp.zeros((HEADS * HID,), dtype=jnp.float32)
    # GATConv 2: in=128 -> heads=8, out=16
    inp['W2'] = jax.random.normal(ks[5], (HEADS * HID, HEADS * HID), dtype=jnp.float32) * s
    inp['a_src2'] = jax.random.normal(ks[6], (HEADS, HID), dtype=jnp.float32) * s
    inp['a_dst2'] = jax.random.normal(ks[7], (HEADS, HID), dtype=jnp.float32) * s
    inp['b2'] = jnp.zeros((HEADS * HID,), dtype=jnp.float32)
    # BN2
    inp['g2'] = jnp.ones((HEADS * HID,), dtype=jnp.float32)
    inp['be2'] = jnp.zeros((HEADS * HID,), dtype=jnp.float32)
    # GATConv 3: in=128 -> heads=1, out=num_classes=40
    inp['W3'] = jax.random.normal(ks[8], (HEADS * HID, C), dtype=jnp.float32) * s
    inp['a_src3'] = jax.random.normal(ks[9], (1, C), dtype=jnp.float32) * s
    inp['a_dst3'] = jax.random.normal(ks[10], (1, C), dtype=jnp.float32) * s
    inp['b3'] = jnp.zeros((C,), dtype=jnp.float32)
    return inp

def _gat_conv(x, edge_index, W, a_src, a_dst, b, heads, out_ch):
    # PyG-style GATConv with add_self_loops=True, negative_slope=0.2 (dropout identity at eval)
    n = x.shape[0]
    loop = jnp.arange(n, dtype=edge_index.dtype)
    src = jnp.concatenate([edge_index[0], loop])
    dst = jnp.concatenate([edge_index[1], loop])
    h = (x @ W).reshape(n, heads, out_ch)
    alpha_s = (h * a_src[None, :, :]).sum(-1)  # [n, heads]
    alpha_d = (h * a_dst[None, :, :]).sum(-1)
    e = alpha_s[src] + alpha_d[dst]            # [e, heads]
    e = jax.nn.leaky_relu(e, 0.2)
    m = jax.ops.segment_max(e, dst, num_segments=n)
    ex = jnp.exp(e - m[dst])
    den = jax.ops.segment_sum(ex, dst, num_segments=n)
    alpha = ex / (den[dst] + 1e-16)
    msg = h[src] * alpha[:, :, None]
    out = jax.ops.segment_sum(msg, dst, num_segments=n)  # [n, heads, out_ch]
    return out.reshape(n, heads * out_ch) + b

def _bn_eval(x, g, b):
    # BatchNorm1d in eval mode, running_mean=0, running_var=1, eps=1e-5
    return x / jnp.sqrt(1.0 + 1e-5) * g + b

def reference(x, edge_index, W1, a_src1, a_dst1, b1, g1, be1,
              W2, a_src2, a_dst2, b2, g2, be2,
              W3, a_src3, a_dst3, b3):
    h = _gat_conv(x, edge_index, W1, a_src1, a_dst1, b1, HEADS, HID)
    h = jax.nn.elu(h)
    h = _bn_eval(h, g1, be1)
    h = _gat_conv(h, edge_index, W2, a_src2, a_dst2, b2, HEADS, HID)
    h = jax.nn.elu(h)
    h = _bn_eval(h, g2, be2)
    h = _gat_conv(h, edge_index, W3, a_src3, a_dst3, b3, 1, C)
    return jax.nn.log_softmax(h, axis=1)

if __name__ == "__main__":
    import jax
    _d = setup_inputs()
    print(jax.jit(kernel)(*tuple(_d.values())))

</pallas_src>

<mosaic_0001>
#map = affine_map<(d0, d1) -> (0, 0, 0)>
#map1 = affine_map<(d0, d1) -> (0, 0)>
module attributes {stable_mosaic.version = 14 : i64} {
  func.func @sck(%arg0: i32, %arg1: i32, %arg2: memref<32x200x50xi32, #tpu.memory_space<hbm>>, %arg3: memref<32x200x50xi32, #tpu.memory_space<hbm>>, %arg4: memref<10000x48xf32, #tpu.memory_space<hbm>>, %arg5: memref<10000x16xf32, #tpu.memory_space<hbm>>, %arg6: memref<10000x16xf32, #tpu.memory_space<hbm>>, %arg7: memref<624x48xf32, #tpu.memory_space<hbm>>, %arg8: memref<624x16xf32, #tpu.memory_space<hbm>>, %arg9: memref<2x10000x48xf32, #tpu.memory_space<hbm>>, %arg10: memref<2x10000x16xf32, #tpu.memory_space<hbm>>, %arg11: memref<200x50xi32, #tpu.memory_space<vmem>>, %arg12: memref<200x50xi32, #tpu.memory_space<vmem>>, %arg13: memref<50x48xf32, #tpu.memory_space<vmem>>, %arg14: memref<50x48xf32, #tpu.memory_space<vmem>>, %arg15: memref<50x16xf32, #tpu.memory_space<vmem>>, %arg16: memref<50x16xf32, #tpu.memory_space<vmem>>, %arg17: memref<50x16xf32, #tpu.memory_space<vmem>>, %arg18: memref<50x16xf32, #tpu.memory_space<vmem>>, %arg19: memref<50x16xf32, #tpu.memory_space<vmem>>, %arg20: memref<50x16xf32, #tpu.memory_space<vmem>>, %arg21: memref<!tpu.dma_semaphore, #tpu.memory_space<semaphore_mem>>, %arg22: memref<!tpu.dma_semaphore, #tpu.memory_space<semaphore_mem>>, %arg23: memref<!tpu.dma_semaphore, #tpu.memory_space<semaphore_mem>>, %arg24: memref<!tpu.dma_semaphore, #tpu.memory_space<semaphore_mem>>, %arg25: memref<10000x48xf32, #tpu.memory_space<vmem_shared>>, %arg26: memref<10000x16xf32, #tpu.memory_space<vmem_shared>>) attributes {dimension_semantics = [#tpu.dimension_semantics<core_parallel>, #tpu.dimension_semantics<subcore_parallel>], iteration_bounds = array<i64: 2, 16>, scalar_prefetch = 0 : i64, scratch_operands = 16 : i64, tpu.core_type = #tpu.core_type<sc_vector_subcore>, window_params = [{transform_indices = #map}, {transform_indices = #map}, {transform_indices = #map1}, {transform_indices = #map1}, {transform_indices = #map1}, {transform_indices = #map1}, {transform_indices = #map1}, {transform_indices = #map}, {transform_indices = #map}]} {
    %mul3A = arith.constant 16 : i32
    %mul3A_0 = arith.muli %arg0, %mul3A : i32
    %add3A = arith.addi %mul3A_0, %arg1 : i32
    %mul3A_1 = arith.constant 624 : i32
    %mul3A_2 = arith.muli %arg1, %mul3A_1 : i32
    "tpu.region"() ({
      %run_scoped3A = tpu.sem_alloc : memref<!tpu.dma_semaphore, #tpu.memory_space<semaphore_mem>>
      %dma_start3A_73 = arith.constant 0 : i32
      %dma_start3A_74 = tpu.memref_slice %arg25[%mul3A_2, %dma_start3A_73] : memref<10000x48xf32, #tpu.memory_space<vmem_shared>> -> memref<624x48xf32, #tpu.memory_space<vmem_shared>>
      tpu.enqueue_dma source(%arg7 : memref<624x48xf32, #tpu.memory_space<hbm>>) target(%dma_start3A_74 : memref<624x48xf32, #tpu.memory_space<vmem_shared>>) target_semaphore(%run_scoped3A : memref<!tpu.dma_semaphore, #tpu.memory_space<semaphore_mem>>)
      %dma_wait3A_75 = arith.constant 0 : i32
      %dma_wait3A_76 = tpu.memref_slice %arg25[%mul3A_2, %dma_wait3A_75] : memref<10000x48xf32, #tpu.memory_space<vmem_shared>> -> memref<624x48xf32, #tpu.memory_space<vmem_shared>>
      tpu.wait_dma2 semaphore(%run_scoped3A : memref<!tpu.dma_semaphore, #tpu.memory_space<semaphore_mem>>) src(%arg7 : memref<624x48xf32, #tpu.memory_space<hbm>>) dst(%dma_wait3A_76 : memref<624x48xf32, #tpu.memory_space<vmem_shared>>)
      tpu.yield
    }) : () -> ()
    %mul3A_3 = arith.constant 624 : i32
    %mul3A_4 = arith.muli %arg1, %mul3A_3 : i32
    "tpu.region"() ({
      %run_scoped3A = tpu.sem_alloc : memref<!tpu.dma_semaphore, #tpu.memory_space<semaphore_mem>>
      %dma_start3A_73 = arith.constant 0 : i32
      %dma_start3A_74 = tpu.memref_slice %arg26[%mul3A_4, %dma_start3A_73] : memref<10000x16xf32, #tpu.memory_space<vmem_shared>> -> memref<624x16xf32, #tpu.memory_space<vmem_shared>>
      tpu.enqueue_dma source(%arg8 : memref<624x16xf32, #tpu.memory_space<hbm>>) target(%dma_start3A_74 : memref<624x16xf32, #tpu.memory_space<vmem_shared>>) target_semaphore(%run_scoped3A : memref<!tpu.dma_semaphore, #tpu.memory_space<semaphore_mem>>)
      %dma_wait3A_75 = arith.constant 0 : i32
      %dma_wait3A_76 = tpu.memref_slice %arg26[%mul3A_4, %dma_wait3A_75] : memref<10000x16xf32, #tpu.memory_space<vmem_shared>> -> memref<624x16xf32, #tpu.memory_space<vmem_shared>>
      tpu.wait_dma2 semaphore(%run_scoped3A : memref<!tpu.dma_semaphore, #tpu.memory_space<semaphore_mem>>) src(%arg8 : memref<624x16xf32, #tpu.memory_space<hbm>>) dst(%dma_wait3A_76 : memref<624x16xf32, #tpu.memory_space<vmem_shared>>)
      tpu.yield
    }) : () -> ()
    %eq3A = arith.constant 15 : i32
    %eq3A_5 = arith.cmpi eq, %arg1, %eq3A : i32
    %convert_element_type3A = arith.extui %eq3A_5 : i1 to i32
    %cond3A = arith.constant 0 : i32
    %cond3A_6 = arith.cmpi ne, %convert_element_type3A, %cond3A : i32
    scf.if %cond3A_6 {
      "tpu.region"() ({
        %run_scoped3A = tpu.sem_alloc : memref<!tpu.dma_semaphore, #tpu.memory_space<semaphore_mem>>
        %dma_start3A_73 = arith.constant 9984 : i32
        %dma_start3A_74 = arith.constant 0 : i32
        %dma_start3A_75 = tpu.memref_slice %arg25[%dma_start3A_73, %dma_start3A_74] : memref<10000x48xf32, #tpu.memory_space<vmem_shared>> -> memref<16x48xf32, #tpu.memory_space<vmem_shared>>
        %dma_start3A_76 = arith.constant 0 : i32
        %dma_start3A_77 = arith.constant 0 : i32
        %dma_start3A_78 = tpu.memref_slice %arg7[%dma_start3A_76, %dma_start3A_77] : memref<624x48xf32, #tpu.memory_space<hbm>> -> memref<16x48xf32, #tpu.memory_space<hbm>>
        tpu.enqueue_dma source(%dma_start3A_78 : memref<16x48xf32, #tpu.memory_space<hbm>>) target(%dma_start3A_75 : memref<16x48xf32, #tpu.memory_space<vmem_shared>>) target_semaphore(%run_scoped3A : memref<!tpu.dma_semaphore, #tpu.memory_space<semaphore_mem>>)
        %dma_wait3A_79 = arith.constant 9984 : i32
        %dma_wait3A_80 = arith.constant 0 : i32
        %dma_wait3A_81 = tpu.memref_slice %arg25[%dma_wait3A_79, %dma_wait3A_80] : memref<10000x48xf32, #tpu.memory_space<vmem_shared>> -> memref<16x48xf32, #tpu.memory_space<vmem_shared>>
        %dma_wait3A_82 = arith.constant 0 : i32
        %dma_wait3A_83 = arith.constant 0 : i32
        %dma_wait3A_84 = tpu.memref_slice %arg7[%dma_wait3A_82, %dma_wait3A_83] : memref<624x48xf32, #tpu.memory_space<hbm>> -> memref<16x48xf32, #tpu.memory_space<hbm>>
        tpu.wait_dma2 semaphore(%run_scoped3A : memref<!tpu.dma_semaphore, #tpu.memory_space<semaphore_mem>>) src(%dma_wait3A_84 : memref<16x48xf32, #tpu.memory_space<hbm>>) dst(%dma_wait3A_81 : memref<16x48xf32, #tpu.memory_space<vmem_shared>>)
        tpu.yield
      }) : () -> ()
      "tpu.region"() ({
        %run_scoped3A = tpu.sem_alloc : memref<!tpu.dma_semaphore, #tpu.memory_space<semaphore_mem>>
        %dma_start3A_73 = arith.constant 9984 : i32
        %dma_start3A_74 = arith.constant 0 : i32
        %dma_start3A_75 = tpu.memref_slice %arg26[%dma_start3A_73, %dma_start3A_74] : memref<10000x16xf32, #tpu.memory_space<vmem_shared>> -> memref<16x16xf32, #tpu.memory_space<vmem_shared>>
        %dma_start3A_76 = arith.constant 0 : i32
        %dma_start3A_77 = arith.constant 0 : i32
        %dma_start3A_78 = tpu.memref_slice %arg8[%dma_start3A_76, %dma_start3A_77] : memref<624x16xf32, #tpu.memory_space<hbm>> -> memref<16x16xf32, #tpu.memory_space<hbm>>
        tpu.enqueue_dma source(%dma_start3A_78 : memref<16x16xf32, #tpu.memory_space<hbm>>) target(%dma_start3A_75 : memref<16x16xf32, #tpu.memory_space<vmem_shared>>) target_semaphore(%run_scoped3A : memref<!tpu.dma_semaphore, #tpu.memory_space<semaphore_mem>>)
        %dma_wait3A_79 = arith.constant 9984 : i32
        %dma_wait3A_80 = arith.constant 0 : i32
        %dma_wait3A_81 = tpu.memref_slice %arg26[%dma_wait3A_79, %dma_wait3A_80] : memref<10000x16xf32, #tpu.memory_space<vmem_shared>> -> memref<16x16xf32, #tpu.memory_space<vmem_shared>>
        %dma_wait3A_82 = arith.constant 0 : i32
        %dma_wait3A_83 = arith.constant 0 : i32
        %dma_wait3A_84 = tpu.memref_slice %arg8[%dma_wait3A_82, %dma_wait3A_83] : memref<624x16xf32, #tpu.memory_space<hbm>> -> memref<16x16xf32, #tpu.memory_space<hbm>>
        tpu.wait_dma2 semaphore(%run_scoped3A : memref<!tpu.dma_semaphore, #tpu.memory_space<semaphore_mem>>) src(%dma_wait3A_84 : memref<16x16xf32, #tpu.memory_space<hbm>>) dst(%dma_wait3A_81 : memref<16x16xf32, #tpu.memory_space<vmem_shared>>)
        tpu.yield
      }) : () -> ()
    } else {
    }
    "tpu.region"() ({
      %run_scoped3A = tpu.sem_alloc : memref<!tpu.dma_semaphore, #tpu.memory_space<semaphore_mem>>
      %dma_start3A_73 = arith.constant 0 : i32
      %dma_start3A_74 = arith.constant 0 : i32
      %dma_start3A_75 = tpu.memref_slice %arg2[%add3A, %dma_start3A_73, %dma_start3A_74] : memref<32x200x50xi32, #tpu.memory_space<hbm>> -> memref<1x200x50xi32, #tpu.memory_space<hbm>>
      %dma_start3A_76 = tpu.memref_squeeze %dma_start3A_75 : memref<1x200x50xi32, #tpu.memory_space<hbm>> -> memref<200x50xi32, #tpu.memory_space<hbm>>
      %dma_start3A_77 = arith.constant 0 : i32
      %dma_start3A_78 = arith.constant 0 : i32
      %dma_start3A_79 = tpu.memref_slice %arg2[%add3A, %dma_start3A_77, %dma_start3A_78] : memref<32x200x50xi32, #tpu.memory_space<hbm>> -> memref<1x200x50xi32, #tpu.memory_space<hbm>>
      %dma_start3A_80 = tpu.memref_squeeze %dma_start3A_79 : memref<1x200x50xi32, #tpu.memory_space<hbm>> -> memref<200x50xi32, #tpu.memory_space<hbm>>
      tpu.enqueue_dma source(%dma_start3A_80 : memref<200x50xi32, #tpu.memory_space<hbm>>) target(%arg11 : memref<200x50xi32, #tpu.memory_space<vmem>>) target_semaphore(%run_scoped3A : memref<!tpu.dma_semaphore, #tpu.memory_space<semaphore_mem>>)
      %dma_wait3A_81 = arith.constant 0 : i32
      %dma_wait3A_82 = arith.constant 0 : i32
      %dma_wait3A_83 = tpu.memref_slice %arg2[%add3A, %dma_wait3A_81, %dma_wait3A_82] : memref<32x200x50xi32, #tpu.memory_space<hbm>> -> memref<1x200x50xi32, #tpu.memory_space<hbm>>
      %dma_wait3A_84 = tpu.memref_squeeze %dma_wait3A_83 : memref<1x200x50xi32, #tpu.memory_space<hbm>> -> memref<200x50xi32, #tpu.memory_space<hbm>>
      %dma_wait3A_85 = arith.constant 0 : i32
      %dma_wait3A_86 = arith.constant 0 : i32
      %dma_wait3A_87 = tpu.memref_slice %arg2[%add3A, %dma_wait3A_85, %dma_wait3A_86] : memref<32x200x50xi32, #tpu.memory_space<hbm>> -> memref<1x200x50xi32, #tpu.memory_space<hbm>>
      %dma_wait3A_88 = tpu.memref_squeeze %dma_wait3A_87 : memref<1x200x50xi32, #tpu.memory_space<hbm>> -> memref<200x50xi32, #tpu.memory_space<hbm>>
      tpu.wait_dma2 semaphore(%run_scoped3A : memref<!tpu.dma_semaphore, #tpu.memory_space<semaphore_mem>>) src(%dma_wait3A_88 : memref<200x50xi32, #tpu.memory_space<hbm>>) dst(%arg11 : memref<200x50xi32, #tpu.memory_space<vmem>>)
      tpu.yield
    }) : () -> ()
    "tpu.region"() ({
      %run_scoped3A = tpu.sem_alloc : memref<!tpu.dma_semaphore, #tpu.memory_space<semaphore_mem>>
      %dma_start3A_73 = arith.constant 0 : i32
      %dma_start3A_74 = arith.constant 0 : i32
      %dma_start3A_75 = tpu.memref_slice %arg3[%add3A, %dma_start3A_73, %dma_start3A_74] : memref<32x200x50xi32, #tpu.memory_space<hbm>> -> memref<1x200x50xi32, #tpu.memory_space<hbm>>
      %dma_start3A_76 = tpu.memref_squeeze %dma_start3A_75 : memref<1x200x50xi32, #tpu.memory_space<hbm>> -> memref<200x50xi32, #tpu.memory_space<hbm>>
      %dma_start3A_77 = arith.constant 0 : i32
      %dma_start3A_78 = arith.constant 0 : i32
      %dma_start3A_79 = tpu.memref_slice %arg3[%add3A, %dma_start3A_77, %dma_start3A_78] : memref<32x200x50xi32, #tpu.memory_space<hbm>> -> memref<1x200x50xi32, #tpu.memory_space<hbm>>
      %dma_start3A_80 = tpu.memref_squeeze %dma_start3A_79 : memref<1x200x50xi32, #tpu.memory_space<hbm>> -> memref<200x50xi32, #tpu.memory_space<hbm>>
      tpu.enqueue_dma source(%dma_start3A_80 : memref<200x50xi32, #tpu.memory_space<hbm>>) target(%arg12 : memref<200x50xi32, #tpu.memory_space<vmem>>) target_semaphore(%run_scoped3A : memref<!tpu.dma_semaphore, #tpu.memory_space<semaphore_mem>>)
      %dma_wait3A_81 = arith.constant 0 : i32
      %dma_wait3A_82 = arith.constant 0 : i32
      %dma_wait3A_83 = tpu.memref_slice %arg3[%add3A, %dma_wait3A_81, %dma_wait3A_82] : memref<32x200x50xi32, #tpu.memory_space<hbm>> -> memref<1x200x50xi32, #tpu.memory_space<hbm>>
      %dma_wait3A_84 = tpu.memref_squeeze %dma_wait3A_83 : memref<1x200x50xi32, #tpu.memory_space<hbm>> -> memref<200x50xi32, #tpu.memory_space<hbm>>
      %dma_wait3A_85 = arith.constant 0 : i32
      %dma_wait3A_86 = arith.constant 0 : i32
      %dma_wait3A_87 = tpu.memref_slice %arg3[%add3A, %dma_wait3A_85, %dma_wait3A_86] : memref<32x200x50xi32, #tpu.memory_space<hbm>> -> memref<1x200x50xi32, #tpu.memory_space<hbm>>
      %dma_wait3A_88 = tpu.memref_squeeze %dma_wait3A_87 : memref<1x200x50xi32, #tpu.memory_space<hbm>> -> memref<200x50xi32, #tpu.memory_space<hbm>>
      tpu.wait_dma2 semaphore(%run_scoped3A : memref<!tpu.dma_semaphore, #tpu.memory_space<semaphore_mem>>) src(%dma_wait3A_88 : memref<200x50xi32, #tpu.memory_space<hbm>>) dst(%arg12 : memref<200x50xi32, #tpu.memory_space<vmem>>)
      tpu.yield
    }) : () -> ()
    %barrier3A = arith.constant 0 : index
    tpu.barrier barrier_id(%barrier3A)
    %dma_start3A = arith.constant 0 : i32
    %dma_start3A_7 = arith.constant 0 : i32
    %dma_start3A_8 = tpu.memref_slice %arg11[%dma_start3A, %dma_start3A_7] : memref<200x50xi32, #tpu.memory_space<vmem>> -> memref<1x50xi32, #tpu.memory_space<vmem>>
    %dma_start3A_9 = tpu.memref_squeeze %dma_start3A_8 : memref<1x50xi32, #tpu.memory_space<vmem>> -> memref<50xi32, #tpu.memory_space<vmem>>
    %dma_start3A_10 = arith.constant 0 : i32
    %dma_start3A_11 = arith.constant 0 : i32
    %dma_start3A_12 = tpu.memref_slice %arg4[%dma_start3A_10, %dma_start3A_11] : memref<10000x48xf32, #tpu.memory_space<hbm>> -> memref<10000x48xf32, #tpu.memory_space<hbm>>
    tpu.enqueue_indirect_dma source(%dma_start3A_12 : memref<10000x48xf32, #tpu.memory_space<hbm>>) target(%arg13 : memref<50x48xf32, #tpu.memory_space<vmem>>) offsets(%dma_start3A_9 : memref<50xi32, #tpu.memory_space<vmem>>) semaphore(%arg21 : memref<!tpu.dma_semaphore, #tpu.memory_space<semaphore_mem>>)
    %dma_start3A_13 = arith.constant 0 : i32
    %dma_start3A_14 = arith.constant 0 : i32
    %dma_start3A_15 = tpu.memref_slice %arg11[%dma_start3A_13, %dma_start3A_14] : memref<200x50xi32, #tpu.memory_space<vmem>> -> memref<1x50xi32, #tpu.memory_space<vmem>>
    %dma_start3A_16 = tpu.memref_squeeze %dma_start3A_15 : memref<1x50xi32, #tpu.memory_space<vmem>> -> memref<50xi32, #tpu.memory_space<vmem>>
    %dma_start3A_17 = arith.constant 0 : i32
    %dma_start3A_18 = arith.constant 0 : i32
    %dma_start3A_19 = tpu.memref_slice %arg5[%dma_start3A_17, %dma_start3A_18] : memref<10000x16xf32, #tpu.memory_space<hbm>> -> memref<10000x16xf32, #tpu.memory_space<hbm>>
    tpu.enqueue_indirect_dma source(%dma_start3A_19 : memref<10000x16xf32, #tpu.memory_space<hbm>>) target(%arg15 : memref<50x16xf32, #tpu.memory_space<vmem>>) offsets(%dma_start3A_16 : memref<50xi32, #tpu.memory_space<vmem>>) semaphore(%arg21 : memref<!tpu.dma_semaphore, #tpu.memory_space<semaphore_mem>>)
    %dma_start3A_20 = arith.constant 0 : i32
    %dma_start3A_21 = arith.constant 0 : i32
    %dma_start3A_22 = tpu.memref_slice %arg12[%dma_start3A_20, %dma_start3A_21] : memref<200x50xi32, #tpu.memory_space<vmem>> -> memref<1x50xi32, #tpu.memory_space<vmem>>
    %dma_start3A_23 = tpu.memref_squeeze %dma_start3A_22 : memref<1x50xi32, #tpu.memory_space<vmem>> -> memref<50xi32, #tpu.memory_space<vmem>>
    %dma_start3A_24 = arith.constant 0 : i32
    %dma_start3A_25 = arith.constant 0 : i32
    %dma_start3A_26 = tpu.memref_slice %arg6[%dma_start3A_24, %dma_start3A_25] : memref<10000x16xf32, #tpu.memory_space<hbm>> -> memref<10000x16xf32, #tpu.memory_space<hbm>>
    tpu.enqueue_indirect_dma source(%dma_start3A_26 : memref<10000x16xf32, #tpu.memory_space<hbm>>) target(%arg17 : memref<50x16xf32, #tpu.memory_space<vmem>>) offsets(%dma_start3A_23 : memref<50xi32, #tpu.memory_space<vmem>>) semaphore(%arg21 : memref<!tpu.dma_semaphore, #tpu.memory_space<semaphore_mem>>)
    %scan3A = arith.constant 0 : i32
    %scan3A_27 = arith.constant 0 : i32
    %scan3A_28 = arith.constant 100 : i32
    %scan3A_29 = arith.addi %scan3A_27, %scan3A_28 : i32
    %scan3A_30 = arith.constant 1 : i32
    scf.for %scan3A_73 = %scan3A_27 to %scan3A_29 step %scan3A_30  : i32 {
      %mul3A_74 = arith.constant 2 : i32
      %mul3A_75 = arith.muli %scan3A_73, %mul3A_74 : i32
      %add3A_76 = arith.constant 0 : i32
      %add3A_77 = arith.addi %mul3A_75, %add3A_76 : i32
      %add3A_78 = arith.constant 1 : i32
      %add3A_79 = arith.addi %add3A_77, %add3A_78 : i32
      %lt3A = arith.constant 200 : i32
      %lt3A_80 = arith.cmpi slt, %add3A_79, %lt3A : i32
      %convert_element_type3A_81 = arith.extui %lt3A_80 : i1 to i32
      %cond3A_82 = arith.constant 0 : i32
      %cond3A_83 = arith.cmpi ne, %convert_element_type3A_81, %cond3A_82 : i32
      scf.if %cond3A_83 {
        %ge3A = arith.constant 1 : i32
        %ge3A_166 = arith.cmpi sge, %add3A_77, %ge3A : i32
        %convert_element_type3A_167 = arith.extui %ge3A_166 : i1 to i32
        %cond3A_168 = arith.constant 0 : i32
        %cond3A_169 = arith.cmpi ne, %convert_element_type3A_167, %cond3A_168 : i32
        scf.if %cond3A_169 {
          %dma_wait3A_190 = arith.constant 0 : i32
          %dma_wait3A_191 = arith.constant 0 : i32
          %dma_wait3A_192 = tpu.memref_slice %arg12[%dma_wait3A_190, %dma_wait3A_191] : memref<200x50xi32, #tpu.memory_space<vmem>> -> memref<1x50xi32, #tpu.memory_space<vmem>>
          %dma_wait3A_193 = tpu.memref_squeeze %dma_wait3A_192 : memref<1x50xi32, #tpu.memory_space<vmem>> -> memref<50xi32, #tpu.memory_space<vmem>>
          %dma_wait3A_194 = arith.constant 0 : i32
          %dma_wait3A_195 = arith.constant 0 : i32
          %dma_wait3A_196 = tpu.memref_slice %arg25[%dma_wait3A_194, %dma_wait3A_195] : memref<10000x48xf32, #tpu.memory_space<vmem_shared>> -> memref<10000x48xf32, #tpu.memory_space<vmem_shared>>
          tpu.wait_indirect_dma semaphore(%arg24 : memref<!tpu.dma_semaphore, #tpu.memory_space<semaphore_mem>>) src(%arg14 : memref<50x48xf32, #tpu.memory_space<vmem>>) dst(%dma_wait3A_196 : memref<10000x48xf32, #tpu.memory_space<vmem_shared>>)
          %dma_wait3A_197 = arith.constant 0 : i32
          %dma_wait3A_198 = arith.constant 0 : i32
          %dma_wait3A_199 = tpu.memref_slice %arg12[%dma_wait3A_197, %dma_wait3A_198] : memref<200x50xi32, #tpu.memory_space<vmem>> -> memref<1x50xi32, #tpu.memory_space<vmem>>
          %dma_wait3A_200 = tpu.memref_squeeze %dma_wait3A_199 : memref<1x50xi32, #tpu.memory_space<vmem>> -> memref<50xi32, #tpu.memory_space<vmem>>
          %dma_wait3A_201 = arith.constant 0 : i32
          %dma_wait3A_202 = arith.constant 0 : i32
          %dma_wait3A_203 = tpu.memref_slice %arg26[%dma_wait3A_201, %dma_wait3A_202] : memref<10000x16xf32, #tpu.memory_space<vmem_shared>> -> memref<10000x16xf32, #tpu.memory_space<vmem_shared>>
          tpu.wait_indirect_dma semaphore(%arg24 : memref<!tpu.dma_semaphore, #tpu.memory_space<semaphore_mem>>) src(%arg20 : memref<50x16xf32, #tpu.memory_space<vmem>>) dst(%dma_wait3A_203 : memref<10000x16xf32, #tpu.memory_space<vmem_shared>>)
        } else {
        }
        %add3A_170 = arith.constant 1 : i32
        %add3A_171 = arith.addi %add3A_77, %add3A_170 : i32
        %dma_start3A_172 = arith.constant 0 : i32
        %dma_start3A_173 = tpu.memref_slice %arg11[%add3A_171, %dma_start3A_172] : memref<200x50xi32, #tpu.memory_space<vmem>> -> memref<1x50xi32, #tpu.memory_space<vmem>>
        %dma_start3A_174 = tpu.memref_squeeze %dma_start3A_173 : memref<1x50xi32, #tpu.memory_space<vmem>> -> memref<50xi32, #tpu.memory_space<vmem>>
        %dma_start3A_175 = arith.constant 0 : i32
        %dma_start3A_176 = arith.constant 0 : i32
        %dma_start3A_177 = tpu.memref_slice %arg4[%dma_start3A_175, %dma_start3A_176] : memref<10000x48xf32, #tpu.memory_space<hbm>> -> memref<10000x48xf32, #tpu.memory_space<hbm>>
        tpu.enqueue_indirect_dma source(%dma_start3A_177 : memref<10000x48xf32, #tpu.memory_space<hbm>>) target(%arg14 : memref<50x48xf32, #tpu.memory_space<vmem>>) offsets(%dma_start3A_174 : memref<50xi32, #tpu.memory_space<vmem>>) semaphore(%arg22 : memref<!tpu.dma_semaphore, #tpu.memory_space<semaphore_mem>>)
        %dma_start3A_178 = arith.constant 0 : i32
        %dma_start3A_179 = tpu.memref_slice %arg11[%add3A_171, %dma_start3A_178] : memref<200x50xi32, #tpu.memory_space<vmem>> -> memref<1x50xi32, #tpu.memory_space<vmem>>
        %dma_start3A_180 = tpu.memref_squeeze %dma_start3A_179 : memref<1x50xi32, #tpu.memory_space<vmem>> -> memref<50xi32, #tpu.memory_space<vmem>>
        %dma_start3A_181 = arith.constant 0 : i32
        %dma_start3A_182 = arith.constant 0 : i32
        %dma_start3A_183 = tpu.memref_slice %arg5[%dma_start3A_181, %dma_start3A_182] : memref<10000x16xf32, #tpu.memory_space<hbm>> -> memref<10000x16xf32, #tpu.memory_space<hbm>>
        tpu.enqueue_indirect_dma source(%dma_start3A_183 : memref<10000x16xf32, #tpu.memory_space<hbm>>) target(%arg16 : memref<50x16xf32, #tpu.memory_space<vmem>>) offsets(%dma_start3A_180 : memref<50xi32, #tpu.memory_space<vmem>>) semaphore(%arg22 : memref<!tpu.dma_semaphore, #tpu.memory_space<semaphore_mem>>)
        %dma_start3A_184 = arith.constant 0 : i32
        %dma_start3A_185 = tpu.memref_slice %arg12[%add3A_171, %dma_start3A_184] : memref<200x50xi32, #tpu.memory_space<vmem>> -> memref<1x50xi32, #tpu.memory_space<vmem>>
        %dma_start3A_186 = tpu.memref_squeeze %dma_start3A_185 : memref<1x50xi32, #tpu.memory_space<vmem>> -> memref<50xi32, #tpu.memory_space<vmem>>
        %dma_start3A_187 = arith.constant 0 : i32
        %dma_start3A_188 = arith.constant 0 : i32
        %dma_start3A_189 = tpu.memref_slice %arg6[%dma_start3A_187, %dma_start3A_188] : memref<10000x16xf32, #tpu.memory_space<hbm>> -> memref<10000x16xf32, #tpu.memory_space<hbm>>
        tpu.enqueue_indirect_dma source(%dma_start3A_189 : memref<10000x16xf32, #tpu.memory_space<hbm>>) target(%arg18 : memref<50x16xf32, #tpu.memory_space<vmem>>) offsets(%dma_start3A_186 : memref<50xi32, #tpu.memory_space<vmem>>) semaphore(%arg22 : memref<!tpu.dma_semaphore, #tpu.memory_space<semaphore_mem>>)
      } else {
      }
      %dma_wait3A_84 = arith.constant 0 : i32
      %dma_wait3A_85 = arith.constant 0 : i32
      %dma_wait3A_86 = tpu.memref_slice %arg11[%dma_wait3A_84, %dma_wait3A_85] : memref<200x50xi32, #tpu.memory_space<vmem>> -> memref<1x50xi32, #tpu.memory_space<vmem>>
      %dma_wait3A_87 = tpu.memref_squeeze %dma_wait3A_86 : memref<1x50xi32, #tpu.memory_space<vmem>> -> memref<50xi32, #tpu.memory_space<vmem>>
      %dma_wait3A_88 = arith.constant 0 : i32
      %dma_wait3A_89 = arith.constant 0 : i32
      %dma_wait3A_90 = tpu.memref_slice %arg4[%dma_wait3A_88, %dma_wait3A_89] : memref<10000x48xf32, #tpu.memory_space<hbm>> -> memref<10000x48xf32, #tpu.memory_space<hbm>>
      tpu.wait_indirect_dma semaphore(%arg21 : memref<!tpu.dma_semaphore, #tpu.memory_space<semaphore_mem>>) src(%dma_wait3A_90 : memref<10000x48xf32, #tpu.memory_space<hbm>>) dst(%arg13 : memref<50x48xf32, #tpu.memory_space<vmem>>)
      %dma_wait3A_91 = arith.constant 0 : i32
      %dma_wait3A_92 = arith.constant 0 : i32
      %dma_wait3A_93 = tpu.memref_slice %arg11[%dma_wait3A_91, %dma_wait3A_92] : memref<200x50xi32, #tpu.memory_space<vmem>> -> memref<1x50xi32, #tpu.memory_space<vmem>>
      %dma_wait3A_94 = tpu.memref_squeeze %dma_wait3A_93 : memref<1x50xi32, #tpu.memory_space<vmem>> -> memref<50xi32, #tpu.memory_space<vmem>>
      %dma_wait3A_95 = arith.constant 0 : i32
      %dma_wait3A_96 = arith.constant 0 : i32
      %dma_wait3A_97 = tpu.memref_slice %arg5[%dma_wait3A_95, %dma_wait3A_96] : memref<10000x16xf32, #tpu.memory_space<hbm>> -> memref<10000x16xf32, #tpu.memory_space<hbm>>
      tpu.wait_indirect_dma semaphore(%arg21 : memref<!tpu.dma_semaphore, #tpu.memory_space<semaphore_mem>>) src(%dma_wait3A_97 : memref<10000x16xf32, #tpu.memory_space<hbm>>) dst(%arg15 : memref<50x16xf32, #tpu.memory_space<vmem>>)
      %dma_wait3A_98 = arith.constant 0 : i32
      %dma_wait3A_99 = arith.constant 0 : i32
      %dma_wait3A_100 = tpu.memref_slice %arg12[%dma_wait3A_98, %dma_wait3A_99] : memref<200x50xi32, #tpu.memory_space<vmem>> -> memref<1x50xi32, #tpu.memory_space<vmem>>
      %dma_wait3A_101 = tpu.memref_squeeze %dma_wait3A_100 : memref<1x50xi32, #tpu.memory_space<vmem>> -> memref<50xi32, #tpu.memory_space<vmem>>
      %dma_wait3A_102 = arith.constant 0 : i32
      %dma_wait3A_103 = arith.constant 0 : i32
      %dma_wait3A_104 = tpu.memref_slice %arg6[%dma_wait3A_102, %dma_wait3A_103] : memref<10000x16xf32, #tpu.memory_space<hbm>> -> memref<10000x16xf32, #tpu.memory_space<hbm>>
      tpu.wait_indirect_dma semaphore(%arg21 : memref<!tpu.dma_semaphore, #tpu.memory_space<semaphore_mem>>) src(%dma_wait3A_104 : memref<10000x16xf32, #tpu.memory_space<hbm>>) dst(%arg17 : memref<50x16xf32, #tpu.memory_space<vmem>>)
      %parallel_loop3A = arith.constant 0 : i32
      %parallel_loop3A_105 = arith.constant 50 : i32
      %parallel_loop3A_106 = arith.constant 1 : i32
      scf.for %parallel_loop3A_166 = %parallel_loop3A to %parallel_loop3A_105 step %parallel_loop3A_106  : i32 {
        %parallel_loop3A_167 = arith.index_cast %parallel_loop3A_166 : i32 to index
        %parallel_loop3A_168 = arith.constant 0 : index
        %parallel_loop3A_169 = tpu.vector_load %arg15[%parallel_loop3A_167, %parallel_loop3A_168] {strides = array<i32>} : memref<50x16xf32, #tpu.memory_space<vmem>>, vector<1x16xf32>,
        %parallel_loop3A_170 = vector.shape_cast %parallel_loop3A_169 : vector<1x16xf32> to vector<16xf32>
        %parallel_loop3A_171 = arith.index_cast %parallel_loop3A_166 : i32 to index
        %parallel_loop3A_172 = arith.constant 0 : index
        %parallel_loop3A_173 = tpu.vector_load %arg17[%parallel_loop3A_171, %parallel_loop3A_172] {strides = array<i32>} : memref<50x16xf32, #tpu.memory_space<vmem>>, vector<1x16xf32>,
        %parallel_loop3A_174 = vector.shape_cast %parallel_loop3A_173 : vector<1x16xf32> to vector<16xf32>
        %parallel_loop3A_175 = arith.addf %parallel_loop3A_170, %parallel_loop3A_174 : vector<16xf32>
        %parallel_loop3A_176 = arith.constant 0.000000e+00 : f32
        %parallel_loop3A_177 = vector.broadcast %parallel_loop3A_176 : f32 to vector<16xf32>
        %parallel_loop3A_178 = arith.cmpf oge, %parallel_loop3A_175, %parallel_loop3A_177 : vector<16xf32>
        %parallel_loop3A_179 = arith.constant 2.000000e-01 : f32
        %parallel_loop3A_180 = vector.broadcast %parallel_loop3A_179 : f32 to vector<16xf32>
        %parallel_loop3A_181 = arith.mulf %parallel_loop3A_175, %parallel_loop3A_180 : vector<16xf32>
        %parallel_loop3A_182 = arith.select %parallel_loop3A_178, %parallel_loop3A_175, %parallel_loop3A_181 : vector<16xi1>, vector<16xf32>
        %parallel_loop3A_183 = math.exp %parallel_loop3A_182 : vector<16xf32>
        %parallel_loop3A_184 = arith.index_cast %parallel_loop3A_166 : i32 to index
        %parallel_loop3A_185 = arith.constant 0 : index
        %parallel_loop3A_186 = tpu.vector_load %arg19[%parallel_loop3A_184, %parallel_loop3A_185] {strides = array<i32>} : memref<50x16xf32, #tpu.memory_space<vmem>>, vector<1x16xf32>,
        %parallel_loop3A_187 = vector.shape_cast %parallel_loop3A_186 : vector<1x16xf32> to vector<16xf32>
        %parallel_loop3A_188 = vector.shape_cast %parallel_loop3A_183 : vector<16xf32> to vector<1x16xf32>
        tpu.vector_store %arg19[%parallel_loop3A_184, %parallel_loop3A_185], %parallel_loop3A_188 {strides = array<i32>} : memref<50x16xf32, #tpu.memory_space<vmem>>, vector<1x16xf32>,
        %parallel_loop3A_189 = vector.extract_strided_slice %parallel_loop3A_183 {offsets = [0], sizes = [1], strides = [1]} : vector<16xf32> to vector<1xf32>
        %parallel_loop3A_190 = vector.extract %parallel_loop3A_189[0] : f32 from vector<1xf32>
        %parallel_loop3A_191 = arith.index_cast %parallel_loop3A_166 : i32 to index
        %parallel_loop3A_192 = arith.constant 0 : index
        %parallel_loop3A_193 = tpu.vector_load %arg13[%parallel_loop3A_191, %parallel_loop3A_192] {strides = array<i32>} : memref<50x48xf32, #tpu.memory_space<vmem>>, vector<1x16xf32>,
        %parallel_loop3A_194 = vector.shape_cast %parallel_loop3A_193 : vector<1x16xf32> to vector<16xf32>
        %parallel_loop3A_195 = vector.broadcast %parallel_loop3A_190 : f32 to vector<16xf32>
        %parallel_loop3A_196 = arith.mulf %parallel_loop3A_194, %parallel_loop3A_195 : vector<16xf32>
        %parallel_loop3A_197 = arith.index_cast %parallel_loop3A_166 : i32 to index
        %parallel_loop3A_198 = arith.constant 0 : index
        %parallel_loop3A_199 = tpu.vector_load %arg13[%parallel_loop3A_197, %parallel_loop3A_198] {strides = array<i32>} : memref<50x48xf32, #tpu.memory_space<vmem>>, vector<1x16xf32>,
        %parallel_loop3A_200 = vector.shape_cast %parallel_loop3A_199 : vector<1x16xf32> to vector<16xf32>
        %parallel_loop3A_201 = vector.shape_cast %parallel_loop3A_196 : vector<16xf32> to vector<1x16xf32>
        tpu.vector_store %arg13[%parallel_loop3A_197, %parallel_loop3A_198], %parallel_loop3A_201 {strides = array<i32>} : memref<50x48xf32, #tpu.memory_space<vmem>>, vector<1x16xf32>,
        %parallel_loop3A_202 = vector.extract_strided_slice %parallel_loop3A_183 {offsets = [0], sizes = [1], strides = [1]} : vector<16xf32> to vector<1xf32>
        %parallel_loop3A_203 = vector.extract %parallel_loop3A_202[0] : f32 from vector<1xf32>
        %parallel_loop3A_204 = arith.index_cast %parallel_loop3A_166 : i32 to index
        %parallel_loop3A_205 = arith.constant 16 : index
        %parallel_loop3A_206 = tpu.vector_load %arg13[%parallel_loop3A_204, %parallel_loop3A_205] {strides = array<i32>} : memref<50x48xf32, #tpu.memory_space<vmem>>, vector<1x16xf32>,
        %parallel_loop3A_207 = vector.shape_cast %parallel_loop3A_206 : vector<1x16xf32> to vector<16xf32>
        %parallel_loop3A_208 = vector.broadcast %parallel_loop3A_203 : f32 to vector<16xf32>
        %parallel_loop3A_209 = arith.mulf %parallel_loop3A_207, %parallel_loop3A_208 : vector<16xf32>
        %parallel_loop3A_210 = arith.index_cast %parallel_loop3A_166 : i32 to index
        %parallel_loop3A_211 = arith.constant 16 : index
        %parallel_loop3A_212 = tpu.vector_load %arg13[%parallel_loop3A_210, %parallel_loop3A_211] {strides = array<i32>} : memref<50x48xf32, #tpu.memory_space<vmem>>, vector<1x16xf32>,
        %parallel_loop3A_213 = vector.shape_cast %parallel_loop3A_212 : vector<1x16xf32> to vector<16xf32>
        %parallel_loop3A_214 = vector.shape_cast %parallel_loop3A_209 : vector<16xf32> to vector<1x16xf32>
        tpu.vector_store %arg13[%parallel_loop3A_210, %parallel_loop3A_211], %parallel_loop3A_214 {strides = array<i32>} : memref<50x48xf32, #tpu.memory_space<vmem>>, vector<1x16xf32>,
        %parallel_loop3A_215 = vector.extract_strided_slice %parallel_loop3A_183 {offsets = [0], sizes = [1], strides = [1]} : vector<16xf32> to vector<1xf32>
        %parallel_loop3A_216 = vector.extract %parallel_loop3A_215[0] : f32 from vector<1xf32>
        %parallel_loop3A_217 = arith.index_cast %parallel_loop3A_166 : i32 to index
        %parallel_loop3A_218 = arith.constant 32 : index
        %parallel_loop3A_219 = tpu.vector_load %arg13[%parallel_loop3A_217, %parallel_loop3A_218] {strides = array<i32>} : memref<50x48xf32, #tpu.memory_space<vmem>>, vector<1x16xf32>,
        %parallel_loop3A_220 = vector.shape_cast %parallel_loop3A_219 : vector<1x16xf32> to vector<16xf32>
        %parallel_loop3A_221 = vector.broadcast %parallel_loop3A_216 : f32 to vector<16xf32>
        %parallel_loop3A_222 = arith.mulf %parallel_loop3A_220, %parallel_loop3A_221 : vector<16xf32>
        %parallel_loop3A_223 = arith.index_cast %parallel_loop3A_166 : i32 to index
        %parallel_loop3A_224 = arith.constant 32 : index
        %parallel_loop3A_225 = tpu.vector_load %arg13[%parallel_loop3A_223, %parallel_loop3A_224] {strides = array<i32>} : memref<50x48xf32, #tpu.memory_space<vmem>>, vector<1x16xf32>,
        %parallel_loop3A_226 = vector.shape_cast %parallel_loop3A_225 : vector<1x16xf32> to vector<16xf32>
        %parallel_loop3A_227 = vector.shape_cast %parallel_loop3A_222 : vector<16xf32> to vector<1x16xf32>
        tpu.vector_store %arg13[%parallel_loop3A_223, %parallel_loop3A_224], %parallel_loop3A_227 {strides = array<i32>} : memref<50x48xf32, #tpu.memory_space<vmem>>, vector<1x16xf32>,
      } {sc.loop_unroll_factor = 4 : i64, sc.parallel_access}
      %dma_start3A_107 = arith.constant 0 : i32
      %dma_start3A_108 = tpu.memref_slice %arg12[%add3A_77, %dma_start3A_107] : memref<200x50xi32, #tpu.memory_space<vmem>> -> memref<1x50xi32, #tpu.memory_space<vmem>>
      %dma_start3A_109 = tpu.memref_squeeze %dma_start3A_108 : memref<1x50xi32, #tpu.memory_space<vmem>> -> memref<50xi32, #tpu.memory_space<vmem>>
      %dma_start3A_110 = arith.constant 0 : i32
      %dma_start3A_111 = arith.constant 0 : i32
      %dma_start3A_112 = tpu.memref_slice %arg25[%dma_start3A_110, %dma_start3A_111] : memref<10000x48xf32, #tpu.memory_space<vmem_shared>> -> memref<10000x48xf32, #tpu.memory_space<vmem_shared>>
      tpu.enqueue_indirect_dma source(%arg13 : memref<50x48xf32, #tpu.memory_space<vmem>>) target(%dma_start3A_112 : memref<10000x48xf32, #tpu.memory_space<vmem_shared>>) offsets(%dma_start3A_109 : memref<50xi32, #tpu.memory_space<vmem>>) semaphore(%arg23 : memref<!tpu.dma_semaphore, #tpu.memory_space<semaphore_mem>>) {add = true}
      %dma_start3A_113 = arith.constant 0 : i32
      %dma_start3A_114 = tpu.memref_slice %arg12[%add3A_77, %dma_start3A_113] : memref<200x50xi32, #tpu.memory_space<vmem>> -> memref<1x50xi32, #tpu.memory_space<vmem>>
      %dma_start3A_115 = tpu.memref_squeeze %dma_start3A_114 : memref<1x50xi32, #tpu.memory_space<vmem>> -> memref<50xi32, #tpu.memory_space<vmem>>
      %dma_start3A_116 = arith.constant 0 : i32
      %dma_start3A_117 = arith.constant 0 : i32
      %dma_start3A_118 = tpu.memref_slice %arg26[%dma_start3A_116, %dma_start3A_117] : memref<10000x16xf32, #tpu.memory_space<vmem_shared>> -> memref<10000x16xf32, #tpu.memory_space<vmem_shared>>
      tpu.enqueue_indirect_dma source(%arg19 : memref<50x16xf32, #tpu.memory_space<vmem>>) target(%dma_start3A_118 : memref<10000x16xf32, #tpu.memory_space<vmem_shared>>) offsets(%dma_start3A_115 : memref<50xi32, #tpu.memory_space<vmem>>) semaphore(%arg23 : memref<!tpu.dma_semaphore, #tpu.memory_space<semaphore_mem>>) {add = true}
      %mul3A_119 = arith.constant 2 : i32
      %mul3A_120 = arith.muli %scan3A_73, %mul3A_119 : i32
      %add3A_121 = arith.constant 1 : i32
      %add3A_122 = arith.addi %mul3A_120, %add3A_121 : i32
      %add3A_123 = arith.constant 1 : i32
      %add3A_124 = arith.addi %add3A_122, %add3A_123 : i32
      %lt3A_125 = arith.constant 200 : i32
      %lt3A_126 = arith.cmpi slt, %add3A_124, %lt3A_125 : i32
      %convert_element_type3A_127 = arith.extui %lt3A_126 : i1 to i32
      %cond3A_128 = arith.constant 0 : i32
      %cond3A_129 = arith.cmpi ne, %convert_element_type3A_127, %cond3A_128 : i32
      scf.if %cond3A_129 {
        %ge3A = arith.constant 1 : i32
        %ge3A_166 = arith.cmpi sge, %add3A_122, %ge3A : i32
        %convert_element_type3A_167 = arith.extui %ge3A_166 : i1 to i32
        %cond3A_168 = arith.constant 0 : i32
        %cond3A_169 = arith.cmpi ne, %convert_element_type3A_167, %cond3A_168 : i32
        scf.if %cond3A_169 {
          %dma_wait3A_190 = arith.constant 0 : i32
          %dma_wait3A_191 = arith.constant 0 : i32
          %dma_wait3A_192 = tpu.memref_slice %arg12[%dma_wait3A_190, %dma_wait3A_191] : memref<200x50xi32, #tpu.memory_space<vmem>> -> memref<1x50xi32, #tpu.memory_space<vmem>>
          %dma_wait3A_193 = tpu.memref_squeeze %dma_wait3A_192 : memref<1x50xi32, #tpu.memory_space<vmem>> -> memref<50xi32, #tpu.memory_space<vmem>>
          %dma_wait3A_194 = arith.constant 0 : i32
          %dma_wait3A_195 = arith.constant 0 : i32
          %dma_wait3A_196 = tpu.memref_slice %arg25[%dma_wait3A_194, %dma_wait3A_195] : memref<10000x48xf32, #tpu.memory_space<vmem_shared>> -> memref<10000x48xf32, #tpu.memory_space<vmem_shared>>
          tpu.wait_indirect_dma semaphore(%arg23 : memref<!tpu.dma_semaphore, #tpu.memory_space<semaphore_mem>>) src(%arg13 : memref<50x48xf32, #tpu.memory_space<vmem>>) dst(%dma_wait3A_196 : memref<10000x48xf32, #tpu.memory_space<vmem_shared>>)
          %dma_wait3A_197 = arith.constant 0 : i32
          %dma_wait3A_198 = arith.constant 0 : i32
          %dma_wait3A_199 = tpu.memref_slice %arg12[%dma_wait3A_197, %dma_wait3A_198] : memref<200x50xi32, #tpu.memory_space<vmem>> -> memref<1x50xi32, #tpu.memory_space<vmem>>
          %dma_wait3A_200 = tpu.memref_squeeze %dma_wait3A_199 : memref<1x50xi32, #tpu.memory_space<vmem>> -> memref<50xi32, #tpu.memory_space<vmem>>
          %dma_wait3A_201 = arith.constant 0 : i32
          %dma_wait3A_202 = arith.constant 0 : i32
          %dma_wait3A_203 = tpu.memref_slice %arg26[%dma_wait3A_201, %dma_wait3A_202] : memref<10000x16xf32, #tpu.memory_space<vmem_shared>> -> memref<10000x16xf32, #tpu.memory_space<vmem_shared>>
          tpu.wait_indirect_dma semaphore(%arg23 : memref<!tpu.dma_semaphore, #tpu.memory_space<semaphore_mem>>) src(%arg19 : memref<50x16xf32, #tpu.memory_space<vmem>>) dst(%dma_wait3A_203 : memref<10000x16xf32, #tpu.memory_space<vmem_shared>>)
        } else {
        }
        %add3A_170 = arith.constant 1 : i32
        %add3A_171 = arith.addi %add3A_122, %add3A_170 : i32
        %dma_start3A_172 = arith.constant 0 : i32
        %dma_start3A_173 = tpu.memref_slice %arg11[%add3A_171, %dma_start3A_172] : memref<200x50xi32, #tpu.memory_space<vmem>> -> memref<1x50xi32, #tpu.memory_space<vmem>>
        %dma_start3A_174 = tpu.memref_squeeze %dma_start3A_173 : memref<1x50xi32, #tpu.memory_space<vmem>> -> memref<50xi32, #tpu.memory_space<vmem>>
        %dma_start3A_175 = arith.constant 0 : i32
        %dma_start3A_176 = arith.constant 0 : i32
        %dma_start3A_177 = tpu.memref_slice %arg4[%dma_start3A_175, %dma_start3A_176] : memref<10000x48xf32, #tpu.memory_space<hbm>> -> memref<10000x48xf32, #tpu.memory_space<hbm>>
        tpu.enqueue_indirect_dma source(%dma_start3A_177 : memref<10000x48xf32, #tpu.memory_space<hbm>>) target(%arg13 : memref<50x48xf32, #tpu.memory_space<vmem>>) offsets(%dma_start3A_174 : memref<50xi32, #tpu.memory_space<vmem>>) semaphore(%arg21 : memref<!tpu.dma_semaphore, #tpu.memory_space<semaphore_mem>>)
        %dma_start3A_178 = arith.constant 0 : i32
        %dma_start3A_179 = tpu.memref_slice %arg11[%add3A_171, %dma_start3A_178] : memref<200x50xi32, #tpu.memory_space<vmem>> -> memref<1x50xi32, #tpu.memory_space<vmem>>
        %dma_start3A_180 = tpu.memref_squeeze %dma_start3A_179 : memref<1x50xi32, #tpu.memory_space<vmem>> -> memref<50xi32, #tpu.memory_space<vmem>>
        %dma_start3A_181 = arith.constant 0 : i32
        %dma_start3A_182 = arith.constant 0 : i32
        %dma_start3A_183 = tpu.memref_slice %arg5[%dma_start3A_181, %dma_start3A_182] : memref<10000x16xf32, #tpu.memory_space<hbm>> -> memref<10000x16xf32, #tpu.memory_space<hbm>>
        tpu.enqueue_indirect_dma source(%dma_start3A_183 : memref<10000x16xf32, #tpu.memory_space<hbm>>) target(%arg15 : memref<50x16xf32, #tpu.memory_space<vmem>>) offsets(%dma_start3A_180 : memref<50xi32, #tpu.memory_space<vmem>>) semaphore(%arg21 : memref<!tpu.dma_semaphore, #tpu.memory_space<semaphore_mem>>)
        %dma_start3A_184 = arith.constant 0 : i32
        %dma_start3A_185 = tpu.memref_slice %arg12[%add3A_171, %dma_start3A_184] : memref<200x50xi32, #tpu.memory_space<vmem>> -> memref<1x50xi32, #tpu.memory_space<vmem>>
        %dma_start3A_186 = tpu.memref_squeeze %dma_start3A_185 : memref<1x50xi32, #tpu.memory_space<vmem>> -> memref<50xi32, #tpu.memory_space<vmem>>
        %dma_start3A_187 = arith.constant 0 : i32
        %dma_start3A_188 = arith.constant 0 : i32
        %dma_start3A_189 = tpu.memref_slice %arg6[%dma_start3A_187, %dma_start3A_188] : memref<10000x16xf32, #tpu.memory_space<hbm>> -> memref<10000x16xf32, #tpu.memory_space<hbm>>
        tpu.enqueue_indirect_dma source(%dma_start3A_189 : memref<10000x16xf32, #tpu.memory_space<hbm>>) target(%arg17 : memref<50x16xf32, #tpu.memory_space<vmem>>) offsets(%dma_start3A_186 : memref<50xi32, #tpu.memory_space<vmem>>) semaphore(%arg21 : memref<!tpu.dma_semaphore, #tpu.memory_space<semaphore_mem>>)
      } else {
      }
      %dma_wait3A_130 = arith.constant 0 : i32
      %dma_wait3A_131 = arith.constant 0 : i32
      %dma_wait3A_132 = tpu.memref_slice %arg11[%dma_wait3A_130, %dma_wait3A_131] : memref<200x50xi32, #tpu.memory_space<vmem>> -> memref<1x50xi32, #tpu.memory_space<vmem>>
      %dma_wait3A_133 = tpu.memref_squeeze %dma_wait3A_132 : memref<1x50xi32, #tpu.memory_space<vmem>> -> memref<50xi32, #tpu.memory_space<vmem>>
      %dma_wait3A_134 = arith.constant 0 : i32
      %dma_wait3A_135 = arith.constant 0 : i32
      %dma_wait3A_136 = tpu.memref_slice %arg4[%dma_wait3A_134, %dma_wait3A_135] : memref<10000x48xf32, #tpu.memory_space<hbm>> -> memref<10000x48xf32, #tpu.memory_space<hbm>>
      tpu.wait_indirect_dma semaphore(%arg22 : memref<!tpu.dma_semaphore, #tpu.memory_space<semaphore_mem>>) src(%dma_wait3A_136 : memref<10000x48xf32, #tpu.memory_space<hbm>>) dst(%arg14 : memref<50x48xf32, #tpu.memory_space<vmem>>)
      %dma_wait3A_137 = arith.constant 0 : i32
      %dma_wait3A_138 = arith.constant 0 : i32
      %dma_wait3A_139 = tpu.memref_slice %arg11[%dma_wait3A_137, %dma_wait3A_138] : memref<200x50xi32, #tpu.memory_space<vmem>> -> memref<1x50xi32, #tpu.memory_space<vmem>>
      %dma_wait3A_140 = tpu.memref_squeeze %dma_wait3A_139 : memref<1x50xi32, #tpu.memory_space<vmem>> -> memref<50xi32, #tpu.memory_space<vmem>>
      %dma_wait3A_141 = arith.constant 0 : i32
      %dma_wait3A_142 = arith.constant 0 : i32
      %dma_wait3A_143 = tpu.memref_slice %arg5[%dma_wait3A_141, %dma_wait3A_142] : memref<10000x16xf32, #tpu.memory_space<hbm>> -> memref<10000x16xf32, #tpu.memory_space<hbm>>
      tpu.wait_indirect_dma semaphore(%arg22 : memref<!tpu.dma_semaphore, #tpu.memory_space<semaphore_mem>>) src(%dma_wait3A_143 : memref<10000x16xf32, #tpu.memory_space<hbm>>) dst(%arg16 : memref<50x16xf32, #tpu.memory_space<vmem>>)
      %dma_wait3A_144 = arith.constant 0 : i32
      %dma_wait3A_145 = arith.constant 0 : i32
      %dma_wait3A_146 = tpu.memref_slice %arg12[%dma_wait3A_144, %dma_wait3A_145] : memref<200x50xi32, #tpu.memory_space<vmem>> -> memref<1x50xi32, #tpu.memory_space<vmem>>
      %dma_wait3A_147 = tpu.memref_squeeze %dma_wait3A_146 : memref<1x50xi32, #tpu.memory_space<vmem>> -> memref<50xi32, #tpu.memory_space<vmem>>
      %dma_wait3A_148 = arith.constant 0 : i32
      %dma_wait3A_149 = arith.constant 0 : i32
      %dma_wait3A_150 = tpu.memref_slice %arg6[%dma_wait3A_148, %dma_wait3A_149] : memref<10000x16xf32, #tpu.memory_space<hbm>> -> memref<10000x16xf32, #tpu.memory_space<hbm>>
      tpu.wait_indirect_dma semaphore(%arg22 : memref<!tpu.dma_semaphore, #tpu.memory_space<semaphore_mem>>) src(%dma_wait3A_150 : memref<10000x16xf32, #tpu.memory_space<hbm>>) dst(%arg18 : memref<50x16xf32, #tpu.memory_space<vmem>>)
      %parallel_loop3A_151 = arith.constant 0 : i32
      %parallel_loop3A_152 = arith.constant 50 : i32
      %parallel_loop3A_153 = arith.constant 1 : i32
      scf.for %parallel_loop3A_166 = %parallel_loop3A_151 to %parallel_loop3A_152 step %parallel_loop3A_153  : i32 {
        %parallel_loop3A_167 = arith.index_cast %parallel_loop3A_166 : i32 to index
        %parallel_loop3A_168 = arith.constant 0 : index
        %parallel_loop3A_169 = tpu.vector_load %arg16[%parallel_loop3A_167, %parallel_loop3A_168] {strides = array<i32>} : memref<50x16xf32, #tpu.memory_space<vmem>>, vector<1x16xf32>,
        %parallel_loop3A_170 = vector.shape_cast %parallel_loop3A_169 : vector<1x16xf32> to vector<16xf32>
        %parallel_loop3A_171 = arith.index_cast %parallel_loop3A_166 : i32 to index
        %parallel_loop3A_172 = arith.constant 0 : index
        %parallel_loop3A_173 = tpu.vector_load %arg18[%parallel_loop3A_171, %parallel_loop3A_172] {strides = array<i32>} : memref<50x16xf32, #tpu.memory_space<vmem>>, vector<1x16xf32>,
        %parallel_loop3A_174 = vector.shape_cast %parallel_loop3A_173 : vector<1x16xf32> to vector<16xf32>
        %parallel_loop3A_175 = arith.addf %parallel_loop3A_170, %parallel_loop3A_174 : vector<16xf32>
        %parallel_loop3A_176 = arith.constant 0.000000e+00 : f32
        %parallel_loop3A_177 = vector.broadcast %parallel_loop3A_176 : f32 to vector<16xf32>
        %parallel_loop3A_178 = arith.cmpf oge, %parallel_loop3A_175, %parallel_loop3A_177 : vector<16xf32>
        %parallel_loop3A_179 = arith.constant 2.000000e-01 : f32
        %parallel_loop3A_180 = vector.broadcast %parallel_loop3A_179 : f32 to vector<16xf32>
        %parallel_loop3A_181 = arith.mulf %parallel_loop3A_175, %parallel_loop3A_180 : vector<16xf32>
        %parallel_loop3A_182 = arith.select %parallel_loop3A_178, %parallel_loop3A_175, %parallel_loop3A_181 : vector<16xi1>, vector<16xf32>
        %parallel_loop3A_183 = math.exp %parallel_loop3A_182 : vector<16xf32>
        %parallel_loop3A_184 = arith.index_cast %parallel_loop3A_166 : i32 to index
        %parallel_loop3A_185 = arith.constant 0 : index
        %parallel_loop3A_186 = tpu.vector_load %arg20[%parallel_loop3A_184, %parallel_loop3A_185] {strides = array<i32>} : memref<50x16xf32, #tpu.memory_space<vmem>>, vector<1x16xf32>,
        %parallel_loop3A_187 = vector.shape_cast %parallel_loop3A_186 : vector<1x16xf32> to vector<16xf32>
        %parallel_loop3A_188 = vector.shape_cast %parallel_loop3A_183 : vector<16xf32> to vector<1x16xf32>
        tpu.vector_store %arg20[%parallel_loop3A_184, %parallel_loop3A_185], %parallel_loop3A_188 {strides = array<i32>} : memref<50x16xf32, #tpu.memory_space<vmem>>, vector<1x16xf32>,
        %parallel_loop3A_189 = vector.extract_strided_slice %parallel_loop3A_183 {offsets = [0], sizes = [1], strides = [1]} : vector<16xf32> to vector<1xf32>
        %parallel_loop3A_190 = vector.extract %parallel_loop3A_189[0] : f32 from vector<1xf32>
        %parallel_loop3A_191 = arith.index_cast %parallel_loop3A_166 : i32 to index
        %parallel_loop3A_192 = arith.constant 0 : index
        %parallel_loop3A_193 = tpu.vector_load %arg14[%parallel_loop3A_191, %parallel_loop3A_192] {strides = array<i32>} : memref<50x48xf32, #tpu.memory_space<vmem>>, vector<1x16xf32>,
        %parallel_loop3A_194 = vector.shape_cast %parallel_loop3A_193 : vector<1x16xf32> to vector<16xf32>
        %parallel_loop3A_195 = vector.broadcast %parallel_loop3A_190 : f32 to vector<16xf32>
        %parallel_loop3A_196 = arith.mulf %parallel_loop3A_194, %parallel_loop3A_195 : vector<16xf32>
        %parallel_loop3A_197 = arith.index_cast %parallel_loop3A_166 : i32 to index
        %parallel_loop3A_198 = arith.constant 0 : index
        %parallel_loop3A_199 = tpu.vector_load %arg14[%parallel_loop3A_197, %parallel_loop3A_198] {strides = array<i32>} : memref<50x48xf32, #tpu.memory_space<vmem>>, vector<1x16xf32>,
        %parallel_loop3A_200 = vector.shape_cast %parallel_loop3A_199 : vector<1x16xf32> to vector<16xf32>
        %parallel_loop3A_201 = vector.shape_cast %parallel_loop3A_196 : vector<16xf32> to vector<1x16xf32>
        tpu.vector_store %arg14[%parallel_loop3A_197, %parallel_loop3A_198], %parallel_loop3A_201 {strides = array<i32>} : memref<50x48xf32, #tpu.memory_space<vmem>>, vector<1x16xf32>,
        %parallel_loop3A_202 = vector.extract_strided_slice %parallel_loop3A_183 {offsets = [0], sizes = [1], strides = [1]} : vector<16xf32> to vector<1xf32>
        %parallel_loop3A_203 = vector.extract %parallel_loop3A_202[0] : f32 from vector<1xf32>
        %parallel_loop3A_204 = arith.index_cast %parallel_loop3A_166 : i32 to index
        %parallel_loop3A_205 = arith.constant 16 : index
        %parallel_loop3A_206 = tpu.vector_load %arg14[%parallel_loop3A_204, %parallel_loop3A_205] {strides = array<i32>} : memref<50x48xf32, #tpu.memory_space<vmem>>, vector<1x16xf32>,
        %parallel_loop3A_207 = vector.shape_cast %parallel_loop3A_206 : vector<1x16xf32> to vector<16xf32>
        %parallel_loop3A_208 = vector.broadcast %parallel_loop3A_203 : f32 to vector<16xf32>
        %parallel_loop3A_209 = arith.mulf %parallel_loop3A_207, %parallel_loop3A_208 : vector<16xf32>
        %parallel_loop3A_210 = arith.index_cast %parallel_loop3A_166 : i32 to index
        %parallel_loop3A_211 = arith.constant 16 : index
        %parallel_loop3A_212 = tpu.vector_load %arg14[%parallel_loop3A_210, %parallel_loop3A_211] {strides = array<i32>} : memref<50x48xf32, #tpu.memory_space<vmem>>, vector<1x16xf32>,
        %parallel_loop3A_213 = vector.shape_cast %parallel_loop3A_212 : vector<1x16xf32> to vector<16xf32>
        %parallel_loop3A_214 = vector.shape_cast %parallel_loop3A_209 : vector<16xf32> to vector<1x16xf32>
        tpu.vector_store %arg14[%parallel_loop3A_210, %parallel_loop3A_211], %parallel_loop3A_214 {strides = array<i32>} : memref<50x48xf32, #tpu.memory_space<vmem>>, vector<1x16xf32>,
        %parallel_loop3A_215 = vector.extract_strided_slice %parallel_loop3A_183 {offsets = [0], sizes = [1], strides = [1]} : vector<16xf32> to vector<1xf32>
        %parallel_loop3A_216 = vector.extract %parallel_loop3A_215[0] : f32 from vector<1xf32>
        %parallel_loop3A_217 = arith.index_cast %parallel_loop3A_166 : i32 to index
        %parallel_loop3A_218 = arith.constant 32 : index
        %parallel_loop3A_219 = tpu.vector_load %arg14[%parallel_loop3A_217, %parallel_loop3A_218] {strides = array<i32>} : memref<50x48xf32, #tpu.memory_space<vmem>>, vector<1x16xf32>,
        %parallel_loop3A_220 = vector.shape_cast %parallel_loop3A_219 : vector<1x16xf32> to vector<16xf32>
        %parallel_loop3A_221 = vector.broadcast %parallel_loop3A_216 : f32 to vector<16xf32>
        %parallel_loop3A_222 = arith.mulf %parallel_loop3A_220, %parallel_loop3A_221 : vector<16xf32>
        %parallel_loop3A_223 = arith.index_cast %parallel_loop3A_166 : i32 to index
        %parallel_loop3A_224 = arith.constant 32 : index
        %parallel_loop3A_225 = tpu.vector_load %arg14[%parallel_loop3A_223, %parallel_loop3A_224] {strides = array<i32>} : memref<50x48xf32, #tpu.memory_space<vmem>>, vector<1x16xf32>,
        %parallel_loop3A_226 = vector.shape_cast %parallel_loop3A_225 : vector<1x16xf32> to vector<16xf32>
        %parallel_loop3A_227 = vector.shape_cast %parallel_loop3A_222 : vector<16xf32> to vector<1x16xf32>
        tpu.vector_store %arg14[%parallel_loop3A_223, %parallel_loop3A_224], %parallel_loop3A_227 {strides = array<i32>} : memref<50x48xf32, #tpu.memory_space<vmem>>, vector<1x16xf32>,
      } {sc.loop_unroll_factor = 4 : i64, sc.parallel_access}
      %dma_start3A_154 = arith.constant 0 : i32
      %dma_start3A_155 = tpu.memref_slice %arg12[%add3A_122, %dma_start3A_154] : memref<200x50xi32, #tpu.memory_space<vmem>> -> memref<1x50xi32, #tpu.memory_space<vmem>>
      %dma_start3A_156 = tpu.memref_squeeze %dma_start3A_155 : memref<1x50xi32, #tpu.memory_space<vmem>> -> memref<50xi32, #tpu.memory_space<vmem>>
      %dma_start3A_157 = arith.constant 0 : i32
      %dma_start3A_158 = arith.constant 0 : i32
      %dma_start3A_159 = tpu.memref_slice %arg25[%dma_start3A_157, %dma_start3A_158] : memref<10000x48xf32, #tpu.memory_space<vmem_shared>> -> memref<10000x48xf32, #tpu.memory_space<vmem_shared>>
      tpu.enqueue_indirect_dma source(%arg14 : memref<50x48xf32, #tpu.memory_space<vmem>>) target(%dma_start3A_159 : memref<10000x48xf32, #tpu.memory_space<vmem_shared>>) offsets(%dma_start3A_156 : memref<50xi32, #tpu.memory_space<vmem>>) semaphore(%arg24 : memref<!tpu.dma_semaphore, #tpu.memory_space<semaphore_mem>>) {add = true}
      %dma_start3A_160 = arith.constant 0 : i32
      %dma_start3A_161 = tpu.memref_slice %arg12[%add3A_122, %dma_start3A_160] : memref<200x50xi32, #tpu.memory_space<vmem>> -> memref<1x50xi32, #tpu.memory_space<vmem>>
      %dma_start3A_162 = tpu.memref_squeeze %dma_start3A_161 : memref<1x50xi32, #tpu.memory_space<vmem>> -> memref<50xi32, #tpu.memory_space<vmem>>
      %dma_start3A_163 = arith.constant 0 : i32
      %dma_start3A_164 = arith.constant 0 : i32
      %dma_start3A_165 = tpu.memref_slice %arg26[%dma_start3A_163, %dma_start3A_164] : memref<10000x16xf32, #tpu.memory_space<vmem_shared>> -> memref<10000x16xf32, #tpu.memory_space<vmem_shared>>
      tpu.enqueue_indirect_dma source(%arg20 : memref<50x16xf32, #tpu.memory_space<vmem>>) target(%dma_start3A_165 : memref<10000x16xf32, #tpu.memory_space<vmem_shared>>) offsets(%dma_start3A_162 : memref<50xi32, #tpu.memory_space<vmem>>) semaphore(%arg24 : memref<!tpu.dma_semaphore, #tpu.memory_space<semaphore_mem>>) {add = true}
    }
    %scan3A_31 = arith.constant 100 : i32
    %dma_wait3A = arith.constant 0 : i32
    %dma_wait3A_32 = arith.constant 0 : i32
    %dma_wait3A_33 = tpu.memref_slice %arg12[%dma_wait3A, %dma_wait3A_32] : memref<200x50xi32, #tpu.memory_space<vmem>> -> memref<1x50xi32, #tpu.memory_space<vmem>>
    %dma_wait3A_34 = tpu.memref_squeeze %dma_wait3A_33 : memref<1x50xi32, #tpu.memory_space<vmem>> -> memref<50xi32, #tpu.memory_space<vmem>>
    %dma_wait3A_35 = arith.constant 0 : i32
    %dma_wait3A_36 = arith.constant 0 : i32
    %dma_wait3A_37 = tpu.memref_slice %arg25[%dma_wait3A_35, %dma_wait3A_36] : memref<10000x48xf32, #tpu.memory_space<vmem_shared>> -> memref<10000x48xf32, #tpu.memory_space<vmem_shared>>
    tpu.wait_indirect_dma semaphore(%arg23 : memref<!tpu.dma_semaphore, #tpu.memory_space<semaphore_mem>>) src(%arg13 : memref<50x48xf32, #tpu.memory_space<vmem>>) dst(%dma_wait3A_37 : memref<10000x48xf32, #tpu.memory_space<vmem_shared>>)
    %dma_wait3A_38 = arith.constant 0 : i32
    %dma_wait3A_39 = arith.constant 0 : i32
    %dma_wait3A_40 = tpu.memref_slice %arg12[%dma_wait3A_38, %dma_wait3A_39] : memref<200x50xi32, #tpu.memory_space<vmem>> -> memref<1x50xi32, #tpu.memory_space<vmem>>
    %dma_wait3A_41 = tpu.memref_squeeze %dma_wait3A_40 : memref<1x50xi32, #tpu.memory_space<vmem>> -> memref<50xi32, #tpu.memory_space<vmem>>
    %dma_wait3A_42 = arith.constant 0 : i32
    %dma_wait3A_43 = arith.constant 0 : i32
    %dma_wait3A_44 = tpu.memref_slice %arg26[%dma_wait3A_42, %dma_wait3A_43] : memref<10000x16xf32, #tpu.memory_space<vmem_shared>> -> memref<10000x16xf32, #tpu.memory_space<vmem_shared>>
    tpu.wait_indirect_dma semaphore(%arg23 : memref<!tpu.dma_semaphore, #tpu.memory_space<semaphore_mem>>) src(%arg19 : memref<50x16xf32, #tpu.memory_space<vmem>>) dst(%dma_wait3A_44 : memref<10000x16xf32, #tpu.memory_space<vmem_shared>>)
    %dma_wait3A_45 = arith.constant 0 : i32
    %dma_wait3A_46 = arith.constant 0 : i32
    %dma_wait3A_47 = tpu.memref_slice %arg12[%dma_wait3A_45, %dma_wait3A_46] : memref<200x50xi32, #tpu.memory_space<vmem>> -> memref<1x50xi32, #tpu.memory_space<vmem>>
    %dma_wait3A_48 = tpu.memref_squeeze %dma_wait3A_47 : memref<1x50xi32, #tpu.memory_space<vmem>> -> memref<50xi32, #tpu.memory_space<vmem>>
    %dma_wait3A_49 = arith.constant 0 : i32
    %dma_wait3A_50 = arith.constant 0 : i32
    %dma_wait3A_51 = tpu.memref_slice %arg25[%dma_wait3A_49, %dma_wait3A_50] : memref<10000x48xf32, #tpu.memory_space<vmem_shared>> -> memref<10000x48xf32, #tpu.memory_space<vmem_shared>>
    tpu.wait_indirect_dma semaphore(%arg24 : memref<!tpu.dma_semaphore, #tpu.memory_space<semaphore_mem>>) src(%arg14 : memref<50x48xf32, #tpu.memory_space<vmem>>) dst(%dma_wait3A_51 : memref<10000x48xf32, #tpu.memory_space<vmem_shared>>)
    %dma_wait3A_52 = arith.constant 0 : i32
    %dma_wait3A_53 = arith.constant 0 : i32
    %dma_wait3A_54 = tpu.memref_slice %arg12[%dma_wait3A_52, %dma_wait3A_53] : memref<200x50xi32, #tpu.memory_space<vmem>> -> memref<1x50xi32, #tpu.memory_space<vmem>>
    %dma_wait3A_55 = tpu.memref_squeeze %dma_wait3A_54 : memref<1x50xi32, #tpu.memory_space<vmem>> -> memref<50xi32, #tpu.memory_space<vmem>>
    %dma_wait3A_56 = arith.constant 0 : i32
    %dma_wait3A_57 = arith.constant 0 : i32
    %dma_wait3A_58 = tpu.memref_slice %arg26[%dma_wait3A_56, %dma_wait3A_57] : memref<10000x16xf32, #tpu.memory_space<vmem_shared>> -> memref<10000x16xf32, #tpu.memory_space<vmem_shared>>
    tpu.wait_indirect_dma semaphore(%arg24 : memref<!tpu.dma_semaphore, #tpu.memory_space<semaphore_mem>>) src(%arg20 : memref<50x16xf32, #tpu.memory_space<vmem>>) dst(%dma_wait3A_58 : memref<10000x16xf32, #tpu.memory_space<vmem_shared>>)
    %barrier3A_59 = arith.constant 0 : index
    tpu.barrier barrier_id(%barrier3A_59)
    %mul3A_60 = arith.constant 624 : i32
    %mul3A_61 = arith.muli %arg1, %mul3A_60 : i32
    %mul3A_62 = arith.constant 624 : i32
    %mul3A_63 = arith.muli %arg1, %mul3A_62 : i32
    "tpu.region"() ({
      %run_scoped3A = tpu.sem_alloc : memref<!tpu.dma_semaphore, #tpu.memory_space<semaphore_mem>>
      %dma_start3A_73 = arith.constant 0 : i32
      %dma_start3A_74 = tpu.memref_slice %arg9[%arg0, %mul3A_63, %dma_start3A_73] : memref<2x10000x48xf32, #tpu.memory_space<hbm>> -> memref<1x624x48xf32, #tpu.memory_space<hbm>>
      %dma_start3A_75 = tpu.memref_squeeze %dma_start3A_74 : memref<1x624x48xf32, #tpu.memory_space<hbm>> -> memref<624x48xf32, #tpu.memory_space<hbm>>
      %dma_start3A_76 = arith.constant 0 : i32
      %dma_start3A_77 = tpu.memref_slice %arg25[%mul3A_61, %dma_start3A_76] : memref<10000x48xf32, #tpu.memory_space<vmem_shared>> -> memref<624x48xf32, #tpu.memory_space<vmem_shared>>
      tpu.enqueue_dma source(%dma_start3A_77 : memref<624x48xf32, #tpu.memory_space<vmem_shared>>) target(%dma_start3A_75 : memref<624x48xf32, #tpu.memory_space<hbm>>) target_semaphore(%run_scoped3A : memref<!tpu.dma_semaphore, #tpu.memory_space<semaphore_mem>>)
      %dma_wait3A_78 = arith.constant 0 : i32
      %dma_wait3A_79 = tpu.memref_slice %arg9[%arg0, %mul3A_63, %dma_wait3A_78] : memref<2x10000x48xf32, #tpu.memory_space<hbm>> -> memref<1x624x48xf32, #tpu.memory_space<hbm>>
      %dma_wait3A_80 = tpu.memref_squeeze %dma_wait3A_79 : memref<1x624x48xf32, #tpu.memory_space<hbm>> -> memref<624x48xf32, #tpu.memory_space<hbm>>
      %dma_wait3A_81 = arith.constant 0 : i32
      %dma_wait3A_82 = tpu.memref_slice %arg25[%mul3A_61, %dma_wait3A_81] : memref<10000x48xf32, #tpu.memory_space<vmem_shared>> -> memref<624x48xf32, #tpu.memory_space<vmem_shared>>
      tpu.wait_dma2 semaphore(%run_scoped3A : memref<!tpu.dma_semaphore, #tpu.memory_space<semaphore_mem>>) src(%dma_wait3A_82 : memref<624x48xf32, #tpu.memory_space<vmem_shared>>) dst(%dma_wait3A_80 : memref<624x48xf32, #tpu.memory_space<hbm>>)
      tpu.yield
    }) : () -> ()
    %mul3A_64 = arith.constant 624 : i32
    %mul3A_65 = arith.muli %arg1, %mul3A_64 : i32
    %mul3A_66 = arith.constant 624 : i32
    %mul3A_67 = arith.muli %arg1, %mul3A_66 : i32
    "tpu.region"() ({
      %run_scoped3A = tpu.sem_alloc : memref<!tpu.dma_semaphore, #tpu.memory_space<semaphore_mem>>
      %dma_start3A_73 = arith.constant 0 : i32
      %dma_start3A_74 = tpu.memref_slice %arg10[%arg0, %mul3A_67, %dma_start3A_73] : memref<2x10000x16xf32, #tpu.memory_space<hbm>> -> memref<1x624x16xf32, #tpu.memory_space<hbm>>
      %dma_start3A_75 = tpu.memref_squeeze %dma_start3A_74 : memref<1x624x16xf32, #tpu.memory_space<hbm>> -> memref<624x16xf32, #tpu.memory_space<hbm>>
      %dma_start3A_76 = arith.constant 0 : i32
      %dma_start3A_77 = tpu.memref_slice %arg26[%mul3A_65, %dma_start3A_76] : memref<10000x16xf32, #tpu.memory_space<vmem_shared>> -> memref<624x16xf32, #tpu.memory_space<vmem_shared>>
      tpu.enqueue_dma source(%dma_start3A_77 : memref<624x16xf32, #tpu.memory_space<vmem_shared>>) target(%dma_start3A_75 : memref<624x16xf32, #tpu.memory_space<hbm>>) target_semaphore(%run_scoped3A : memref<!tpu.dma_semaphore, #tpu.memory_space<semaphore_mem>>)
      %dma_wait3A_78 = arith.constant 0 : i32
      %dma_wait3A_79 = tpu.memref_slice %arg10[%arg0, %mul3A_67, %dma_wait3A_78] : memref<2x10000x16xf32, #tpu.memory_space<hbm>> -> memref<1x624x16xf32, #tpu.memory_space<hbm>>
      %dma_wait3A_80 = tpu.memref_squeeze %dma_wait3A_79 : memref<1x624x16xf32, #tpu.memory_space<hbm>> -> memref<624x16xf32, #tpu.memory_space<hbm>>
      %dma_wait3A_81 = arith.constant 0 : i32
      %dma_wait3A_82 = tpu.memref_slice %arg26[%mul3A_65, %dma_wait3A_81] : memref<10000x16xf32, #tpu.memory_space<vmem_shared>> -> memref<624x16xf32, #tpu.memory_space<vmem_shared>>
      tpu.wait_dma2 semaphore(%run_scoped3A : memref<!tpu.dma_semaphore, #tpu.memory_space<semaphore_mem>>) src(%dma_wait3A_82 : memref<624x16xf32, #tpu.memory_space<vmem_shared>>) dst(%dma_wait3A_80 : memref<624x16xf32, #tpu.memory_space<hbm>>)
      tpu.yield
    }) : () -> ()
    %eq3A_68 = arith.constant 15 : i32
    %eq3A_69 = arith.cmpi eq, %arg1, %eq3A_68 : i32
    %convert_element_type3A_70 = arith.extui %eq3A_69 : i1 to i32
    %cond3A_71 = arith.constant 0 : i32
    %cond3A_72 = arith.cmpi ne, %convert_element_type3A_70, %cond3A_71 : i32
    scf.if %cond3A_72 {
      "tpu.region"() ({
        %run_scoped3A = tpu.sem_alloc : memref<!tpu.dma_semaphore, #tpu.memory_space<semaphore_mem>>
        %dma_start3A_73 = arith.constant 9984 : i32
        %dma_start3A_74 = arith.constant 0 : i32
        %dma_start3A_75 = tpu.memref_slice %arg9[%arg0, %dma_start3A_73, %dma_start3A_74] : memref<2x10000x48xf32, #tpu.memory_space<hbm>> -> memref<1x16x48xf32, #tpu.memory_space<hbm>>
        %dma_start3A_76 = tpu.memref_squeeze %dma_start3A_75 : memref<1x16x48xf32, #tpu.memory_space<hbm>> -> memref<16x48xf32, #tpu.memory_space<hbm>>
        %dma_start3A_77 = arith.constant 9984 : i32
        %dma_start3A_78 = arith.constant 0 : i32
        %dma_start3A_79 = tpu.memref_slice %arg25[%dma_start3A_77, %dma_start3A_78] : memref<10000x48xf32, #tpu.memory_space<vmem_shared>> -> memref<16x48xf32, #tpu.memory_space<vmem_shared>>
        tpu.enqueue_dma source(%dma_start3A_79 : memref<16x48xf32, #tpu.memory_space<vmem_shared>>) target(%dma_start3A_76 : memref<16x48xf32, #tpu.memory_space<hbm>>) target_semaphore(%run_scoped3A : memref<!tpu.dma_semaphore, #tpu.memory_space<semaphore_mem>>)
        %dma_wait3A_80 = arith.constant 9984 : i32
        %dma_wait3A_81 = arith.constant 0 : i32
        %dma_wait3A_82 = tpu.memref_slice %arg9[%arg0, %dma_wait3A_80, %dma_wait3A_81] : memref<2x10000x48xf32, #tpu.memory_space<hbm>> -> memref<1x16x48xf32, #tpu.memory_space<hbm>>
        %dma_wait3A_83 = tpu.memref_squeeze %dma_wait3A_82 : memref<1x16x48xf32, #tpu.memory_space<hbm>> -> memref<16x48xf32, #tpu.memory_space<hbm>>
        %dma_wait3A_84 = arith.constant 9984 : i32
        %dma_wait3A_85 = arith.constant 0 : i32
        %dma_wait3A_86 = tpu.memref_slice %arg25[%dma_wait3A_84, %dma_wait3A_85] : memref<10000x48xf32, #tpu.memory_space<vmem_shared>> -> memref<16x48xf32, #tpu.memory_space<vmem_shared>>
        tpu.wait_dma2 semaphore(%run_scoped3A : memref<!tpu.dma_semaphore, #tpu.memory_space<semaphore_mem>>) src(%dma_wait3A_86 : memref<16x48xf32, #tpu.memory_space<vmem_shared>>) dst(%dma_wait3A_83 : memref<16x48xf32, #tpu.memory_space<hbm>>)
        tpu.yield
      }) : () -> ()
      "tpu.region"() ({
        %run_scoped3A = tpu.sem_alloc : memref<!tpu.dma_semaphore, #tpu.memory_space<semaphore_mem>>
        %dma_start3A_73 = arith.constant 9984 : i32
        %dma_start3A_74 = arith.constant 0 : i32
        %dma_start3A_75 = tpu.memref_slice %arg10[%arg0, %dma_start3A_73, %dma_start3A_74] : memref<2x10000x16xf32, #tpu.memory_space<hbm>> -> memref<1x16x16xf32, #tpu.memory_space<hbm>>
        %dma_start3A_76 = tpu.memref_squeeze %dma_start3A_75 : memref<1x16x16xf32, #tpu.memory_space<hbm>> -> memref<16x16xf32, #tpu.memory_space<hbm>>
        %dma_start3A_77 = arith.constant 9984 : i32
        %dma_start3A_78 = arith.constant 0 : i32
        %dma_start3A_79 = tpu.memref_slice %arg26[%dma_start3A_77, %dma_start3A_78] : memref<10000x16xf32, #tpu.memory_space<vmem_shared>> -> memref<16x16xf32, #tpu.memory_space<vmem_shared>>
        tpu.enqueue_dma source(%dma_start3A_79 : memref<16x16xf32, #tpu.memory_space<vmem_shared>>) target(%dma_start3A_76 : memref<16x16xf32, #tpu.memory_space<hbm>>) target_semaphore(%run_scoped3A : memref<!tpu.dma_semaphore, #tpu.memory_space<semaphore_mem>>)
        %dma_wait3A_80 = arith.constant 9984 : i32
        %dma_wait3A_81 = arith.constant 0 : i32
        %dma_wait3A_82 = tpu.memref_slice %arg10[%arg0, %dma_wait3A_80, %dma_wait3A_81] : memref<2x10000x16xf32, #tpu.memory_space<hbm>> -> memref<1x16x16xf32, #tpu.memory_space<hbm>>
        %dma_wait3A_83 = tpu.memref_squeeze %dma_wait3A_82 : memref<1x16x16xf32, #tpu.memory_space<hbm>> -> memref<16x16xf32, #tpu.memory_space<hbm>>
        %dma_wait3A_84 = arith.constant 9984 : i32
        %dma_wait3A_85 = arith.constant 0 : i32
        %dma_wait3A_86 = tpu.memref_slice %arg26[%dma_wait3A_84, %dma_wait3A_85] : memref<10000x16xf32, #tpu.memory_space<vmem_shared>> -> memref<16x16xf32, #tpu.memory_space<vmem_shared>>
        tpu.wait_dma2 semaphore(%run_scoped3A : memref<!tpu.dma_semaphore, #tpu.memory_space<semaphore_mem>>) src(%dma_wait3A_86 : memref<16x16xf32, #tpu.memory_space<vmem_shared>>) dst(%dma_wait3A_83 : memref<16x16xf32, #tpu.memory_space<hbm>>)
        tpu.yield
      }) : () -> ()
    } else {
    }
    return
  }
}

#map = affine_map<(d0, d1) -> (0, 0, 0)>
#map1 = affine_map<(d0, d1) -> (0, 0)>
module attributes {stable_mosaic.version = 14 : i64} {
  func.func @sck(%arg0: i32, %arg1: i32, %arg2: memref<32x200x50xi32, #tpu.memory_space<hbm>>, %arg3: memref<32x200x50xi32, #tpu.memory_space<hbm>>, %arg4: memref<10000x128xf32, #tpu.memory_space<hbm>>, %arg5: memref<10000x16xf32, #tpu.memory_space<hbm>>, %arg6: memref<10000x16xf32, #tpu.memory_space<hbm>>, %arg7: memref<624x128xf32, #tpu.memory_space<hbm>>, %arg8: memref<624x16xf32, #tpu.memory_space<hbm>>, %arg9: memref<2x10000x128xf32, #tpu.memory_space<hbm>>, %arg10: memref<2x10000x16xf32, #tpu.memory_space<hbm>>, %arg11: memref<200x50xi32, #tpu.memory_space<vmem>>, %arg12: memref<200x50xi32, #tpu.memory_space<vmem>>, %arg13: memref<50x128xf32, #tpu.memory_space<vmem>>, %arg14: memref<50x128xf32, #tpu.memory_space<vmem>>, %arg15: memref<50x16xf32, #tpu.memory_space<vmem>>, %arg16: memref<50x16xf32, #tpu.memory_space<vmem>>, %arg17: memref<50x16xf32, #tpu.memory_space<vmem>>, %arg18: memref<50x16xf32, #tpu.memory_space<vmem>>, %arg19: memref<50x16xf32, #tpu.memory_space<vmem>>, %arg20: memref<50x16xf32, #tpu.memory_space<vmem>>, %arg21: memref<!tpu.dma_semaphore, #tpu.memory_space<semaphore_mem>>, %arg22: memref<!tpu.dma_semaphore, #tpu.memory_space<semaphore_mem>>, %arg23: memref<!tpu.dma_semaphore, #tpu.memory_space<semaphore_mem>>, %arg24: memref<!tpu.dma_semaphore, #tpu.memory_space<semaphore_mem>>, %arg25: memref<10000x128xf32, #tpu.memory_space<vmem_shared>>, %arg26: memref<10000x16xf32, #tpu.memory_space<vmem_shared>>) attributes {dimension_semantics = [#tpu.dimension_semantics<core_parallel>, #tpu.dimension_semantics<subcore_parallel>], iteration_bounds = array<i64: 2, 16>, scalar_prefetch = 0 : i64, scratch_operands = 16 : i64, tpu.core_type = #tpu.core_type<sc_vector_subcore>, window_params = [{transform_indices = #map}, {transform_indices = #map}, {transform_indices = #map1}, {transform_indices = #map1}, {transform_indices = #map1}, {transform_indices = #map1}, {transform_indices = #map1}, {transform_indices = #map}, {transform_indices = #map}]} {
    %mul3A = arith.constant 16 : i32
    %mul3A_0 = arith.muli %arg0, %mul3A : i32
    %add3A = arith.addi %mul3A_0, %arg1 : i32
    %mul3A_1 = arith.constant 624 : i32
    %mul3A_2 = arith.muli %arg1, %mul3A_1 : i32
    "tpu.region"() ({
      %run_scoped3A = tpu.sem_alloc : memref<!tpu.dma_semaphore, #tpu.memory_space<semaphore_mem>>
      %dma_start3A_73 = arith.constant 0 : i32
      %dma_start3A_74 = tpu.memref_slice %arg25[%mul3A_2, %dma_start3A_73] : memref<10000x128xf32, #tpu.memory_space<vmem_shared>> -> memref<624x128xf32, #tpu.memory_space<vmem_shared>>
      tpu.enqueue_dma source(%arg7 : memref<624x128xf32, #tpu.memory_space<hbm>>) target(%dma_start3A_74 : memref<624x128xf32, #tpu.memory_space<vmem_shared>>) target_semaphore(%run_scoped3A : memref<!tpu.dma_semaphore, #tpu.memory_space<semaphore_mem>>)
      %dma_wait3A_75 = arith.constant 0 : i32
      %dma_wait3A_76 = tpu.memref_slice %arg25[%mul3A_2, %dma_wait3A_75] : memref<10000x128xf32, #tpu.memory_space<vmem_shared>> -> memref<624x128xf32, #tpu.memory_space<vmem_shared>>
      tpu.wait_dma2 semaphore(%run_scoped3A : memref<!tpu.dma_semaphore, #tpu.memory_space<semaphore_mem>>) src(%arg7 : memref<624x128xf32, #tpu.memory_space<hbm>>) dst(%dma_wait3A_76 : memref<624x128xf32, #tpu.memory_space<vmem_shared>>)
      tpu.yield
    }) : () -> ()
    %mul3A_3 = arith.constant 624 : i32
    %mul3A_4 = arith.muli %arg1, %mul3A_3 : i32
    "tpu.region"() ({
      %run_scoped3A = tpu.sem_alloc : memref<!tpu.dma_semaphore, #tpu.memory_space<semaphore_mem>>
      %dma_start3A_73 = arith.constant 0 : i32
      %dma_start3A_74 = tpu.memref_slice %arg26[%mul3A_4, %dma_start3A_73] : memref<10000x16xf32, #tpu.memory_space<vmem_shared>> -> memref<624x16xf32, #tpu.memory_space<vmem_shared>>
      tpu.enqueue_dma source(%arg8 : memref<624x16xf32, #tpu.memory_space<hbm>>) target(%dma_start3A_74 : memref<624x16xf32, #tpu.memory_space<vmem_shared>>) target_semaphore(%run_scoped3A : memref<!tpu.dma_semaphore, #tpu.memory_space<semaphore_mem>>)
      %dma_wait3A_75 = arith.constant 0 : i32
      %dma_wait3A_76 = tpu.memref_slice %arg26[%mul3A_4, %dma_wait3A_75] : memref<10000x16xf32, #tpu.memory_space<vmem_shared>> -> memref<624x16xf32, #tpu.memory_space<vmem_shared>>
      tpu.wait_dma2 semaphore(%run_scoped3A : memref<!tpu.dma_semaphore, #tpu.memory_space<semaphore_mem>>) src(%arg8 : memref<624x16xf32, #tpu.memory_space<hbm>>) dst(%dma_wait3A_76 : memref<624x16xf32, #tpu.memory_space<vmem_shared>>)
      tpu.yield
    }) : () -> ()
    %eq3A = arith.constant 15 : i32
    %eq3A_5 = arith.cmpi eq, %arg1, %eq3A : i32
    %convert_element_type3A = arith.extui %eq3A_5 : i1 to i32
    %cond3A = arith.constant 0 : i32
    %cond3A_6 = arith.cmpi ne, %convert_element_type3A, %cond3A : i32
    scf.if %cond3A_6 {
      "tpu.region"() ({
        %run_scoped3A = tpu.sem_alloc : memref<!tpu.dma_semaphore, #tpu.memory_space<semaphore_mem>>
        %dma_start3A_73 = arith.constant 9984 : i32
        %dma_start3A_74 = arith.constant 0 : i32
        %dma_start3A_75 = tpu.memref_slice %arg25[%dma_start3A_73, %dma_start3A_74] : memref<10000x128xf32, #tpu.memory_space<vmem_shared>> -> memref<16x128xf32, #tpu.memory_space<vmem_shared>>
        %dma_start3A_76 = arith.constant 0 : i32
        %dma_start3A_77 = arith.constant 0 : i32
        %dma_start3A_78 = tpu.memref_slice %arg7[%dma_start3A_76, %dma_start3A_77] : memref<624x128xf32, #tpu.memory_space<hbm>> -> memref<16x128xf32, #tpu.memory_space<hbm>>
        tpu.enqueue_dma source(%dma_start3A_78 : memref<16x128xf32, #tpu.memory_space<hbm>>) target(%dma_start3A_75 : memref<16x128xf32, #tpu.memory_space<vmem_shared>>) target_semaphore(%run_scoped3A : memref<!tpu.dma_semaphore, #tpu.memory_space<semaphore_mem>>)
        %dma_wait3A_79 = arith.constant 9984 : i32
        %dma_wait3A_80 = arith.constant 0 : i32
        %dma_wait3A_81 = tpu.memref_slice %arg25[%dma_wait3A_79, %dma_wait3A_80] : memref<10000x128xf32, #tpu.memory_space<vmem_shared>> -> memref<16x128xf32, #tpu.memory_space<vmem_shared>>
        %dma_wait3A_82 = arith.constant 0 : i32
        %dma_wait3A_83 = arith.constant 0 : i32
        %dma_wait3A_84 = tpu.memref_slice %arg7[%dma_wait3A_82, %dma_wait3A_83] : memref<624x128xf32, #tpu.memory_space<hbm>> -> memref<16x128xf32, #tpu.memory_space<hbm>>
        tpu.wait_dma2 semaphore(%run_scoped3A : memref<!tpu.dma_semaphore, #tpu.memory_space<semaphore_mem>>) src(%dma_wait3A_84 : memref<16x128xf32, #tpu.memory_space<hbm>>) dst(%dma_wait3A_81 : memref<16x128xf32, #tpu.memory_space<vmem_shared>>)
        tpu.yield
      }) : () -> ()
      "tpu.region"() ({
        %run_scoped3A = tpu.sem_alloc : memref<!tpu.dma_semaphore, #tpu.memory_space<semaphore_mem>>
        %dma_start3A_73 = arith.constant 9984 : i32
        %dma_start3A_74 = arith.constant 0 : i32
        %dma_start3A_75 = tpu.memref_slice %arg26[%dma_start3A_73, %dma_start3A_74] : memref<10000x16xf32, #tpu.memory_space<vmem_shared>> -> memref<16x16xf32, #tpu.memory_space<vmem_shared>>
        %dma_start3A_76 = arith.constant 0 : i32
        %dma_start3A_77 = arith.constant 0 : i32
        %dma_start3A_78 = tpu.memref_slice %arg8[%dma_start3A_76, %dma_start3A_77] : memref<624x16xf32, #tpu.memory_space<hbm>> -> memref<16x16xf32, #tpu.memory_space<hbm>>
        tpu.enqueue_dma source(%dma_start3A_78 : memref<16x16xf32, #tpu.memory_space<hbm>>) target(%dma_start3A_75 : memref<16x16xf32, #tpu.memory_space<vmem_shared>>) target_semaphore(%run_scoped3A : memref<!tpu.dma_semaphore, #tpu.memory_space<semaphore_mem>>)
        %dma_wait3A_79 = arith.constant 9984 : i32
        %dma_wait3A_80 = arith.constant 0 : i32
        %dma_wait3A_81 = tpu.memref_slice %arg26[%dma_wait3A_79, %dma_wait3A_80] : memref<10000x16xf32, #tpu.memory_space<vmem_shared>> -> memref<16x16xf32, #tpu.memory_space<vmem_shared>>
        %dma_wait3A_82 = arith.constant 0 : i32
        %dma_wait3A_83 = arith.constant 0 : i32
        %dma_wait3A_84 = tpu.memref_slice %arg8[%dma_wait3A_82, %dma_wait3A_83] : memref<624x16xf32, #tpu.memory_space<hbm>> -> memref<16x16xf32, #tpu.memory_space<hbm>>
        tpu.wait_dma2 semaphore(%run_scoped3A : memref<!tpu.dma_semaphore, #tpu.memory_space<semaphore_mem>>) src(%dma_wait3A_84 : memref<16x16xf32, #tpu.memory_space<hbm>>) dst(%dma_wait3A_81 : memref<16x16xf32, #tpu.memory_space<vmem_shared>>)
        tpu.yield
      }) : () -> ()
    } else {
    }
    "tpu.region"() ({
      %run_scoped3A = tpu.sem_alloc : memref<!tpu.dma_semaphore, #tpu.memory_space<semaphore_mem>>
      %dma_start3A_73 = arith.constant 0 : i32
      %dma_start3A_74 = arith.constant 0 : i32
      %dma_start3A_75 = tpu.memref_slice %arg2[%add3A, %dma_start3A_73, %dma_start3A_74] : memref<32x200x50xi32, #tpu.memory_space<hbm>> -> memref<1x200x50xi32, #tpu.memory_space<hbm>>
      %dma_start3A_76 = tpu.memref_squeeze %dma_start3A_75 : memref<1x200x50xi32, #tpu.memory_space<hbm>> -> memref<200x50xi32, #tpu.memory_space<hbm>>
      %dma_start3A_77 = arith.constant 0 : i32
      %dma_start3A_78 = arith.constant 0 : i32
      %dma_start3A_79 = tpu.memref_slice %arg2[%add3A, %dma_start3A_77, %dma_start3A_78] : memref<32x200x50xi32, #tpu.memory_space<hbm>> -> memref<1x200x50xi32, #tpu.memory_space<hbm>>
      %dma_start3A_80 = tpu.memref_squeeze %dma_start3A_79 : memref<1x200x50xi32, #tpu.memory_space<hbm>> -> memref<200x50xi32, #tpu.memory_space<hbm>>
      tpu.enqueue_dma source(%dma_start3A_80 : memref<200x50xi32, #tpu.memory_space<hbm>>) target(%arg11 : memref<200x50xi32, #tpu.memory_space<vmem>>) target_semaphore(%run_scoped3A : memref<!tpu.dma_semaphore, #tpu.memory_space<semaphore_mem>>)
      %dma_wait3A_81 = arith.constant 0 : i32
      %dma_wait3A_82 = arith.constant 0 : i32
      %dma_wait3A_83 = tpu.memref_slice %arg2[%add3A, %dma_wait3A_81, %dma_wait3A_82] : memref<32x200x50xi32, #tpu.memory_space<hbm>> -> memref<1x200x50xi32, #tpu.memory_space<hbm>>
      %dma_wait3A_84 = tpu.memref_squeeze %dma_wait3A_83 : memref<1x200x50xi32, #tpu.memory_space<hbm>> -> memref<200x50xi32, #tpu.memory_space<hbm>>
      %dma_wait3A_85 = arith.constant 0 : i32
      %dma_wait3A_86 = arith.constant 0 : i32
      %dma_wait3A_87 = tpu.memref_slice %arg2[%add3A, %dma_wait3A_85, %dma_wait3A_86] : memref<32x200x50xi32, #tpu.memory_space<hbm>> -> memref<1x200x50xi32, #tpu.memory_space<hbm>>
      %dma_wait3A_88 = tpu.memref_squeeze %dma_wait3A_87 : memref<1x200x50xi32, #tpu.memory_space<hbm>> -> memref<200x50xi32, #tpu.memory_space<hbm>>
      tpu.wait_dma2 semaphore(%run_scoped3A : memref<!tpu.dma_semaphore, #tpu.memory_space<semaphore_mem>>) src(%dma_wait3A_88 : memref<200x50xi32, #tpu.memory_space<hbm>>) dst(%arg11 : memref<200x50xi32, #tpu.memory_space<vmem>>)
      tpu.yield
    }) : () -> ()
    "tpu.region"() ({
      %run_scoped3A = tpu.sem_alloc : memref<!tpu.dma_semaphore, #tpu.memory_space<semaphore_mem>>
      %dma_start3A_73 = arith.constant 0 : i32
      %dma_start3A_74 = arith.constant 0 : i32
      %dma_start3A_75 = tpu.memref_slice %arg3[%add3A, %dma_start3A_73, %dma_start3A_74] : memref<32x200x50xi32, #tpu.memory_space<hbm>> -> memref<1x200x50xi32, #tpu.memory_space<hbm>>
      %dma_start3A_76 = tpu.memref_squeeze %dma_start3A_75 : memref<1x200x50xi32, #tpu.memory_space<hbm>> -> memref<200x50xi32, #tpu.memory_space<hbm>>
      %dma_start3A_77 = arith.constant 0 : i32
      %dma_start3A_78 = arith.constant 0 : i32
      %dma_start3A_79 = tpu.memref_slice %arg3[%add3A, %dma_start3A_77, %dma_start3A_78] : memref<32x200x50xi32, #tpu.memory_space<hbm>> -> memref<1x200x50xi32, #tpu.memory_space<hbm>>
      %dma_start3A_80 = tpu.memref_squeeze %dma_start3A_79 : memref<1x200x50xi32, #tpu.memory_space<hbm>> -> memref<200x50xi32, #tpu.memory_space<hbm>>
      tpu.enqueue_dma source(%dma_start3A_80 : memref<200x50xi32, #tpu.memory_space<hbm>>) target(%arg12 : memref<200x50xi32, #tpu.memory_space<vmem>>) target_semaphore(%run_scoped3A : memref<!tpu.dma_semaphore, #tpu.memory_space<semaphore_mem>>)
      %dma_wait3A_81 = arith.constant 0 : i32
      %dma_wait3A_82 = arith.constant 0 : i32
      %dma_wait3A_83 = tpu.memref_slice %arg3[%add3A, %dma_wait3A_81, %dma_wait3A_82] : memref<32x200x50xi32, #tpu.memory_space<hbm>> -> memref<1x200x50xi32, #tpu.memory_space<hbm>>
      %dma_wait3A_84 = tpu.memref_squeeze %dma_wait3A_83 : memref<1x200x50xi32, #tpu.memory_space<hbm>> -> memref<200x50xi32, #tpu.memory_space<hbm>>
      %dma_wait3A_85 = arith.constant 0 : i32
      %dma_wait3A_86 = arith.constant 0 : i32
      %dma_wait3A_87 = tpu.memref_slice %arg3[%add3A, %dma_wait3A_85, %dma_wait3A_86] : memref<32x200x50xi32, #tpu.memory_space<hbm>> -> memref<1x200x50xi32, #tpu.memory_space<hbm>>
      %dma_wait3A_88 = tpu.memref_squeeze %dma_wait3A_87 : memref<1x200x50xi32, #tpu.memory_space<hbm>> -> memref<200x50xi32, #tpu.memory_space<hbm>>
      tpu.wait_dma2 semaphore(%run_scoped3A : memref<!tpu.dma_semaphore, #tpu.memory_space<semaphore_mem>>) src(%dma_wait3A_88 : memref<200x50xi32, #tpu.memory_space<hbm>>) dst(%arg12 : memref<200x50xi32, #tpu.memory_space<vmem>>)
      tpu.yield
    }) : () -> ()
    %barrier3A = arith.constant 0 : index
    tpu.barrier barrier_id(%barrier3A)
    %dma_start3A = arith.constant 0 : i32
    %dma_start3A_7 = arith.constant 0 : i32
    %dma_start3A_8 = tpu.memref_slice %arg11[%dma_start3A, %dma_start3A_7] : memref<200x50xi32, #tpu.memory_space<vmem>> -> memref<1x50xi32, #tpu.memory_space<vmem>>
    %dma_start3A_9 = tpu.memref_squeeze %dma_start3A_8 : memref<1x50xi32, #tpu.memory_space<vmem>> -> memref<50xi32, #tpu.memory_space<vmem>>
    %dma_start3A_10 = arith.constant 0 : i32
    %dma_start3A_11 = arith.constant 0 : i32
    %dma_start3A_12 = tpu.memref_slice %arg4[%dma_start3A_10, %dma_start3A_11] : memref<10000x128xf32, #tpu.memory_space<hbm>> -> memref<10000x128xf32, #tpu.memory_space<hbm>>
    tpu.enqueue_indirect_dma source(%dma_start3A_12 : memref<10000x128xf32, #tpu.memory_space<hbm>>) target(%arg13 : memref<50x128xf32, #tpu.memory_space<vmem>>) offsets(%dma_start3A_9 : memref<50xi32, #tpu.memory_space<vmem>>) semaphore(%arg21 : memref<!tpu.dma_semaphore, #tpu.memory_space<semaphore_mem>>)
    %dma_start3A_13 = arith.constant 0 : i32
    %dma_start3A_14 = arith.constant 0 : i32
    %dma_start3A_15 = tpu.memref_slice %arg11[%dma_start3A_13, %dma_start3A_14] : memref<200x50xi32, #tpu.memory_space<vmem>> -> memref<1x50xi32, #tpu.memory_space<vmem>>
    %dma_start3A_16 = tpu.memref_squeeze %dma_start3A_15 : memref<1x50xi32, #tpu.memory_space<vmem>> -> memref<50xi32, #tpu.memory_space<vmem>>
    %dma_start3A_17 = arith.constant 0 : i32
    %dma_start3A_18 = arith.constant 0 : i32
    %dma_start3A_19 = tpu.memref_slice %arg5[%dma_start3A_17, %dma_start3A_18] : memref<10000x16xf32, #tpu.memory_space<hbm>> -> memref<10000x16xf32, #tpu.memory_space<hbm>>
    tpu.enqueue_indirect_dma source(%dma_start3A_19 : memref<10000x16xf32, #tpu.memory_space<hbm>>) target(%arg15 : memref<50x16xf32, #tpu.memory_space<vmem>>) offsets(%dma_start3A_16 : memref<50xi32, #tpu.memory_space<vmem>>) semaphore(%arg21 : memref<!tpu.dma_semaphore, #tpu.memory_space<semaphore_mem>>)
    %dma_start3A_20 = arith.constant 0 : i32
    %dma_start3A_21 = arith.constant 0 : i32
    %dma_start3A_22 = tpu.memref_slice %arg12[%dma_start3A_20, %dma_start3A_21] : memref<200x50xi32, #tpu.memory_space<vmem>> -> memref<1x50xi32, #tpu.memory_space<vmem>>
    %dma_start3A_23 = tpu.memref_squeeze %dma_start3A_22 : memref<1x50xi32, #tpu.memory_space<vmem>> -> memref<50xi32, #tpu.memory_space<vmem>>
    %dma_start3A_24 = arith.constant 0 : i32
    %dma_start3A_25 = arith.constant 0 : i32
    %dma_start3A_26 = tpu.memref_slice %arg6[%dma_start3A_24, %dma_start3A_25] : memref<10000x16xf32, #tpu.memory_space<hbm>> -> memref<10000x16xf32, #tpu.memory_space<hbm>>
    tpu.enqueue_indirect_dma source(%dma_start3A_26 : memref<10000x16xf32, #tpu.memory_space<hbm>>) target(%arg17 : memref<50x16xf32, #tpu.memory_space<vmem>>) offsets(%dma_start3A_23 : memref<50xi32, #tpu.memory_space<vmem>>) semaphore(%arg21 : memref<!tpu.dma_semaphore, #tpu.memory_space<semaphore_mem>>)
    %scan3A = arith.constant 0 : i32
    %scan3A_27 = arith.constant 0 : i32
    %scan3A_28 = arith.constant 100 : i32
    %scan3A_29 = arith.addi %scan3A_27, %scan3A_28 : i32
    %scan3A_30 = arith.constant 1 : i32
    scf.for %scan3A_73 = %scan3A_27 to %scan3A_29 step %scan3A_30  : i32 {
      %mul3A_74 = arith.constant 2 : i32
      %mul3A_75 = arith.muli %scan3A_73, %mul3A_74 : i32
      %add3A_76 = arith.constant 0 : i32
      %add3A_77 = arith.addi %mul3A_75, %add3A_76 : i32
      %add3A_78 = arith.constant 1 : i32
      %add3A_79 = arith.addi %add3A_77, %add3A_78 : i32
      %lt3A = arith.constant 200 : i32
      %lt3A_80 = arith.cmpi slt, %add3A_79, %lt3A : i32
      %convert_element_type3A_81 = arith.extui %lt3A_80 : i1 to i32
      %cond3A_82 = arith.constant 0 : i32
      %cond3A_83 = arith.cmpi ne, %convert_element_type3A_81, %cond3A_82 : i32
      scf.if %cond3A_83 {
        %ge3A = arith.constant 1 : i32
        %ge3A_166 = arith.cmpi sge, %add3A_77, %ge3A : i32
        %convert_element_type3A_167 = arith.extui %ge3A_166 : i1 to i32
        %cond3A_168 = arith.constant 0 : i32
        %cond3A_169 = arith.cmpi ne, %convert_element_type3A_167, %cond3A_168 : i32
        scf.if %cond3A_169 {
          %dma_wait3A_190 = arith.constant 0 : i32
          %dma_wait3A_191 = arith.constant 0 : i32
          %dma_wait3A_192 = tpu.memref_slice %arg12[%dma_wait3A_190, %dma_wait3A_191] : memref<200x50xi32, #tpu.memory_space<vmem>> -> memref<1x50xi32, #tpu.memory_space<vmem>>
          %dma_wait3A_193 = tpu.memref_squeeze %dma_wait3A_192 : memref<1x50xi32, #tpu.memory_space<vmem>> -> memref<50xi32, #tpu.memory_space<vmem>>
          %dma_wait3A_194 = arith.constant 0 : i32
          %dma_wait3A_195 = arith.constant 0 : i32
          %dma_wait3A_196 = tpu.memref_slice %arg25[%dma_wait3A_194, %dma_wait3A_195] : memref<10000x128xf32, #tpu.memory_space<vmem_shared>> -> memref<10000x128xf32, #tpu.memory_space<vmem_shared>>
          tpu.wait_indirect_dma semaphore(%arg24 : memref<!tpu.dma_semaphore, #tpu.memory_space<semaphore_mem>>) src(%arg14 : memref<50x128xf32, #tpu.memory_space<vmem>>) dst(%dma_wait3A_196 : memref<10000x128xf32, #tpu.memory_space<vmem_shared>>)
          %dma_wait3A_197 = arith.constant 0 : i32
          %dma_wait3A_198 = arith.constant 0 : i32
          %dma_wait3A_199 = tpu.memref_slice %arg12[%dma_wait3A_197, %dma_wait3A_198] : memref<200x50xi32, #tpu.memory_space<vmem>> -> memref<1x50xi32, #tpu.memory_space<vmem>>
          %dma_wait3A_200 = tpu.memref_squeeze %dma_wait3A_199 : memref<1x50xi32, #tpu.memory_space<vmem>> -> memref<50xi32, #tpu.memory_space<vmem>>
          %dma_wait3A_201 = arith.constant 0 : i32
          %dma_wait3A_202 = arith.constant 0 : i32
          %dma_wait3A_203 = tpu.memref_slice %arg26[%dma_wait3A_201, %dma_wait3A_202] : memref<10000x16xf32, #tpu.memory_space<vmem_shared>> -> memref<10000x16xf32, #tpu.memory_space<vmem_shared>>
          tpu.wait_indirect_dma semaphore(%arg24 : memref<!tpu.dma_semaphore, #tpu.memory_space<semaphore_mem>>) src(%arg20 : memref<50x16xf32, #tpu.memory_space<vmem>>) dst(%dma_wait3A_203 : memref<10000x16xf32, #tpu.memory_space<vmem_shared>>)
        } else {
        }
        %add3A_170 = arith.constant 1 : i32
        %add3A_171 = arith.addi %add3A_77, %add3A_170 : i32
        %dma_start3A_172 = arith.constant 0 : i32
        %dma_start3A_173 = tpu.memref_slice %arg11[%add3A_171, %dma_start3A_172] : memref<200x50xi32, #tpu.memory_space<vmem>> -> memref<1x50xi32, #tpu.memory_space<vmem>>
        %dma_start3A_174 = tpu.memref_squeeze %dma_start3A_173 : memref<1x50xi32, #tpu.memory_space<vmem>> -> memref<50xi32, #tpu.memory_space<vmem>>
        %dma_start3A_175 = arith.constant 0 : i32
        %dma_start3A_176 = arith.constant 0 : i32
        %dma_start3A_177 = tpu.memref_slice %arg4[%dma_start3A_175, %dma_start3A_176] : memref<10000x128xf32, #tpu.memory_space<hbm>> -> memref<10000x128xf32, #tpu.memory_space<hbm>>
        tpu.enqueue_indirect_dma source(%dma_start3A_177 : memref<10000x128xf32, #tpu.memory_space<hbm>>) target(%arg14 : memref<50x128xf32, #tpu.memory_space<vmem>>) offsets(%dma_start3A_174 : memref<50xi32, #tpu.memory_space<vmem>>) semaphore(%arg22 : memref<!tpu.dma_semaphore, #tpu.memory_space<semaphore_mem>>)
        %dma_start3A_178 = arith.constant 0 : i32
        %dma_start3A_179 = tpu.memref_slice %arg11[%add3A_171, %dma_start3A_178] : memref<200x50xi32, #tpu.memory_space<vmem>> -> memref<1x50xi32, #tpu.memory_space<vmem>>
        %dma_start3A_180 = tpu.memref_squeeze %dma_start3A_179 : memref<1x50xi32, #tpu.memory_space<vmem>> -> memref<50xi32, #tpu.memory_space<vmem>>
        %dma_start3A_181 = arith.constant 0 : i32
        %dma_start3A_182 = arith.constant 0 : i32
        %dma_start3A_183 = tpu.memref_slice %arg5[%dma_start3A_181, %dma_start3A_182] : memref<10000x16xf32, #tpu.memory_space<hbm>> -> memref<10000x16xf32, #tpu.memory_space<hbm>>
        tpu.enqueue_indirect_dma source(%dma_start3A_183 : memref<10000x16xf32, #tpu.memory_space<hbm>>) target(%arg16 : memref<50x16xf32, #tpu.memory_space<vmem>>) offsets(%dma_start3A_180 : memref<50xi32, #tpu.memory_space<vmem>>) semaphore(%arg22 : memref<!tpu.dma_semaphore, #tpu.memory_space<semaphore_mem>>)
        %dma_start3A_184 = arith.constant 0 : i32
        %dma_start3A_185 = tpu.memref_slice %arg12[%add3A_171, %dma_start3A_184] : memref<200x50xi32, #tpu.memory_space<vmem>> -> memref<1x50xi32, #tpu.memory_space<vmem>>
        %dma_start3A_186 = tpu.memref_squeeze %dma_start3A_185 : memref<1x50xi32, #tpu.memory_space<vmem>> -> memref<50xi32, #tpu.memory_space<vmem>>
        %dma_start3A_187 = arith.constant 0 : i32
        %dma_start3A_188 = arith.constant 0 : i32
        %dma_start3A_189 = tpu.memref_slice %arg6[%dma_start3A_187, %dma_start3A_188] : memref<10000x16xf32, #tpu.memory_space<hbm>> -> memref<10000x16xf32, #tpu.memory_space<hbm>>
        tpu.enqueue_indirect_dma source(%dma_start3A_189 : memref<10000x16xf32, #tpu.memory_space<hbm>>) target(%arg18 : memref<50x16xf32, #tpu.memory_space<vmem>>) offsets(%dma_start3A_186 : memref<50xi32, #tpu.memory_space<vmem>>) semaphore(%arg22 : memref<!tpu.dma_semaphore, #tpu.memory_space<semaphore_mem>>)
      } else {
      }
      %dma_wait3A_84 = arith.constant 0 : i32
      %dma_wait3A_85 = arith.constant 0 : i32
      %dma_wait3A_86 = tpu.memref_slice %arg11[%dma_wait3A_84, %dma_wait3A_85] : memref<200x50xi32, #tpu.memory_space<vmem>> -> memref<1x50xi32, #tpu.memory_space<vmem>>
      %dma_wait3A_87 = tpu.memref_squeeze %dma_wait3A_86 : memref<1x50xi32, #tpu.memory_space<vmem>> -> memref<50xi32, #tpu.memory_space<vmem>>
      %dma_wait3A_88 = arith.constant 0 : i32
      %dma_wait3A_89 = arith.constant 0 : i32
      %dma_wait3A_90 = tpu.memref_slice %arg4[%dma_wait3A_88, %dma_wait3A_89] : memref<10000x128xf32, #tpu.memory_space<hbm>> -> memref<10000x128xf32, #tpu.memory_space<hbm>>
      tpu.wait_indirect_dma semaphore(%arg21 : memref<!tpu.dma_semaphore, #tpu.memory_space<semaphore_mem>>) src(%dma_wait3A_90 : memref<10000x128xf32, #tpu.memory_space<hbm>>) dst(%arg13 : memref<50x128xf32, #tpu.memory_space<vmem>>)
      %dma_wait3A_91 = arith.constant 0 : i32
      %dma_wait3A_92 = arith.constant 0 : i32
      %dma_wait3A_93 = tpu.memref_slice %arg11[%dma_wait3A_91, %dma_wait3A_92] : memref<200x50xi32, #tpu.memory_space<vmem>> -> memref<1x50xi32, #tpu.memory_space<vmem>>
      %dma_wait3A_94 = tpu.memref_squeeze %dma_wait3A_93 : memref<1x50xi32, #tpu.memory_space<vmem>> -> memref<50xi32, #tpu.memory_space<vmem>>
      %dma_wait3A_95 = arith.constant 0 : i32
      %dma_wait3A_96 = arith.constant 0 : i32
      %dma_wait3A_97 = tpu.memref_slice %arg5[%dma_wait3A_95, %dma_wait3A_96] : memref<10000x16xf32, #tpu.memory_space<hbm>> -> memref<10000x16xf32, #tpu.memory_space<hbm>>
      tpu.wait_indirect_dma semaphore(%arg21 : memref<!tpu.dma_semaphore, #tpu.memory_space<semaphore_mem>>) src(%dma_wait3A_97 : memref<10000x16xf32, #tpu.memory_space<hbm>>) dst(%arg15 : memref<50x16xf32, #tpu.memory_space<vmem>>)
      %dma_wait3A_98 = arith.constant 0 : i32
      %dma_wait3A_99 = arith.constant 0 : i32
      %dma_wait3A_100 = tpu.memref_slice %arg12[%dma_wait3A_98, %dma_wait3A_99] : memref<200x50xi32, #tpu.memory_space<vmem>> -> memref<1x50xi32, #tpu.memory_space<vmem>>
      %dma_wait3A_101 = tpu.memref_squeeze %dma_wait3A_100 : memref<1x50xi32, #tpu.memory_space<vmem>> -> memref<50xi32, #tpu.memory_space<vmem>>
      %dma_wait3A_102 = arith.constant 0 : i32
      %dma_wait3A_103 = arith.constant 0 : i32
      %dma_wait3A_104 = tpu.memref_slice %arg6[%dma_wait3A_102, %dma_wait3A_103] : memref<10000x16xf32, #tpu.memory_space<hbm>> -> memref<10000x16xf32, #tpu.memory_space<hbm>>
      tpu.wait_indirect_dma semaphore(%arg21 : memref<!tpu.dma_semaphore, #tpu.memory_space<semaphore_mem>>) src(%dma_wait3A_104 : memref<10000x16xf32, #tpu.memory_space<hbm>>) dst(%arg17 : memref<50x16xf32, #tpu.memory_space<vmem>>)
      %parallel_loop3A = arith.constant 0 : i32
      %parallel_loop3A_105 = arith.constant 50 : i32
      %parallel_loop3A_106 = arith.constant 1 : i32
      scf.for %parallel_loop3A_166 = %parallel_loop3A to %parallel_loop3A_105 step %parallel_loop3A_106  : i32 {
        %parallel_loop3A_167 = arith.index_cast %parallel_loop3A_166 : i32 to index
        %parallel_loop3A_168 = arith.constant 0 : index
        %parallel_loop3A_169 = tpu.vector_load %arg15[%parallel_loop3A_167, %parallel_loop3A_168] {strides = array<i32>} : memref<50x16xf32, #tpu.memory_space<vmem>>, vector<1x16xf32>,
        %parallel_loop3A_170 = vector.shape_cast %parallel_loop3A_169 : vector<1x16xf32> to vector<16xf32>
        %parallel_loop3A_171 = arith.index_cast %parallel_loop3A_166 : i32 to index
        %parallel_loop3A_172 = arith.constant 0 : index
        %parallel_loop3A_173 = tpu.vector_load %arg17[%parallel_loop3A_171, %parallel_loop3A_172] {strides = array<i32>} : memref<50x16xf32, #tpu.memory_space<vmem>>, vector<1x16xf32>,
        %parallel_loop3A_174 = vector.shape_cast %parallel_loop3A_173 : vector<1x16xf32> to vector<16xf32>
        %parallel_loop3A_175 = arith.addf %parallel_loop3A_170, %parallel_loop3A_174 : vector<16xf32>
        %parallel_loop3A_176 = arith.constant 0.000000e+00 : f32
        %parallel_loop3A_177 = vector.broadcast %parallel_loop3A_176 : f32 to vector<16xf32>
        %parallel_loop3A_178 = arith.cmpf oge, %parallel_loop3A_175, %parallel_loop3A_177 : vector<16xf32>
        %parallel_loop3A_179 = arith.constant 2.000000e-01 : f32
        %parallel_loop3A_180 = vector.broadcast %parallel_loop3A_179 : f32 to vector<16xf32>
        %parallel_loop3A_181 = arith.mulf %parallel_loop3A_175, %parallel_loop3A_180 : vector<16xf32>
        %parallel_loop3A_182 = arith.select %parallel_loop3A_178, %parallel_loop3A_175, %parallel_loop3A_181 : vector<16xi1>, vector<16xf32>
        %parallel_loop3A_183 = math.exp %parallel_loop3A_182 : vector<16xf32>
        %parallel_loop3A_184 = arith.index_cast %parallel_loop3A_166 : i32 to index
        %parallel_loop3A_185 = arith.constant 0 : index
        %parallel_loop3A_186 = tpu.vector_load %arg19[%parallel_loop3A_184, %parallel_loop3A_185] {strides = array<i32>} : memref<50x16xf32, #tpu.memory_space<vmem>>, vector<1x16xf32>,
        %parallel_loop3A_187 = vector.shape_cast %parallel_loop3A_186 : vector<1x16xf32> to vector<16xf32>
        %parallel_loop3A_188 = vector.shape_cast %parallel_loop3A_183 : vector<16xf32> to vector<1x16xf32>
        tpu.vector_store %arg19[%parallel_loop3A_184, %parallel_loop3A_185], %parallel_loop3A_188 {strides = array<i32>} : memref<50x16xf32, #tpu.memory_space<vmem>>, vector<1x16xf32>,
        %parallel_loop3A_189 = vector.extract_strided_slice %parallel_loop3A_183 {offsets = [0], sizes = [1], strides = [1]} : vector<16xf32> to vector<1xf32>
        %parallel_loop3A_190 = vector.extract %parallel_loop3A_189[0] : f32 from vector<1xf32>
        %parallel_loop3A_191 = arith.index_cast %parallel_loop3A_166 : i32 to index
        %parallel_loop3A_192 = arith.constant 0 : index
        %parallel_loop3A_193 = tpu.vector_load %arg13[%parallel_loop3A_191, %parallel_loop3A_192] {strides = array<i32>} : memref<50x128xf32, #tpu.memory_space<vmem>>, vector<1x16xf32>,
        %parallel_loop3A_194 = vector.shape_cast %parallel_loop3A_193 : vector<1x16xf32> to vector<16xf32>
        %parallel_loop3A_195 = vector.broadcast %parallel_loop3A_190 : f32 to vector<16xf32>
        %parallel_loop3A_196 = arith.mulf %parallel_loop3A_194, %parallel_loop3A_195 : vector<16xf32>
        %parallel_loop3A_197 = arith.index_cast %parallel_loop3A_166 : i32 to index
        %parallel_loop3A_198 = arith.constant 0 : index
        %parallel_loop3A_199 = tpu.vector_load %arg13[%parallel_loop3A_197, %parallel_loop3A_198] {strides = array<i32>} : memref<50x128xf32, #tpu.memory_space<vmem>>, vector<1x16xf32>,
        %parallel_loop3A_200 = vector.shape_cast %parallel_loop3A_199 : vector<1x16xf32> to vector<16xf32>
        %parallel_loop3A_201 = vector.shape_cast %parallel_loop3A_196 : vector<16xf32> to vector<1x16xf32>
        tpu.vector_store %arg13[%parallel_loop3A_197, %parallel_loop3A_198], %parallel_loop3A_201 {strides = array<i32>} : memref<50x128xf32, #tpu.memory_space<vmem>>, vector<1x16xf32>,
        %parallel_loop3A_202 = vector.extract_strided_slice %parallel_loop3A_183 {offsets = [1], sizes = [1], strides = [1]} : vector<16xf32> to vector<1xf32>
        %parallel_loop3A_203 = vector.extract %parallel_loop3A_202[0] : f32 from vector<1xf32>
        %parallel_loop3A_204 = arith.index_cast %parallel_loop3A_166 : i32 to index
        %parallel_loop3A_205 = arith.constant 16 : index
        %parallel_loop3A_206 = tpu.vector_load %arg13[%parallel_loop3A_204, %parallel_loop3A_205] {strides = array<i32>} : memref<50x128xf32, #tpu.memory_space<vmem>>, vector<1x16xf32>,
        %parallel_loop3A_207 = vector.shape_cast %parallel_loop3A_206 : vector<1x16xf32> to vector<16xf32>
        %parallel_loop3A_208 = vector.broadcast %parallel_loop3A_203 : f32 to vector<16xf32>
        %parallel_loop3A_209 = arith.mulf %parallel_loop3A_207, %parallel_loop3A_208 : vector<16xf32>
        %parallel_loop3A_210 = arith.index_cast %parallel_loop3A_166 : i32 to index
        %parallel_loop3A_211 = arith.constant 16 : index
        %parallel_loop3A_212 = tpu.vector_load %arg13[%parallel_loop3A_210, %parallel_loop3A_211] {strides = array<i32>} : memref<50x128xf32, #tpu.memory_space<vmem>>, vector<1x16xf32>,
        %parallel_loop3A_213 = vector.shape_cast %parallel_loop3A_212 : vector<1x16xf32> to vector<16xf32>
        %parallel_loop3A_214 = vector.shape_cast %parallel_loop3A_209 : vector<16xf32> to vector<1x16xf32>
        tpu.vector_store %arg13[%parallel_loop3A_210, %parallel_loop3A_211], %parallel_loop3A_214 {strides = array<i32>} : memref<50x128xf32, #tpu.memory_space<vmem>>, vector<1x16xf32>,
        %parallel_loop3A_215 = vector.extract_strided_slice %parallel_loop3A_183 {offsets = [2], sizes = [1], strides = [1]} : vector<16xf32> to vector<1xf32>
        %parallel_loop3A_216 = vector.extract %parallel_loop3A_215[0] : f32 from vector<1xf32>
        %parallel_loop3A_217 = arith.index_cast %parallel_loop3A_166 : i32 to index
        %parallel_loop3A_218 = arith.constant 32 : index
        %parallel_loop3A_219 = tpu.vector_load %arg13[%parallel_loop3A_217, %parallel_loop3A_218] {strides = array<i32>} : memref<50x128xf32, #tpu.memory_space<vmem>>, vector<1x16xf32>,
        %parallel_loop3A_220 = vector.shape_cast %parallel_loop3A_219 : vector<1x16xf32> to vector<16xf32>
        %parallel_loop3A_221 = vector.broadcast %parallel_loop3A_216 : f32 to vector<16xf32>
        %parallel_loop3A_222 = arith.mulf %parallel_loop3A_220, %parallel_loop3A_221 : vector<16xf32>
        %parallel_loop3A_223 = arith.index_cast %parallel_loop3A_166 : i32 to index
        %parallel_loop3A_224 = arith.constant 32 : index
        %parallel_loop3A_225 = tpu.vector_load %arg13[%parallel_loop3A_223, %parallel_loop3A_224] {strides = array<i32>} : memref<50x128xf32, #tpu.memory_space<vmem>>, vector<1x16xf32>,
        %parallel_loop3A_226 = vector.shape_cast %parallel_loop3A_225 : vector<1x16xf32> to vector<16xf32>
        %parallel_loop3A_227 = vector.shape_cast %parallel_loop3A_222 : vector<16xf32> to vector<1x16xf32>
        tpu.vector_store %arg13[%parallel_loop3A_223, %parallel_loop3A_224], %parallel_loop3A_227 {strides = array<i32>} : memref<50x128xf32, #tpu.memory_space<vmem>>, vector<1x16xf32>,
        %parallel_loop3A_228 = vector.extract_strided_slice %parallel_loop3A_183 {offsets = [3], sizes = [1], strides = [1]} : vector<16xf32> to vector<1xf32>
        %parallel_loop3A_229 = vector.extract %parallel_loop3A_228[0] : f32 from vector<1xf32>
        %parallel_loop3A_230 = arith.index_cast %parallel_loop3A_166 : i32 to index
        %parallel_loop3A_231 = arith.constant 48 : index
        %parallel_loop3A_232 = tpu.vector_load %arg13[%parallel_loop3A_230, %parallel_loop3A_231] {strides = array<i32>} : memref<50x128xf32, #tpu.memory_space<vmem>>, vector<1x16xf32>,
        %parallel_loop3A_233 = vector.shape_cast %parallel_loop3A_232 : vector<1x16xf32> to vector<16xf32>
        %parallel_loop3A_234 = vector.broadcast %parallel_loop3A_229 : f32 to vector<16xf32>
        %parallel_loop3A_235 = arith.mulf %parallel_loop3A_233, %parallel_loop3A_234 : vector<16xf32>
        %parallel_loop3A_236 = arith.index_cast %parallel_loop3A_166 : i32 to index
        %parallel_loop3A_237 = arith.constant 48 : index
        %parallel_loop3A_238 = tpu.vector_load %arg13[%parallel_loop3A_236, %parallel_loop3A_237] {strides = array<i32>} : memref<50x128xf32, #tpu.memory_space<vmem>>, vector<1x16xf32>,
        %parallel_loop3A_239 = vector.shape_cast %parallel_loop3A_238 : vector<1x16xf32> to vector<16xf32>
        %parallel_loop3A_240 = vector.shape_cast %parallel_loop3A_235 : vector<16xf32> to vector<1x16xf32>
        tpu.vector_store %arg13[%parallel_loop3A_236, %parallel_loop3A_237], %parallel_loop3A_240 {strides = array<i32>} : memref<50x128xf32, #tpu.memory_space<vmem>>, vector<1x16xf32>,
        %parallel_loop3A_241 = vector.extract_strided_slice %parallel_loop3A_183 {offsets = [4], sizes = [1], strides = [1]} : vector<16xf32> to vector<1xf32>
        %parallel_loop3A_242 = vector.extract %parallel_loop3A_241[0] : f32 from vector<1xf32>
        %parallel_loop3A_243 = arith.index_cast %parallel_loop3A_166 : i32 to index
        %parallel_loop3A_244 = arith.constant 64 : index
        %parallel_loop3A_245 = tpu.vector_load %arg13[%parallel_loop3A_243, %parallel_loop3A_244] {strides = array<i32>} : memref<50x128xf32, #tpu.memory_space<vmem>>, vector<1x16xf32>,
        %parallel_loop3A_246 = vector.shape_cast %parallel_loop3A_245 : vector<1x16xf32> to vector<16xf32>
        %parallel_loop3A_247 = vector.broadcast %parallel_loop3A_242 : f32 to vector<16xf32>
        %parallel_loop3A_248 = arith.mulf %parallel_loop3A_246, %parallel_loop3A_247 : vector<16xf32>
        %parallel_loop3A_249 = arith.index_cast %parallel_loop3A_166 : i32 to index
        %parallel_loop3A_250 = arith.constant 64 : index
        %parallel_loop3A_251 = tpu.vector_load %arg13[%parallel_loop3A_249, %parallel_loop3A_250] {strides = array<i32>} : memref<50x128xf32, #tpu.memory_space<vmem>>, vector<1x16xf32>,
        %parallel_loop3A_252 = vector.shape_cast %parallel_loop3A_251 : vector<1x16xf32> to vector<16xf32>
        %parallel_loop3A_253 = vector.shape_cast %parallel_loop3A_248 : vector<16xf32> to vector<1x16xf32>
        tpu.vector_store %arg13[%parallel_loop3A_249, %parallel_loop3A_250], %parallel_loop3A_253 {strides = array<i32>} : memref<50x128xf32, #tpu.memory_space<vmem>>, vector<1x16xf32>,
        %parallel_loop3A_254 = vector.extract_strided_slice %parallel_loop3A_183 {offsets = [5], sizes = [1], strides = [1]} : vector<16xf32> to vector<1xf32>
        %parallel_loop3A_255 = vector.extract %parallel_loop3A_254[0] : f32 from vector<1xf32>
        %parallel_loop3A_256 = arith.index_cast %parallel_loop3A_166 : i32 to index
        %parallel_loop3A_257 = arith.constant 80 : index
        %parallel_loop3A_258 = tpu.vector_load %arg13[%parallel_loop3A_256, %parallel_loop3A_257] {strides = array<i32>} : memref<50x128xf32, #tpu.memory_space<vmem>>, vector<1x16xf32>,
        %parallel_loop3A_259 = vector.shape_cast %parallel_loop3A_258 : vector<1x16xf32> to vector<16xf32>
        %parallel_loop3A_260 = vector.broadcast %parallel_loop3A_255 : f32 to vector<16xf32>
        %parallel_loop3A_261 = arith.mulf %parallel_loop3A_259, %parallel_loop3A_260 : vector<16xf32>
        %parallel_loop3A_262 = arith.index_cast %parallel_loop3A_166 : i32 to index
        %parallel_loop3A_263 = arith.constant 80 : index
        %parallel_loop3A_264 = tpu.vector_load %arg13[%parallel_loop3A_262, %parallel_loop3A_263] {strides = array<i32>} : memref<50x128xf32, #tpu.memory_space<vmem>>, vector<1x16xf32>,
        %parallel_loop3A_265 = vector.shape_cast %parallel_loop3A_264 : vector<1x16xf32> to vector<16xf32>
        %parallel_loop3A_266 = vector.shape_cast %parallel_loop3A_261 : vector<16xf32> to vector<1x16xf32>
        tpu.vector_store %arg13[%parallel_loop3A_262, %parallel_loop3A_263], %parallel_loop3A_266 {strides = array<i32>} : memref<50x128xf32, #tpu.memory_space<vmem>>, vector<1x16xf32>,
        %parallel_loop3A_267 = vector.extract_strided_slice %parallel_loop3A_183 {offsets = [6], sizes = [1], strides = [1]} : vector<16xf32> to vector<1xf32>
        %parallel_loop3A_268 = vector.extract %parallel_loop3A_267[0] : f32 from vector<1xf32>
        %parallel_loop3A_269 = arith.index_cast %parallel_loop3A_166 : i32 to index
        %parallel_loop3A_270 = arith.constant 96 : index
        %parallel_loop3A_271 = tpu.vector_load %arg13[%parallel_loop3A_269, %parallel_loop3A_270] {strides = array<i32>} : memref<50x128xf32, #tpu.memory_space<vmem>>, vector<1x16xf32>,
        %parallel_loop3A_272 = vector.shape_cast %parallel_loop3A_271 : vector<1x16xf32> to vector<16xf32>
        %parallel_loop3A_273 = vector.broadcast %parallel_loop3A_268 : f32 to vector<16xf32>
        %parallel_loop3A_274 = arith.mulf %parallel_loop3A_272, %parallel_loop3A_273 : vector<16xf32>
        %parallel_loop3A_275 = arith.index_cast %parallel_loop3A_166 : i32 to index
        %parallel_loop3A_276 = arith.constant 96 : index
        %parallel_loop3A_277 = tpu.vector_load %arg13[%parallel_loop3A_275, %parallel_loop3A_276] {strides = array<i32>} : memref<50x128xf32, #tpu.memory_space<vmem>>, vector<1x16xf32>,
        %parallel_loop3A_278 = vector.shape_cast %parallel_loop3A_277 : vector<1x16xf32> to vector<16xf32>
        %parallel_loop3A_279 = vector.shape_cast %parallel_loop3A_274 : vector<16xf32> to vector<1x16xf32>
        tpu.vector_store %arg13[%parallel_loop3A_275, %parallel_loop3A_276], %parallel_loop3A_279 {strides = array<i32>} : memref<50x128xf32, #tpu.memory_space<vmem>>, vector<1x16xf32>,
        %parallel_loop3A_280 = vector.extract_strided_slice %parallel_loop3A_183 {offsets = [7], sizes = [1], strides = [1]} : vector<16xf32> to vector<1xf32>
        %parallel_loop3A_281 = vector.extract %parallel_loop3A_280[0] : f32 from vector<1xf32>
        %parallel_loop3A_282 = arith.index_cast %parallel_loop3A_166 : i32 to index
        %parallel_loop3A_283 = arith.constant 112 : index
        %parallel_loop3A_284 = tpu.vector_load %arg13[%parallel_loop3A_282, %parallel_loop3A_283] {strides = array<i32>} : memref<50x128xf32, #tpu.memory_space<vmem>>, vector<1x16xf32>,
        %parallel_loop3A_285 = vector.shape_cast %parallel_loop3A_284 : vector<1x16xf32> to vector<16xf32>
        %parallel_loop3A_286 = vector.broadcast %parallel_loop3A_281 : f32 to vector<16xf32>
        %parallel_loop3A_287 = arith.mulf %parallel_loop3A_285, %parallel_loop3A_286 : vector<16xf32>
        %parallel_loop3A_288 = arith.index_cast %parallel_loop3A_166 : i32 to index
        %parallel_loop3A_289 = arith.constant 112 : index
        %parallel_loop3A_290 = tpu.vector_load %arg13[%parallel_loop3A_288, %parallel_loop3A_289] {strides = array<i32>} : memref<50x128xf32, #tpu.memory_space<vmem>>, vector<1x16xf32>,
        %parallel_loop3A_291 = vector.shape_cast %parallel_loop3A_290 : vector<1x16xf32> to vector<16xf32>
        %parallel_loop3A_292 = vector.shape_cast %parallel_loop3A_287 : vector<16xf32> to vector<1x16xf32>
        tpu.vector_store %arg13[%parallel_loop3A_288, %parallel_loop3A_289], %parallel_loop3A_292 {strides = array<i32>} : memref<50x128xf32, #tpu.memory_space<vmem>>, vector<1x16xf32>,
      } {sc.loop_unroll_factor = 4 : i64, sc.parallel_access}
      %dma_start3A_107 = arith.constant 0 : i32
      %dma_start3A_108 = tpu.memref_slice %arg12[%add3A_77, %dma_start3A_107] : memref<200x50xi32, #tpu.memory_space<vmem>> -> memref<1x50xi32, #tpu.memory_space<vmem>>
      %dma_start3A_109 = tpu.memref_squeeze %dma_start3A_108 : memref<1x50xi32, #tpu.memory_space<vmem>> -> memref<50xi32, #tpu.memory_space<vmem>>
      %dma_start3A_110 = arith.constant 0 : i32
      %dma_start3A_111 = arith.constant 0 : i32
      %dma_start3A_112 = tpu.memref_slice %arg25[%dma_start3A_110, %dma_start3A_111] : memref<10000x128xf32, #tpu.memory_space<vmem_shared>> -> memref<10000x128xf32, #tpu.memory_space<vmem_shared>>
      tpu.enqueue_indirect_dma source(%arg13 : memref<50x128xf32, #tpu.memory_space<vmem>>) target(%dma_start3A_112 : memref<10000x128xf32, #tpu.memory_space<vmem_shared>>) offsets(%dma_start3A_109 : memref<50xi32, #tpu.memory_space<vmem>>) semaphore(%arg23 : memref<!tpu.dma_semaphore, #tpu.memory_space<semaphore_mem>>) {add = true}
      %dma_start3A_113 = arith.constant 0 : i32
      %dma_start3A_114 = tpu.memref_slice %arg12[%add3A_77, %dma_start3A_113] : memref<200x50xi32, #tpu.memory_space<vmem>> -> memref<1x50xi32, #tpu.memory_space<vmem>>
      %dma_start3A_115 = tpu.memref_squeeze %dma_start3A_114 : memref<1x50xi32, #tpu.memory_space<vmem>> -> memref<50xi32, #tpu.memory_space<vmem>>
      %dma_start3A_116 = arith.constant 0 : i32
      %dma_start3A_117 = arith.constant 0 : i32
      %dma_start3A_118 = tpu.memref_slice %arg26[%dma_start3A_116, %dma_start3A_117] : memref<10000x16xf32, #tpu.memory_space<vmem_shared>> -> memref<10000x16xf32, #tpu.memory_space<vmem_shared>>
      tpu.enqueue_indirect_dma source(%arg19 : memref<50x16xf32, #tpu.memory_space<vmem>>) target(%dma_start3A_118 : memref<10000x16xf32, #tpu.memory_space<vmem_shared>>) offsets(%dma_start3A_115 : memref<50xi32, #tpu.memory_space<vmem>>) semaphore(%arg23 : memref<!tpu.dma_semaphore, #tpu.memory_space<semaphore_mem>>) {add = true}
      %mul3A_119 = arith.constant 2 : i32
      %mul3A_120 = arith.muli %scan3A_73, %mul3A_119 : i32
      %add3A_121 = arith.constant 1 : i32
      %add3A_122 = arith.addi %mul3A_120, %add3A_121 : i32
      %add3A_123 = arith.constant 1 : i32
      %add3A_124 = arith.addi %add3A_122, %add3A_123 : i32
      %lt3A_125 = arith.constant 200 : i32
      %lt3A_126 = arith.cmpi slt, %add3A_124, %lt3A_125 : i32
      %convert_element_type3A_127 = arith.extui %lt3A_126 : i1 to i32
      %cond3A_128 = arith.constant 0 : i32
      %cond3A_129 = arith.cmpi ne, %convert_element_type3A_127, %cond3A_128 : i32
      scf.if %cond3A_129 {
        %ge3A = arith.constant 1 : i32
        %ge3A_166 = arith.cmpi sge, %add3A_122, %ge3A : i32
        %convert_element_type3A_167 = arith.extui %ge3A_166 : i1 to i32
        %cond3A_168 = arith.constant 0 : i32
        %cond3A_169 = arith.cmpi ne, %convert_element_type3A_167, %cond3A_168 : i32
        scf.if %cond3A_169 {
          %dma_wait3A_190 = arith.constant 0 : i32
          %dma_wait3A_191 = arith.constant 0 : i32
          %dma_wait3A_192 = tpu.memref_slice %arg12[%dma_wait3A_190, %dma_wait3A_191] : memref<200x50xi32, #tpu.memory_space<vmem>> -> memref<1x50xi32, #tpu.memory_space<vmem>>
          %dma_wait3A_193 = tpu.memref_squeeze %dma_wait3A_192 : memref<1x50xi32, #tpu.memory_space<vmem>> -> memref<50xi32, #tpu.memory_space<vmem>>
          %dma_wait3A_194 = arith.constant 0 : i32
          %dma_wait3A_195 = arith.constant 0 : i32
          %dma_wait3A_196 = tpu.memref_slice %arg25[%dma_wait3A_194, %dma_wait3A_195] : memref<10000x128xf32, #tpu.memory_space<vmem_shared>> -> memref<10000x128xf32, #tpu.memory_space<vmem_shared>>
          tpu.wait_indirect_dma semaphore(%arg23 : memref<!tpu.dma_semaphore, #tpu.memory_space<semaphore_mem>>) src(%arg13 : memref<50x128xf32, #tpu.memory_space<vmem>>) dst(%dma_wait3A_196 : memref<10000x128xf32, #tpu.memory_space<vmem_shared>>)
          %dma_wait3A_197 = arith.constant 0 : i32
          %dma_wait3A_198 = arith.constant 0 : i32
          %dma_wait3A_199 = tpu.memref_slice %arg12[%dma_wait3A_197, %dma_wait3A_198] : memref<200x50xi32, #tpu.memory_space<vmem>> -> memref<1x50xi32, #tpu.memory_space<vmem>>
          %dma_wait3A_200 = tpu.memref_squeeze %dma_wait3A_199 : memref<1x50xi32, #tpu.memory_space<vmem>> -> memref<50xi32, #tpu.memory_space<vmem>>
          %dma_wait3A_201 = arith.constant 0 : i32
          %dma_wait3A_202 = arith.constant 0 : i32
          %dma_wait3A_203 = tpu.memref_slice %arg26[%dma_wait3A_201, %dma_wait3A_202] : memref<10000x16xf32, #tpu.memory_space<vmem_shared>> -> memref<10000x16xf32, #tpu.memory_space<vmem_shared>>
          tpu.wait_indirect_dma semaphore(%arg23 : memref<!tpu.dma_semaphore, #tpu.memory_space<semaphore_mem>>) src(%arg19 : memref<50x16xf32, #tpu.memory_space<vmem>>) dst(%dma_wait3A_203 : memref<10000x16xf32, #tpu.memory_space<vmem_shared>>)
        } else {
        }
        %add3A_170 = arith.constant 1 : i32
        %add3A_171 = arith.addi %add3A_122, %add3A_170 : i32
        %dma_start3A_172 = arith.constant 0 : i32
        %dma_start3A_173 = tpu.memref_slice %arg11[%add3A_171, %dma_start3A_172] : memref<200x50xi32, #tpu.memory_space<vmem>> -> memref<1x50xi32, #tpu.memory_space<vmem>>
        %dma_start3A_174 = tpu.memref_squeeze %dma_start3A_173 : memref<1x50xi32, #tpu.memory_space<vmem>> -> memref<50xi32, #tpu.memory_space<vmem>>
        %dma_start3A_175 = arith.constant 0 : i32
        %dma_start3A_176 = arith.constant 0 : i32
        %dma_start3A_177 = tpu.memref_slice %arg4[%dma_start3A_175, %dma_start3A_176] : memref<10000x128xf32, #tpu.memory_space<hbm>> -> memref<10000x128xf32, #tpu.memory_space<hbm>>
        tpu.enqueue_indirect_dma source(%dma_start3A_177 : memref<10000x128xf32, #tpu.memory_space<hbm>>) target(%arg13 : memref<50x128xf32, #tpu.memory_space<vmem>>) offsets(%dma_start3A_174 : memref<50xi32, #tpu.memory_space<vmem>>) semaphore(%arg21 : memref<!tpu.dma_semaphore, #tpu.memory_space<semaphore_mem>>)
        %dma_start3A_178 = arith.constant 0 : i32
        %dma_start3A_179 = tpu.memref_slice %arg11[%add3A_171, %dma_start3A_178] : memref<200x50xi32, #tpu.memory_space<vmem>> -> memref<1x50xi32, #tpu.memory_space<vmem>>
        %dma_start3A_180 = tpu.memref_squeeze %dma_start3A_179 : memref<1x50xi32, #tpu.memory_space<vmem>> -> memref<50xi32, #tpu.memory_space<vmem>>
        %dma_start3A_181 = arith.constant 0 : i32
        %dma_start3A_182 = arith.constant 0 : i32
        %dma_start3A_183 = tpu.memref_slice %arg5[%dma_start3A_181, %dma_start3A_182] : memref<10000x16xf32, #tpu.memory_space<hbm>> -> memref<10000x16xf32, #tpu.memory_space<hbm>>
        tpu.enqueue_indirect_dma source(%dma_start3A_183 : memref<10000x16xf32, #tpu.memory_space<hbm>>) target(%arg15 : memref<50x16xf32, #tpu.memory_space<vmem>>) offsets(%dma_start3A_180 : memref<50xi32, #tpu.memory_space<vmem>>) semaphore(%arg21 : memref<!tpu.dma_semaphore, #tpu.memory_space<semaphore_mem>>)
        %dma_start3A_184 = arith.constant 0 : i32
        %dma_start3A_185 = tpu.memref_slice %arg12[%add3A_171, %dma_start3A_184] : memref<200x50xi32, #tpu.memory_space<vmem>> -> memref<1x50xi32, #tpu.memory_space<vmem>>
        %dma_start3A_186 = tpu.memref_squeeze %dma_start3A_185 : memref<1x50xi32, #tpu.memory_space<vmem>> -> memref<50xi32, #tpu.memory_space<vmem>>
        %dma_start3A_187 = arith.constant 0 : i32
        %dma_start3A_188 = arith.constant 0 : i32
        %dma_start3A_189 = tpu.memref_slice %arg6[%dma_start3A_187, %dma_start3A_188] : memref<10000x16xf32, #tpu.memory_space<hbm>> -> memref<10000x16xf32, #tpu.memory_space<hbm>>
        tpu.enqueue_indirect_dma source(%dma_start3A_189 : memref<10000x16xf32, #tpu.memory_space<hbm>>) target(%arg17 : memref<50x16xf32, #tpu.memory_space<vmem>>) offsets(%dma_start3A_186 : memref<50xi32, #tpu.memory_space<vmem>>) semaphore(%arg21 : memref<!tpu.dma_semaphore, #tpu.memory_space<semaphore_mem>>)
      } else {
      }
      %dma_wait3A_130 = arith.constant 0 : i32
      %dma_wait3A_131 = arith.constant 0 : i32
      %dma_wait3A_132 = tpu.memref_slice %arg11[%dma_wait3A_130, %dma_wait3A_131] : memref<200x50xi32, #tpu.memory_space<vmem>> -> memref<1x50xi32, #tpu.memory_space<vmem>>
      %dma_wait3A_133 = tpu.memref_squeeze %dma_wait3A_132 : memref<1x50xi32, #tpu.memory_space<vmem>> -> memref<50xi32, #tpu.memory_space<vmem>>
      %dma_wait3A_134 = arith.constant 0 : i32
      %dma_wait3A_135 = arith.constant 0 : i32
      %dma_wait3A_136 = tpu.memref_slice %arg4[%dma_wait3A_134, %dma_wait3A_135] : memref<10000x128xf32, #tpu.memory_space<hbm>> -> memref<10000x128xf32, #tpu.memory_space<hbm>>
      tpu.wait_indirect_dma semaphore(%arg22 : memref<!tpu.dma_semaphore, #tpu.memory_space<semaphore_mem>>) src(%dma_wait3A_136 : memref<10000x128xf32, #tpu.memory_space<hbm>>) dst(%arg14 : memref<50x128xf32, #tpu.memory_space<vmem>>)
      %dma_wait3A_137 = arith.constant 0 : i32
      %dma_wait3A_138 = arith.constant 0 : i32
      %dma_wait3A_139 = tpu.memref_slice %arg11[%dma_wait3A_137, %dma_wait3A_138] : memref<200x50xi32, #tpu.memory_space<vmem>> -> memref<1x50xi32, #tpu.memory_space<vmem>>
      %dma_wait3A_140 = tpu.memref_squeeze %dma_wait3A_139 : memref<1x50xi32, #tpu.memory_space<vmem>> -> memref<50xi32, #tpu.memory_space<vmem>>
      %dma_wait3A_141 = arith.constant 0 : i32
      %dma_wait3A_142 = arith.constant 0 : i32
      %dma_wait3A_143 = tpu.memref_slice %arg5[%dma_wait3A_141, %dma_wait3A_142] : memref<10000x16xf32, #tpu.memory_space<hbm>> -> memref<10000x16xf32, #tpu.memory_space<hbm>>
      tpu.wait_indirect_dma semaphore(%arg22 : memref<!tpu.dma_semaphore, #tpu.memory_space<semaphore_mem>>) src(%dma_wait3A_143 : memref<10000x16xf32, #tpu.memory_space<hbm>>) dst(%arg16 : memref<50x16xf32, #tpu.memory_space<vmem>>)
      %dma_wait3A_144 = arith.constant 0 : i32
      %dma_wait3A_145 = arith.constant 0 : i32
      %dma_wait3A_146 = tpu.memref_slice %arg12[%dma_wait3A_144, %dma_wait3A_145] : memref<200x50xi32, #tpu.memory_space<vmem>> -> memref<1x50xi32, #tpu.memory_space<vmem>>
      %dma_wait3A_147 = tpu.memref_squeeze %dma_wait3A_146 : memref<1x50xi32, #tpu.memory_space<vmem>> -> memref<50xi32, #tpu.memory_space<vmem>>
      %dma_wait3A_148 = arith.constant 0 : i32
      %dma_wait3A_149 = arith.constant 0 : i32
      %dma_wait3A_150 = tpu.memref_slice %arg6[%dma_wait3A_148, %dma_wait3A_149] : memref<10000x16xf32, #tpu.memory_space<hbm>> -> memref<10000x16xf32, #tpu.memory_space<hbm>>
      tpu.wait_indirect_dma semaphore(%arg22 : memref<!tpu.dma_semaphore, #tpu.memory_space<semaphore_mem>>) src(%dma_wait3A_150 : memref<10000x16xf32, #tpu.memory_space<hbm>>) dst(%arg18 : memref<50x16xf32, #tpu.memory_space<vmem>>)
      %parallel_loop3A_151 = arith.constant 0 : i32
      %parallel_loop3A_152 = arith.constant 50 : i32
      %parallel_loop3A_153 = arith.constant 1 : i32
      scf.for %parallel_loop3A_166 = %parallel_loop3A_151 to %parallel_loop3A_152 step %parallel_loop3A_153  : i32 {
        %parallel_loop3A_167 = arith.index_cast %parallel_loop3A_166 : i32 to index
        %parallel_loop3A_168 = arith.constant 0 : index
        %parallel_loop3A_169 = tpu.vector_load %arg16[%parallel_loop3A_167, %parallel_loop3A_168] {strides = array<i32>} : memref<50x16xf32, #tpu.memory_space<vmem>>, vector<1x16xf32>,
        %parallel_loop3A_170 = vector.shape_cast %parallel_loop3A_169 : vector<1x16xf32> to vector<16xf32>
        %parallel_loop3A_171 = arith.index_cast %parallel_loop3A_166 : i32 to index
        %parallel_loop3A_172 = arith.constant 0 : index
        %parallel_loop3A_173 = tpu.vector_load %arg18[%parallel_loop3A_171, %parallel_loop3A_172] {strides = array<i32>} : memref<50x16xf32, #tpu.memory_space<vmem>>, vector<1x16xf32>,
        %parallel_loop3A_174 = vector.shape_cast %parallel_loop3A_173 : vector<1x16xf32> to vector<16xf32>
        %parallel_loop3A_175 = arith.addf %parallel_loop3A_170, %parallel_loop3A_174 : vector<16xf32>
        %parallel_loop3A_176 = arith.constant 0.000000e+00 : f32
        %parallel_loop3A_177 = vector.broadcast %parallel_loop3A_176 : f32 to vector<16xf32>
        %parallel_loop3A_178 = arith.cmpf oge, %parallel_loop3A_175, %parallel_loop3A_177 : vector<16xf32>
        %parallel_loop3A_179 = arith.constant 2.000000e-01 : f32
        %parallel_loop3A_180 = vector.broadcast %parallel_loop3A_179 : f32 to vector<16xf32>
        %parallel_loop3A_181 = arith.mulf %parallel_loop3A_175, %parallel_loop3A_180 : vector<16xf32>
        %parallel_loop3A_182 = arith.select %parallel_loop3A_178, %parallel_loop3A_175, %parallel_loop3A_181 : vector<16xi1>, vector<16xf32>
        %parallel_loop3A_183 = math.exp %parallel_loop3A_182 : vector<16xf32>
        %parallel_loop3A_184 = arith.index_cast %parallel_loop3A_166 : i32 to index
        %parallel_loop3A_185 = arith.constant 0 : index
        %parallel_loop3A_186 = tpu.vector_load %arg20[%parallel_loop3A_184, %parallel_loop3A_185] {strides = array<i32>} : memref<50x16xf32, #tpu.memory_space<vmem>>, vector<1x16xf32>,
        %parallel_loop3A_187 = vector.shape_cast %parallel_loop3A_186 : vector<1x16xf32> to vector<16xf32>
        %parallel_loop3A_188 = vector.shape_cast %parallel_loop3A_183 : vector<16xf32> to vector<1x16xf32>
        tpu.vector_store %arg20[%parallel_loop3A_184, %parallel_loop3A_185], %parallel_loop3A_188 {strides = array<i32>} : memref<50x16xf32, #tpu.memory_space<vmem>>, vector<1x16xf32>,
        %parallel_loop3A_189 = vector.extract_strided_slice %parallel_loop3A_183 {offsets = [0], sizes = [1], strides = [1]} : vector<16xf32> to vector<1xf32>
        %parallel_loop3A_190 = vector.extract %parallel_loop3A_189[0] : f32 from vector<1xf32>
        %parallel_loop3A_191 = arith.index_cast %parallel_loop3A_166 : i32 to index
        %parallel_loop3A_192 = arith.constant 0 : index
        %parallel_loop3A_193 = tpu.vector_load %arg14[%parallel_loop3A_191, %parallel_loop3A_192] {strides = array<i32>} : memref<50x128xf32, #tpu.memory_space<vmem>>, vector<1x16xf32>,
        %parallel_loop3A_194 = vector.shape_cast %parallel_loop3A_193 : vector<1x16xf32> to vector<16xf32>
        %parallel_loop3A_195 = vector.broadcast %parallel_loop3A_190 : f32 to vector<16xf32>
        %parallel_loop3A_196 = arith.mulf %parallel_loop3A_194, %parallel_loop3A_195 : vector<16xf32>
        %parallel_loop3A_197 = arith.index_cast %parallel_loop3A_166 : i32 to index
        %parallel_loop3A_198 = arith.constant 0 : index
        %parallel_loop3A_199 = tpu.vector_load %arg14[%parallel_loop3A_197, %parallel_loop3A_198] {strides = array<i32>} : memref<50x128xf32, #tpu.memory_space<vmem>>, vector<1x16xf32>,
        %parallel_loop3A_200 = vector.shape_cast %parallel_loop3A_199 : vector<1x16xf32> to vector<16xf32>
        %parallel_loop3A_201 = vector.shape_cast %parallel_loop3A_196 : vector<16xf32> to vector<1x16xf32>
        tpu.vector_store %arg14[%parallel_loop3A_197, %parallel_loop3A_198], %parallel_loop3A_201 {strides = array<i32>} : memref<50x128xf32, #tpu.memory_space<vmem>>, vector<1x16xf32>,
        %parallel_loop3A_202 = vector.extract_strided_slice %parallel_loop3A_183 {offsets = [1], sizes = [1], strides = [1]} : vector<16xf32> to vector<1xf32>
        %parallel_loop3A_203 = vector.extract %parallel_loop3A_202[0] : f32 from vector<1xf32>
        %parallel_loop3A_204 = arith.index_cast %parallel_loop3A_166 : i32 to index
        %parallel_loop3A_205 = arith.constant 16 : index
        %parallel_loop3A_206 = tpu.vector_load %arg14[%parallel_loop3A_204, %parallel_loop3A_205] {strides = array<i32>} : memref<50x128xf32, #tpu.memory_space<vmem>>, vector<1x16xf32>,
        %parallel_loop3A_207 = vector.shape_cast %parallel_loop3A_206 : vector<1x16xf32> to vector<16xf32>
        %parallel_loop3A_208 = vector.broadcast %parallel_loop3A_203 : f32 to vector<16xf32>
        %parallel_loop3A_209 = arith.mulf %parallel_loop3A_207, %parallel_loop3A_208 : vector<16xf32>
        %parallel_loop3A_210 = arith.index_cast %parallel_loop3A_166 : i32 to index
        %parallel_loop3A_211 = arith.constant 16 : index
        %parallel_loop3A_212 = tpu.vector_load %arg14[%parallel_loop3A_210, %parallel_loop3A_211] {strides = array<i32>} : memref<50x128xf32, #tpu.memory_space<vmem>>, vector<1x16xf32>,
        %parallel_loop3A_213 = vector.shape_cast %parallel_loop3A_212 : vector<1x16xf32> to vector<16xf32>
        %parallel_loop3A_214 = vector.shape_cast %parallel_loop3A_209 : vector<16xf32> to vector<1x16xf32>
        tpu.vector_store %arg14[%parallel_loop3A_210, %parallel_loop3A_211], %parallel_loop3A_214 {strides = array<i32>} : memref<50x128xf32, #tpu.memory_space<vmem>>, vector<1x16xf32>,
        %parallel_loop3A_215 = vector.extract_strided_slice %parallel_loop3A_183 {offsets = [2], sizes = [1], strides = [1]} : vector<16xf32> to vector<1xf32>
        %parallel_loop3A_216 = vector.extract %parallel_loop3A_215[0] : f32 from vector<1xf32>
        %parallel_loop3A_217 = arith.index_cast %parallel_loop3A_166 : i32 to index
        %parallel_loop3A_218 = arith.constant 32 : index
        %parallel_loop3A_219 = tpu.vector_load %arg14[%parallel_loop3A_217, %parallel_loop3A_218] {strides = array<i32>} : memref<50x128xf32, #tpu.memory_space<vmem>>, vector<1x16xf32>,
        %parallel_loop3A_220 = vector.shape_cast %parallel_loop3A_219 : vector<1x16xf32> to vector<16xf32>
        %parallel_loop3A_221 = vector.broadcast %parallel_loop3A_216 : f32 to vector<16xf32>
        %parallel_loop3A_222 = arith.mulf %parallel_loop3A_220, %parallel_loop3A_221 : vector<16xf32>
        %parallel_loop3A_223 = arith.index_cast %parallel_loop3A_166 : i32 to index
        %parallel_loop3A_224 = arith.constant 32 : index
        %parallel_loop3A_225 = tpu.vector_load %arg14[%parallel_loop3A_223, %parallel_loop3A_224] {strides = array<i32>} : memref<50x128xf32, #tpu.memory_space<vmem>>, vector<1x16xf32>,
        %parallel_loop3A_226 = vector.shape_cast %parallel_loop3A_225 : vector<1x16xf32> to vector<16xf32>
        %parallel_loop3A_227 = vector.shape_cast %parallel_loop3A_222 : vector<16xf32> to vector<1x16xf32>
        tpu.vector_store %arg14[%parallel_loop3A_223, %parallel_loop3A_224], %parallel_loop3A_227 {strides = array<i32>} : memref<50x128xf32, #tpu.memory_space<vmem>>, vector<1x16xf32>,
        %parallel_loop3A_228 = vector.extract_strided_slice %parallel_loop3A_183 {offsets = [3], sizes = [1], strides = [1]} : vector<16xf32> to vector<1xf32>
        %parallel_loop3A_229 = vector.extract %parallel_loop3A_228[0] : f32 from vector<1xf32>
        %parallel_loop3A_230 = arith.index_cast %parallel_loop3A_166 : i32 to index
        %parallel_loop3A_231 = arith.constant 48 : index
        %parallel_loop3A_232 = tpu.vector_load %arg14[%parallel_loop3A_230, %parallel_loop3A_231] {strides = array<i32>} : memref<50x128xf32, #tpu.memory_space<vmem>>, vector<1x16xf32>,
        %parallel_loop3A_233 = vector.shape_cast %parallel_loop3A_232 : vector<1x16xf32> to vector<16xf32>
        %parallel_loop3A_234 = vector.broadcast %parallel_loop3A_229 : f32 to vector<16xf32>
        %parallel_loop3A_235 = arith.mulf %parallel_loop3A_233, %parallel_loop3A_234 : vector<16xf32>
        %parallel_loop3A_236 = arith.index_cast %parallel_loop3A_166 : i32 to index
        %parallel_loop3A_237 = arith.constant 48 : index
        %parallel_loop3A_238 = tpu.vector_load %arg14[%parallel_loop3A_236, %parallel_loop3A_237] {strides = array<i32>} : memref<50x128xf32, #tpu.memory_space<vmem>>, vector<1x16xf32>,
        %parallel_loop3A_239 = vector.shape_cast %parallel_loop3A_238 : vector<1x16xf32> to vector<16xf32>
        %parallel_loop3A_240 = vector.shape_cast %parallel_loop3A_235 : vector<16xf32> to vector<1x16xf32>
        tpu.vector_store %arg14[%parallel_loop3A_236, %parallel_loop3A_237], %parallel_loop3A_240 {strides = array<i32>} : memref<50x128xf32, #tpu.memory_space<vmem>>, vector<1x16xf32>,
        %parallel_loop3A_241 = vector.extract_strided_slice %parallel_loop3A_183 {offsets = [4], sizes = [1], strides = [1]} : vector<16xf32> to vector<1xf32>
        %parallel_loop3A_242 = vector.extract %parallel_loop3A_241[0] : f32 from vector<1xf32>
        %parallel_loop3A_243 = arith.index_cast %parallel_loop3A_166 : i32 to index
        %parallel_loop3A_244 = arith.constant 64 : index
        %parallel_loop3A_245 = tpu.vector_load %arg14[%parallel_loop3A_243, %parallel_loop3A_244] {strides = array<i32>} : memref<50x128xf32, #tpu.memory_space<vmem>>, vector<1x16xf32>,
        %parallel_loop3A_246 = vector.shape_cast %parallel_loop3A_245 : vector<1x16xf32> to vector<16xf32>
        %parallel_loop3A_247 = vector.broadcast %parallel_loop3A_242 : f32 to vector<16xf32>
        %parallel_loop3A_248 = arith.mulf %parallel_loop3A_246, %parallel_loop3A_247 : vector<16xf32>
        %parallel_loop3A_249 = arith.index_cast %parallel_loop3A_166 : i32 to index
        %parallel_loop3A_250 = arith.constant 64 : index
        %parallel_loop3A_251 = tpu.vector_load %arg14[%parallel_loop3A_249, %parallel_loop3A_250] {strides = array<i32>} : memref<50x128xf32, #tpu.memory_space<vmem>>, vector<1x16xf32>,
        %parallel_loop3A_252 = vector.shape_cast %parallel_loop3A_251 : vector<1x16xf32> to vector<16xf32>
        %parallel_loop3A_253 = vector.shape_cast %parallel_loop3A_248 : vector<16xf32> to vector<1x16xf32>
        tpu.vector_store %arg14[%parallel_loop3A_249, %parallel_loop3A_250], %parallel_loop3A_253 {strides = array<i32>} : memref<50x128xf32, #tpu.memory_space<vmem>>, vector<1x16xf32>,
        %parallel_loop3A_254 = vector.extract_strided_slice %parallel_loop3A_183 {offsets = [5], sizes = [1], strides = [1]} : vector<16xf32> to vector<1xf32>
        %parallel_loop3A_255 = vector.extract %parallel_loop3A_254[0] : f32 from vector<1xf32>
        %parallel_loop3A_256 = arith.index_cast %parallel_loop3A_166 : i32 to index
        %parallel_loop3A_257 = arith.constant 80 : index
        %parallel_loop3A_258 = tpu.vector_load %arg14[%parallel_loop3A_256, %parallel_loop3A_257] {strides = array<i32>} : memref<50x128xf32, #tpu.memory_space<vmem>>, vector<1x16xf32>,
        %parallel_loop3A_259 = vector.shape_cast %parallel_loop3A_258 : vector<1x16xf32> to vector<16xf32>
        %parallel_loop3A_260 = vector.broadcast %parallel_loop3A_255 : f32 to vector<16xf32>
        %parallel_loop3A_261 = arith.mulf %parallel_loop3A_259, %parallel_loop3A_260 : vector<16xf32>
        %parallel_loop3A_262 = arith.index_cast %parallel_loop3A_166 : i32 to index
        %parallel_loop3A_263 = arith.constant 80 : index
        %parallel_loop3A_264 = tpu.vector_load %arg14[%parallel_loop3A_262, %parallel_loop3A_263] {strides = array<i32>} : memref<50x128xf32, #tpu.memory_space<vmem>>, vector<1x16xf32>,
        %parallel_loop3A_265 = vector.shape_cast %parallel_loop3A_264 : vector<1x16xf32> to vector<16xf32>
        %parallel_loop3A_266 = vector.shape_cast %parallel_loop3A_261 : vector<16xf32> to vector<1x16xf32>
        tpu.vector_store %arg14[%parallel_loop3A_262, %parallel_loop3A_263], %parallel_loop3A_266 {strides = array<i32>} : memref<50x128xf32, #tpu.memory_space<vmem>>, vector<1x16xf32>,
        %parallel_loop3A_267 = vector.extract_strided_slice %parallel_loop3A_183 {offsets = [6], sizes = [1], strides = [1]} : vector<16xf32> to vector<1xf32>
        %parallel_loop3A_268 = vector.extract %parallel_loop3A_267[0] : f32 from vector<1xf32>
        %parallel_loop3A_269 = arith.index_cast %parallel_loop3A_166 : i32 to index
        %parallel_loop3A_270 = arith.constant 96 : index
        %parallel_loop3A_271 = tpu.vector_load %arg14[%parallel_loop3A_269, %parallel_loop3A_270] {strides = array<i32>} : memref<50x128xf32, #tpu.memory_space<vmem>>, vector<1x16xf32>,
        %parallel_loop3A_272 = vector.shape_cast %parallel_loop3A_271 : vector<1x16xf32> to vector<16xf32>
        %parallel_loop3A_273 = vector.broadcast %parallel_loop3A_268 : f32 to vector<16xf32>
        %parallel_loop3A_274 = arith.mulf %parallel_loop3A_272, %parallel_loop3A_273 : vector<16xf32>
        %parallel_loop3A_275 = arith.index_cast %parallel_loop3A_166 : i32 to index
        %parallel_loop3A_276 = arith.constant 96 : index
        %parallel_loop3A_277 = tpu.vector_load %arg14[%parallel_loop3A_275, %parallel_loop3A_276] {strides = array<i32>} : memref<50x128xf32, #tpu.memory_space<vmem>>, vector<1x16xf32>,
        %parallel_loop3A_278 = vector.shape_cast %parallel_loop3A_277 : vector<1x16xf32> to vector<16xf32>
        %parallel_loop3A_279 = vector.shape_cast %parallel_loop3A_274 : vector<16xf32> to vector<1x16xf32>
        tpu.vector_store %arg14[%parallel_loop3A_275, %parallel_loop3A_276], %parallel_loop3A_279 {strides = array<i32>} : memref<50x128xf32, #tpu.memory_space<vmem>>, vector<1x16xf32>,
        %parallel_loop3A_280 = vector.extract_strided_slice %parallel_loop3A_183 {offsets = [7], sizes = [1], strides = [1]} : vector<16xf32> to vector<1xf32>
        %parallel_loop3A_281 = vector.extract %parallel_loop3A_280[0] : f32 from vector<1xf32>
        %parallel_loop3A_282 = arith.index_cast %parallel_loop3A_166 : i32 to index
        %parallel_loop3A_283 = arith.constant 112 : index
        %parallel_loop3A_284 = tpu.vector_load %arg14[%parallel_loop3A_282, %parallel_loop3A_283] {strides = array<i32>} : memref<50x128xf32, #tpu.memory_space<vmem>>, vector<1x16xf32>,
        %parallel_loop3A_285 = vector.shape_cast %parallel_loop3A_284 : vector<1x16xf32> to vector<16xf32>
        %parallel_loop3A_286 = vector.broadcast %parallel_loop3A_281 : f32 to vector<16xf32>
        %parallel_loop3A_287 = arith.mulf %parallel_loop3A_285, %parallel_loop3A_286 : vector<16xf32>
        %parallel_loop3A_288 = arith.index_cast %parallel_loop3A_166 : i32 to index
        %parallel_loop3A_289 = arith.constant 112 : index
        %parallel_loop3A_290 = tpu.vector_load %arg14[%parallel_loop3A_288, %parallel_loop3A_289] {strides = array<i32>} : memref<50x128xf32, #tpu.memory_space<vmem>>, vector<1x16xf32>,
        %parallel_loop3A_291 = vector.shape_cast %parallel_loop3A_290 : vector<1x16xf32> to vector<16xf32>
        %parallel_loop3A_292 = vector.shape_cast %parallel_loop3A_287 : vector<16xf32> to vector<1x16xf32>
        tpu.vector_store %arg14[%parallel_loop3A_288, %parallel_loop3A_289], %parallel_loop3A_292 {strides = array<i32>} : memref<50x128xf32, #tpu.memory_space<vmem>>, vector<1x16xf32>,
      } {sc.loop_unroll_factor = 4 : i64, sc.parallel_access}
      %dma_start3A_154 = arith.constant 0 : i32
      %dma_start3A_155 = tpu.memref_slice %arg12[%add3A_122, %dma_start3A_154] : memref<200x50xi32, #tpu.memory_space<vmem>> -> memref<1x50xi32, #tpu.memory_space<vmem>>
      %dma_start3A_156 = tpu.memref_squeeze %dma_start3A_155 : memref<1x50xi32, #tpu.memory_space<vmem>> -> memref<50xi32, #tpu.memory_space<vmem>>
      %dma_start3A_157 = arith.constant 0 : i32
      %dma_start3A_158 = arith.constant 0 : i32
      %dma_start3A_159 = tpu.memref_slice %arg25[%dma_start3A_157, %dma_start3A_158] : memref<10000x128xf32, #tpu.memory_space<vmem_shared>> -> memref<10000x128xf32, #tpu.memory_space<vmem_shared>>
      tpu.enqueue_indirect_dma source(%arg14 : memref<50x128xf32, #tpu.memory_space<vmem>>) target(%dma_start3A_159 : memref<10000x128xf32, #tpu.memory_space<vmem_shared>>) offsets(%dma_start3A_156 : memref<50xi32, #tpu.memory_space<vmem>>) semaphore(%arg24 : memref<!tpu.dma_semaphore, #tpu.memory_space<semaphore_mem>>) {add = true}
      %dma_start3A_160 = arith.constant 0 : i32
      %dma_start3A_161 = tpu.memref_slice %arg12[%add3A_122, %dma_start3A_160] : memref<200x50xi32, #tpu.memory_space<vmem>> -> memref<1x50xi32, #tpu.memory_space<vmem>>
      %dma_start3A_162 = tpu.memref_squeeze %dma_start3A_161 : memref<1x50xi32, #tpu.memory_space<vmem>> -> memref<50xi32, #tpu.memory_space<vmem>>
      %dma_start3A_163 = arith.constant 0 : i32
      %dma_start3A_164 = arith.constant 0 : i32
      %dma_start3A_165 = tpu.memref_slice %arg26[%dma_start3A_163, %dma_start3A_164] : memref<10000x16xf32, #tpu.memory_space<vmem_shared>> -> memref<10000x16xf32, #tpu.memory_space<vmem_shared>>
      tpu.enqueue_indirect_dma source(%arg20 : memref<50x16xf32, #tpu.memory_space<vmem>>) target(%dma_start3A_165 : memref<10000x16xf32, #tpu.memory_space<vmem_shared>>) offsets(%dma_start3A_162 : memref<50xi32, #tpu.memory_space<vmem>>) semaphore(%arg24 : memref<!tpu.dma_semaphore, #tpu.memory_space<semaphore_mem>>) {add = true}
    }
    %scan3A_31 = arith.constant 100 : i32
    %dma_wait3A = arith.constant 0 : i32
    %dma_wait3A_32 = arith.constant 0 : i32
    %dma_wait3A_33 = tpu.memref_slice %arg12[%dma_wait3A, %dma_wait3A_32] : memref<200x50xi32, #tpu.memory_space<vmem>> -> memref<1x50xi32, #tpu.memory_space<vmem>>
    %dma_wait3A_34 = tpu.memref_squeeze %dma_wait3A_33 : memref<1x50xi32, #tpu.memory_space<vmem>> -> memref<50xi32, #tpu.memory_space<vmem>>
    %dma_wait3A_35 = arith.constant 0 : i32
    %dma_wait3A_36 = arith.constant 0 : i32
    %dma_wait3A_37 = tpu.memref_slice %arg25[%dma_wait3A_35, %dma_wait3A_36] : memref<10000x128xf32, #tpu.memory_space<vmem_shared>> -> memref<10000x128xf32, #tpu.memory_space<vmem_shared>>
    tpu.wait_indirect_dma semaphore(%arg23 : memref<!tpu.dma_semaphore, #tpu.memory_space<semaphore_mem>>) src(%arg13 : memref<50x128xf32, #tpu.memory_space<vmem>>) dst(%dma_wait3A_37 : memref<10000x128xf32, #tpu.memory_space<vmem_shared>>)
    %dma_wait3A_38 = arith.constant 0 : i32
    %dma_wait3A_39 = arith.constant 0 : i32
    %dma_wait3A_40 = tpu.memref_slice %arg12[%dma_wait3A_38, %dma_wait3A_39] : memref<200x50xi32, #tpu.memory_space<vmem>> -> memref<1x50xi32, #tpu.memory_space<vmem>>
    %dma_wait3A_41 = tpu.memref_squeeze %dma_wait3A_40 : memref<1x50xi32, #tpu.memory_space<vmem>> -> memref<50xi32, #tpu.memory_space<vmem>>
    %dma_wait3A_42 = arith.constant 0 : i32
    %dma_wait3A_43 = arith.constant 0 : i32
    %dma_wait3A_44 = tpu.memref_slice %arg26[%dma_wait3A_42, %dma_wait3A_43] : memref<10000x16xf32, #tpu.memory_space<vmem_shared>> -> memref<10000x16xf32, #tpu.memory_space<vmem_shared>>
    tpu.wait_indirect_dma semaphore(%arg23 : memref<!tpu.dma_semaphore, #tpu.memory_space<semaphore_mem>>) src(%arg19 : memref<50x16xf32, #tpu.memory_space<vmem>>) dst(%dma_wait3A_44 : memref<10000x16xf32, #tpu.memory_space<vmem_shared>>)
    %dma_wait3A_45 = arith.constant 0 : i32
    %dma_wait3A_46 = arith.constant 0 : i32
    %dma_wait3A_47 = tpu.memref_slice %arg12[%dma_wait3A_45, %dma_wait3A_46] : memref<200x50xi32, #tpu.memory_space<vmem>> -> memref<1x50xi32, #tpu.memory_space<vmem>>
    %dma_wait3A_48 = tpu.memref_squeeze %dma_wait3A_47 : memref<1x50xi32, #tpu.memory_space<vmem>> -> memref<50xi32, #tpu.memory_space<vmem>>
    %dma_wait3A_49 = arith.constant 0 : i32
    %dma_wait3A_50 = arith.constant 0 : i32
    %dma_wait3A_51 = tpu.memref_slice %arg25[%dma_wait3A_49, %dma_wait3A_50] : memref<10000x128xf32, #tpu.memory_space<vmem_shared>> -> memref<10000x128xf32, #tpu.memory_space<vmem_shared>>
    tpu.wait_indirect_dma semaphore(%arg24 : memref<!tpu.dma_semaphore, #tpu.memory_space<semaphore_mem>>) src(%arg14 : memref<50x128xf32, #tpu.memory_space<vmem>>) dst(%dma_wait3A_51 : memref<10000x128xf32, #tpu.memory_space<vmem_shared>>)
    %dma_wait3A_52 = arith.constant 0 : i32
    %dma_wait3A_53 = arith.constant 0 : i32
    %dma_wait3A_54 = tpu.memref_slice %arg12[%dma_wait3A_52, %dma_wait3A_53] : memref<200x50xi32, #tpu.memory_space<vmem>> -> memref<1x50xi32, #tpu.memory_space<vmem>>
    %dma_wait3A_55 = tpu.memref_squeeze %dma_wait3A_54 : memref<1x50xi32, #tpu.memory_space<vmem>> -> memref<50xi32, #tpu.memory_space<vmem>>
    %dma_wait3A_56 = arith.constant 0 : i32
    %dma_wait3A_57 = arith.constant 0 : i32
    %dma_wait3A_58 = tpu.memref_slice %arg26[%dma_wait3A_56, %dma_wait3A_57] : memref<10000x16xf32, #tpu.memory_space<vmem_shared>> -> memref<10000x16xf32, #tpu.memory_space<vmem_shared>>
    tpu.wait_indirect_dma semaphore(%arg24 : memref<!tpu.dma_semaphore, #tpu.memory_space<semaphore_mem>>) src(%arg20 : memref<50x16xf32, #tpu.memory_space<vmem>>) dst(%dma_wait3A_58 : memref<10000x16xf32, #tpu.memory_space<vmem_shared>>)
    %barrier3A_59 = arith.constant 0 : index
    tpu.barrier barrier_id(%barrier3A_59)
    %mul3A_60 = arith.constant 624 : i32
    %mul3A_61 = arith.muli %arg1, %mul3A_60 : i32
    %mul3A_62 = arith.constant 624 : i32
    %mul3A_63 = arith.muli %arg1, %mul3A_62 : i32
    "tpu.region"() ({
      %run_scoped3A = tpu.sem_alloc : memref<!tpu.dma_semaphore, #tpu.memory_space<semaphore_mem>>
      %dma_start3A_73 = arith.constant 0 : i32
      %dma_start3A_74 = tpu.memref_slice %arg9[%arg0, %mul3A_63, %dma_start3A_73] : memref<2x10000x128xf32, #tpu.memory_space<hbm>> -> memref<1x624x128xf32, #tpu.memory_space<hbm>>
      %dma_start3A_75 = tpu.memref_squeeze %dma_start3A_74 : memref<1x624x128xf32, #tpu.memory_space<hbm>> -> memref<624x128xf32, #tpu.memory_space<hbm>>
      %dma_start3A_76 = arith.constant 0 : i32
      %dma_start3A_77 = tpu.memref_slice %arg25[%mul3A_61, %dma_start3A_76] : memref<10000x128xf32, #tpu.memory_space<vmem_shared>> -> memref<624x128xf32, #tpu.memory_space<vmem_shared>>
      tpu.enqueue_dma source(%dma_start3A_77 : memref<624x128xf32, #tpu.memory_space<vmem_shared>>) target(%dma_start3A_75 : memref<624x128xf32, #tpu.memory_space<hbm>>) target_semaphore(%run_scoped3A : memref<!tpu.dma_semaphore, #tpu.memory_space<semaphore_mem>>)
      %dma_wait3A_78 = arith.constant 0 : i32
      %dma_wait3A_79 = tpu.memref_slice %arg9[%arg0, %mul3A_63, %dma_wait3A_78] : memref<2x10000x128xf32, #tpu.memory_space<hbm>> -> memref<1x624x128xf32, #tpu.memory_space<hbm>>
      %dma_wait3A_80 = tpu.memref_squeeze %dma_wait3A_79 : memref<1x624x128xf32, #tpu.memory_space<hbm>> -> memref<624x128xf32, #tpu.memory_space<hbm>>
      %dma_wait3A_81 = arith.constant 0 : i32
      %dma_wait3A_82 = tpu.memref_slice %arg25[%mul3A_61, %dma_wait3A_81] : memref<10000x128xf32, #tpu.memory_space<vmem_shared>> -> memref<624x128xf32, #tpu.memory_space<vmem_shared>>
      tpu.wait_dma2 semaphore(%run_scoped3A : memref<!tpu.dma_semaphore, #tpu.memory_space<semaphore_mem>>) src(%dma_wait3A_82 : memref<624x128xf32, #tpu.memory_space<vmem_shared>>) dst(%dma_wait3A_80 : memref<624x128xf32, #tpu.memory_space<hbm>>)
      tpu.yield
    }) : () -> ()
    %mul3A_64 = arith.constant 624 : i32
    %mul3A_65 = arith.muli %arg1, %mul3A_64 : i32
    %mul3A_66 = arith.constant 624 : i32
    %mul3A_67 = arith.muli %arg1, %mul3A_66 : i32
    "tpu.region"() ({
      %run_scoped3A = tpu.sem_alloc : memref<!tpu.dma_semaphore, #tpu.memory_space<semaphore_mem>>
      %dma_start3A_73 = arith.constant 0 : i32
      %dma_start3A_74 = tpu.memref_slice %arg10[%arg0, %mul3A_67, %dma_start3A_73] : memref<2x10000x16xf32, #tpu.memory_space<hbm>> -> memref<1x624x16xf32, #tpu.memory_space<hbm>>
      %dma_start3A_75 = tpu.memref_squeeze %dma_start3A_74 : memref<1x624x16xf32, #tpu.memory_space<hbm>> -> memref<624x16xf32, #tpu.memory_space<hbm>>
      %dma_start3A_76 = arith.constant 0 : i32
      %dma_start3A_77 = tpu.memref_slice %arg26[%mul3A_65, %dma_start3A_76] : memref<10000x16xf32, #tpu.memory_space<vmem_shared>> -> memref<624x16xf32, #tpu.memory_space<vmem_shared>>
      tpu.enqueue_dma source(%dma_start3A_77 : memref<624x16xf32, #tpu.memory_space<vmem_shared>>) target(%dma_start3A_75 : memref<624x16xf32, #tpu.memory_space<hbm>>) target_semaphore(%run_scoped3A : memref<!tpu.dma_semaphore, #tpu.memory_space<semaphore_mem>>)
      %dma_wait3A_78 = arith.constant 0 : i32
      %dma_wait3A_79 = tpu.memref_slice %arg10[%arg0, %mul3A_67, %dma_wait3A_78] : memref<2x10000x16xf32, #tpu.memory_space<hbm>> -> memref<1x624x16xf32, #tpu.memory_space<hbm>>
      %dma_wait3A_80 = tpu.memref_squeeze %dma_wait3A_79 : memref<1x624x16xf32, #tpu.memory_space<hbm>> -> memref<624x16xf32, #tpu.memory_space<hbm>>
      %dma_wait3A_81 = arith.constant 0 : i32
      %dma_wait3A_82 = tpu.memref_slice %arg26[%mul3A_65, %dma_wait3A_81] : memref<10000x16xf32, #tpu.memory_space<vmem_shared>> -> memref<624x16xf32, #tpu.memory_space<vmem_shared>>
      tpu.wait_dma2 semaphore(%run_scoped3A : memref<!tpu.dma_semaphore, #tpu.memory_space<semaphore_mem>>) src(%dma_wait3A_82 : memref<624x16xf32, #tpu.memory_space<vmem_shared>>) dst(%dma_wait3A_80 : memref<624x16xf32, #tpu.memory_space<hbm>>)
      tpu.yield
    }) : () -> ()
    %eq3A_68 = arith.constant 15 : i32
    %eq3A_69 = arith.cmpi eq, %arg1, %eq3A_68 : i32
    %convert_element_type3A_70 = arith.extui %eq3A_69 : i1 to i32
    %cond3A_71 = arith.constant 0 : i32
    %cond3A_72 = arith.cmpi ne, %convert_element_type3A_70, %cond3A_71 : i32
    scf.if %cond3A_72 {
      "tpu.region"() ({
        %run_scoped3A = tpu.sem_alloc : memref<!tpu.dma_semaphore, #tpu.memory_space<semaphore_mem>>
        %dma_start3A_73 = arith.constant 9984 : i32
        %dma_start3A_74 = arith.constant 0 : i32
        %dma_start3A_75 = tpu.memref_slice %arg9[%arg0, %dma_start3A_73, %dma_start3A_74] : memref<2x10000x128xf32, #tpu.memory_space<hbm>> -> memref<1x16x128xf32, #tpu.memory_space<hbm>>
        %dma_start3A_76 = tpu.memref_squeeze %dma_start3A_75 : memref<1x16x128xf32, #tpu.memory_space<hbm>> -> memref<16x128xf32, #tpu.memory_space<hbm>>
        %dma_start3A_77 = arith.constant 9984 : i32
        %dma_start3A_78 = arith.constant 0 : i32
        %dma_start3A_79 = tpu.memref_slice %arg25[%dma_start3A_77, %dma_start3A_78] : memref<10000x128xf32, #tpu.memory_space<vmem_shared>> -> memref<16x128xf32, #tpu.memory_space<vmem_shared>>
        tpu.enqueue_dma source(%dma_start3A_79 : memref<16x128xf32, #tpu.memory_space<vmem_shared>>) target(%dma_start3A_76 : memref<16x128xf32, #tpu.memory_space<hbm>>) target_semaphore(%run_scoped3A : memref<!tpu.dma_semaphore, #tpu.memory_space<semaphore_mem>>)
        %dma_wait3A_80 = arith.constant 9984 : i32
        %dma_wait3A_81 = arith.constant 0 : i32
        %dma_wait3A_82 = tpu.memref_slice %arg9[%arg0, %dma_wait3A_80, %dma_wait3A_81] : memref<2x10000x128xf32, #tpu.memory_space<hbm>> -> memref<1x16x128xf32, #tpu.memory_space<hbm>>
        %dma_wait3A_83 = tpu.memref_squeeze %dma_wait3A_82 : memref<1x16x128xf32, #tpu.memory_space<hbm>> -> memref<16x128xf32, #tpu.memory_space<hbm>>
        %dma_wait3A_84 = arith.constant 9984 : i32
        %dma_wait3A_85 = arith.constant 0 : i32
        %dma_wait3A_86 = tpu.memref_slice %arg25[%dma_wait3A_84, %dma_wait3A_85] : memref<10000x128xf32, #tpu.memory_space<vmem_shared>> -> memref<16x128xf32, #tpu.memory_space<vmem_shared>>
        tpu.wait_dma2 semaphore(%run_scoped3A : memref<!tpu.dma_semaphore, #tpu.memory_space<semaphore_mem>>) src(%dma_wait3A_86 : memref<16x128xf32, #tpu.memory_space<vmem_shared>>) dst(%dma_wait3A_83 : memref<16x128xf32, #tpu.memory_space<hbm>>)
        tpu.yield
      }) : () -> ()
      "tpu.region"() ({
        %run_scoped3A = tpu.sem_alloc : memref<!tpu.dma_semaphore, #tpu.memory_space<semaphore_mem>>
        %dma_start3A_73 = arith.constant 9984 : i32
        %dma_start3A_74 = arith.constant 0 : i32
        %dma_start3A_75 = tpu.memref_slice %arg10[%arg0, %dma_start3A_73, %dma_start3A_74] : memref<2x10000x16xf32, #tpu.memory_space<hbm>> -> memref<1x16x16xf32, #tpu.memory_space<hbm>>
        %dma_start3A_76 = tpu.memref_squeeze %dma_start3A_75 : memref<1x16x16xf32, #tpu.memory_space<hbm>> -> memref<16x16xf32, #tpu.memory_space<hbm>>
        %dma_start3A_77 = arith.constant 9984 : i32
        %dma_start3A_78 = arith.constant 0 : i32
        %dma_start3A_79 = tpu.memref_slice %arg26[%dma_start3A_77, %dma_start3A_78] : memref<10000x16xf32, #tpu.memory_space<vmem_shared>> -> memref<16x16xf32, #tpu.memory_space<vmem_shared>>
        tpu.enqueue_dma source(%dma_start3A_79 : memref<16x16xf32, #tpu.memory_space<vmem_shared>>) target(%dma_start3A_76 : memref<16x16xf32, #tpu.memory_space<hbm>>) target_semaphore(%run_scoped3A : memref<!tpu.dma_semaphore, #tpu.memory_space<semaphore_mem>>)
        %dma_wait3A_80 = arith.constant 9984 : i32
        %dma_wait3A_81 = arith.constant 0 : i32
        %dma_wait3A_82 = tpu.memref_slice %arg10[%arg0, %dma_wait3A_80, %dma_wait3A_81] : memref<2x10000x16xf32, #tpu.memory_space<hbm>> -> memref<1x16x16xf32, #tpu.memory_space<hbm>>
        %dma_wait3A_83 = tpu.memref_squeeze %dma_wait3A_82 : memref<1x16x16xf32, #tpu.memory_space<hbm>> -> memref<16x16xf32, #tpu.memory_space<hbm>>
        %dma_wait3A_84 = arith.constant 9984 : i32
        %dma_wait3A_85 = arith.constant 0 : i32
        %dma_wait3A_86 = tpu.memref_slice %arg26[%dma_wait3A_84, %dma_wait3A_85] : memref<10000x16xf32, #tpu.memory_space<vmem_shared>> -> memref<16x16xf32, #tpu.memory_space<vmem_shared>>
        tpu.wait_dma2 semaphore(%run_scoped3A : memref<!tpu.dma_semaphore, #tpu.memory_space<semaphore_mem>>) src(%dma_wait3A_86 : memref<16x16xf32, #tpu.memory_space<vmem_shared>>) dst(%dma_wait3A_83 : memref<16x16xf32, #tpu.memory_space<hbm>>)
        tpu.yield
      }) : () -> ()
    } else {
    }
    return
  }
}

#map = affine_map<(d0, d1) -> (0, 0, 0)>
#map1 = affine_map<(d0, d1) -> (0, 0)>
module attributes {stable_mosaic.version = 14 : i64} {
  func.func @sck(%arg0: i32, %arg1: i32, %arg2: memref<32x200x50xi32, #tpu.memory_space<hbm>>, %arg3: memref<32x200x50xi32, #tpu.memory_space<hbm>>, %arg4: memref<10000x128xf32, #tpu.memory_space<hbm>>, %arg5: memref<10000x16xf32, #tpu.memory_space<hbm>>, %arg6: memref<10000x16xf32, #tpu.memory_space<hbm>>, %arg7: memref<624x128xf32, #tpu.memory_space<hbm>>, %arg8: memref<624x16xf32, #tpu.memory_space<hbm>>, %arg9: memref<2x10000x128xf32, #tpu.memory_space<hbm>>, %arg10: memref<2x10000x16xf32, #tpu.memory_space<hbm>>, %arg11: memref<200x50xi32, #tpu.memory_space<vmem>>, %arg12: memref<200x50xi32, #tpu.memory_space<vmem>>, %arg13: memref<50x128xf32, #tpu.memory_space<vmem>>, %arg14: memref<50x128xf32, #tpu.memory_space<vmem>>, %arg15: memref<50x16xf32, #tpu.memory_space<vmem>>, %arg16: memref<50x16xf32, #tpu.memory_space<vmem>>, %arg17: memref<50x16xf32, #tpu.memory_space<vmem>>, %arg18: memref<50x16xf32, #tpu.memory_space<vmem>>, %arg19: memref<50x16xf32, #tpu.memory_space<vmem>>, %arg20: memref<50x16xf32, #tpu.memory_space<vmem>>, %arg21: memref<!tpu.dma_semaphore, #tpu.memory_space<semaphore_mem>>, %arg22: memref<!tpu.dma_semaphore, #tpu.memory_space<semaphore_mem>>, %arg23: memref<!tpu.dma_semaphore, #tpu.memory_space<semaphore_mem>>, %arg24: memref<!tpu.dma_semaphore, #tpu.memory_space<semaphore_mem>>, %arg25: memref<10000x128xf32, #tpu.memory_space<vmem_shared>>, %arg26: memref<10000x16xf32, #tpu.memory_space<vmem_shared>>) attributes {dimension_semantics = [#tpu.dimension_semantics<core_parallel>, #tpu.dimension_semantics<subcore_parallel>], iteration_bounds = array<i64: 2, 16>, scalar_prefetch = 0 : i64, scratch_operands = 16 : i64, tpu.core_type = #tpu.core_type<sc_vector_subcore>, window_params = [{transform_indices = #map}, {transform_indices = #map}, {transform_indices = #map1}, {transform_indices = #map1}, {transform_indices = #map1}, {transform_indices = #map1}, {transform_indices = #map1}, {transform_indices = #map}, {transform_indices = #map}]} {
    %mul3A = arith.constant 16 : i32
    %mul3A_0 = arith.muli %arg0, %mul3A : i32
    %add3A = arith.addi %mul3A_0, %arg1 : i32
    %mul3A_1 = arith.constant 624 : i32
    %mul3A_2 = arith.muli %arg1, %mul3A_1 : i32
    "tpu.region"() ({
      %run_scoped3A = tpu.sem_alloc : memref<!tpu.dma_semaphore, #tpu.memory_space<semaphore_mem>>
      %dma_start3A_73 = arith.constant 0 : i32
      %dma_start3A_74 = tpu.memref_slice %arg25[%mul3A_2, %dma_start3A_73] : memref<10000x128xf32, #tpu.memory_space<vmem_shared>> -> memref<624x128xf32, #tpu.memory_space<vmem_shared>>
      tpu.enqueue_dma source(%arg7 : memref<624x128xf32, #tpu.memory_space<hbm>>) target(%dma_start3A_74 : memref<624x128xf32, #tpu.memory_space<vmem_shared>>) target_semaphore(%run_scoped3A : memref<!tpu.dma_semaphore, #tpu.memory_space<semaphore_mem>>)
      %dma_wait3A_75 = arith.constant 0 : i32
      %dma_wait3A_76 = tpu.memref_slice %arg25[%mul3A_2, %dma_wait3A_75] : memref<10000x128xf32, #tpu.memory_space<vmem_shared>> -> memref<624x128xf32, #tpu.memory_space<vmem_shared>>
      tpu.wait_dma2 semaphore(%run_scoped3A : memref<!tpu.dma_semaphore, #tpu.memory_space<semaphore_mem>>) src(%arg7 : memref<624x128xf32, #tpu.memory_space<hbm>>) dst(%dma_wait3A_76 : memref<624x128xf32, #tpu.memory_space<vmem_shared>>)
      tpu.yield
    }) : () -> ()
    %mul3A_3 = arith.constant 624 : i32
    %mul3A_4 = arith.muli %arg1, %mul3A_3 : i32
    "tpu.region"() ({
      %run_scoped3A = tpu.sem_alloc : memref<!tpu.dma_semaphore, #tpu.memory_space<semaphore_mem>>
      %dma_start3A_73 = arith.constant 0 : i32
      %dma_start3A_74 = tpu.memref_slice %arg26[%mul3A_4, %dma_start3A_73] : memref<10000x16xf32, #tpu.memory_space<vmem_shared>> -> memref<624x16xf32, #tpu.memory_space<vmem_shared>>
      tpu.enqueue_dma source(%arg8 : memref<624x16xf32, #tpu.memory_space<hbm>>) target(%dma_start3A_74 : memref<624x16xf32, #tpu.memory_space<vmem_shared>>) target_semaphore(%run_scoped3A : memref<!tpu.dma_semaphore, #tpu.memory_space<semaphore_mem>>)
      %dma_wait3A_75 = arith.constant 0 : i32
      %dma_wait3A_76 = tpu.memref_slice %arg26[%mul3A_4, %dma_wait3A_75] : memref<10000x16xf32, #tpu.memory_space<vmem_shared>> -> memref<624x16xf32, #tpu.memory_space<vmem_shared>>
      tpu.wait_dma2 semaphore(%run_scoped3A : memref<!tpu.dma_semaphore, #tpu.memory_space<semaphore_mem>>) src(%arg8 : memref<624x16xf32, #tpu.memory_space<hbm>>) dst(%dma_wait3A_76 : memref<624x16xf32, #tpu.memory_space<vmem_shared>>)
      tpu.yield
    }) : () -> ()
    %eq3A = arith.constant 15 : i32
    %eq3A_5 = arith.cmpi eq, %arg1, %eq3A : i32
    %convert_element_type3A = arith.extui %eq3A_5 : i1 to i32
    %cond3A = arith.constant 0 : i32
    %cond3A_6 = arith.cmpi ne, %convert_element_type3A, %cond3A : i32
    scf.if %cond3A_6 {
      "tpu.region"() ({
        %run_scoped3A = tpu.sem_alloc : memref<!tpu.dma_semaphore, #tpu.memory_space<semaphore_mem>>
        %dma_start3A_73 = arith.constant 9984 : i32
        %dma_start3A_74 = arith.constant 0 : i32
        %dma_start3A_75 = tpu.memref_slice %arg25[%dma_start3A_73, %dma_start3A_74] : memref<10000x128xf32, #tpu.memory_space<vmem_shared>> -> memref<16x128xf32, #tpu.memory_space<vmem_shared>>
        %dma_start3A_76 = arith.constant 0 : i32
        %dma_start3A_77 = arith.constant 0 : i32
        %dma_start3A_78 = tpu.memref_slice %arg7[%dma_start3A_76, %dma_start3A_77] : memref<624x128xf32, #tpu.memory_space<hbm>> -> memref<16x128xf32, #tpu.memory_space<hbm>>
        tpu.enqueue_dma source(%dma_start3A_78 : memref<16x128xf32, #tpu.memory_space<hbm>>) target(%dma_start3A_75 : memref<16x128xf32, #tpu.memory_space<vmem_shared>>) target_semaphore(%run_scoped3A : memref<!tpu.dma_semaphore, #tpu.memory_space<semaphore_mem>>)
        %dma_wait3A_79 = arith.constant 9984 : i32
        %dma_wait3A_80 = arith.constant 0 : i32
        %dma_wait3A_81 = tpu.memref_slice %arg25[%dma_wait3A_79, %dma_wait3A_80] : memref<10000x128xf32, #tpu.memory_space<vmem_shared>> -> memref<16x128xf32, #tpu.memory_space<vmem_shared>>
        %dma_wait3A_82 = arith.constant 0 : i32
        %dma_wait3A_83 = arith.constant 0 : i32
        %dma_wait3A_84 = tpu.memref_slice %arg7[%dma_wait3A_82, %dma_wait3A_83] : memref<624x128xf32, #tpu.memory_space<hbm>> -> memref<16x128xf32, #tpu.memory_space<hbm>>
        tpu.wait_dma2 semaphore(%run_scoped3A : memref<!tpu.dma_semaphore, #tpu.memory_space<semaphore_mem>>) src(%dma_wait3A_84 : memref<16x128xf32, #tpu.memory_space<hbm>>) dst(%dma_wait3A_81 : memref<16x128xf32, #tpu.memory_space<vmem_shared>>)
        tpu.yield
      }) : () -> ()
      "tpu.region"() ({
        %run_scoped3A = tpu.sem_alloc : memref<!tpu.dma_semaphore, #tpu.memory_space<semaphore_mem>>
        %dma_start3A_73 = arith.constant 9984 : i32
        %dma_start3A_74 = arith.constant 0 : i32
        %dma_start3A_75 = tpu.memref_slice %arg26[%dma_start3A_73, %dma_start3A_74] : memref<10000x16xf32, #tpu.memory_space<vmem_shared>> -> memref<16x16xf32, #tpu.memory_space<vmem_shared>>
        %dma_start3A_76 = arith.constant 0 : i32
        %dma_start3A_77 = arith.constant 0 : i32
        %dma_start3A_78 = tpu.memref_slice %arg8[%dma_start3A_76, %dma_start3A_77] : memref<624x16xf32, #tpu.memory_space<hbm>> -> memref<16x16xf32, #tpu.memory_space<hbm>>
        tpu.enqueue_dma source(%dma_start3A_78 : memref<16x16xf32, #tpu.memory_space<hbm>>) target(%dma_start3A_75 : memref<16x16xf32, #tpu.memory_space<vmem_shared>>) target_semaphore(%run_scoped3A : memref<!tpu.dma_semaphore, #tpu.memory_space<semaphore_mem>>)
        %dma_wait3A_79 = arith.constant 9984 : i32
        %dma_wait3A_80 = arith.constant 0 : i32
        %dma_wait3A_81 = tpu.memref_slice %arg26[%dma_wait3A_79, %dma_wait3A_80] : memref<10000x16xf32, #tpu.memory_space<vmem_shared>> -> memref<16x16xf32, #tpu.memory_space<vmem_shared>>
        %dma_wait3A_82 = arith.constant 0 : i32
        %dma_wait3A_83 = arith.constant 0 : i32
        %dma_wait3A_84 = tpu.memref_slice %arg8[%dma_wait3A_82, %dma_wait3A_83] : memref<624x16xf32, #tpu.memory_space<hbm>> -> memref<16x16xf32, #tpu.memory_space<hbm>>
        tpu.wait_dma2 semaphore(%run_scoped3A : memref<!tpu.dma_semaphore, #tpu.memory_space<semaphore_mem>>) src(%dma_wait3A_84 : memref<16x16xf32, #tpu.memory_space<hbm>>) dst(%dma_wait3A_81 : memref<16x16xf32, #tpu.memory_space<vmem_shared>>)
        tpu.yield
      }) : () -> ()
    } else {
    }
    "tpu.region"() ({
      %run_scoped3A = tpu.sem_alloc : memref<!tpu.dma_semaphore, #tpu.memory_space<semaphore_mem>>
      %dma_start3A_73 = arith.constant 0 : i32
      %dma_start3A_74 = arith.constant 0 : i32
      %dma_start3A_75 = tpu.memref_slice %arg2[%add3A, %dma_start3A_73, %dma_start3A_74] : memref<32x200x50xi32, #tpu.memory_space<hbm>> -> memref<1x200x50xi32, #tpu.memory_space<hbm>>
      %dma_start3A_76 = tpu.memref_squeeze %dma_start3A_75 : memref<1x200x50xi32, #tpu.memory_space<hbm>> -> memref<200x50xi32, #tpu.memory_space<hbm>>
      %dma_start3A_77 = arith.constant 0 : i32
      %dma_start3A_78 = arith.constant 0 : i32
      %dma_start3A_79 = tpu.memref_slice %arg2[%add3A, %dma_start3A_77, %dma_start3A_78] : memref<32x200x50xi32, #tpu.memory_space<hbm>> -> memref<1x200x50xi32, #tpu.memory_space<hbm>>
      %dma_start3A_80 = tpu.memref_squeeze %dma_start3A_79 : memref<1x200x50xi32, #tpu.memory_space<hbm>> -> memref<200x50xi32, #tpu.memory_space<hbm>>
      tpu.enqueue_dma source(%dma_start3A_80 : memref<200x50xi32, #tpu.memory_space<hbm>>) target(%arg11 : memref<200x50xi32, #tpu.memory_space<vmem>>) target_semaphore(%run_scoped3A : memref<!tpu.dma_semaphore, #tpu.memory_space<semaphore_mem>>)
      %dma_wait3A_81 = arith.constant 0 : i32
      %dma_wait3A_82 = arith.constant 0 : i32
      %dma_wait3A_83 = tpu.memref_slice %arg2[%add3A, %dma_wait3A_81, %dma_wait3A_82] : memref<32x200x50xi32, #tpu.memory_space<hbm>> -> memref<1x200x50xi32, #tpu.memory_space<hbm>>
      %dma_wait3A_84 = tpu.memref_squeeze %dma_wait3A_83 : memref<1x200x50xi32, #tpu.memory_space<hbm>> -> memref<200x50xi32, #tpu.memory_space<hbm>>
      %dma_wait3A_85 = arith.constant 0 : i32
      %dma_wait3A_86 = arith.constant 0 : i32
      %dma_wait3A_87 = tpu.memref_slice %arg2[%add3A, %dma_wait3A_85, %dma_wait3A_86] : memref<32x200x50xi32, #tpu.memory_space<hbm>> -> memref<1x200x50xi32, #tpu.memory_space<hbm>>
      %dma_wait3A_88 = tpu.memref_squeeze %dma_wait3A_87 : memref<1x200x50xi32, #tpu.memory_space<hbm>> -> memref<200x50xi32, #tpu.memory_space<hbm>>
      tpu.wait_dma2 semaphore(%run_scoped3A : memref<!tpu.dma_semaphore, #tpu.memory_space<semaphore_mem>>) src(%dma_wait3A_88 : memref<200x50xi32, #tpu.memory_space<hbm>>) dst(%arg11 : memref<200x50xi32, #tpu.memory_space<vmem>>)
      tpu.yield
    }) : () -> ()
    "tpu.region"() ({
      %run_scoped3A = tpu.sem_alloc : memref<!tpu.dma_semaphore, #tpu.memory_space<semaphore_mem>>
      %dma_start3A_73 = arith.constant 0 : i32
      %dma_start3A_74 = arith.constant 0 : i32
      %dma_start3A_75 = tpu.memref_slice %arg3[%add3A, %dma_start3A_73, %dma_start3A_74] : memref<32x200x50xi32, #tpu.memory_space<hbm>> -> memref<1x200x50xi32, #tpu.memory_space<hbm>>
      %dma_start3A_76 = tpu.memref_squeeze %dma_start3A_75 : memref<1x200x50xi32, #tpu.memory_space<hbm>> -> memref<200x50xi32, #tpu.memory_space<hbm>>
      %dma_start3A_77 = arith.constant 0 : i32
      %dma_start3A_78 = arith.constant 0 : i32
      %dma_start3A_79 = tpu.memref_slice %arg3[%add3A, %dma_start3A_77, %dma_start3A_78] : memref<32x200x50xi32, #tpu.memory_space<hbm>> -> memref<1x200x50xi32, #tpu.memory_space<hbm>>
      %dma_start3A_80 = tpu.memref_squeeze %dma_start3A_79 : memref<1x200x50xi32, #tpu.memory_space<hbm>> -> memref<200x50xi32, #tpu.memory_space<hbm>>
      tpu.enqueue_dma source(%dma_start3A_80 : memref<200x50xi32, #tpu.memory_space<hbm>>) target(%arg12 : memref<200x50xi32, #tpu.memory_space<vmem>>) target_semaphore(%run_scoped3A : memref<!tpu.dma_semaphore, #tpu.memory_space<semaphore_mem>>)
      %dma_wait3A_81 = arith.constant 0 : i32
      %dma_wait3A_82 = arith.constant 0 : i32
      %dma_wait3A_83 = tpu.memref_slice %arg3[%add3A, %dma_wait3A_81, %dma_wait3A_82] : memref<32x200x50xi32, #tpu.memory_space<hbm>> -> memref<1x200x50xi32, #tpu.memory_space<hbm>>
      %dma_wait3A_84 = tpu.memref_squeeze %dma_wait3A_83 : memref<1x200x50xi32, #tpu.memory_space<hbm>> -> memref<200x50xi32, #tpu.memory_space<hbm>>
      %dma_wait3A_85 = arith.constant 0 : i32
      %dma_wait3A_86 = arith.constant 0 : i32
      %dma_wait3A_87 = tpu.memref_slice %arg3[%add3A, %dma_wait3A_85, %dma_wait3A_86] : memref<32x200x50xi32, #tpu.memory_space<hbm>> -> memref<1x200x50xi32, #tpu.memory_space<hbm>>
      %dma_wait3A_88 = tpu.memref_squeeze %dma_wait3A_87 : memref<1x200x50xi32, #tpu.memory_space<hbm>> -> memref<200x50xi32, #tpu.memory_space<hbm>>
      tpu.wait_dma2 semaphore(%run_scoped3A : memref<!tpu.dma_semaphore, #tpu.memory_space<semaphore_mem>>) src(%dma_wait3A_88 : memref<200x50xi32, #tpu.memory_space<hbm>>) dst(%arg12 : memref<200x50xi32, #tpu.memory_space<vmem>>)
      tpu.yield
    }) : () -> ()
    %barrier3A = arith.constant 0 : index
    tpu.barrier barrier_id(%barrier3A)
    %dma_start3A = arith.constant 0 : i32
    %dma_start3A_7 = arith.constant 0 : i32
    %dma_start3A_8 = tpu.memref_slice %arg11[%dma_start3A, %dma_start3A_7] : memref<200x50xi32, #tpu.memory_space<vmem>> -> memref<1x50xi32, #tpu.memory_space<vmem>>
    %dma_start3A_9 = tpu.memref_squeeze %dma_start3A_8 : memref<1x50xi32, #tpu.memory_space<vmem>> -> memref<50xi32, #tpu.memory_space<vmem>>
    %dma_start3A_10 = arith.constant 0 : i32
    %dma_start3A_11 = arith.constant 0 : i32
    %dma_start3A_12 = tpu.memref_slice %arg4[%dma_start3A_10, %dma_start3A_11] : memref<10000x128xf32, #tpu.memory_space<hbm>> -> memref<10000x128xf32, #tpu.memory_space<hbm>>
    tpu.enqueue_indirect_dma source(%dma_start3A_12 : memref<10000x128xf32, #tpu.memory_space<hbm>>) target(%arg13 : memref<50x128xf32, #tpu.memory_space<vmem>>) offsets(%dma_start3A_9 : memref<50xi32, #tpu.memory_space<vmem>>) semaphore(%arg21 : memref<!tpu.dma_semaphore, #tpu.memory_space<semaphore_mem>>)
    %dma_start3A_13 = arith.constant 0 : i32
    %dma_start3A_14 = arith.constant 0 : i32
    %dma_start3A_15 = tpu.memref_slice %arg11[%dma_start3A_13, %dma_start3A_14] : memref<200x50xi32, #tpu.memory_space<vmem>> -> memref<1x50xi32, #tpu.memory_space<vmem>>
    %dma_start3A_16 = tpu.memref_squeeze %dma_start3A_15 : memref<1x50xi32, #tpu.memory_space<vmem>> -> memref<50xi32, #tpu.memory_space<vmem>>
    %dma_start3A_17 = arith.constant 0 : i32
    %dma_start3A_18 = arith.constant 0 : i32
    %dma_start3A_19 = tpu.memref_slice %arg5[%dma_start3A_17, %dma_start3A_18] : memref<10000x16xf32, #tpu.memory_space<hbm>> -> memref<10000x16xf32, #tpu.memory_space<hbm>>
    tpu.enqueue_indirect_dma source(%dma_start3A_19 : memref<10000x16xf32, #tpu.memory_space<hbm>>) target(%arg15 : memref<50x16xf32, #tpu.memory_space<vmem>>) offsets(%dma_start3A_16 : memref<50xi32, #tpu.memory_space<vmem>>) semaphore(%arg21 : memref<!tpu.dma_semaphore, #tpu.memory_space<semaphore_mem>>)
    %dma_start3A_20 = arith.constant 0 : i32
    %dma_start3A_21 = arith.constant 0 : i32
    %dma_start3A_22 = tpu.memref_slice %arg12[%dma_start3A_20, %dma_start3A_21] : memref<200x50xi32, #tpu.memory_space<vmem>> -> memref<1x50xi32, #tpu.memory_space<vmem>>
    %dma_start3A_23 = tpu.memref_squeeze %dma_start3A_22 : memref<1x50xi32, #tpu.memory_space<vmem>> -> memref<50xi32, #tpu.memory_space<vmem>>
    %dma_start3A_24 = arith.constant 0 : i32
    %dma_start3A_25 = arith.constant 0 : i32
    %dma_start3A_26 = tpu.memref_slice %arg6[%dma_start3A_24, %dma_start3A_25] : memref<10000x16xf32, #tpu.memory_space<hbm>> -> memref<10000x16xf32, #tpu.memory_space<hbm>>
    tpu.enqueue_indirect_dma source(%dma_start3A_26 : memref<10000x16xf32, #tpu.memory_space<hbm>>) target(%arg17 : memref<50x16xf32, #tpu.memory_space<vmem>>) offsets(%dma_start3A_23 : memref<50xi32, #tpu.memory_space<vmem>>) semaphore(%arg21 : memref<!tpu.dma_semaphore, #tpu.memory_space<semaphore_mem>>)
    %scan3A = arith.constant 0 : i32
    %scan3A_27 = arith.constant 0 : i32
    %scan3A_28 = arith.constant 100 : i32
    %scan3A_29 = arith.addi %scan3A_27, %scan3A_28 : i32
    %scan3A_30 = arith.constant 1 : i32
    scf.for %scan3A_73 = %scan3A_27 to %scan3A_29 step %scan3A_30  : i32 {
      %mul3A_74 = arith.constant 2 : i32
      %mul3A_75 = arith.muli %scan3A_73, %mul3A_74 : i32
      %add3A_76 = arith.constant 0 : i32
      %add3A_77 = arith.addi %mul3A_75, %add3A_76 : i32
      %add3A_78 = arith.constant 1 : i32
      %add3A_79 = arith.addi %add3A_77, %add3A_78 : i32
      %lt3A = arith.constant 200 : i32
      %lt3A_80 = arith.cmpi slt, %add3A_79, %lt3A : i32
      %convert_element_type3A_81 = arith.extui %lt3A_80 : i1 to i32
      %cond3A_82 = arith.constant 0 : i32
      %cond3A_83 = arith.cmpi ne, %convert_element_type3A_81, %cond3A_82 : i32
      scf.if %cond3A_83 {
        %ge3A = arith.constant 1 : i32
        %ge3A_166 = arith.cmpi sge, %add3A_77, %ge3A : i32
        %convert_element_type3A_167 = arith.extui %ge3A_166 : i1 to i32
        %cond3A_168 = arith.constant 0 : i32
        %cond3A_169 = arith.cmpi ne, %convert_element_type3A_167, %cond3A_168 : i32
        scf.if %cond3A_169 {
          %dma_wait3A_190 = arith.constant 0 : i32
          %dma_wait3A_191 = arith.constant 0 : i32
          %dma_wait3A_192 = tpu.memref_slice %arg12[%dma_wait3A_190, %dma_wait3A_191] : memref<200x50xi32, #tpu.memory_space<vmem>> -> memref<1x50xi32, #tpu.memory_space<vmem>>
          %dma_wait3A_193 = tpu.memref_squeeze %dma_wait3A_192 : memref<1x50xi32, #tpu.memory_space<vmem>> -> memref<50xi32, #tpu.memory_space<vmem>>
          %dma_wait3A_194 = arith.constant 0 : i32
          %dma_wait3A_195 = arith.constant 0 : i32
          %dma_wait3A_196 = tpu.memref_slice %arg25[%dma_wait3A_194, %dma_wait3A_195] : memref<10000x128xf32, #tpu.memory_space<vmem_shared>> -> memref<10000x128xf32, #tpu.memory_space<vmem_shared>>
          tpu.wait_indirect_dma semaphore(%arg24 : memref<!tpu.dma_semaphore, #tpu.memory_space<semaphore_mem>>) src(%arg14 : memref<50x128xf32, #tpu.memory_space<vmem>>) dst(%dma_wait3A_196 : memref<10000x128xf32, #tpu.memory_space<vmem_shared>>)
          %dma_wait3A_197 = arith.constant 0 : i32
          %dma_wait3A_198 = arith.constant 0 : i32
          %dma_wait3A_199 = tpu.memref_slice %arg12[%dma_wait3A_197, %dma_wait3A_198] : memref<200x50xi32, #tpu.memory_space<vmem>> -> memref<1x50xi32, #tpu.memory_space<vmem>>
          %dma_wait3A_200 = tpu.memref_squeeze %dma_wait3A_199 : memref<1x50xi32, #tpu.memory_space<vmem>> -> memref<50xi32, #tpu.memory_space<vmem>>
          %dma_wait3A_201 = arith.constant 0 : i32
          %dma_wait3A_202 = arith.constant 0 : i32
          %dma_wait3A_203 = tpu.memref_slice %arg26[%dma_wait3A_201, %dma_wait3A_202] : memref<10000x16xf32, #tpu.memory_space<vmem_shared>> -> memref<10000x16xf32, #tpu.memory_space<vmem_shared>>
          tpu.wait_indirect_dma semaphore(%arg24 : memref<!tpu.dma_semaphore, #tpu.memory_space<semaphore_mem>>) src(%arg20 : memref<50x16xf32, #tpu.memory_space<vmem>>) dst(%dma_wait3A_203 : memref<10000x16xf32, #tpu.memory_space<vmem_shared>>)
        } else {
        }
        %add3A_170 = arith.constant 1 : i32
        %add3A_171 = arith.addi %add3A_77, %add3A_170 : i32
        %dma_start3A_172 = arith.constant 0 : i32
        %dma_start3A_173 = tpu.memref_slice %arg11[%add3A_171, %dma_start3A_172] : memref<200x50xi32, #tpu.memory_space<vmem>> -> memref<1x50xi32, #tpu.memory_space<vmem>>
        %dma_start3A_174 = tpu.memref_squeeze %dma_start3A_173 : memref<1x50xi32, #tpu.memory_space<vmem>> -> memref<50xi32, #tpu.memory_space<vmem>>
        %dma_start3A_175 = arith.constant 0 : i32
        %dma_start3A_176 = arith.constant 0 : i32
        %dma_start3A_177 = tpu.memref_slice %arg4[%dma_start3A_175, %dma_start3A_176] : memref<10000x128xf32, #tpu.memory_space<hbm>> -> memref<10000x128xf32, #tpu.memory_space<hbm>>
        tpu.enqueue_indirect_dma source(%dma_start3A_177 : memref<10000x128xf32, #tpu.memory_space<hbm>>) target(%arg14 : memref<50x128xf32, #tpu.memory_space<vmem>>) offsets(%dma_start3A_174 : memref<50xi32, #tpu.memory_space<vmem>>) semaphore(%arg22 : memref<!tpu.dma_semaphore, #tpu.memory_space<semaphore_mem>>)
        %dma_start3A_178 = arith.constant 0 : i32
        %dma_start3A_179 = tpu.memref_slice %arg11[%add3A_171, %dma_start3A_178] : memref<200x50xi32, #tpu.memory_space<vmem>> -> memref<1x50xi32, #tpu.memory_space<vmem>>
        %dma_start3A_180 = tpu.memref_squeeze %dma_start3A_179 : memref<1x50xi32, #tpu.memory_space<vmem>> -> memref<50xi32, #tpu.memory_space<vmem>>
        %dma_start3A_181 = arith.constant 0 : i32
        %dma_start3A_182 = arith.constant 0 : i32
        %dma_start3A_183 = tpu.memref_slice %arg5[%dma_start3A_181, %dma_start3A_182] : memref<10000x16xf32, #tpu.memory_space<hbm>> -> memref<10000x16xf32, #tpu.memory_space<hbm>>
        tpu.enqueue_indirect_dma source(%dma_start3A_183 : memref<10000x16xf32, #tpu.memory_space<hbm>>) target(%arg16 : memref<50x16xf32, #tpu.memory_space<vmem>>) offsets(%dma_start3A_180 : memref<50xi32, #tpu.memory_space<vmem>>) semaphore(%arg22 : memref<!tpu.dma_semaphore, #tpu.memory_space<semaphore_mem>>)
        %dma_start3A_184 = arith.constant 0 : i32
        %dma_start3A_185 = tpu.memref_slice %arg12[%add3A_171, %dma_start3A_184] : memref<200x50xi32, #tpu.memory_space<vmem>> -> memref<1x50xi32, #tpu.memory_space<vmem>>
        %dma_start3A_186 = tpu.memref_squeeze %dma_start3A_185 : memref<1x50xi32, #tpu.memory_space<vmem>> -> memref<50xi32, #tpu.memory_space<vmem>>
        %dma_start3A_187 = arith.constant 0 : i32
        %dma_start3A_188 = arith.constant 0 : i32
        %dma_start3A_189 = tpu.memref_slice %arg6[%dma_start3A_187, %dma_start3A_188] : memref<10000x16xf32, #tpu.memory_space<hbm>> -> memref<10000x16xf32, #tpu.memory_space<hbm>>
        tpu.enqueue_indirect_dma source(%dma_start3A_189 : memref<10000x16xf32, #tpu.memory_space<hbm>>) target(%arg18 : memref<50x16xf32, #tpu.memory_space<vmem>>) offsets(%dma_start3A_186 : memref<50xi32, #tpu.memory_space<vmem>>) semaphore(%arg22 : memref<!tpu.dma_semaphore, #tpu.memory_space<semaphore_mem>>)
      } else {
      }
      %dma_wait3A_84 = arith.constant 0 : i32
      %dma_wait3A_85 = arith.constant 0 : i32
      %dma_wait3A_86 = tpu.memref_slice %arg11[%dma_wait3A_84, %dma_wait3A_85] : memref<200x50xi32, #tpu.memory_space<vmem>> -> memref<1x50xi32, #tpu.memory_space<vmem>>
      %dma_wait3A_87 = tpu.memref_squeeze %dma_wait3A_86 : memref<1x50xi32, #tpu.memory_space<vmem>> -> memref<50xi32, #tpu.memory_space<vmem>>
      %dma_wait3A_88 = arith.constant 0 : i32
      %dma_wait3A_89 = arith.constant 0 : i32
      %dma_wait3A_90 = tpu.memref_slice %arg4[%dma_wait3A_88, %dma_wait3A_89] : memref<10000x128xf32, #tpu.memory_space<hbm>> -> memref<10000x128xf32, #tpu.memory_space<hbm>>
      tpu.wait_indirect_dma semaphore(%arg21 : memref<!tpu.dma_semaphore, #tpu.memory_space<semaphore_mem>>) src(%dma_wait3A_90 : memref<10000x128xf32, #tpu.memory_space<hbm>>) dst(%arg13 : memref<50x128xf32, #tpu.memory_space<vmem>>)
      %dma_wait3A_91 = arith.constant 0 : i32
      %dma_wait3A_92 = arith.constant 0 : i32
      %dma_wait3A_93 = tpu.memref_slice %arg11[%dma_wait3A_91, %dma_wait3A_92] : memref<200x50xi32, #tpu.memory_space<vmem>> -> memref<1x50xi32, #tpu.memory_space<vmem>>
      %dma_wait3A_94 = tpu.memref_squeeze %dma_wait3A_93 : memref<1x50xi32, #tpu.memory_space<vmem>> -> memref<50xi32, #tpu.memory_space<vmem>>
      %dma_wait3A_95 = arith.constant 0 : i32
      %dma_wait3A_96 = arith.constant 0 : i32
      %dma_wait3A_97 = tpu.memref_slice %arg5[%dma_wait3A_95, %dma_wait3A_96] : memref<10000x16xf32, #tpu.memory_space<hbm>> -> memref<10000x16xf32, #tpu.memory_space<hbm>>
      tpu.wait_indirect_dma semaphore(%arg21 : memref<!tpu.dma_semaphore, #tpu.memory_space<semaphore_mem>>) src(%dma_wait3A_97 : memref<10000x16xf32, #tpu.memory_space<hbm>>) dst(%arg15 : memref<50x16xf32, #tpu.memory_space<vmem>>)
      %dma_wait3A_98 = arith.constant 0 : i32
      %dma_wait3A_99 = arith.constant 0 : i32
      %dma_wait3A_100 = tpu.memref_slice %arg12[%dma_wait3A_98, %dma_wait3A_99] : memref<200x50xi32, #tpu.memory_space<vmem>> -> memref<1x50xi32, #tpu.memory_space<vmem>>
      %dma_wait3A_101 = tpu.memref_squeeze %dma_wait3A_100 : memref<1x50xi32, #tpu.memory_space<vmem>> -> memref<50xi32, #tpu.memory_space<vmem>>
      %dma_wait3A_102 = arith.constant 0 : i32
      %dma_wait3A_103 = arith.constant 0 : i32
      %dma_wait3A_104 = tpu.memref_slice %arg6[%dma_wait3A_102, %dma_wait3A_103] : memref<10000x16xf32, #tpu.memory_space<hbm>> -> memref<10000x16xf32, #tpu.memory_space<hbm>>
      tpu.wait_indirect_dma semaphore(%arg21 : memref<!tpu.dma_semaphore, #tpu.memory_space<semaphore_mem>>) src(%dma_wait3A_104 : memref<10000x16xf32, #tpu.memory_space<hbm>>) dst(%arg17 : memref<50x16xf32, #tpu.memory_space<vmem>>)
      %parallel_loop3A = arith.constant 0 : i32
      %parallel_loop3A_105 = arith.constant 50 : i32
      %parallel_loop3A_106 = arith.constant 1 : i32
      scf.for %parallel_loop3A_166 = %parallel_loop3A to %parallel_loop3A_105 step %parallel_loop3A_106  : i32 {
        %parallel_loop3A_167 = arith.index_cast %parallel_loop3A_166 : i32 to index
        %parallel_loop3A_168 = arith.constant 0 : index
        %parallel_loop3A_169 = tpu.vector_load %arg15[%parallel_loop3A_167, %parallel_loop3A_168] {strides = array<i32>} : memref<50x16xf32, #tpu.memory_space<vmem>>, vector<1x16xf32>,
        %parallel_loop3A_170 = vector.shape_cast %parallel_loop3A_169 : vector<1x16xf32> to vector<16xf32>
        %parallel_loop3A_171 = arith.index_cast %parallel_loop3A_166 : i32 to index
        %parallel_loop3A_172 = arith.constant 0 : index
        %parallel_loop3A_173 = tpu.vector_load %arg17[%parallel_loop3A_171, %parallel_loop3A_172] {strides = array<i32>} : memref<50x16xf32, #tpu.memory_space<vmem>>, vector<1x16xf32>,
        %parallel_loop3A_174 = vector.shape_cast %parallel_loop3A_173 : vector<1x16xf32> to vector<16xf32>
        %parallel_loop3A_175 = arith.addf %parallel_loop3A_170, %parallel_loop3A_174 : vector<16xf32>
        %parallel_loop3A_176 = arith.constant 0.000000e+00 : f32
        %parallel_loop3A_177 = vector.broadcast %parallel_loop3A_176 : f32 to vector<16xf32>
        %parallel_loop3A_178 = arith.cmpf oge, %parallel_loop3A_175, %parallel_loop3A_177 : vector<16xf32>
        %parallel_loop3A_179 = arith.constant 2.000000e-01 : f32
        %parallel_loop3A_180 = vector.broadcast %parallel_loop3A_179 : f32 to vector<16xf32>
        %parallel_loop3A_181 = arith.mulf %parallel_loop3A_175, %parallel_loop3A_180 : vector<16xf32>
        %parallel_loop3A_182 = arith.select %parallel_loop3A_178, %parallel_loop3A_175, %parallel_loop3A_181 : vector<16xi1>, vector<16xf32>
        %parallel_loop3A_183 = math.exp %parallel_loop3A_182 : vector<16xf32>
        %parallel_loop3A_184 = arith.index_cast %parallel_loop3A_166 : i32 to index
        %parallel_loop3A_185 = arith.constant 0 : index
        %parallel_loop3A_186 = tpu.vector_load %arg19[%parallel_loop3A_184, %parallel_loop3A_185] {strides = array<i32>} : memref<50x16xf32, #tpu.memory_space<vmem>>, vector<1x16xf32>,
        %parallel_loop3A_187 = vector.shape_cast %parallel_loop3A_186 : vector<1x16xf32> to vector<16xf32>
        %parallel_loop3A_188 = vector.shape_cast %parallel_loop3A_183 : vector<16xf32> to vector<1x16xf32>
        tpu.vector_store %arg19[%parallel_loop3A_184, %parallel_loop3A_185], %parallel_loop3A_188 {strides = array<i32>} : memref<50x16xf32, #tpu.memory_space<vmem>>, vector<1x16xf32>,
        %parallel_loop3A_189 = vector.extract_strided_slice %parallel_loop3A_183 {offsets = [0], sizes = [1], strides = [1]} : vector<16xf32> to vector<1xf32>
        %parallel_loop3A_190 = vector.extract %parallel_loop3A_189[0] : f32 from vector<1xf32>
        %parallel_loop3A_191 = arith.index_cast %parallel_loop3A_166 : i32 to index
        %parallel_loop3A_192 = arith.constant 0 : index
        %parallel_loop3A_193 = tpu.vector_load %arg13[%parallel_loop3A_191, %parallel_loop3A_192] {strides = array<i32>} : memref<50x128xf32, #tpu.memory_space<vmem>>, vector<1x16xf32>,
        %parallel_loop3A_194 = vector.shape_cast %parallel_loop3A_193 : vector<1x16xf32> to vector<16xf32>
        %parallel_loop3A_195 = vector.broadcast %parallel_loop3A_190 : f32 to vector<16xf32>
        %parallel_loop3A_196 = arith.mulf %parallel_loop3A_194, %parallel_loop3A_195 : vector<16xf32>
        %parallel_loop3A_197 = arith.index_cast %parallel_loop3A_166 : i32 to index
        %parallel_loop3A_198 = arith.constant 0 : index
        %parallel_loop3A_199 = tpu.vector_load %arg13[%parallel_loop3A_197, %parallel_loop3A_198] {strides = array<i32>} : memref<50x128xf32, #tpu.memory_space<vmem>>, vector<1x16xf32>,
        %parallel_loop3A_200 = vector.shape_cast %parallel_loop3A_199 : vector<1x16xf32> to vector<16xf32>
        %parallel_loop3A_201 = vector.shape_cast %parallel_loop3A_196 : vector<16xf32> to vector<1x16xf32>
        tpu.vector_store %arg13[%parallel_loop3A_197, %parallel_loop3A_198], %parallel_loop3A_201 {strides = array<i32>} : memref<50x128xf32, #tpu.memory_space<vmem>>, vector<1x16xf32>,
        %parallel_loop3A_202 = vector.extract_strided_slice %parallel_loop3A_183 {offsets = [1], sizes = [1], strides = [1]} : vector<16xf32> to vector<1xf32>
        %parallel_loop3A_203 = vector.extract %parallel_loop3A_202[0] : f32 from vector<1xf32>
        %parallel_loop3A_204 = arith.index_cast %parallel_loop3A_166 : i32 to index
        %parallel_loop3A_205 = arith.constant 16 : index
        %parallel_loop3A_206 = tpu.vector_load %arg13[%parallel_loop3A_204, %parallel_loop3A_205] {strides = array<i32>} : memref<50x128xf32, #tpu.memory_space<vmem>>, vector<1x16xf32>,
        %parallel_loop3A_207 = vector.shape_cast %parallel_loop3A_206 : vector<1x16xf32> to vector<16xf32>
        %parallel_loop3A_208 = vector.broadcast %parallel_loop3A_203 : f32 to vector<16xf32>
        %parallel_loop3A_209 = arith.mulf %parallel_loop3A_207, %parallel_loop3A_208 : vector<16xf32>
        %parallel_loop3A_210 = arith.index_cast %parallel_loop3A_166 : i32 to index
        %parallel_loop3A_211 = arith.constant 16 : index
        %parallel_loop3A_212 = tpu.vector_load %arg13[%parallel_loop3A_210, %parallel_loop3A_211] {strides = array<i32>} : memref<50x128xf32, #tpu.memory_space<vmem>>, vector<1x16xf32>,
        %parallel_loop3A_213 = vector.shape_cast %parallel_loop3A_212 : vector<1x16xf32> to vector<16xf32>
        %parallel_loop3A_214 = vector.shape_cast %parallel_loop3A_209 : vector<16xf32> to vector<1x16xf32>
        tpu.vector_store %arg13[%parallel_loop3A_210, %parallel_loop3A_211], %parallel_loop3A_214 {strides = array<i32>} : memref<50x128xf32, #tpu.memory_space<vmem>>, vector<1x16xf32>,
        %parallel_loop3A_215 = vector.extract_strided_slice %parallel_loop3A_183 {offsets = [2], sizes = [1], strides = [1]} : vector<16xf32> to vector<1xf32>
        %parallel_loop3A_216 = vector.extract %parallel_loop3A_215[0] : f32 from vector<1xf32>
        %parallel_loop3A_217 = arith.index_cast %parallel_loop3A_166 : i32 to index
        %parallel_loop3A_218 = arith.constant 32 : index
        %parallel_loop3A_219 = tpu.vector_load %arg13[%parallel_loop3A_217, %parallel_loop3A_218] {strides = array<i32>} : memref<50x128xf32, #tpu.memory_space<vmem>>, vector<1x16xf32>,
        %parallel_loop3A_220 = vector.shape_cast %parallel_loop3A_219 : vector<1x16xf32> to vector<16xf32>
        %parallel_loop3A_221 = vector.broadcast %parallel_loop3A_216 : f32 to vector<16xf32>
        %parallel_loop3A_222 = arith.mulf %parallel_loop3A_220, %parallel_loop3A_221 : vector<16xf32>
        %parallel_loop3A_223 = arith.index_cast %parallel_loop3A_166 : i32 to index
        %parallel_loop3A_224 = arith.constant 32 : index
        %parallel_loop3A_225 = tpu.vector_load %arg13[%parallel_loop3A_223, %parallel_loop3A_224] {strides = array<i32>} : memref<50x128xf32, #tpu.memory_space<vmem>>, vector<1x16xf32>,
        %parallel_loop3A_226 = vector.shape_cast %parallel_loop3A_225 : vector<1x16xf32> to vector<16xf32>
        %parallel_loop3A_227 = vector.shape_cast %parallel_loop3A_222 : vector<16xf32> to vector<1x16xf32>
        tpu.vector_store %arg13[%parallel_loop3A_223, %parallel_loop3A_224], %parallel_loop3A_227 {strides = array<i32>} : memref<50x128xf32, #tpu.memory_space<vmem>>, vector<1x16xf32>,
        %parallel_loop3A_228 = vector.extract_strided_slice %parallel_loop3A_183 {offsets = [3], sizes = [1], strides = [1]} : vector<16xf32> to vector<1xf32>
        %parallel_loop3A_229 = vector.extract %parallel_loop3A_228[0] : f32 from vector<1xf32>
        %parallel_loop3A_230 = arith.index_cast %parallel_loop3A_166 : i32 to index
        %parallel_loop3A_231 = arith.constant 48 : index
        %parallel_loop3A_232 = tpu.vector_load %arg13[%parallel_loop3A_230, %parallel_loop3A_231] {strides = array<i32>} : memref<50x128xf32, #tpu.memory_space<vmem>>, vector<1x16xf32>,
        %parallel_loop3A_233 = vector.shape_cast %parallel_loop3A_232 : vector<1x16xf32> to vector<16xf32>
        %parallel_loop3A_234 = vector.broadcast %parallel_loop3A_229 : f32 to vector<16xf32>
        %parallel_loop3A_235 = arith.mulf %parallel_loop3A_233, %parallel_loop3A_234 : vector<16xf32>
        %parallel_loop3A_236 = arith.index_cast %parallel_loop3A_166 : i32 to index
        %parallel_loop3A_237 = arith.constant 48 : index
        %parallel_loop3A_238 = tpu.vector_load %arg13[%parallel_loop3A_236, %parallel_loop3A_237] {strides = array<i32>} : memref<50x128xf32, #tpu.memory_space<vmem>>, vector<1x16xf32>,
        %parallel_loop3A_239 = vector.shape_cast %parallel_loop3A_238 : vector<1x16xf32> to vector<16xf32>
        %parallel_loop3A_240 = vector.shape_cast %parallel_loop3A_235 : vector<16xf32> to vector<1x16xf32>
        tpu.vector_store %arg13[%parallel_loop3A_236, %parallel_loop3A_237], %parallel_loop3A_240 {strides = array<i32>} : memref<50x128xf32, #tpu.memory_space<vmem>>, vector<1x16xf32>,
        %parallel_loop3A_241 = vector.extract_strided_slice %parallel_loop3A_183 {offsets = [4], sizes = [1], strides = [1]} : vector<16xf32> to vector<1xf32>
        %parallel_loop3A_242 = vector.extract %parallel_loop3A_241[0] : f32 from vector<1xf32>
        %parallel_loop3A_243 = arith.index_cast %parallel_loop3A_166 : i32 to index
        %parallel_loop3A_244 = arith.constant 64 : index
        %parallel_loop3A_245 = tpu.vector_load %arg13[%parallel_loop3A_243, %parallel_loop3A_244] {strides = array<i32>} : memref<50x128xf32, #tpu.memory_space<vmem>>, vector<1x16xf32>,
        %parallel_loop3A_246 = vector.shape_cast %parallel_loop3A_245 : vector<1x16xf32> to vector<16xf32>
        %parallel_loop3A_247 = vector.broadcast %parallel_loop3A_242 : f32 to vector<16xf32>
        %parallel_loop3A_248 = arith.mulf %parallel_loop3A_246, %parallel_loop3A_247 : vector<16xf32>
        %parallel_loop3A_249 = arith.index_cast %parallel_loop3A_166 : i32 to index
        %parallel_loop3A_250 = arith.constant 64 : index
        %parallel_loop3A_251 = tpu.vector_load %arg13[%parallel_loop3A_249, %parallel_loop3A_250] {strides = array<i32>} : memref<50x128xf32, #tpu.memory_space<vmem>>, vector<1x16xf32>,
        %parallel_loop3A_252 = vector.shape_cast %parallel_loop3A_251 : vector<1x16xf32> to vector<16xf32>
        %parallel_loop3A_253 = vector.shape_cast %parallel_loop3A_248 : vector<16xf32> to vector<1x16xf32>
        tpu.vector_store %arg13[%parallel_loop3A_249, %parallel_loop3A_250], %parallel_loop3A_253 {strides = array<i32>} : memref<50x128xf32, #tpu.memory_space<vmem>>, vector<1x16xf32>,
        %parallel_loop3A_254 = vector.extract_strided_slice %parallel_loop3A_183 {offsets = [5], sizes = [1], strides = [1]} : vector<16xf32> to vector<1xf32>
        %parallel_loop3A_255 = vector.extract %parallel_loop3A_254[0] : f32 from vector<1xf32>
        %parallel_loop3A_256 = arith.index_cast %parallel_loop3A_166 : i32 to index
        %parallel_loop3A_257 = arith.constant 80 : index
        %parallel_loop3A_258 = tpu.vector_load %arg13[%parallel_loop3A_256, %parallel_loop3A_257] {strides = array<i32>} : memref<50x128xf32, #tpu.memory_space<vmem>>, vector<1x16xf32>,
        %parallel_loop3A_259 = vector.shape_cast %parallel_loop3A_258 : vector<1x16xf32> to vector<16xf32>
        %parallel_loop3A_260 = vector.broadcast %parallel_loop3A_255 : f32 to vector<16xf32>
        %parallel_loop3A_261 = arith.mulf %parallel_loop3A_259, %parallel_loop3A_260 : vector<16xf32>
        %parallel_loop3A_262 = arith.index_cast %parallel_loop3A_166 : i32 to index
        %parallel_loop3A_263 = arith.constant 80 : index
        %parallel_loop3A_264 = tpu.vector_load %arg13[%parallel_loop3A_262, %parallel_loop3A_263] {strides = array<i32>} : memref<50x128xf32, #tpu.memory_space<vmem>>, vector<1x16xf32>,
        %parallel_loop3A_265 = vector.shape_cast %parallel_loop3A_264 : vector<1x16xf32> to vector<16xf32>
        %parallel_loop3A_266 = vector.shape_cast %parallel_loop3A_261 : vector<16xf32> to vector<1x16xf32>
        tpu.vector_store %arg13[%parallel_loop3A_262, %parallel_loop3A_263], %parallel_loop3A_266 {strides = array<i32>} : memref<50x128xf32, #tpu.memory_space<vmem>>, vector<1x16xf32>,
        %parallel_loop3A_267 = vector.extract_strided_slice %parallel_loop3A_183 {offsets = [6], sizes = [1], strides = [1]} : vector<16xf32> to vector<1xf32>
        %parallel_loop3A_268 = vector.extract %parallel_loop3A_267[0] : f32 from vector<1xf32>
        %parallel_loop3A_269 = arith.index_cast %parallel_loop3A_166 : i32 to index
        %parallel_loop3A_270 = arith.constant 96 : index
        %parallel_loop3A_271 = tpu.vector_load %arg13[%parallel_loop3A_269, %parallel_loop3A_270] {strides = array<i32>} : memref<50x128xf32, #tpu.memory_space<vmem>>, vector<1x16xf32>,
        %parallel_loop3A_272 = vector.shape_cast %parallel_loop3A_271 : vector<1x16xf32> to vector<16xf32>
        %parallel_loop3A_273 = vector.broadcast %parallel_loop3A_268 : f32 to vector<16xf32>
        %parallel_loop3A_274 = arith.mulf %parallel_loop3A_272, %parallel_loop3A_273 : vector<16xf32>
        %parallel_loop3A_275 = arith.index_cast %parallel_loop3A_166 : i32 to index
        %parallel_loop3A_276 = arith.constant 96 : index
        %parallel_loop3A_277 = tpu.vector_load %arg13[%parallel_loop3A_275, %parallel_loop3A_276] {strides = array<i32>} : memref<50x128xf32, #tpu.memory_space<vmem>>, vector<1x16xf32>,
        %parallel_loop3A_278 = vector.shape_cast %parallel_loop3A_277 : vector<1x16xf32> to vector<16xf32>
        %parallel_loop3A_279 = vector.shape_cast %parallel_loop3A_274 : vector<16xf32> to vector<1x16xf32>
        tpu.vector_store %arg13[%parallel_loop3A_275, %parallel_loop3A_276], %parallel_loop3A_279 {strides = array<i32>} : memref<50x128xf32, #tpu.memory_space<vmem>>, vector<1x16xf32>,
        %parallel_loop3A_280 = vector.extract_strided_slice %parallel_loop3A_183 {offsets = [7], sizes = [1], strides = [1]} : vector<16xf32> to vector<1xf32>
        %parallel_loop3A_281 = vector.extract %parallel_loop3A_280[0] : f32 from vector<1xf32>
        %parallel_loop3A_282 = arith.index_cast %parallel_loop3A_166 : i32 to index
        %parallel_loop3A_283 = arith.constant 112 : index
        %parallel_loop3A_284 = tpu.vector_load %arg13[%parallel_loop3A_282, %parallel_loop3A_283] {strides = array<i32>} : memref<50x128xf32, #tpu.memory_space<vmem>>, vector<1x16xf32>,
        %parallel_loop3A_285 = vector.shape_cast %parallel_loop3A_284 : vector<1x16xf32> to vector<16xf32>
        %parallel_loop3A_286 = vector.broadcast %parallel_loop3A_281 : f32 to vector<16xf32>
        %parallel_loop3A_287 = arith.mulf %parallel_loop3A_285, %parallel_loop3A_286 : vector<16xf32>
        %parallel_loop3A_288 = arith.index_cast %parallel_loop3A_166 : i32 to index
        %parallel_loop3A_289 = arith.constant 112 : index
        %parallel_loop3A_290 = tpu.vector_load %arg13[%parallel_loop3A_288, %parallel_loop3A_289] {strides = array<i32>} : memref<50x128xf32, #tpu.memory_space<vmem>>, vector<1x16xf32>,
        %parallel_loop3A_291 = vector.shape_cast %parallel_loop3A_290 : vector<1x16xf32> to vector<16xf32>
        %parallel_loop3A_292 = vector.shape_cast %parallel_loop3A_287 : vector<16xf32> to vector<1x16xf32>
        tpu.vector_store %arg13[%parallel_loop3A_288, %parallel_loop3A_289], %parallel_loop3A_292 {strides = array<i32>} : memref<50x128xf32, #tpu.memory_space<vmem>>, vector<1x16xf32>,
      } {sc.loop_unroll_factor = 4 : i64, sc.parallel_access}
      %dma_start3A_107 = arith.constant 0 : i32
      %dma_start3A_108 = tpu.memref_slice %arg12[%add3A_77, %dma_start3A_107] : memref<200x50xi32, #tpu.memory_space<vmem>> -> memref<1x50xi32, #tpu.memory_space<vmem>>
      %dma_start3A_109 = tpu.memref_squeeze %dma_start3A_108 : memref<1x50xi32, #tpu.memory_space<vmem>> -> memref<50xi32, #tpu.memory_space<vmem>>
      %dma_start3A_110 = arith.constant 0 : i32
      %dma_start3A_111 = arith.constant 0 : i32
      %dma_start3A_112 = tpu.memref_slice %arg25[%dma_start3A_110, %dma_start3A_111] : memref<10000x128xf32, #tpu.memory_space<vmem_shared>> -> memref<10000x128xf32, #tpu.memory_space<vmem_shared>>
      tpu.enqueue_indirect_dma source(%arg13 : memref<50x128xf32, #tpu.memory_space<vmem>>) target(%dma_start3A_112 : memref<10000x128xf32, #tpu.memory_space<vmem_shared>>) offsets(%dma_start3A_109 : memref<50xi32, #tpu.memory_space<vmem>>) semaphore(%arg23 : memref<!tpu.dma_semaphore, #tpu.memory_space<semaphore_mem>>) {add = true}
      %dma_start3A_113 = arith.constant 0 : i32
      %dma_start3A_114 = tpu.memref_slice %arg12[%add3A_77, %dma_start3A_113] : memref<200x50xi32, #tpu.memory_space<vmem>> -> memref<1x50xi32, #tpu.memory_space<vmem>>
      %dma_start3A_115 = tpu.memref_squeeze %dma_start3A_114 : memref<1x50xi32, #tpu.memory_space<vmem>> -> memref<50xi32, #tpu.memory_space<vmem>>
      %dma_start3A_116 = arith.constant 0 : i32
      %dma_start3A_117 = arith.constant 0 : i32
      %dma_start3A_118 = tpu.memref_slice %arg26[%dma_start3A_116, %dma_start3A_117] : memref<10000x16xf32, #tpu.memory_space<vmem_shared>> -> memref<10000x16xf32, #tpu.memory_space<vmem_shared>>
      tpu.enqueue_indirect_dma source(%arg19 : memref<50x16xf32, #tpu.memory_space<vmem>>) target(%dma_start3A_118 : memref<10000x16xf32, #tpu.memory_space<vmem_shared>>) offsets(%dma_start3A_115 : memref<50xi32, #tpu.memory_space<vmem>>) semaphore(%arg23 : memref<!tpu.dma_semaphore, #tpu.memory_space<semaphore_mem>>) {add = true}
      %mul3A_119 = arith.constant 2 : i32
      %mul3A_120 = arith.muli %scan3A_73, %mul3A_119 : i32
      %add3A_121 = arith.constant 1 : i32
      %add3A_122 = arith.addi %mul3A_120, %add3A_121 : i32
      %add3A_123 = arith.constant 1 : i32
      %add3A_124 = arith.addi %add3A_122, %add3A_123 : i32
      %lt3A_125 = arith.constant 200 : i32
      %lt3A_126 = arith.cmpi slt, %add3A_124, %lt3A_125 : i32
      %convert_element_type3A_127 = arith.extui %lt3A_126 : i1 to i32
      %cond3A_128 = arith.constant 0 : i32
      %cond3A_129 = arith.cmpi ne, %convert_element_type3A_127, %cond3A_128 : i32
      scf.if %cond3A_129 {
        %ge3A = arith.constant 1 : i32
        %ge3A_166 = arith.cmpi sge, %add3A_122, %ge3A : i32
        %convert_element_type3A_167 = arith.extui %ge3A_166 : i1 to i32
        %cond3A_168 = arith.constant 0 : i32
        %cond3A_169 = arith.cmpi ne, %convert_element_type3A_167, %cond3A_168 : i32
        scf.if %cond3A_169 {
          %dma_wait3A_190 = arith.constant 0 : i32
          %dma_wait3A_191 = arith.constant 0 : i32
          %dma_wait3A_192 = tpu.memref_slice %arg12[%dma_wait3A_190, %dma_wait3A_191] : memref<200x50xi32, #tpu.memory_space<vmem>> -> memref<1x50xi32, #tpu.memory_space<vmem>>
          %dma_wait3A_193 = tpu.memref_squeeze %dma_wait3A_192 : memref<1x50xi32, #tpu.memory_space<vmem>> -> memref<50xi32, #tpu.memory_space<vmem>>
          %dma_wait3A_194 = arith.constant 0 : i32
          %dma_wait3A_195 = arith.constant 0 : i32
          %dma_wait3A_196 = tpu.memref_slice %arg25[%dma_wait3A_194, %dma_wait3A_195] : memref<10000x128xf32, #tpu.memory_space<vmem_shared>> -> memref<10000x128xf32, #tpu.memory_space<vmem_shared>>
          tpu.wait_indirect_dma semaphore(%arg23 : memref<!tpu.dma_semaphore, #tpu.memory_space<semaphore_mem>>) src(%arg13 : memref<50x128xf32, #tpu.memory_space<vmem>>) dst(%dma_wait3A_196 : memref<10000x128xf32, #tpu.memory_space<vmem_shared>>)
          %dma_wait3A_197 = arith.constant 0 : i32
          %dma_wait3A_198 = arith.constant 0 : i32
          %dma_wait3A_199 = tpu.memref_slice %arg12[%dma_wait3A_197, %dma_wait3A_198] : memref<200x50xi32, #tpu.memory_space<vmem>> -> memref<1x50xi32, #tpu.memory_space<vmem>>
          %dma_wait3A_200 = tpu.memref_squeeze %dma_wait3A_199 : memref<1x50xi32, #tpu.memory_space<vmem>> -> memref<50xi32, #tpu.memory_space<vmem>>
          %dma_wait3A_201 = arith.constant 0 : i32
          %dma_wait3A_202 = arith.constant 0 : i32
          %dma_wait3A_203 = tpu.memref_slice %arg26[%dma_wait3A_201, %dma_wait3A_202] : memref<10000x16xf32, #tpu.memory_space<vmem_shared>> -> memref<10000x16xf32, #tpu.memory_space<vmem_shared>>
          tpu.wait_indirect_dma semaphore(%arg23 : memref<!tpu.dma_semaphore, #tpu.memory_space<semaphore_mem>>) src(%arg19 : memref<50x16xf32, #tpu.memory_space<vmem>>) dst(%dma_wait3A_203 : memref<10000x16xf32, #tpu.memory_space<vmem_shared>>)
        } else {
        }
        %add3A_170 = arith.constant 1 : i32
        %add3A_171 = arith.addi %add3A_122, %add3A_170 : i32
        %dma_start3A_172 = arith.constant 0 : i32
        %dma_start3A_173 = tpu.memref_slice %arg11[%add3A_171, %dma_start3A_172] : memref<200x50xi32, #tpu.memory_space<vmem>> -> memref<1x50xi32, #tpu.memory_space<vmem>>
        %dma_start3A_174 = tpu.memref_squeeze %dma_start3A_173 : memref<1x50xi32, #tpu.memory_space<vmem>> -> memref<50xi32, #tpu.memory_space<vmem>>
        %dma_start3A_175 = arith.constant 0 : i32
        %dma_start3A_176 = arith.constant 0 : i32
        %dma_start3A_177 = tpu.memref_slice %arg4[%dma_start3A_175, %dma_start3A_176] : memref<10000x128xf32, #tpu.memory_space<hbm>> -> memref<10000x128xf32, #tpu.memory_space<hbm>>
        tpu.enqueue_indirect_dma source(%dma_start3A_177 : memref<10000x128xf32, #tpu.memory_space<hbm>>) target(%arg13 : memref<50x128xf32, #tpu.memory_space<vmem>>) offsets(%dma_start3A_174 : memref<50xi32, #tpu.memory_space<vmem>>) semaphore(%arg21 : memref<!tpu.dma_semaphore, #tpu.memory_space<semaphore_mem>>)
        %dma_start3A_178 = arith.constant 0 : i32
        %dma_start3A_179 = tpu.memref_slice %arg11[%add3A_171, %dma_start3A_178] : memref<200x50xi32, #tpu.memory_space<vmem>> -> memref<1x50xi32, #tpu.memory_space<vmem>>
        %dma_start3A_180 = tpu.memref_squeeze %dma_start3A_179 : memref<1x50xi32, #tpu.memory_space<vmem>> -> memref<50xi32, #tpu.memory_space<vmem>>
        %dma_start3A_181 = arith.constant 0 : i32
        %dma_start3A_182 = arith.constant 0 : i32
        %dma_start3A_183 = tpu.memref_slice %arg5[%dma_start3A_181, %dma_start3A_182] : memref<10000x16xf32, #tpu.memory_space<hbm>> -> memref<10000x16xf32, #tpu.memory_space<hbm>>
        tpu.enqueue_indirect_dma source(%dma_start3A_183 : memref<10000x16xf32, #tpu.memory_space<hbm>>) target(%arg15 : memref<50x16xf32, #tpu.memory_space<vmem>>) offsets(%dma_start3A_180 : memref<50xi32, #tpu.memory_space<vmem>>) semaphore(%arg21 : memref<!tpu.dma_semaphore, #tpu.memory_space<semaphore_mem>>)
        %dma_start3A_184 = arith.constant 0 : i32
        %dma_start3A_185 = tpu.memref_slice %arg12[%add3A_171, %dma_start3A_184] : memref<200x50xi32, #tpu.memory_space<vmem>> -> memref<1x50xi32, #tpu.memory_space<vmem>>
        %dma_start3A_186 = tpu.memref_squeeze %dma_start3A_185 : memref<1x50xi32, #tpu.memory_space<vmem>> -> memref<50xi32, #tpu.memory_space<vmem>>
        %dma_start3A_187 = arith.constant 0 : i32
        %dma_start3A_188 = arith.constant 0 : i32
        %dma_start3A_189 = tpu.memref_slice %arg6[%dma_start3A_187, %dma_start3A_188] : memref<10000x16xf32, #tpu.memory_space<hbm>> -> memref<10000x16xf32, #tpu.memory_space<hbm>>
        tpu.enqueue_indirect_dma source(%dma_start3A_189 : memref<10000x16xf32, #tpu.memory_space<hbm>>) target(%arg17 : memref<50x16xf32, #tpu.memory_space<vmem>>) offsets(%dma_start3A_186 : memref<50xi32, #tpu.memory_space<vmem>>) semaphore(%arg21 : memref<!tpu.dma_semaphore, #tpu.memory_space<semaphore_mem>>)
      } else {
      }
      %dma_wait3A_130 = arith.constant 0 : i32
      %dma_wait3A_131 = arith.constant 0 : i32
      %dma_wait3A_132 = tpu.memref_slice %arg11[%dma_wait3A_130, %dma_wait3A_131] : memref<200x50xi32, #tpu.memory_space<vmem>> -> memref<1x50xi32, #tpu.memory_space<vmem>>
      %dma_wait3A_133 = tpu.memref_squeeze %dma_wait3A_132 : memref<1x50xi32, #tpu.memory_space<vmem>> -> memref<50xi32, #tpu.memory_space<vmem>>
      %dma_wait3A_134 = arith.constant 0 : i32
      %dma_wait3A_135 = arith.constant 0 : i32
      %dma_wait3A_136 = tpu.memref_slice %arg4[%dma_wait3A_134, %dma_wait3A_135] : memref<10000x128xf32, #tpu.memory_space<hbm>> -> memref<10000x128xf32, #tpu.memory_space<hbm>>
      tpu.wait_indirect_dma semaphore(%arg22 : memref<!tpu.dma_semaphore, #tpu.memory_space<semaphore_mem>>) src(%dma_wait3A_136 : memref<10000x128xf32, #tpu.memory_space<hbm>>) dst(%arg14 : memref<50x128xf32, #tpu.memory_space<vmem>>)
      %dma_wait3A_137 = arith.constant 0 : i32
      %dma_wait3A_138 = arith.constant 0 : i32
      %dma_wait3A_139 = tpu.memref_slice %arg11[%dma_wait3A_137, %dma_wait3A_138] : memref<200x50xi32, #tpu.memory_space<vmem>> -> memref<1x50xi32, #tpu.memory_space<vmem>>
      %dma_wait3A_140 = tpu.memref_squeeze %dma_wait3A_139 : memref<1x50xi32, #tpu.memory_space<vmem>> -> memref<50xi32, #tpu.memory_space<vmem>>
      %dma_wait3A_141 = arith.constant 0 : i32
      %dma_wait3A_142 = arith.constant 0 : i32
      %dma_wait3A_143 = tpu.memref_slice %arg5[%dma_wait3A_141, %dma_wait3A_142] : memref<10000x16xf32, #tpu.memory_space<hbm>> -> memref<10000x16xf32, #tpu.memory_space<hbm>>
      tpu.wait_indirect_dma semaphore(%arg22 : memref<!tpu.dma_semaphore, #tpu.memory_space<semaphore_mem>>) src(%dma_wait3A_143 : memref<10000x16xf32, #tpu.memory_space<hbm>>) dst(%arg16 : memref<50x16xf32, #tpu.memory_space<vmem>>)
      %dma_wait3A_144 = arith.constant 0 : i32
      %dma_wait3A_145 = arith.constant 0 : i32
      %dma_wait3A_146 = tpu.memref_slice %arg12[%dma_wait3A_144, %dma_wait3A_145] : memref<200x50xi32, #tpu.memory_space<vmem>> -> memref<1x50xi32, #tpu.memory_space<vmem>>
      %dma_wait3A_147 = tpu.memref_squeeze %dma_wait3A_146 : memref<1x50xi32, #tpu.memory_space<vmem>> -> memref<50xi32, #tpu.memory_space<vmem>>
      %dma_wait3A_148 = arith.constant 0 : i32
      %dma_wait3A_149 = arith.constant 0 : i32
      %dma_wait3A_150 = tpu.memref_slice %arg6[%dma_wait3A_148, %dma_wait3A_149] : memref<10000x16xf32, #tpu.memory_space<hbm>> -> memref<10000x16xf32, #tpu.memory_space<hbm>>
      tpu.wait_indirect_dma semaphore(%arg22 : memref<!tpu.dma_semaphore, #tpu.memory_space<semaphore_mem>>) src(%dma_wait3A_150 : memref<10000x16xf32, #tpu.memory_space<hbm>>) dst(%arg18 : memref<50x16xf32, #tpu.memory_space<vmem>>)
      %parallel_loop3A_151 = arith.constant 0 : i32
      %parallel_loop3A_152 = arith.constant 50 : i32
      %parallel_loop3A_153 = arith.constant 1 : i32
      scf.for %parallel_loop3A_166 = %parallel_loop3A_151 to %parallel_loop3A_152 step %parallel_loop3A_153  : i32 {
        %parallel_loop3A_167 = arith.index_cast %parallel_loop3A_166 : i32 to index
        %parallel_loop3A_168 = arith.constant 0 : index
        %parallel_loop3A_169 = tpu.vector_load %arg16[%parallel_loop3A_167, %parallel_loop3A_168] {strides = array<i32>} : memref<50x16xf32, #tpu.memory_space<vmem>>, vector<1x16xf32>,
        %parallel_loop3A_170 = vector.shape_cast %parallel_loop3A_169 : vector<1x16xf32> to vector<16xf32>
        %parallel_loop3A_171 = arith.index_cast %parallel_loop3A_166 : i32 to index
        %parallel_loop3A_172 = arith.constant 0 : index
        %parallel_loop3A_173 = tpu.vector_load %arg18[%parallel_loop3A_171, %parallel_loop3A_172] {strides = array<i32>} : memref<50x16xf32, #tpu.memory_space<vmem>>, vector<1x16xf32>,
        %parallel_loop3A_174 = vector.shape_cast %parallel_loop3A_173 : vector<1x16xf32> to vector<16xf32>
        %parallel_loop3A_175 = arith.addf %parallel_loop3A_170, %parallel_loop3A_174 : vector<16xf32>
        %parallel_loop3A_176 = arith.constant 0.000000e+00 : f32
        %parallel_loop3A_177 = vector.broadcast %parallel_loop3A_176 : f32 to vector<16xf32>
        %parallel_loop3A_178 = arith.cmpf oge, %parallel_loop3A_175, %parallel_loop3A_177 : vector<16xf32>
        %parallel_loop3A_179 = arith.constant 2.000000e-01 : f32
        %parallel_loop3A_180 = vector.broadcast %parallel_loop3A_179 : f32 to vector<16xf32>
        %parallel_loop3A_181 = arith.mulf %parallel_loop3A_175, %parallel_loop3A_180 : vector<16xf32>
        %parallel_loop3A_182 = arith.select %parallel_loop3A_178, %parallel_loop3A_175, %parallel_loop3A_181 : vector<16xi1>, vector<16xf32>
        %parallel_loop3A_183 = math.exp %parallel_loop3A_182 : vector<16xf32>
        %parallel_loop3A_184 = arith.index_cast %parallel_loop3A_166 : i32 to index
        %parallel_loop3A_185 = arith.constant 0 : index
        %parallel_loop3A_186 = tpu.vector_load %arg20[%parallel_loop3A_184, %parallel_loop3A_185] {strides = array<i32>} : memref<50x16xf32, #tpu.memory_space<vmem>>, vector<1x16xf32>,
        %parallel_loop3A_187 = vector.shape_cast %parallel_loop3A_186 : vector<1x16xf32> to vector<16xf32>
        %parallel_loop3A_188 = vector.shape_cast %parallel_loop3A_183 : vector<16xf32> to vector<1x16xf32>
        tpu.vector_store %arg20[%parallel_loop3A_184, %parallel_loop3A_185], %parallel_loop3A_188 {strides = array<i32>} : memref<50x16xf32, #tpu.memory_space<vmem>>, vector<1x16xf32>,
        %parallel_loop3A_189 = vector.extract_strided_slice %parallel_loop3A_183 {offsets = [0], sizes = [1], strides = [1]} : vector<16xf32> to vector<1xf32>
        %parallel_loop3A_190 = vector.extract %parallel_loop3A_189[0] : f32 from vector<1xf32>
        %parallel_loop3A_191 = arith.index_cast %parallel_loop3A_166 : i32 to index
        %parallel_loop3A_192 = arith.constant 0 : index
        %parallel_loop3A_193 = tpu.vector_load %arg14[%parallel_loop3A_191, %parallel_loop3A_192] {strides = array<i32>} : memref<50x128xf32, #tpu.memory_space<vmem>>, vector<1x16xf32>,
        %parallel_loop3A_194 = vector.shape_cast %parallel_loop3A_193 : vector<1x16xf32> to vector<16xf32>
        %parallel_loop3A_195 = vector.broadcast %parallel_loop3A_190 : f32 to vector<16xf32>
        %parallel_loop3A_196 = arith.mulf %parallel_loop3A_194, %parallel_loop3A_195 : vector<16xf32>
        %parallel_loop3A_197 = arith.index_cast %parallel_loop3A_166 : i32 to index
        %parallel_loop3A_198 = arith.constant 0 : index
        %parallel_loop3A_199 = tpu.vector_load %arg14[%parallel_loop3A_197, %parallel_loop3A_198] {strides = array<i32>} : memref<50x128xf32, #tpu.memory_space<vmem>>, vector<1x16xf32>,
        %parallel_loop3A_200 = vector.shape_cast %parallel_loop3A_199 : vector<1x16xf32> to vector<16xf32>
        %parallel_loop3A_201 = vector.shape_cast %parallel_loop3A_196 : vector<16xf32> to vector<1x16xf32>
        tpu.vector_store %arg14[%parallel_loop3A_197, %parallel_loop3A_198], %parallel_loop3A_201 {strides = array<i32>} : memref<50x128xf32, #tpu.memory_space<vmem>>, vector<1x16xf32>,
        %parallel_loop3A_202 = vector.extract_strided_slice %parallel_loop3A_183 {offsets = [1], sizes = [1], strides = [1]} : vector<16xf32> to vector<1xf32>
        %parallel_loop3A_203 = vector.extract %parallel_loop3A_202[0] : f32 from vector<1xf32>
        %parallel_loop3A_204 = arith.index_cast %parallel_loop3A_166 : i32 to index
        %parallel_loop3A_205 = arith.constant 16 : index
        %parallel_loop3A_206 = tpu.vector_load %arg14[%parallel_loop3A_204, %parallel_loop3A_205] {strides = array<i32>} : memref<50x128xf32, #tpu.memory_space<vmem>>, vector<1x16xf32>,
        %parallel_loop3A_207 = vector.shape_cast %parallel_loop3A_206 : vector<1x16xf32> to vector<16xf32>
        %parallel_loop3A_208 = vector.broadcast %parallel_loop3A_203 : f32 to vector<16xf32>
        %parallel_loop3A_209 = arith.mulf %parallel_loop3A_207, %parallel_loop3A_208 : vector<16xf32>
        %parallel_loop3A_210 = arith.index_cast %parallel_loop3A_166 : i32 to index
        %parallel_loop3A_211 = arith.constant 16 : index
        %parallel_loop3A_212 = tpu.vector_load %arg14[%parallel_loop3A_210, %parallel_loop3A_211] {strides = array<i32>} : memref<50x128xf32, #tpu.memory_space<vmem>>, vector<1x16xf32>,
        %parallel_loop3A_213 = vector.shape_cast %parallel_loop3A_212 : vector<1x16xf32> to vector<16xf32>
        %parallel_loop3A_214 = vector.shape_cast %parallel_loop3A_209 : vector<16xf32> to vector<1x16xf32>
        tpu.vector_store %arg14[%parallel_loop3A_210, %parallel_loop3A_211], %parallel_loop3A_214 {strides = array<i32>} : memref<50x128xf32, #tpu.memory_space<vmem>>, vector<1x16xf32>,
        %parallel_loop3A_215 = vector.extract_strided_slice %parallel_loop3A_183 {offsets = [2], sizes = [1], strides = [1]} : vector<16xf32> to vector<1xf32>
        %parallel_loop3A_216 = vector.extract %parallel_loop3A_215[0] : f32 from vector<1xf32>
        %parallel_loop3A_217 = arith.index_cast %parallel_loop3A_166 : i32 to index
        %parallel_loop3A_218 = arith.constant 32 : index
        %parallel_loop3A_219 = tpu.vector_load %arg14[%parallel_loop3A_217, %parallel_loop3A_218] {strides = array<i32>} : memref<50x128xf32, #tpu.memory_space<vmem>>, vector<1x16xf32>,
        %parallel_loop3A_220 = vector.shape_cast %parallel_loop3A_219 : vector<1x16xf32> to vector<16xf32>
        %parallel_loop3A_221 = vector.broadcast %parallel_loop3A_216 : f32 to vector<16xf32>
        %parallel_loop3A_222 = arith.mulf %parallel_loop3A_220, %parallel_loop3A_221 : vector<16xf32>
        %parallel_loop3A_223 = arith.index_cast %parallel_loop3A_166 : i32 to index
        %parallel_loop3A_224 = arith.constant 32 : index
        %parallel_loop3A_225 = tpu.vector_load %arg14[%parallel_loop3A_223, %parallel_loop3A_224] {strides = array<i32>} : memref<50x128xf32, #tpu.memory_space<vmem>>, vector<1x16xf32>,
        %parallel_loop3A_226 = vector.shape_cast %parallel_loop3A_225 : vector<1x16xf32> to vector<16xf32>
        %parallel_loop3A_227 = vector.shape_cast %parallel_loop3A_222 : vector<16xf32> to vector<1x16xf32>
        tpu.vector_store %arg14[%parallel_loop3A_223, %parallel_loop3A_224], %parallel_loop3A_227 {strides = array<i32>} : memref<50x128xf32, #tpu.memory_space<vmem>>, vector<1x16xf32>,
        %parallel_loop3A_228 = vector.extract_strided_slice %parallel_loop3A_183 {offsets = [3], sizes = [1], strides = [1]} : vector<16xf32> to vector<1xf32>
        %parallel_loop3A_229 = vector.extract %parallel_loop3A_228[0] : f32 from vector<1xf32>
        %parallel_loop3A_230 = arith.index_cast %parallel_loop3A_166 : i32 to index
        %parallel_loop3A_231 = arith.constant 48 : index
        %parallel_loop3A_232 = tpu.vector_load %arg14[%parallel_loop3A_230, %parallel_loop3A_231] {strides = array<i32>} : memref<50x128xf32, #tpu.memory_space<vmem>>, vector<1x16xf32>,
        %parallel_loop3A_233 = vector.shape_cast %parallel_loop3A_232 : vector<1x16xf32> to vector<16xf32>
        %parallel_loop3A_234 = vector.broadcast %parallel_loop3A_229 : f32 to vector<16xf32>
        %parallel_loop3A_235 = arith.mulf %parallel_loop3A_233, %parallel_loop3A_234 : vector<16xf32>
        %parallel_loop3A_236 = arith.index_cast %parallel_loop3A_166 : i32 to index
        %parallel_loop3A_237 = arith.constant 48 : index
        %parallel_loop3A_238 = tpu.vector_load %arg14[%parallel_loop3A_236, %parallel_loop3A_237] {strides = array<i32>} : memref<50x128xf32, #tpu.memory_space<vmem>>, vector<1x16xf32>,
        %parallel_loop3A_239 = vector.shape_cast %parallel_loop3A_238 : vector<1x16xf32> to vector<16xf32>
        %parallel_loop3A_240 = vector.shape_cast %parallel_loop3A_235 : vector<16xf32> to vector<1x16xf32>
        tpu.vector_store %arg14[%parallel_loop3A_236, %parallel_loop3A_237], %parallel_loop3A_240 {strides = array<i32>} : memref<50x128xf32, #tpu.memory_space<vmem>>, vector<1x16xf32>,
        %parallel_loop3A_241 = vector.extract_strided_slice %parallel_loop3A_183 {offsets = [4], sizes = [1], strides = [1]} : vector<16xf32> to vector<1xf32>
        %parallel_loop3A_242 = vector.extract %parallel_loop3A_241[0] : f32 from vector<1xf32>
        %parallel_loop3A_243 = arith.index_cast %parallel_loop3A_166 : i32 to index
        %parallel_loop3A_244 = arith.constant 64 : index
        %parallel_loop3A_245 = tpu.vector_load %arg14[%parallel_loop3A_243, %parallel_loop3A_244] {strides = array<i32>} : memref<50x128xf32, #tpu.memory_space<vmem>>, vector<1x16xf32>,
        %parallel_loop3A_246 = vector.shape_cast %parallel_loop3A_245 : vector<1x16xf32> to vector<16xf32>
        %parallel_loop3A_247 = vector.broadcast %parallel_loop3A_242 : f32 to vector<16xf32>
        %parallel_loop3A_248 = arith.mulf %parallel_loop3A_246, %parallel_loop3A_247 : vector<16xf32>
        %parallel_loop3A_249 = arith.index_cast %parallel_loop3A_166 : i32 to index
        %parallel_loop3A_250 = arith.constant 64 : index
        %parallel_loop3A_251 = tpu.vector_load %arg14[%parallel_loop3A_249, %parallel_loop3A_250] {strides = array<i32>} : memref<50x128xf32, #tpu.memory_space<vmem>>, vector<1x16xf32>,
        %parallel_loop3A_252 = vector.shape_cast %parallel_loop3A_251 : vector<1x16xf32> to vector<16xf32>
        %parallel_loop3A_253 = vector.shape_cast %parallel_loop3A_248 : vector<16xf32> to vector<1x16xf32>
        tpu.vector_store %arg14[%parallel_loop3A_249, %parallel_loop3A_250], %parallel_loop3A_253 {strides = array<i32>} : memref<50x128xf32, #tpu.memory_space<vmem>>, vector<1x16xf32>,
        %parallel_loop3A_254 = vector.extract_strided_slice %parallel_loop3A_183 {offsets = [5], sizes = [1], strides = [1]} : vector<16xf32> to vector<1xf32>
        %parallel_loop3A_255 = vector.extract %parallel_loop3A_254[0] : f32 from vector<1xf32>
        %parallel_loop3A_256 = arith.index_cast %parallel_loop3A_166 : i32 to index
        %parallel_loop3A_257 = arith.constant 80 : index
        %parallel_loop3A_258 = tpu.vector_load %arg14[%parallel_loop3A_256, %parallel_loop3A_257] {strides = array<i32>} : memref<50x128xf32, #tpu.memory_space<vmem>>, vector<1x16xf32>,
        %parallel_loop3A_259 = vector.shape_cast %parallel_loop3A_258 : vector<1x16xf32> to vector<16xf32>
        %parallel_loop3A_260 = vector.broadcast %parallel_loop3A_255 : f32 to vector<16xf32>
        %parallel_loop3A_261 = arith.mulf %parallel_loop3A_259, %parallel_loop3A_260 : vector<16xf32>
        %parallel_loop3A_262 = arith.index_cast %parallel_loop3A_166 : i32 to index
        %parallel_loop3A_263 = arith.constant 80 : index
        %parallel_loop3A_264 = tpu.vector_load %arg14[%parallel_loop3A_262, %parallel_loop3A_263] {strides = array<i32>} : memref<50x128xf32, #tpu.memory_space<vmem>>, vector<1x16xf32>,
        %parallel_loop3A_265 = vector.shape_cast %parallel_loop3A_264 : vector<1x16xf32> to vector<16xf32>
        %parallel_loop3A_266 = vector.shape_cast %parallel_loop3A_261 : vector<16xf32> to vector<1x16xf32>
        tpu.vector_store %arg14[%parallel_loop3A_262, %parallel_loop3A_263], %parallel_loop3A_266 {strides = array<i32>} : memref<50x128xf32, #tpu.memory_space<vmem>>, vector<1x16xf32>,
        %parallel_loop3A_267 = vector.extract_strided_slice %parallel_loop3A_183 {offsets = [6], sizes = [1], strides = [1]} : vector<16xf32> to vector<1xf32>
        %parallel_loop3A_268 = vector.extract %parallel_loop3A_267[0] : f32 from vector<1xf32>
        %parallel_loop3A_269 = arith.index_cast %parallel_loop3A_166 : i32 to index
        %parallel_loop3A_270 = arith.constant 96 : index
        %parallel_loop3A_271 = tpu.vector_load %arg14[%parallel_loop3A_269, %parallel_loop3A_270] {strides = array<i32>} : memref<50x128xf32, #tpu.memory_space<vmem>>, vector<1x16xf32>,
        %parallel_loop3A_272 = vector.shape_cast %parallel_loop3A_271 : vector<1x16xf32> to vector<16xf32>
        %parallel_loop3A_273 = vector.broadcast %parallel_loop3A_268 : f32 to vector<16xf32>
        %parallel_loop3A_274 = arith.mulf %parallel_loop3A_272, %parallel_loop3A_273 : vector<16xf32>
        %parallel_loop3A_275 = arith.index_cast %parallel_loop3A_166 : i32 to index
        %parallel_loop3A_276 = arith.constant 96 : index
        %parallel_loop3A_277 = tpu.vector_load %arg14[%parallel_loop3A_275, %parallel_loop3A_276] {strides = array<i32>} : memref<50x128xf32, #tpu.memory_space<vmem>>, vector<1x16xf32>,
        %parallel_loop3A_278 = vector.shape_cast %parallel_loop3A_277 : vector<1x16xf32> to vector<16xf32>
        %parallel_loop3A_279 = vector.shape_cast %parallel_loop3A_274 : vector<16xf32> to vector<1x16xf32>
        tpu.vector_store %arg14[%parallel_loop3A_275, %parallel_loop3A_276], %parallel_loop3A_279 {strides = array<i32>} : memref<50x128xf32, #tpu.memory_space<vmem>>, vector<1x16xf32>,
        %parallel_loop3A_280 = vector.extract_strided_slice %parallel_loop3A_183 {offsets = [7], sizes = [1], strides = [1]} : vector<16xf32> to vector<1xf32>
        %parallel_loop3A_281 = vector.extract %parallel_loop3A_280[0] : f32 from vector<1xf32>
        %parallel_loop3A_282 = arith.index_cast %parallel_loop3A_166 : i32 to index
        %parallel_loop3A_283 = arith.constant 112 : index
        %parallel_loop3A_284 = tpu.vector_load %arg14[%parallel_loop3A_282, %parallel_loop3A_283] {strides = array<i32>} : memref<50x128xf32, #tpu.memory_space<vmem>>, vector<1x16xf32>,
        %parallel_loop3A_285 = vector.shape_cast %parallel_loop3A_284 : vector<1x16xf32> to vector<16xf32>
        %parallel_loop3A_286 = vector.broadcast %parallel_loop3A_281 : f32 to vector<16xf32>
        %parallel_loop3A_287 = arith.mulf %parallel_loop3A_285, %parallel_loop3A_286 : vector<16xf32>
        %parallel_loop3A_288 = arith.index_cast %parallel_loop3A_166 : i32 to index
        %parallel_loop3A_289 = arith.constant 112 : index
        %parallel_loop3A_290 = tpu.vector_load %arg14[%parallel_loop3A_288, %parallel_loop3A_289] {strides = array<i32>} : memref<50x128xf32, #tpu.memory_space<vmem>>, vector<1x16xf32>,
        %parallel_loop3A_291 = vector.shape_cast %parallel_loop3A_290 : vector<1x16xf32> to vector<16xf32>
        %parallel_loop3A_292 = vector.shape_cast %parallel_loop3A_287 : vector<16xf32> to vector<1x16xf32>
        tpu.vector_store %arg14[%parallel_loop3A_288, %parallel_loop3A_289], %parallel_loop3A_292 {strides = array<i32>} : memref<50x128xf32, #tpu.memory_space<vmem>>, vector<1x16xf32>,
      } {sc.loop_unroll_factor = 4 : i64, sc.parallel_access}
      %dma_start3A_154 = arith.constant 0 : i32
      %dma_start3A_155 = tpu.memref_slice %arg12[%add3A_122, %dma_start3A_154] : memref<200x50xi32, #tpu.memory_space<vmem>> -> memref<1x50xi32, #tpu.memory_space<vmem>>
      %dma_start3A_156 = tpu.memref_squeeze %dma_start3A_155 : memref<1x50xi32, #tpu.memory_space<vmem>> -> memref<50xi32, #tpu.memory_space<vmem>>
      %dma_start3A_157 = arith.constant 0 : i32
      %dma_start3A_158 = arith.constant 0 : i32
      %dma_start3A_159 = tpu.memref_slice %arg25[%dma_start3A_157, %dma_start3A_158] : memref<10000x128xf32, #tpu.memory_space<vmem_shared>> -> memref<10000x128xf32, #tpu.memory_space<vmem_shared>>
      tpu.enqueue_indirect_dma source(%arg14 : memref<50x128xf32, #tpu.memory_space<vmem>>) target(%dma_start3A_159 : memref<10000x128xf32, #tpu.memory_space<vmem_shared>>) offsets(%dma_start3A_156 : memref<50xi32, #tpu.memory_space<vmem>>) semaphore(%arg24 : memref<!tpu.dma_semaphore, #tpu.memory_space<semaphore_mem>>) {add = true}
      %dma_start3A_160 = arith.constant 0 : i32
      %dma_start3A_161 = tpu.memref_slice %arg12[%add3A_122, %dma_start3A_160] : memref<200x50xi32, #tpu.memory_space<vmem>> -> memref<1x50xi32, #tpu.memory_space<vmem>>
      %dma_start3A_162 = tpu.memref_squeeze %dma_start3A_161 : memref<1x50xi32, #tpu.memory_space<vmem>> -> memref<50xi32, #tpu.memory_space<vmem>>
      %dma_start3A_163 = arith.constant 0 : i32
      %dma_start3A_164 = arith.constant 0 : i32
      %dma_start3A_165 = tpu.memref_slice %arg26[%dma_start3A_163, %dma_start3A_164] : memref<10000x16xf32, #tpu.memory_space<vmem_shared>> -> memref<10000x16xf32, #tpu.memory_space<vmem_shared>>
      tpu.enqueue_indirect_dma source(%arg20 : memref<50x16xf32, #tpu.memory_space<vmem>>) target(%dma_start3A_165 : memref<10000x16xf32, #tpu.memory_space<vmem_shared>>) offsets(%dma_start3A_162 : memref<50xi32, #tpu.memory_space<vmem>>) semaphore(%arg24 : memref<!tpu.dma_semaphore, #tpu.memory_space<semaphore_mem>>) {add = true}
    }
    %scan3A_31 = arith.constant 100 : i32
    %dma_wait3A = arith.constant 0 : i32
    %dma_wait3A_32 = arith.constant 0 : i32
    %dma_wait3A_33 = tpu.memref_slice %arg12[%dma_wait3A, %dma_wait3A_32] : memref<200x50xi32, #tpu.memory_space<vmem>> -> memref<1x50xi32, #tpu.memory_space<vmem>>
    %dma_wait3A_34 = tpu.memref_squeeze %dma_wait3A_33 : memref<1x50xi32, #tpu.memory_space<vmem>> -> memref<50xi32, #tpu.memory_space<vmem>>
    %dma_wait3A_35 = arith.constant 0 : i32
    %dma_wait3A_36 = arith.constant 0 : i32
    %dma_wait3A_37 = tpu.memref_slice %arg25[%dma_wait3A_35, %dma_wait3A_36] : memref<10000x128xf32, #tpu.memory_space<vmem_shared>> -> memref<10000x128xf32, #tpu.memory_space<vmem_shared>>
    tpu.wait_indirect_dma semaphore(%arg23 : memref<!tpu.dma_semaphore, #tpu.memory_space<semaphore_mem>>) src(%arg13 : memref<50x128xf32, #tpu.memory_space<vmem>>) dst(%dma_wait3A_37 : memref<10000x128xf32, #tpu.memory_space<vmem_shared>>)
    %dma_wait3A_38 = arith.constant 0 : i32
    %dma_wait3A_39 = arith.constant 0 : i32
    %dma_wait3A_40 = tpu.memref_slice %arg12[%dma_wait3A_38, %dma_wait3A_39] : memref<200x50xi32, #tpu.memory_space<vmem>> -> memref<1x50xi32, #tpu.memory_space<vmem>>
    %dma_wait3A_41 = tpu.memref_squeeze %dma_wait3A_40 : memref<1x50xi32, #tpu.memory_space<vmem>> -> memref<50xi32, #tpu.memory_space<vmem>>
    %dma_wait3A_42 = arith.constant 0 : i32
    %dma_wait3A_43 = arith.constant 0 : i32
    %dma_wait3A_44 = tpu.memref_slice %arg26[%dma_wait3A_42, %dma_wait3A_43] : memref<10000x16xf32, #tpu.memory_space<vmem_shared>> -> memref<10000x16xf32, #tpu.memory_space<vmem_shared>>
    tpu.wait_indirect_dma semaphore(%arg23 : memref<!tpu.dma_semaphore, #tpu.memory_space<semaphore_mem>>) src(%arg19 : memref<50x16xf32, #tpu.memory_space<vmem>>) dst(%dma_wait3A_44 : memref<10000x16xf32, #tpu.memory_space<vmem_shared>>)
    %dma_wait3A_45 = arith.constant 0 : i32
    %dma_wait3A_46 = arith.constant 0 : i32
    %dma_wait3A_47 = tpu.memref_slice %arg12[%dma_wait3A_45, %dma_wait3A_46] : memref<200x50xi32, #tpu.memory_space<vmem>> -> memref<1x50xi32, #tpu.memory_space<vmem>>
    %dma_wait3A_48 = tpu.memref_squeeze %dma_wait3A_47 : memref<1x50xi32, #tpu.memory_space<vmem>> -> memref<50xi32, #tpu.memory_space<vmem>>
    %dma_wait3A_49 = arith.constant 0 : i32
    %dma_wait3A_50 = arith.constant 0 : i32
    %dma_wait3A_51 = tpu.memref_slice %arg25[%dma_wait3A_49, %dma_wait3A_50] : memref<10000x128xf32, #tpu.memory_space<vmem_shared>> -> memref<10000x128xf32, #tpu.memory_space<vmem_shared>>
    tpu.wait_indirect_dma semaphore(%arg24 : memref<!tpu.dma_semaphore, #tpu.memory_space<semaphore_mem>>) src(%arg14 : memref<50x128xf32, #tpu.memory_space<vmem>>) dst(%dma_wait3A_51 : memref<10000x128xf32, #tpu.memory_space<vmem_shared>>)
    %dma_wait3A_52 = arith.constant 0 : i32
    %dma_wait3A_53 = arith.constant 0 : i32
    %dma_wait3A_54 = tpu.memref_slice %arg12[%dma_wait3A_52, %dma_wait3A_53] : memref<200x50xi32, #tpu.memory_space<vmem>> -> memref<1x50xi32, #tpu.memory_space<vmem>>
    %dma_wait3A_55 = tpu.memref_squeeze %dma_wait3A_54 : memref<1x50xi32, #tpu.memory_space<vmem>> -> memref<50xi32, #tpu.memory_space<vmem>>
    %dma_wait3A_56 = arith.constant 0 : i32
    %dma_wait3A_57 = arith.constant 0 : i32
    %dma_wait3A_58 = tpu.memref_slice %arg26[%dma_wait3A_56, %dma_wait3A_57] : memref<10000x16xf32, #tpu.memory_space<vmem_shared>> -> memref<10000x16xf32, #tpu.memory_space<vmem_shared>>
    tpu.wait_indirect_dma semaphore(%arg24 : memref<!tpu.dma_semaphore, #tpu.memory_space<semaphore_mem>>) src(%arg20 : memref<50x16xf32, #tpu.memory_space<vmem>>) dst(%dma_wait3A_58 : memref<10000x16xf32, #tpu.memory_space<vmem_shared>>)
    %barrier3A_59 = arith.constant 0 : index
    tpu.barrier barrier_id(%barrier3A_59)
    %mul3A_60 = arith.constant 624 : i32
    %mul3A_61 = arith.muli %arg1, %mul3A_60 : i32
    %mul3A_62 = arith.constant 624 : i32
    %mul3A_63 = arith.muli %arg1, %mul3A_62 : i32
    "tpu.region"() ({
      %run_scoped3A = tpu.sem_alloc : memref<!tpu.dma_semaphore, #tpu.memory_space<semaphore_mem>>
      %dma_start3A_73 = arith.constant 0 : i32
      %dma_start3A_74 = tpu.memref_slice %arg9[%arg0, %mul3A_63, %dma_start3A_73] : memref<2x10000x128xf32, #tpu.memory_space<hbm>> -> memref<1x624x128xf32, #tpu.memory_space<hbm>>
      %dma_start3A_75 = tpu.memref_squeeze %dma_start3A_74 : memref<1x624x128xf32, #tpu.memory_space<hbm>> -> memref<624x128xf32, #tpu.memory_space<hbm>>
      %dma_start3A_76 = arith.constant 0 : i32
      %dma_start3A_77 = tpu.memref_slice %arg25[%mul3A_61, %dma_start3A_76] : memref<10000x128xf32, #tpu.memory_space<vmem_shared>> -> memref<624x128xf32, #tpu.memory_space<vmem_shared>>
      tpu.enqueue_dma source(%dma_start3A_77 : memref<624x128xf32, #tpu.memory_space<vmem_shared>>) target(%dma_start3A_75 : memref<624x128xf32, #tpu.memory_space<hbm>>) target_semaphore(%run_scoped3A : memref<!tpu.dma_semaphore, #tpu.memory_space<semaphore_mem>>)
      %dma_wait3A_78 = arith.constant 0 : i32
      %dma_wait3A_79 = tpu.memref_slice %arg9[%arg0, %mul3A_63, %dma_wait3A_78] : memref<2x10000x128xf32, #tpu.memory_space<hbm>> -> memref<1x624x128xf32, #tpu.memory_space<hbm>>
      %dma_wait3A_80 = tpu.memref_squeeze %dma_wait3A_79 : memref<1x624x128xf32, #tpu.memory_space<hbm>> -> memref<624x128xf32, #tpu.memory_space<hbm>>
      %dma_wait3A_81 = arith.constant 0 : i32
      %dma_wait3A_82 = tpu.memref_slice %arg25[%mul3A_61, %dma_wait3A_81] : memref<10000x128xf32, #tpu.memory_space<vmem_shared>> -> memref<624x128xf32, #tpu.memory_space<vmem_shared>>
      tpu.wait_dma2 semaphore(%run_scoped3A : memref<!tpu.dma_semaphore, #tpu.memory_space<semaphore_mem>>) src(%dma_wait3A_82 : memref<624x128xf32, #tpu.memory_space<vmem_shared>>) dst(%dma_wait3A_80 : memref<624x128xf32, #tpu.memory_space<hbm>>)
      tpu.yield
    }) : () -> ()
    %mul3A_64 = arith.constant 624 : i32
    %mul3A_65 = arith.muli %arg1, %mul3A_64 : i32
    %mul3A_66 = arith.constant 624 : i32
    %mul3A_67 = arith.muli %arg1, %mul3A_66 : i32
    "tpu.region"() ({
      %run_scoped3A = tpu.sem_alloc : memref<!tpu.dma_semaphore, #tpu.memory_space<semaphore_mem>>
      %dma_start3A_73 = arith.constant 0 : i32
      %dma_start3A_74 = tpu.memref_slice %arg10[%arg0, %mul3A_67, %dma_start3A_73] : memref<2x10000x16xf32, #tpu.memory_space<hbm>> -> memref<1x624x16xf32, #tpu.memory_space<hbm>>
      %dma_start3A_75 = tpu.memref_squeeze %dma_start3A_74 : memref<1x624x16xf32, #tpu.memory_space<hbm>> -> memref<624x16xf32, #tpu.memory_space<hbm>>
      %dma_start3A_76 = arith.constant 0 : i32
      %dma_start3A_77 = tpu.memref_slice %arg26[%mul3A_65, %dma_start3A_76] : memref<10000x16xf32, #tpu.memory_space<vmem_shared>> -> memref<624x16xf32, #tpu.memory_space<vmem_shared>>
      tpu.enqueue_dma source(%dma_start3A_77 : memref<624x16xf32, #tpu.memory_space<vmem_shared>>) target(%dma_start3A_75 : memref<624x16xf32, #tpu.memory_space<hbm>>) target_semaphore(%run_scoped3A : memref<!tpu.dma_semaphore, #tpu.memory_space<semaphore_mem>>)
      %dma_wait3A_78 = arith.constant 0 : i32
      %dma_wait3A_79 = tpu.memref_slice %arg10[%arg0, %mul3A_67, %dma_wait3A_78] : memref<2x10000x16xf32, #tpu.memory_space<hbm>> -> memref<1x624x16xf32, #tpu.memory_space<hbm>>
      %dma_wait3A_80 = tpu.memref_squeeze %dma_wait3A_79 : memref<1x624x16xf32, #tpu.memory_space<hbm>> -> memref<624x16xf32, #tpu.memory_space<hbm>>
      %dma_wait3A_81 = arith.constant 0 : i32
      %dma_wait3A_82 = tpu.memref_slice %arg26[%mul3A_65, %dma_wait3A_81] : memref<10000x16xf32, #tpu.memory_space<vmem_shared>> -> memref<624x16xf32, #tpu.memory_space<vmem_shared>>
      tpu.wait_dma2 semaphore(%run_scoped3A : memref<!tpu.dma_semaphore, #tpu.memory_space<semaphore_mem>>) src(%dma_wait3A_82 : memref<624x16xf32, #tpu.memory_space<vmem_shared>>) dst(%dma_wait3A_80 : memref<624x16xf32, #tpu.memory_space<hbm>>)
      tpu.yield
    }) : () -> ()
    %eq3A_68 = arith.constant 15 : i32
    %eq3A_69 = arith.cmpi eq, %arg1, %eq3A_68 : i32
    %convert_element_type3A_70 = arith.extui %eq3A_69 : i1 to i32
    %cond3A_71 = arith.constant 0 : i32
    %cond3A_72 = arith.cmpi ne, %convert_element_type3A_70, %cond3A_71 : i32
    scf.if %cond3A_72 {
      "tpu.region"() ({
        %run_scoped3A = tpu.sem_alloc : memref<!tpu.dma_semaphore, #tpu.memory_space<semaphore_mem>>
        %dma_start3A_73 = arith.constant 9984 : i32
        %dma_start3A_74 = arith.constant 0 : i32
        %dma_start3A_75 = tpu.memref_slice %arg9[%arg0, %dma_start3A_73, %dma_start3A_74] : memref<2x10000x128xf32, #tpu.memory_space<hbm>> -> memref<1x16x128xf32, #tpu.memory_space<hbm>>
        %dma_start3A_76 = tpu.memref_squeeze %dma_start3A_75 : memref<1x16x128xf32, #tpu.memory_space<hbm>> -> memref<16x128xf32, #tpu.memory_space<hbm>>
        %dma_start3A_77 = arith.constant 9984 : i32
        %dma_start3A_78 = arith.constant 0 : i32
        %dma_start3A_79 = tpu.memref_slice %arg25[%dma_start3A_77, %dma_start3A_78] : memref<10000x128xf32, #tpu.memory_space<vmem_shared>> -> memref<16x128xf32, #tpu.memory_space<vmem_shared>>
        tpu.enqueue_dma source(%dma_start3A_79 : memref<16x128xf32, #tpu.memory_space<vmem_shared>>) target(%dma_start3A_76 : memref<16x128xf32, #tpu.memory_space<hbm>>) target_semaphore(%run_scoped3A : memref<!tpu.dma_semaphore, #tpu.memory_space<semaphore_mem>>)
        %dma_wait3A_80 = arith.constant 9984 : i32
        %dma_wait3A_81 = arith.constant 0 : i32
        %dma_wait3A_82 = tpu.memref_slice %arg9[%arg0, %dma_wait3A_80, %dma_wait3A_81] : memref<2x10000x128xf32, #tpu.memory_space<hbm>> -> memref<1x16x128xf32, #tpu.memory_space<hbm>>
        %dma_wait3A_83 = tpu.memref_squeeze %dma_wait3A_82 : memref<1x16x128xf32, #tpu.memory_space<hbm>> -> memref<16x128xf32, #tpu.memory_space<hbm>>
        %dma_wait3A_84 = arith.constant 9984 : i32
        %dma_wait3A_85 = arith.constant 0 : i32
        %dma_wait3A_86 = tpu.memref_slice %arg25[%dma_wait3A_84, %dma_wait3A_85] : memref<10000x128xf32, #tpu.memory_space<vmem_shared>> -> memref<16x128xf32, #tpu.memory_space<vmem_shared>>
        tpu.wait_dma2 semaphore(%run_scoped3A : memref<!tpu.dma_semaphore, #tpu.memory_space<semaphore_mem>>) src(%dma_wait3A_86 : memref<16x128xf32, #tpu.memory_space<vmem_shared>>) dst(%dma_wait3A_83 : memref<16x128xf32, #tpu.memory_space<hbm>>)
        tpu.yield
      }) : () -> ()
      "tpu.region"() ({
        %run_scoped3A = tpu.sem_alloc : memref<!tpu.dma_semaphore, #tpu.memory_space<semaphore_mem>>
        %dma_start3A_73 = arith.constant 9984 : i32
        %dma_start3A_74 = arith.constant 0 : i32
        %dma_start3A_75 = tpu.memref_slice %arg10[%arg0, %dma_start3A_73, %dma_start3A_74] : memref<2x10000x16xf32, #tpu.memory_space<hbm>> -> memref<1x16x16xf32, #tpu.memory_space<hbm>>
        %dma_start3A_76 = tpu.memref_squeeze %dma_start3A_75 : memref<1x16x16xf32, #tpu.memory_space<hbm>> -> memref<16x16xf32, #tpu.memory_space<hbm>>
        %dma_start3A_77 = arith.constant 9984 : i32
        %dma_start3A_78 = arith.constant 0 : i32
        %dma_start3A_79 = tpu.memref_slice %arg26[%dma_start3A_77, %dma_start3A_78] : memref<10000x16xf32, #tpu.memory_space<vmem_shared>> -> memref<16x16xf32, #tpu.memory_space<vmem_shared>>
        tpu.enqueue_dma source(%dma_start3A_79 : memref<16x16xf32, #tpu.memory_space<vmem_shared>>) target(%dma_start3A_76 : memref<16x16xf32, #tpu.memory_space<hbm>>) target_semaphore(%run_scoped3A : memref<!tpu.dma_semaphore, #tpu.memory_space<semaphore_mem>>)
        %dma_wait3A_80 = arith.constant 9984 : i32
        %dma_wait3A_81 = arith.constant 0 : i32
        %dma_wait3A_82 = tpu.memref_slice %arg10[%arg0, %dma_wait3A_80, %dma_wait3A_81] : memref<2x10000x16xf32, #tpu.memory_space<hbm>> -> memref<1x16x16xf32, #tpu.memory_space<hbm>>
        %dma_wait3A_83 = tpu.memref_squeeze %dma_wait3A_82 : memref<1x16x16xf32, #tpu.memory_space<hbm>> -> memref<16x16xf32, #tpu.memory_space<hbm>>
        %dma_wait3A_84 = arith.constant 9984 : i32
        %dma_wait3A_85 = arith.constant 0 : i32
        %dma_wait3A_86 = tpu.memref_slice %arg26[%dma_wait3A_84, %dma_wait3A_85] : memref<10000x16xf32, #tpu.memory_space<vmem_shared>> -> memref<16x16xf32, #tpu.memory_space<vmem_shared>>
        tpu.wait_dma2 semaphore(%run_scoped3A : memref<!tpu.dma_semaphore, #tpu.memory_space<semaphore_mem>>) src(%dma_wait3A_86 : memref<16x16xf32, #tpu.memory_space<vmem_shared>>) dst(%dma_wait3A_83 : memref<16x16xf32, #tpu.memory_space<hbm>>)
        tpu.yield
      }) : () -> ()
    } else {
    }
    return
  }
}

module attributes {stable_mosaic.version = 14 : i64} {
  func.func @_pre1_body(%arg0: i32, %arg1: memref<1000x128xf32, #tpu.memory_space<vmem>>, %arg2: memref<128x128xf32, #tpu.memory_space<vmem>>, %arg3: memref<128x16xf32, #tpu.memory_space<vmem>>, %arg4: memref<128x16xf32, #tpu.memory_space<vmem>>, %arg5: memref<1000x128xf32, #tpu.memory_space<vmem>>, %arg6: memref<1000x16xf32, #tpu.memory_space<vmem>>, %arg7: memref<1000x16xf32, #tpu.memory_space<vmem>>) attributes {dimension_semantics = [#tpu.dimension_semantics<arbitrary>], iteration_bounds = array<i64: 10>, scalar_prefetch = 0 : i64, scratch_operands = 0 : i64, tpu.core_type = #tpu.core_type<tc>, window_params = [{transform_indices = @transform_0, window_bounds = array<i64: 1000, 128>}, {pipeline_mode = #tpu.pipeline_mode<synchronous>, transform_indices = @transform_1, window_bounds = array<i64: 128, 128>}, {pipeline_mode = #tpu.pipeline_mode<synchronous>, transform_indices = @transform_2, window_bounds = array<i64: 128, 16>}, {pipeline_mode = #tpu.pipeline_mode<synchronous>, transform_indices = @transform_3, window_bounds = array<i64: 128, 16>}, {transform_indices = @transform_4, window_bounds = array<i64: 1000, 128>}, {transform_indices = @transform_5, window_bounds = array<i64: 1000, 16>}, {transform_indices = @transform_6, window_bounds = array<i64: 1000, 16>}]} {
    %get3A = arith.constant 0 : index
    %get3A_0 = arith.constant 0 : index
    %get3A_1 = vector.load %arg1[%get3A, %get3A_0] : memref<1000x128xf32, #tpu.memory_space<vmem>>, vector<1000x128xf32>
    %get3A_2 = arith.constant 0 : index
    %get3A_3 = arith.constant 0 : index
    %get3A_4 = vector.load %arg2[%get3A_2, %get3A_3] : memref<128x128xf32, #tpu.memory_space<vmem>>, vector<128x128xf32>
    %dot_general3A = arith.constant dense<0.000000e+00> : vector<1000x128xf32>
    %dot_general3A_5 = tpu.matmul %get3A_1, %get3A_4, %dot_general3A {dimension_numbers = #tpu.dot_dimension_numbers<[1], [0], [0], [1], [0, 0, 1, 1], [], []>, transpose_lhs_hint = false} : vector<1000x128xf32>, vector<128x128xf32>, vector<1000x128xf32> -> vector<1000x128xf32>
    %swap3A = arith.constant 0 : index
    %swap3A_6 = arith.constant 0 : index
    %swap3A_7 = vector.load %arg5[%swap3A, %swap3A_6] : memref<1000x128xf32, #tpu.memory_space<vmem>>, vector<1000x128xf32>
    tpu.vector_store %arg5[%swap3A, %swap3A_6], %dot_general3A_5 {strides = array<i32>} : memref<1000x128xf32, #tpu.memory_space<vmem>>, vector<1000x128xf32>,
    %get3A_8 = arith.constant 0 : index
    %get3A_9 = arith.constant 0 : index
    %get3A_10 = vector.load %arg3[%get3A_8, %get3A_9] : memref<128x16xf32, #tpu.memory_space<vmem>>, vector<128x16xf32>
    %dot_general3A_11 = arith.constant dense<0.000000e+00> : vector<1000x16xf32>
    %dot_general3A_12 = tpu.matmul %dot_general3A_5, %get3A_10, %dot_general3A_11 {dimension_numbers = #tpu.dot_dimension_numbers<[1], [0], [0], [1], [0, 0, 1, 1], [], []>, transpose_lhs_hint = false} : vector<1000x128xf32>, vector<128x16xf32>, vector<1000x16xf32> -> vector<1000x16xf32>
    %swap3A_13 = arith.constant 0 : index
    %swap3A_14 = arith.constant 0 : index
    %swap3A_15 = vector.load %arg6[%swap3A_13, %swap3A_14] : memref<1000x16xf32, #tpu.memory_space<vmem>>, vector<1000x16xf32>
    tpu.vector_store %arg6[%swap3A_13, %swap3A_14], %dot_general3A_12 {strides = array<i32>} : memref<1000x16xf32, #tpu.memory_space<vmem>>, vector<1000x16xf32>,
    %get3A_16 = arith.constant 0 : index
    %get3A_17 = arith.constant 0 : index
    %get3A_18 = vector.load %arg4[%get3A_16, %get3A_17] : memref<128x16xf32, #tpu.memory_space<vmem>>, vector<128x16xf32>
    %dot_general3A_19 = arith.constant dense<0.000000e+00> : vector<1000x16xf32>
    %dot_general3A_20 = tpu.matmul %dot_general3A_5, %get3A_18, %dot_general3A_19 {dimension_numbers = #tpu.dot_dimension_numbers<[1], [0], [0], [1], [0, 0, 1, 1], [], []>, transpose_lhs_hint = false} : vector<1000x128xf32>, vector<128x16xf32>, vector<1000x16xf32> -> vector<1000x16xf32>
    %swap3A_21 = arith.constant 0 : index
    %swap3A_22 = arith.constant 0 : index
    %swap3A_23 = vector.load %arg7[%swap3A_21, %swap3A_22] : memref<1000x16xf32, #tpu.memory_space<vmem>>, vector<1000x16xf32>
    tpu.vector_store %arg7[%swap3A_21, %swap3A_22], %dot_general3A_20 {strides = array<i32>} : memref<1000x16xf32, #tpu.memory_space<vmem>>, vector<1000x16xf32>,
    return
  }
  func.func @transform_0(%arg0: i32) -> (i32, i32) {
    %c0_i32 = arith.constant 0 : i32
    %c0_i32_0 = arith.constant 0 : i32
    return %arg0, %c0_i32 : i32, i32
  }
  func.func @transform_1(%arg0: i32) -> (i32, i32) {
    %c0_i32 = arith.constant 0 : i32
    %c0_i32_0 = arith.constant 0 : i32
    %c0_i32_1 = arith.constant 0 : i32
    return %c0_i32, %c0_i32_0 : i32, i32
  }
  func.func @transform_2(%arg0: i32) -> (i32, i32) {
    %c0_i32 = arith.constant 0 : i32
    %c0_i32_0 = arith.constant 0 : i32
    %c0_i32_1 = arith.constant 0 : i32
    return %c0_i32, %c0_i32_0 : i32, i32
  }
  func.func @transform_3(%arg0: i32) -> (i32, i32) {
    %c0_i32 = arith.constant 0 : i32
    %c0_i32_0 = arith.constant 0 : i32
    %c0_i32_1 = arith.constant 0 : i32
    return %c0_i32, %c0_i32_0 : i32, i32
  }
  func.func @transform_4(%arg0: i32) -> (i32, i32) {
    %c0_i32 = arith.constant 0 : i32
    %c0_i32_0 = arith.constant 0 : i32
    return %arg0, %c0_i32 : i32, i32
  }
  func.func @transform_5(%arg0: i32) -> (i32, i32) {
    %c0_i32 = arith.constant 0 : i32
    %c0_i32_0 = arith.constant 0 : i32
    return %arg0, %c0_i32 : i32, i32
  }
  func.func @transform_6(%arg0: i32) -> (i32, i32) {
    %c0_i32 = arith.constant 0 : i32
    %c0_i32_0 = arith.constant 0 : i32
    return %arg0, %c0_i32 : i32, i32
  }
}

module attributes {stable_mosaic.version = 14 : i64} {
  func.func @_comb_body(%arg0: i32, %arg1: memref<2x1000x128xf32, #tpu.memory_space<vmem>>, %arg2: memref<2x1000x16xf32, #tpu.memory_space<vmem>>, %arg3: memref<1000x128xf32, #tpu.memory_space<vmem>>, %arg4: memref<1000x16xf32, #tpu.memory_space<vmem>>, %arg5: memref<1000x16xf32, #tpu.memory_space<vmem>>, %arg6: memref<8x128xf32, #tpu.memory_space<vmem>>, %arg7: memref<8x128xf32, #tpu.memory_space<vmem>>, %arg8: memref<8x128xf32, #tpu.memory_space<vmem>>, %arg9: memref<16x128xf32, #tpu.memory_space<vmem>>, %arg10: memref<128x128xf32, #tpu.memory_space<vmem>>, %arg11: memref<128x16xf32, #tpu.memory_space<vmem>>, %arg12: memref<128x16xf32, #tpu.memory_space<vmem>>, %arg13: memref<1000x128xf32, #tpu.memory_space<vmem>>, %arg14: memref<1000x16xf32, #tpu.memory_space<vmem>>, %arg15: memref<1000x16xf32, #tpu.memory_space<vmem>>) attributes {dimension_semantics = [#tpu.dimension_semantics<arbitrary>], iteration_bounds = array<i64: 10>, scalar_prefetch = 0 : i64, scratch_operands = 0 : i64, tpu.core_type = #tpu.core_type<tc>, window_params = [{transform_indices = @transform_0, window_bounds = array<i64: 2, 1000, 128>}, {transform_indices = @transform_1, window_bounds = array<i64: 2, 1000, 16>}, {transform_indices = @transform_2, window_bounds = array<i64: 1000, 128>}, {transform_indices = @transform_3, window_bounds = array<i64: 1000, 16>}, {transform_indices = @transform_4, window_bounds = array<i64: 1000, 16>}, {pipeline_mode = #tpu.pipeline_mode<synchronous>, transform_indices = @transform_5, window_bounds = array<i64: 8, 128>}, {pipeline_mode = #tpu.pipeline_mode<synchronous>, transform_indices = @transform_6, window_bounds = array<i64: 8, 128>}, {pipeline_mode = #tpu.pipeline_mode<synchronous>, transform_indices = @transform_7, window_bounds = array<i64: 8, 128>}, {pipeline_mode = #tpu.pipeline_mode<synchronous>, transform_indices = @transform_8, window_bounds = array<i64: 16, 128>}, {pipeline_mode = #tpu.pipeline_mode<synchronous>, transform_indices = @transform_9, window_bounds = array<i64: 128, 128>}, {pipeline_mode = #tpu.pipeline_mode<synchronous>, transform_indices = @transform_10, window_bounds = array<i64: 128, 16>}, {pipeline_mode = #tpu.pipeline_mode<synchronous>, transform_indices = @transform_11, window_bounds = array<i64: 128, 16>}, {transform_indices = @transform_12, window_bounds = array<i64: 1000, 128>}, {transform_indices = @transform_13, window_bounds = array<i64: 1000, 16>}, {transform_indices = @transform_14, window_bounds = array<i64: 1000, 16>}]} {
    %get3A = arith.constant 0 : index
    %get3A_0 = arith.constant 0 : index
    %get3A_1 = vector.load %arg4[%get3A, %get3A_0] : memref<1000x16xf32, #tpu.memory_space<vmem>>, vector<1000x16xf32>
    %get3A_2 = arith.constant 0 : index
    %get3A_3 = arith.constant 0 : index
    %get3A_4 = vector.load %arg5[%get3A_2, %get3A_3] : memref<1000x16xf32, #tpu.memory_space<vmem>>, vector<1000x16xf32>
    %add3A = arith.addf %get3A_1, %get3A_4 : vector<1000x16xf32>
    %ge3A = arith.constant 0.000000e+00 : f32
    %ge3A_5 = vector.broadcast %ge3A : f32 to vector<1000x16xf32>
    %ge3A_6 = arith.cmpf oge, %add3A, %ge3A_5 : vector<1000x16xf32>
    %mul3A = arith.constant 2.000000e-01 : f32
    %mul3A_7 = vector.broadcast %mul3A : f32 to vector<1000x16xf32>
    %mul3A_8 = arith.mulf %mul3A_7, %add3A : vector<1000x16xf32>
    %select_n3A = arith.select %ge3A_6, %add3A, %mul3A_8 : vector<1000x16xi1>, vector<1000x16xf32>
    %exp3A = math.exp %select_n3A : vector<1000x16xf32>
    %get3A_9 = arith.constant 0 : index
    %get3A_10 = arith.constant 0 : index
    %get3A_11 = arith.constant 0 : index
    %get3A_12 = vector.load %arg2[%get3A_9, %get3A_10, %get3A_11] : memref<2x1000x16xf32, #tpu.memory_space<vmem>>, vector<1x1000x16xf32>
    %get3A_13 = vector.shape_cast %get3A_12 : vector<1x1000x16xf32> to vector<1000x16xf32>
    %get3A_14 = arith.constant 1 : index
    %get3A_15 = arith.constant 0 : index
    %get3A_16 = arith.constant 0 : index
    %get3A_17 = vector.load %arg2[%get3A_14, %get3A_15, %get3A_16] : memref<2x1000x16xf32, #tpu.memory_space<vmem>>, vector<1x1000x16xf32>
    %get3A_18 = vector.shape_cast %get3A_17 : vector<1x1000x16xf32> to vector<1000x16xf32>
    %add3A_19 = arith.addf %get3A_13, %get3A_18 : vector<1000x16xf32>
    %add3A_20 = arith.addf %add3A_19, %exp3A : vector<1000x16xf32>
    %get3A_21 = arith.constant 0 : index
    %get3A_22 = arith.constant 0 : index
    %get3A_23 = vector.load %arg9[%get3A_21, %get3A_22] : memref<16x128xf32, #tpu.memory_space<vmem>>, vector<16x128xf32>
    %dot_general3A = arith.constant dense<0.000000e+00> : vector<1000x128xf32>
    %dot_general3A_24 = tpu.matmul %add3A_20, %get3A_23, %dot_general3A {dimension_numbers = #tpu.dot_dimension_numbers<[1], [0], [0], [1], [0, 0, 1, 1], [], []>, transpose_lhs_hint = false} : vector<1000x16xf32>, vector<16x128xf32>, vector<1000x128xf32> -> vector<1000x128xf32>
    %get3A_25 = arith.constant 0 : index
    %get3A_26 = arith.constant 0 : index
    %get3A_27 = arith.constant 0 : index
    %get3A_28 = vector.load %arg1[%get3A_25, %get3A_26, %get3A_27] : memref<2x1000x128xf32, #tpu.memory_space<vmem>>, vector<1x1000x128xf32>
    %get3A_29 = vector.shape_cast %get3A_28 : vector<1x1000x128xf32> to vector<1000x128xf32>
    %get3A_30 = arith.constant 1 : index
    %get3A_31 = arith.constant 0 : index
    %get3A_32 = arith.constant 0 : index
    %get3A_33 = vector.load %arg1[%get3A_30, %get3A_31, %get3A_32] : memref<2x1000x128xf32, #tpu.memory_space<vmem>>, vector<1x1000x128xf32>
    %get3A_34 = vector.shape_cast %get3A_33 : vector<1x1000x128xf32> to vector<1000x128xf32>
    %add3A_35 = arith.addf %get3A_29, %get3A_34 : vector<1000x128xf32>
    %dot_general3A_36 = arith.constant dense<0.000000e+00> : vector<1000x128xf32>
    %dot_general3A_37 = tpu.matmul %exp3A, %get3A_23, %dot_general3A_36 {dimension_numbers = #tpu.dot_dimension_numbers<[1], [0], [0], [1], [0, 0, 1, 1], [], []>, transpose_lhs_hint = false} : vector<1000x16xf32>, vector<16x128xf32>, vector<1000x128xf32> -> vector<1000x128xf32>
    %get3A_38 = arith.constant 0 : index
    %get3A_39 = arith.constant 0 : index
    %get3A_40 = vector.load %arg3[%get3A_38, %get3A_39] : memref<1000x128xf32, #tpu.memory_space<vmem>>, vector<1000x128xf32>
    %mul3A_41 = arith.mulf %dot_general3A_37, %get3A_40 : vector<1000x128xf32>
    %add3A_42 = arith.addf %add3A_35, %mul3A_41 : vector<1000x128xf32>
    %div3A = arith.divf %add3A_42, %dot_general3A_24 : vector<1000x128xf32>
    %get3A_43 = arith.constant 0 : index
    %get3A_44 = arith.constant 0 : index
    %get3A_45 = vector.load %arg6[%get3A_43, %get3A_44] : memref<8x128xf32, #tpu.memory_space<vmem>>, vector<1x128xf32>
    %add3A_46 = vector.broadcast %get3A_45 : vector<1x128xf32> to vector<1000x128xf32>
    %add3A_47 = arith.addf %div3A, %add3A_46 : vector<1000x128xf32>
    %gt3A = arith.constant 0.000000e+00 : f32
    %gt3A_48 = vector.broadcast %gt3A : f32 to vector<1000x128xf32>
    %gt3A_49 = arith.cmpf ogt, %add3A_47, %gt3A_48 : vector<1000x128xf32>
    %exp3A_50 = math.exp %add3A_47 : vector<1000x128xf32>
    %sub3A = arith.constant 1.000000e+00 : f32
    %sub3A_51 = vector.broadcast %sub3A : f32 to vector<1000x128xf32>
    %sub3A_52 = arith.subf %exp3A_50, %sub3A_51 : vector<1000x128xf32>
    %select_n3A_53 = arith.select %gt3A_49, %add3A_47, %sub3A_52 : vector<1000x128xi1>, vector<1000x128xf32>
    %get3A_54 = arith.constant 0 : index
    %get3A_55 = arith.constant 0 : index
    %get3A_56 = vector.load %arg7[%get3A_54, %get3A_55] : memref<8x128xf32, #tpu.memory_space<vmem>>, vector<1x128xf32>
    %mul3A_57 = vector.broadcast %get3A_56 : vector<1x128xf32> to vector<1000x128xf32>
    %mul3A_58 = arith.mulf %select_n3A_53, %mul3A_57 : vector<1000x128xf32>
    %get3A_59 = arith.constant 0 : index
    %get3A_60 = arith.constant 0 : index
    %get3A_61 = vector.load %arg8[%get3A_59, %get3A_60] : memref<8x128xf32, #tpu.memory_space<vmem>>, vector<1x128xf32>
    %add3A_62 = vector.broadcast %get3A_61 : vector<1x128xf32> to vector<1000x128xf32>
    %add3A_63 = arith.addf %mul3A_58, %add3A_62 : vector<1000x128xf32>
    %get3A_64 = arith.constant 0 : index
    %get3A_65 = arith.constant 0 : index
    %get3A_66 = vector.load %arg10[%get3A_64, %get3A_65] : memref<128x128xf32, #tpu.memory_space<vmem>>, vector<128x128xf32>
    %dot_general3A_67 = arith.constant dense<0.000000e+00> : vector<1000x128xf32>
    %dot_general3A_68 = tpu.matmul %add3A_63, %get3A_66, %dot_general3A_67 {dimension_numbers = #tpu.dot_dimension_numbers<[1], [0], [0], [1], [0, 0, 1, 1], [], []>, transpose_lhs_hint = false} : vector<1000x128xf32>, vector<128x128xf32>, vector<1000x128xf32> -> vector<1000x128xf32>
    %swap3A = arith.constant 0 : index
    %swap3A_69 = arith.constant 0 : index
    %swap3A_70 = vector.load %arg13[%swap3A, %swap3A_69] : memref<1000x128xf32, #tpu.memory_space<vmem>>, vector<1000x128xf32>
    tpu.vector_store %arg13[%swap3A, %swap3A_69], %dot_general3A_68 {strides = array<i32>} : memref<1000x128xf32, #tpu.memory_space<vmem>>, vector<1000x128xf32>,
    %get3A_71 = arith.constant 0 : index
    %get3A_72 = arith.constant 0 : index
    %get3A_73 = vector.load %arg11[%get3A_71, %get3A_72] : memref<128x16xf32, #tpu.memory_space<vmem>>, vector<128x16xf32>
    %dot_general3A_74 = arith.constant dense<0.000000e+00> : vector<1000x16xf32>
    %dot_general3A_75 = tpu.matmul %dot_general3A_68, %get3A_73, %dot_general3A_74 {dimension_numbers = #tpu.dot_dimension_numbers<[1], [0], [0], [1], [0, 0, 1, 1], [], []>, transpose_lhs_hint = false} : vector<1000x128xf32>, vector<128x16xf32>, vector<1000x16xf32> -> vector<1000x16xf32>
    %swap3A_76 = arith.constant 0 : index
    %swap3A_77 = arith.constant 0 : index
    %swap3A_78 = vector.load %arg14[%swap3A_76, %swap3A_77] : memref<1000x16xf32, #tpu.memory_space<vmem>>, vector<1000x16xf32>
    tpu.vector_store %arg14[%swap3A_76, %swap3A_77], %dot_general3A_75 {strides = array<i32>} : memref<1000x16xf32, #tpu.memory_space<vmem>>, vector<1000x16xf32>,
    %get3A_79 = arith.constant 0 : index
    %get3A_80 = arith.constant 0 : index
    %get3A_81 = vector.load %arg12[%get3A_79, %get3A_80] : memref<128x16xf32, #tpu.memory_space<vmem>>, vector<128x16xf32>
    %dot_general3A_82 = arith.constant dense<0.000000e+00> : vector<1000x16xf32>
    %dot_general3A_83 = tpu.matmul %dot_general3A_68, %get3A_81, %dot_general3A_82 {dimension_numbers = #tpu.dot_dimension_numbers<[1], [0], [0], [1], [0, 0, 1, 1], [], []>, transpose_lhs_hint = false} : vector<1000x128xf32>, vector<128x16xf32>, vector<1000x16xf32> -> vector<1000x16xf32>
    %swap3A_84 = arith.constant 0 : index
    %swap3A_85 = arith.constant 0 : index
    %swap3A_86 = vector.load %arg15[%swap3A_84, %swap3A_85] : memref<1000x16xf32, #tpu.memory_space<vmem>>, vector<1000x16xf32>
    tpu.vector_store %arg15[%swap3A_84, %swap3A_85], %dot_general3A_83 {strides = array<i32>} : memref<1000x16xf32, #tpu.memory_space<vmem>>, vector<1000x16xf32>,
    return
  }
  func.func @transform_0(%arg0: i32) -> (i32, i32, i32) {
    %c0_i32 = arith.constant 0 : i32
    %c0_i32_0 = arith.constant 0 : i32
    %c0_i32_1 = arith.constant 0 : i32
    return %c0_i32, %arg0, %c0_i32_0 : i32, i32, i32
  }
  func.func @transform_1(%arg0: i32) -> (i32, i32, i32) {
    %c0_i32 = arith.constant 0 : i32
    %c0_i32_0 = arith.constant 0 : i32
    %c0_i32_1 = arith.constant 0 : i32
    return %c0_i32, %arg0, %c0_i32_0 : i32, i32, i32
  }
  func.func @transform_2(%arg0: i32) -> (i32, i32) {
    %c0_i32 = arith.constant 0 : i32
    %c0_i32_0 = arith.constant 0 : i32
    return %arg0, %c0_i32 : i32, i32
  }
  func.func @transform_3(%arg0: i32) -> (i32, i32) {
    %c0_i32 = arith.constant 0 : i32
    %c0_i32_0 = arith.constant 0 : i32
    return %arg0, %c0_i32 : i32, i32
  }
  func.func @transform_4(%arg0: i32) -> (i32, i32) {
    %c0_i32 = arith.constant 0 : i32
    %c0_i32_0 = arith.constant 0 : i32
    return %arg0, %c0_i32 : i32, i32
  }
  func.func @transform_5(%arg0: i32) -> (i32, i32) {
    %c0_i32 = arith.constant 0 : i32
    %c0_i32_0 = arith.constant 0 : i32
    %c0_i32_1 = arith.constant 0 : i32
    return %c0_i32, %c0_i32_0 : i32, i32
  }
  func.func @transform_6(%arg0: i32) -> (i32, i32) {
    %c0_i32 = arith.constant 0 : i32
    %c0_i32_0 = arith.constant 0 : i32
    %c0_i32_1 = arith.constant 0 : i32
    return %c0_i32, %c0_i32_0 : i32, i32
  }
  func.func @transform_7(%arg0: i32) -> (i32, i32) {
    %c0_i32 = arith.constant 0 : i32
    %c0_i32_0 = arith.constant 0 : i32
    %c0_i32_1 = arith.constant 0 : i32
    return %c0_i32, %c0_i32_0 : i32, i32
  }
  func.func @transform_8(%arg0: i32) -> (i32, i32) {
    %c0_i32 = arith.constant 0 : i32
    %c0_i32_0 = arith.constant 0 : i32
    %c0_i32_1 = arith.constant 0 : i32
    return %c0_i32, %c0_i32_0 : i32, i32
  }
  func.func @transform_9(%arg0: i32) -> (i32, i32) {
    %c0_i32 = arith.constant 0 : i32
    %c0_i32_0 = arith.constant 0 : i32
    %c0_i32_1 = arith.constant 0 : i32
    return %c0_i32, %c0_i32_0 : i32, i32
  }
  func.func @transform_10(%arg0: i32) -> (i32, i32) {
    %c0_i32 = arith.constant 0 : i32
    %c0_i32_0 = arith.constant 0 : i32
    %c0_i32_1 = arith.constant 0 : i32
    return %c0_i32, %c0_i32_0 : i32, i32
  }
  func.func @transform_11(%arg0: i32) -> (i32, i32) {
    %c0_i32 = arith.constant 0 : i32
    %c0_i32_0 = arith.constant 0 : i32
    %c0_i32_1 = arith.constant 0 : i32
    return %c0_i32, %c0_i32_0 : i32, i32
  }
  func.func @transform_12(%arg0: i32) -> (i32, i32) {
    %c0_i32 = arith.constant 0 : i32
    %c0_i32_0 = arith.constant 0 : i32
    return %arg0, %c0_i32 : i32, i32
  }
  func.func @transform_13(%arg0: i32) -> (i32, i32) {
    %c0_i32 = arith.constant 0 : i32
    %c0_i32_0 = arith.constant 0 : i32
    return %arg0, %c0_i32 : i32, i32
  }
  func.func @transform_14(%arg0: i32) -> (i32, i32) {
    %c0_i32 = arith.constant 0 : i32
    %c0_i32_0 = arith.constant 0 : i32
    return %arg0, %c0_i32 : i32, i32
  }
}

module attributes {stable_mosaic.version = 14 : i64} {
  func.func @_comb_body(%arg0: i32, %arg1: memref<2x1000x128xf32, #tpu.memory_space<vmem>>, %arg2: memref<2x1000x16xf32, #tpu.memory_space<vmem>>, %arg3: memref<1000x128xf32, #tpu.memory_space<vmem>>, %arg4: memref<1000x16xf32, #tpu.memory_space<vmem>>, %arg5: memref<1000x16xf32, #tpu.memory_space<vmem>>, %arg6: memref<8x128xf32, #tpu.memory_space<vmem>>, %arg7: memref<8x128xf32, #tpu.memory_space<vmem>>, %arg8: memref<8x128xf32, #tpu.memory_space<vmem>>, %arg9: memref<16x128xf32, #tpu.memory_space<vmem>>, %arg10: memref<128x48xf32, #tpu.memory_space<vmem>>, %arg11: memref<48x16xf32, #tpu.memory_space<vmem>>, %arg12: memref<48x16xf32, #tpu.memory_space<vmem>>, %arg13: memref<1000x48xf32, #tpu.memory_space<vmem>>, %arg14: memref<1000x16xf32, #tpu.memory_space<vmem>>, %arg15: memref<1000x16xf32, #tpu.memory_space<vmem>>) attributes {dimension_semantics = [#tpu.dimension_semantics<arbitrary>], iteration_bounds = array<i64: 10>, scalar_prefetch = 0 : i64, scratch_operands = 0 : i64, tpu.core_type = #tpu.core_type<tc>, window_params = [{transform_indices = @transform_0, window_bounds = array<i64: 2, 1000, 128>}, {transform_indices = @transform_1, window_bounds = array<i64: 2, 1000, 16>}, {transform_indices = @transform_2, window_bounds = array<i64: 1000, 128>}, {transform_indices = @transform_3, window_bounds = array<i64: 1000, 16>}, {transform_indices = @transform_4, window_bounds = array<i64: 1000, 16>}, {pipeline_mode = #tpu.pipeline_mode<synchronous>, transform_indices = @transform_5, window_bounds = array<i64: 8, 128>}, {pipeline_mode = #tpu.pipeline_mode<synchronous>, transform_indices = @transform_6, window_bounds = array<i64: 8, 128>}, {pipeline_mode = #tpu.pipeline_mode<synchronous>, transform_indices = @transform_7, window_bounds = array<i64: 8, 128>}, {pipeline_mode = #tpu.pipeline_mode<synchronous>, transform_indices = @transform_8, window_bounds = array<i64: 16, 128>}, {pipeline_mode = #tpu.pipeline_mode<synchronous>, transform_indices = @transform_9, window_bounds = array<i64: 128, 48>}, {pipeline_mode = #tpu.pipeline_mode<synchronous>, transform_indices = @transform_10, window_bounds = array<i64: 48, 16>}, {pipeline_mode = #tpu.pipeline_mode<synchronous>, transform_indices = @transform_11, window_bounds = array<i64: 48, 16>}, {transform_indices = @transform_12, window_bounds = array<i64: 1000, 48>}, {transform_indices = @transform_13, window_bounds = array<i64: 1000, 16>}, {transform_indices = @transform_14, window_bounds = array<i64: 1000, 16>}]} {
    %get3A = arith.constant 0 : index
    %get3A_0 = arith.constant 0 : index
    %get3A_1 = vector.load %arg4[%get3A, %get3A_0] : memref<1000x16xf32, #tpu.memory_space<vmem>>, vector<1000x16xf32>
    %get3A_2 = arith.constant 0 : index
    %get3A_3 = arith.constant 0 : index
    %get3A_4 = vector.load %arg5[%get3A_2, %get3A_3] : memref<1000x16xf32, #tpu.memory_space<vmem>>, vector<1000x16xf32>
    %add3A = arith.addf %get3A_1, %get3A_4 : vector<1000x16xf32>
    %ge3A = arith.constant 0.000000e+00 : f32
    %ge3A_5 = vector.broadcast %ge3A : f32 to vector<1000x16xf32>
    %ge3A_6 = arith.cmpf oge, %add3A, %ge3A_5 : vector<1000x16xf32>
    %mul3A = arith.constant 2.000000e-01 : f32
    %mul3A_7 = vector.broadcast %mul3A : f32 to vector<1000x16xf32>
    %mul3A_8 = arith.mulf %mul3A_7, %add3A : vector<1000x16xf32>
    %select_n3A = arith.select %ge3A_6, %add3A, %mul3A_8 : vector<1000x16xi1>, vector<1000x16xf32>
    %exp3A = math.exp %select_n3A : vector<1000x16xf32>
    %get3A_9 = arith.constant 0 : index
    %get3A_10 = arith.constant 0 : index
    %get3A_11 = arith.constant 0 : index
    %get3A_12 = vector.load %arg2[%get3A_9, %get3A_10, %get3A_11] : memref<2x1000x16xf32, #tpu.memory_space<vmem>>, vector<1x1000x16xf32>
    %get3A_13 = vector.shape_cast %get3A_12 : vector<1x1000x16xf32> to vector<1000x16xf32>
    %get3A_14 = arith.constant 1 : index
    %get3A_15 = arith.constant 0 : index
    %get3A_16 = arith.constant 0 : index
    %get3A_17 = vector.load %arg2[%get3A_14, %get3A_15, %get3A_16] : memref<2x1000x16xf32, #tpu.memory_space<vmem>>, vector<1x1000x16xf32>
    %get3A_18 = vector.shape_cast %get3A_17 : vector<1x1000x16xf32> to vector<1000x16xf32>
    %add3A_19 = arith.addf %get3A_13, %get3A_18 : vector<1000x16xf32>
    %add3A_20 = arith.addf %add3A_19, %exp3A : vector<1000x16xf32>
    %get3A_21 = arith.constant 0 : index
    %get3A_22 = arith.constant 0 : index
    %get3A_23 = vector.load %arg9[%get3A_21, %get3A_22] : memref<16x128xf32, #tpu.memory_space<vmem>>, vector<16x128xf32>
    %dot_general3A = arith.constant dense<0.000000e+00> : vector<1000x128xf32>
    %dot_general3A_24 = tpu.matmul %add3A_20, %get3A_23, %dot_general3A {dimension_numbers = #tpu.dot_dimension_numbers<[1], [0], [0], [1], [0, 0, 1, 1], [], []>, transpose_lhs_hint = false} : vector<1000x16xf32>, vector<16x128xf32>, vector<1000x128xf32> -> vector<1000x128xf32>
    %get3A_25 = arith.constant 0 : index
    %get3A_26 = arith.constant 0 : index
    %get3A_27 = arith.constant 0 : index
    %get3A_28 = vector.load %arg1[%get3A_25, %get3A_26, %get3A_27] : memref<2x1000x128xf32, #tpu.memory_space<vmem>>, vector<1x1000x128xf32>
    %get3A_29 = vector.shape_cast %get3A_28 : vector<1x1000x128xf32> to vector<1000x128xf32>
    %get3A_30 = arith.constant 1 : index
    %get3A_31 = arith.constant 0 : index
    %get3A_32 = arith.constant 0 : index
    %get3A_33 = vector.load %arg1[%get3A_30, %get3A_31, %get3A_32] : memref<2x1000x128xf32, #tpu.memory_space<vmem>>, vector<1x1000x128xf32>
    %get3A_34 = vector.shape_cast %get3A_33 : vector<1x1000x128xf32> to vector<1000x128xf32>
    %add3A_35 = arith.addf %get3A_29, %get3A_34 : vector<1000x128xf32>
    %dot_general3A_36 = arith.constant dense<0.000000e+00> : vector<1000x128xf32>
    %dot_general3A_37 = tpu.matmul %exp3A, %get3A_23, %dot_general3A_36 {dimension_numbers = #tpu.dot_dimension_numbers<[1], [0], [0], [1], [0, 0, 1, 1], [], []>, transpose_lhs_hint = false} : vector<1000x16xf32>, vector<16x128xf32>, vector<1000x128xf32> -> vector<1000x128xf32>
    %get3A_38 = arith.constant 0 : index
    %get3A_39 = arith.constant 0 : index
    %get3A_40 = vector.load %arg3[%get3A_38, %get3A_39] : memref<1000x128xf32, #tpu.memory_space<vmem>>, vector<1000x128xf32>
    %mul3A_41 = arith.mulf %dot_general3A_37, %get3A_40 : vector<1000x128xf32>
    %add3A_42 = arith.addf %add3A_35, %mul3A_41 : vector<1000x128xf32>
    %div3A = arith.divf %add3A_42, %dot_general3A_24 : vector<1000x128xf32>
    %get3A_43 = arith.constant 0 : index
    %get3A_44 = arith.constant 0 : index
    %get3A_45 = vector.load %arg6[%get3A_43, %get3A_44] : memref<8x128xf32, #tpu.memory_space<vmem>>, vector<1x128xf32>
    %add3A_46 = vector.broadcast %get3A_45 : vector<1x128xf32> to vector<1000x128xf32>
    %add3A_47 = arith.addf %div3A, %add3A_46 : vector<1000x128xf32>
    %gt3A = arith.constant 0.000000e+00 : f32
    %gt3A_48 = vector.broadcast %gt3A : f32 to vector<1000x128xf32>
    %gt3A_49 = arith.cmpf ogt, %add3A_47, %gt3A_48 : vector<1000x128xf32>
    %exp3A_50 = math.exp %add3A_47 : vector<1000x128xf32>
    %sub3A = arith.constant 1.000000e+00 : f32
    %sub3A_51 = vector.broadcast %sub3A : f32 to vector<1000x128xf32>
    %sub3A_52 = arith.subf %exp3A_50, %sub3A_51 : vector<1000x128xf32>
    %select_n3A_53 = arith.select %gt3A_49, %add3A_47, %sub3A_52 : vector<1000x128xi1>, vector<1000x128xf32>
    %get3A_54 = arith.constant 0 : index
    %get3A_55 = arith.constant 0 : index
    %get3A_56 = vector.load %arg7[%get3A_54, %get3A_55] : memref<8x128xf32, #tpu.memory_space<vmem>>, vector<1x128xf32>
    %mul3A_57 = vector.broadcast %get3A_56 : vector<1x128xf32> to vector<1000x128xf32>
    %mul3A_58 = arith.mulf %select_n3A_53, %mul3A_57 : vector<1000x128xf32>
    %get3A_59 = arith.constant 0 : index
    %get3A_60 = arith.constant 0 : index
    %get3A_61 = vector.load %arg8[%get3A_59, %get3A_60] : memref<8x128xf32, #tpu.memory_space<vmem>>, vector<1x128xf32>
    %add3A_62 = vector.broadcast %get3A_61 : vector<1x128xf32> to vector<1000x128xf32>
    %add3A_63 = arith.addf %mul3A_58, %add3A_62 : vector<1000x128xf32>
    %get3A_64 = arith.constant 0 : index
    %get3A_65 = arith.constant 0 : index
    %get3A_66 = vector.load %arg10[%get3A_64, %get3A_65] : memref<128x48xf32, #tpu.memory_space<vmem>>, vector<128x48xf32>
    %dot_general3A_67 = arith.constant dense<0.000000e+00> : vector<1000x48xf32>
    %dot_general3A_68 = tpu.matmul %add3A_63, %get3A_66, %dot_general3A_67 {dimension_numbers = #tpu.dot_dimension_numbers<[1], [0], [0], [1], [0, 0, 1, 1], [], []>, transpose_lhs_hint = false} : vector<1000x128xf32>, vector<128x48xf32>, vector<1000x48xf32> -> vector<1000x48xf32>
    %swap3A = arith.constant 0 : index
    %swap3A_69 = arith.constant 0 : index
    %swap3A_70 = vector.load %arg13[%swap3A, %swap3A_69] : memref<1000x48xf32, #tpu.memory_space<vmem>>, vector<1000x48xf32>
    tpu.vector_store %arg13[%swap3A, %swap3A_69], %dot_general3A_68 {strides = array<i32>} : memref<1000x48xf32, #tpu.memory_space<vmem>>, vector<1000x48xf32>,
    %get3A_71 = arith.constant 0 : index
    %get3A_72 = arith.constant 0 : index
    %get3A_73 = vector.load %arg11[%get3A_71, %get3A_72] : memref<48x16xf32, #tpu.memory_space<vmem>>, vector<48x16xf32>
    %dot_general3A_74 = arith.constant dense<0.000000e+00> : vector<1000x16xf32>
    %dot_general3A_75 = tpu.matmul %dot_general3A_68, %get3A_73, %dot_general3A_74 {dimension_numbers = #tpu.dot_dimension_numbers<[1], [0], [0], [1], [0, 0, 1, 1], [], []>, transpose_lhs_hint = false} : vector<1000x48xf32>, vector<48x16xf32>, vector<1000x16xf32> -> vector<1000x16xf32>
    %swap3A_76 = arith.constant 0 : index
    %swap3A_77 = arith.constant 0 : index
    %swap3A_78 = vector.load %arg14[%swap3A_76, %swap3A_77] : memref<1000x16xf32, #tpu.memory_space<vmem>>, vector<1000x16xf32>
    tpu.vector_store %arg14[%swap3A_76, %swap3A_77], %dot_general3A_75 {strides = array<i32>} : memref<1000x16xf32, #tpu.memory_space<vmem>>, vector<1000x16xf32>,
    %get3A_79 = arith.constant 0 : index
    %get3A_80 = arith.constant 0 : index
    %get3A_81 = vector.load %arg12[%get3A_79, %get3A_80] : memref<48x16xf32, #tpu.memory_space<vmem>>, vector<48x16xf32>
    %dot_general3A_82 = arith.constant dense<0.000000e+00> : vector<1000x16xf32>
    %dot_general3A_83 = tpu.matmul %dot_general3A_68, %get3A_81, %dot_general3A_82 {dimension_numbers = #tpu.dot_dimension_numbers<[1], [0], [0], [1], [0, 0, 1, 1], [], []>, transpose_lhs_hint = false} : vector<1000x48xf32>, vector<48x16xf32>, vector<1000x16xf32> -> vector<1000x16xf32>
    %swap3A_84 = arith.constant 0 : index
    %swap3A_85 = arith.constant 0 : index
    %swap3A_86 = vector.load %arg15[%swap3A_84, %swap3A_85] : memref<1000x16xf32, #tpu.memory_space<vmem>>, vector<1000x16xf32>
    tpu.vector_store %arg15[%swap3A_84, %swap3A_85], %dot_general3A_83 {strides = array<i32>} : memref<1000x16xf32, #tpu.memory_space<vmem>>, vector<1000x16xf32>,
    return
  }
  func.func @transform_0(%arg0: i32) -> (i32, i32, i32) {
    %c0_i32 = arith.constant 0 : i32
    %c0_i32_0 = arith.constant 0 : i32
    %c0_i32_1 = arith.constant 0 : i32
    return %c0_i32, %arg0, %c0_i32_0 : i32, i32, i32
  }
  func.func @transform_1(%arg0: i32) -> (i32, i32, i32) {
    %c0_i32 = arith.constant 0 : i32
    %c0_i32_0 = arith.constant 0 : i32
    %c0_i32_1 = arith.constant 0 : i32
    return %c0_i32, %arg0, %c0_i32_0 : i32, i32, i32
  }
  func.func @transform_2(%arg0: i32) -> (i32, i32) {
    %c0_i32 = arith.constant 0 : i32
    %c0_i32_0 = arith.constant 0 : i32
    return %arg0, %c0_i32 : i32, i32
  }
  func.func @transform_3(%arg0: i32) -> (i32, i32) {
    %c0_i32 = arith.constant 0 : i32
    %c0_i32_0 = arith.constant 0 : i32
    return %arg0, %c0_i32 : i32, i32
  }
  func.func @transform_4(%arg0: i32) -> (i32, i32) {
    %c0_i32 = arith.constant 0 : i32
    %c0_i32_0 = arith.constant 0 : i32
    return %arg0, %c0_i32 : i32, i32
  }
  func.func @transform_5(%arg0: i32) -> (i32, i32) {
    %c0_i32 = arith.constant 0 : i32
    %c0_i32_0 = arith.constant 0 : i32
    %c0_i32_1 = arith.constant 0 : i32
    return %c0_i32, %c0_i32_0 : i32, i32
  }
  func.func @transform_6(%arg0: i32) -> (i32, i32) {
    %c0_i32 = arith.constant 0 : i32
    %c0_i32_0 = arith.constant 0 : i32
    %c0_i32_1 = arith.constant 0 : i32
    return %c0_i32, %c0_i32_0 : i32, i32
  }
  func.func @transform_7(%arg0: i32) -> (i32, i32) {
    %c0_i32 = arith.constant 0 : i32
    %c0_i32_0 = arith.constant 0 : i32
    %c0_i32_1 = arith.constant 0 : i32
    return %c0_i32, %c0_i32_0 : i32, i32
  }
  func.func @transform_8(%arg0: i32) -> (i32, i32) {
    %c0_i32 = arith.constant 0 : i32
    %c0_i32_0 = arith.constant 0 : i32
    %c0_i32_1 = arith.constant 0 : i32
    return %c0_i32, %c0_i32_0 : i32, i32
  }
  func.func @transform_9(%arg0: i32) -> (i32, i32) {
    %c0_i32 = arith.constant 0 : i32
    %c0_i32_0 = arith.constant 0 : i32
    %c0_i32_1 = arith.constant 0 : i32
    return %c0_i32, %c0_i32_0 : i32, i32
  }
  func.func @transform_10(%arg0: i32) -> (i32, i32) {
    %c0_i32 = arith.constant 0 : i32
    %c0_i32_0 = arith.constant 0 : i32
    %c0_i32_1 = arith.constant 0 : i32
    return %c0_i32, %c0_i32_0 : i32, i32
  }
  func.func @transform_11(%arg0: i32) -> (i32, i32) {
    %c0_i32 = arith.constant 0 : i32
    %c0_i32_0 = arith.constant 0 : i32
    %c0_i32_1 = arith.constant 0 : i32
    return %c0_i32, %c0_i32_0 : i32, i32
  }
  func.func @transform_12(%arg0: i32) -> (i32, i32) {
    %c0_i32 = arith.constant 0 : i32
    %c0_i32_0 = arith.constant 0 : i32
    return %arg0, %c0_i32 : i32, i32
  }
  func.func @transform_13(%arg0: i32) -> (i32, i32) {
    %c0_i32 = arith.constant 0 : i32
    %c0_i32_0 = arith.constant 0 : i32
    return %arg0, %c0_i32 : i32, i32
  }
  func.func @transform_14(%arg0: i32) -> (i32, i32) {
    %c0_i32 = arith.constant 0 : i32
    %c0_i32_0 = arith.constant 0 : i32
    return %arg0, %c0_i32 : i32, i32
  }
}

module attributes {stable_mosaic.version = 14 : i64} {
  func.func @_final_body(%arg0: i32, %arg1: memref<2x1000x48xf32, #tpu.memory_space<vmem>>, %arg2: memref<2x1000x16xf32, #tpu.memory_space<vmem>>, %arg3: memref<1000x48xf32, #tpu.memory_space<vmem>>, %arg4: memref<1000x16xf32, #tpu.memory_space<vmem>>, %arg5: memref<1000x16xf32, #tpu.memory_space<vmem>>, %arg6: memref<8x48xf32, #tpu.memory_space<vmem>>, %arg7: memref<16x48xf32, #tpu.memory_space<vmem>>, %arg8: memref<1000x48xf32, #tpu.memory_space<vmem>>) attributes {dimension_semantics = [#tpu.dimension_semantics<arbitrary>], iteration_bounds = array<i64: 10>, scalar_prefetch = 0 : i64, scratch_operands = 0 : i64, tpu.core_type = #tpu.core_type<tc>, window_params = [{transform_indices = @transform_0, window_bounds = array<i64: 2, 1000, 48>}, {transform_indices = @transform_1, window_bounds = array<i64: 2, 1000, 16>}, {transform_indices = @transform_2, window_bounds = array<i64: 1000, 48>}, {transform_indices = @transform_3, window_bounds = array<i64: 1000, 16>}, {transform_indices = @transform_4, window_bounds = array<i64: 1000, 16>}, {pipeline_mode = #tpu.pipeline_mode<synchronous>, transform_indices = @transform_5, window_bounds = array<i64: 8, 48>}, {pipeline_mode = #tpu.pipeline_mode<synchronous>, transform_indices = @transform_6, window_bounds = array<i64: 16, 48>}, {transform_indices = @transform_7, window_bounds = array<i64: 1000, 48>}]} {
    %get3A = arith.constant 0 : index
    %get3A_0 = arith.constant 0 : index
    %get3A_1 = vector.load %arg4[%get3A, %get3A_0] : memref<1000x16xf32, #tpu.memory_space<vmem>>, vector<1000x16xf32>
    %get3A_2 = arith.constant 0 : index
    %get3A_3 = arith.constant 0 : index
    %get3A_4 = vector.load %arg5[%get3A_2, %get3A_3] : memref<1000x16xf32, #tpu.memory_space<vmem>>, vector<1000x16xf32>
    %add3A = arith.addf %get3A_1, %get3A_4 : vector<1000x16xf32>
    %ge3A = arith.constant 0.000000e+00 : f32
    %ge3A_5 = vector.broadcast %ge3A : f32 to vector<1000x16xf32>
    %ge3A_6 = arith.cmpf oge, %add3A, %ge3A_5 : vector<1000x16xf32>
    %mul3A = arith.constant 2.000000e-01 : f32
    %mul3A_7 = vector.broadcast %mul3A : f32 to vector<1000x16xf32>
    %mul3A_8 = arith.mulf %mul3A_7, %add3A : vector<1000x16xf32>
    %select_n3A = arith.select %ge3A_6, %add3A, %mul3A_8 : vector<1000x16xi1>, vector<1000x16xf32>
    %exp3A = math.exp %select_n3A : vector<1000x16xf32>
    %get3A_9 = arith.constant 0 : index
    %get3A_10 = arith.constant 0 : index
    %get3A_11 = arith.constant 0 : index
    %get3A_12 = vector.load %arg2[%get3A_9, %get3A_10, %get3A_11] : memref<2x1000x16xf32, #tpu.memory_space<vmem>>, vector<1x1000x16xf32>
    %get3A_13 = vector.shape_cast %get3A_12 : vector<1x1000x16xf32> to vector<1000x16xf32>
    %get3A_14 = arith.constant 1 : index
    %get3A_15 = arith.constant 0 : index
    %get3A_16 = arith.constant 0 : index
    %get3A_17 = vector.load %arg2[%get3A_14, %get3A_15, %get3A_16] : memref<2x1000x16xf32, #tpu.memory_space<vmem>>, vector<1x1000x16xf32>
    %get3A_18 = vector.shape_cast %get3A_17 : vector<1x1000x16xf32> to vector<1000x16xf32>
    %add3A_19 = arith.addf %get3A_13, %get3A_18 : vector<1000x16xf32>
    %add3A_20 = arith.addf %add3A_19, %exp3A : vector<1000x16xf32>
    %get3A_21 = arith.constant 0 : index
    %get3A_22 = arith.constant 0 : index
    %get3A_23 = vector.load %arg7[%get3A_21, %get3A_22] : memref<16x48xf32, #tpu.memory_space<vmem>>, vector<16x48xf32>
    %dot_general3A = arith.constant dense<0.000000e+00> : vector<1000x48xf32>
    %dot_general3A_24 = tpu.matmul %add3A_20, %get3A_23, %dot_general3A {dimension_numbers = #tpu.dot_dimension_numbers<[1], [0], [0], [1], [0, 0, 1, 1], [], []>, transpose_lhs_hint = false} : vector<1000x16xf32>, vector<16x48xf32>, vector<1000x48xf32> -> vector<1000x48xf32>
    %get3A_25 = arith.constant 0 : index
    %get3A_26 = arith.constant 0 : index
    %get3A_27 = arith.constant 0 : index
    %get3A_28 = vector.load %arg1[%get3A_25, %get3A_26, %get3A_27] : memref<2x1000x48xf32, #tpu.memory_space<vmem>>, vector<1x1000x48xf32>
    %get3A_29 = vector.shape_cast %get3A_28 : vector<1x1000x48xf32> to vector<1000x48xf32>
    %get3A_30 = arith.constant 1 : index
    %get3A_31 = arith.constant 0 : index
    %get3A_32 = arith.constant 0 : index
    %get3A_33 = vector.load %arg1[%get3A_30, %get3A_31, %get3A_32] : memref<2x1000x48xf32, #tpu.memory_space<vmem>>, vector<1x1000x48xf32>
    %get3A_34 = vector.shape_cast %get3A_33 : vector<1x1000x48xf32> to vector<1000x48xf32>
    %add3A_35 = arith.addf %get3A_29, %get3A_34 : vector<1000x48xf32>
    %dot_general3A_36 = arith.constant dense<0.000000e+00> : vector<1000x48xf32>
    %dot_general3A_37 = tpu.matmul %exp3A, %get3A_23, %dot_general3A_36 {dimension_numbers = #tpu.dot_dimension_numbers<[1], [0], [0], [1], [0, 0, 1, 1], [], []>, transpose_lhs_hint = false} : vector<1000x16xf32>, vector<16x48xf32>, vector<1000x48xf32> -> vector<1000x48xf32>
    %get3A_38 = arith.constant 0 : index
    %get3A_39 = arith.constant 0 : index
    %get3A_40 = vector.load %arg3[%get3A_38, %get3A_39] : memref<1000x48xf32, #tpu.memory_space<vmem>>, vector<1000x48xf32>
    %mul3A_41 = arith.mulf %dot_general3A_37, %get3A_40 : vector<1000x48xf32>
    %add3A_42 = arith.addf %add3A_35, %mul3A_41 : vector<1000x48xf32>
    %div3A = arith.divf %add3A_42, %dot_general3A_24 : vector<1000x48xf32>
    %get3A_43 = arith.constant 0 : index
    %get3A_44 = arith.constant 0 : index
    %get3A_45 = vector.load %arg6[%get3A_43, %get3A_44] : memref<8x48xf32, #tpu.memory_space<vmem>>, vector<1x48xf32>
    %add3A_46 = vector.broadcast %get3A_45 : vector<1x48xf32> to vector<1000x48xf32>
    %add3A_47 = arith.addf %div3A, %add3A_46 : vector<1000x48xf32>
    %iota3A = tpu.iota {dimensions = array<i32: 1>} : vector<1000x48xi32>
    %lt3A = arith.constant 40 : i32
    %lt3A_48 = vector.broadcast %lt3A : i32 to vector<1000x48xi32>
    %lt3A_49 = arith.cmpi slt, %iota3A, %lt3A_48 : vector<1000x48xi32>
    %jit3A = arith.constant -1.000000e+30 : f32
    %broadcast_in_dim3A = vector.broadcast %jit3A : f32 to vector<1000x48xf32>
    %select_n3A_50 = arith.select %lt3A_49, %add3A_47, %broadcast_in_dim3A : vector<1000x48xi1>, vector<1000x48xf32>
    %reduce_max3A = arith.constant dense<0xFF800000> : vector<1000xf32>
    %reduce_max3A_51 = vector.multi_reduction <maximumf>, %select_n3A_50, %reduce_max3A [1] : vector<1000x48xf32> to vector<1000xf32>
    %broadcast_in_dim3A_52 = vector.shape_cast %reduce_max3A_51 : vector<1000xf32> to vector<1000x1xf32>
    %sub3A = vector.broadcast %broadcast_in_dim3A_52 : vector<1000x1xf32> to vector<1000x48xf32>
    %sub3A_53 = arith.subf %select_n3A_50, %sub3A : vector<1000x48xf32>
    %exp3A_54 = math.exp %sub3A_53 : vector<1000x48xf32>
    %reduce_sum3A = arith.constant dense<0.000000e+00> : vector<1000xf32>
    %reduce_sum3A_55 = vector.multi_reduction <add>, %exp3A_54, %reduce_sum3A [1] : vector<1000x48xf32> to vector<1000xf32>
    %broadcast_in_dim3A_56 = vector.shape_cast %reduce_sum3A_55 : vector<1000xf32> to vector<1000x1xf32>
    %log3A = math.log %broadcast_in_dim3A_56 : vector<1000x1xf32>
    %add3A_57 = arith.addf %broadcast_in_dim3A_52, %log3A : vector<1000x1xf32>
    %sub3A_58 = vector.broadcast %add3A_57 : vector<1000x1xf32> to vector<1000x48xf32>
    %sub3A_59 = arith.subf %add3A_47, %sub3A_58 : vector<1000x48xf32>
    %swap3A = arith.constant 0 : index
    %swap3A_60 = arith.constant 0 : index
    %swap3A_61 = vector.load %arg8[%swap3A, %swap3A_60] : memref<1000x48xf32, #tpu.memory_space<vmem>>, vector<1000x48xf32>
    tpu.vector_store %arg8[%swap3A, %swap3A_60], %sub3A_59 {strides = array<i32>} : memref<1000x48xf32, #tpu.memory_space<vmem>>, vector<1000x48xf32>,
    return
  }
  func.func @transform_0(%arg0: i32) -> (i32, i32, i32) {
    %c0_i32 = arith.constant 0 : i32
    %c0_i32_0 = arith.constant 0 : i32
    %c0_i32_1 = arith.constant 0 : i32
    return %c0_i32, %arg0, %c0_i32_0 : i32, i32, i32
  }
  func.func @transform_1(%arg0: i32) -> (i32, i32, i32) {
    %c0_i32 = arith.constant 0 : i32
    %c0_i32_0 = arith.constant 0 : i32
    %c0_i32_1 = arith.constant 0 : i32
    return %c0_i32, %arg0, %c0_i32_0 : i32, i32, i32
  }
  func.func @transform_2(%arg0: i32) -> (i32, i32) {
    %c0_i32 = arith.constant 0 : i32
    %c0_i32_0 = arith.constant 0 : i32
    return %arg0, %c0_i32 : i32, i32
  }
  func.func @transform_3(%arg0: i32) -> (i32, i32) {
    %c0_i32 = arith.constant 0 : i32
    %c0_i32_0 = arith.constant 0 : i32
    return %arg0, %c0_i32 : i32, i32
  }
  func.func @transform_4(%arg0: i32) -> (i32, i32) {
    %c0_i32 = arith.constant 0 : i32
    %c0_i32_0 = arith.constant 0 : i32
    return %arg0, %c0_i32 : i32, i32
  }
  func.func @transform_5(%arg0: i32) -> (i32, i32) {
    %c0_i32 = arith.constant 0 : i32
    %c0_i32_0 = arith.constant 0 : i32
    %c0_i32_1 = arith.constant 0 : i32
    return %c0_i32, %c0_i32_0 : i32, i32
  }
  func.func @transform_6(%arg0: i32) -> (i32, i32) {
    %c0_i32 = arith.constant 0 : i32
    %c0_i32_0 = arith.constant 0 : i32
    %c0_i32_1 = arith.constant 0 : i32
    return %c0_i32, %c0_i32_0 : i32, i32
  }
  func.func @transform_7(%arg0: i32) -> (i32, i32) {
    %c0_i32 = arith.constant 0 : i32
    %c0_i32_0 = arith.constant 0 : i32
    return %arg0, %c0_i32 : i32, i32
  }
}

</mosaic_0001>

<sc_bundles>
// kernel: _impl.12.cloned.1.call-start
scs
__scs_entry_jumppad:
0x0: {  	(pc) =	sbr.rel $0x88, $3  }
0x1: {  	(tag) =	ssettag $0x0;
	lr =	simm.s32 $0x1  }
0x2: {  	[smem:$0x3F8F] =	sst lr;
	_ =	strace $0xD0000000  }
0x3: {  	_ = 	snop  }
0x4: {  	_ = 	snop  }
0x5: {  	_ = 	snop  }
0x6: {  	_ = 	snop  }
0x7: {  	_ = 	snop  }
__scs_overlays_trampoline_lowered:
0x8: {  	[smem:$0x3F9E] =	sst s0  }
0x9: {  	[smem:$0x3F9F] =	sst s1  }
0xa: {  	[smem:$0x3FA0] =	sst s2  }
0xb: {  	[smem:$0x3FA1] =	sst s3  }
0xc: {  	[smem:$0x3FA2] =	sst s4  }
0xd: {  	[smem:$0x3FA3] =	sst s5  }
0xe: {  	[smem:$0x3FA4] =	sst s6  }
0xf: {  	[smem:$0x3FA5] =	sst s7  }
0x10: {  	[smem:$0x3FA6] =	sst s8  }
0x11: {  	[smem:$0x3FA7] =	sst s9;
	s0 =	simm.s32 @!p0 $0x0  }
0x12: {  	s1 =	sld [smem:$0x3F8D];
	s0 =	simm.s32 @p0 $0x1  }
0x13: {  	[smem:$0x3FA8] =	sst s0;
	s0 =	simm.s32 @!p1 $0x0  }
0x14: {  	s2 =	sld [smem:$0x3F8C];
	s0 =	simm.s32 @p1 $0x1  }
0x15: {  	[smem:$0x3FA9] =	sst s0;
	s0 =	simm.s32 @!p2 $0x0  }
0x16: {  	s3 =	sld [smem:$0x3FDB];
	s0 =	simm.s32 @p2 $0x1  }
0x17: {  	s4 =	simm.s32 $0x1BF5;
	[smem:$0x3FAB] =	sst s0  }
0x18: {  	s0 =	sld [smem:$0x3F8E];
	_ =	swait.ge [sflag:s4], $0x0  }
0x19: {  	s7 =	sld [smem:$0x3F8F]  }
0x1a: {  	s8 =	sadd.s32 $0xFFFFE003, lr  }
0x1b: {  	s9 =	sadd.s32 $0xFFFFFEF7, lr;
	s5 =	simm.s32 $0xFFFFFFFF;
	p2 =	slt.u32 s8, $0xFFFFF086  }
0x1c: {  	p1 =	slt.u32 s9, $0xF7A;
	s5 =	simm.s32 @!p2 $0x0  }
0x1d: {  	s5 =	simm.s32 @p1 $0x1;
	p0 =	seq.s32 s7, s2  }
0x1e: {  	s7 =	smul.u32 @!p0 $0xF7A, s2;
	p2 =	seq.s32 @!p0 s5, $0x0  }
0x1f: {  	s9 =	smul.u32 $0xF7A, s1;
	s8 =	simm.s32 @!p0 $0x1BF5;
	p2 =	por !p2, p0  }
0x20: {  	[sflag:s8] =	ssyncset.s32 @!p0 $0xFFFFF086;
	s6 =	sadd.s32 @!p0 s3, s7;
	s7 =	simm.s32 @!p0 $0x108  }
0x21: {  	s3 =	sadd.s32 s3, s9;
	s6 =	sadd.s32 @!p0 $0x88, s6;
	s7 =	simm.s32 @p2 $0x1082  }
0x22: {  	[simem:s7], [sflag:s8] =	dma.local @!p0 [hbm:s6], $0xF7A  }
0x23: {  	s9 =	sor.u32 $0xD0000000, s2;
	s6 =	simm.s32 $0x108;
	_ =	swait.ge @!p0 [sflag:s8], $0x0  }
0x24: {  	s3 =	sadd.s32 $0x88, s3;
	s6 =	simm.s32 @!p1 $0x1082;
	[sflag:s4] =	ssyncset.s32 $0xFFFFF086  }
0x25: {  	[simem:s6], [sflag:s4] =	dma.local [hbm:s3], $0xF7A  }
0x26: {  	[smem:$0x3F8F] =	sst s1;
	(tag) =	ssettag s2;
	_ =	strace s9  }
0x27: {  	s1 =	sld [smem:$0x3F9F]  }
0x28: {  	s2 =	sld [smem:$0x3FA0]  }
0x29: {  	s4 =	sld [smem:$0x3FA2]  }
0x2a: {  	p0 =	seq.s32 s5, $0x0;
	s5 =	sld [smem:$0x3FA3]  }
0x2b: {  	s6 =	sld [smem:$0x3FA4]  }
0x2c: {  	s7 =	sld [smem:$0x3FA5]  }
0x2d: {  	s3 =	simm.s32 $0x108;
	s8 =	sld [smem:$0x3FA6]  }
0x2e: {  	s3 =	simm.s32 @!p0 $0x1082;
	s9 =	sld [smem:$0x3FA7]  }
0x2f: {  	lr =	sadd.s32 s0, s3;
	s0 =	sld [smem:$0x3F9E]  }
0x30: {  	s3 =	sld [smem:$0x3FA1]  }
0x31: {  	[smem:$0x3FAA] =	sst s10  }
0x32: {  	s10 =	sld [smem:$0x3FA8];
	_ =	sdelay $0x3  }
0x33: {  	p0 =	seq.s32 s10, $0x1;
	s10 =	sld [smem:$0x3FAA];
	_ =	sdelay $0x3  }
0x34: {  	[smem:$0x3FAA] =	sst s10  }
0x35: {  	s10 =	sld [smem:$0x3FA9];
	_ =	sdelay $0x3  }
0x36: {  	p1 =	seq.s32 s10, $0x1;
	s10 =	sld [smem:$0x3FAA];
	_ =	sdelay $0x3  }
0x37: {  	[smem:$0x3FAA] =	sst s10  }
0x38: {  	s10 =	sld [smem:$0x3FAB]  }
0x39: {  	_ = 	snop;
	(pc) =	sbr.ind lr, $3  }
0x3a: {  	_ = 	snop  }
0x3b: {  	_ = 	snop  }
0x3c: {  	p2 =	seq.s32 s10, $0x1;
	s10 =	sld [smem:$0x3FAA]  }
0x3d: {  	_ =	shalt  }
0x3e: {  	_ =	shalt  }
0x3f: {  	_ =	shalt  }
0x40: {  	_ =	shalt  }
0x41: {  	_ =	shalt  }
0x42: {  	_ =	shalt  }
0x43: {  	_ =	shalt  }
0x44: {  	_ =	shalt  }
0x45: {  	_ =	shalt  }
0x46: {  	_ =	shalt  }
0x47: {  	_ =	shalt  }
0x48: {  	_ =	shalt  }
0x49: {  	_ =	shalt  }
0x4a: {  	_ =	shalt  }
0x4b: {  	_ =	shalt  }
0x4c: {  	_ =	shalt  }
0x4d: {  	_ =	shalt  }
0x4e: {  	_ =	shalt  }
0x4f: {  	_ =	shalt  }
0x50: {  	_ =	shalt  }
0x51: {  	_ =	shalt  }
0x52: {  	_ =	shalt  }
0x53: {  	_ =	shalt  }
0x54: {  	_ =	shalt  }
0x55: {  	_ =	shalt  }
0x56: {  	_ =	shalt  }
0x57: {  	_ =	shalt  }
0x58: {  	_ =	shalt  }
0x59: {  	_ =	shalt  }
0x5a: {  	_ =	shalt  }
0x5b: {  	_ =	shalt  }
0x5c: {  	_ =	shalt  }
0x5d: {  	_ =	shalt  }
0x5e: {  	_ =	shalt  }
0x5f: {  	_ =	shalt  }
0x60: {  	_ =	shalt  }
0x61: {  	_ =	shalt  }
0x62: {  	_ =	shalt  }
0x63: {  	_ =	shalt  }
0x64: {  	_ =	shalt  }
0x65: {  	_ =	shalt  }
0x66: {  	_ =	shalt  }
0x67: {  	_ =	shalt  }
0x68: {  	_ =	shalt  }
0x69: {  	_ =	shalt  }
0x6a: {  	_ =	shalt  }
0x6b: {  	_ =	shalt  }
0x6c: {  	_ =	shalt  }
0x6d: {  	_ =	shalt  }
0x6e: {  	_ =	shalt  }
0x6f: {  	_ =	shalt  }
0x70: {  	_ =	shalt  }
0x71: {  	_ =	shalt  }
0x72: {  	_ =	shalt  }
0x73: {  	_ =	shalt  }
0x74: {  	_ =	shalt  }
0x75: {  	_ =	shalt  }
0x76: {  	_ =	shalt  }
0x77: {  	_ =	shalt  }
0x78: {  	_ =	shalt  }
0x79: {  	_ =	shalt  }
0x7a: {  	_ =	shalt  }
0x7b: {  	_ =	shalt  }
0x7c: {  	_ =	shalt  }
0x7d: {  	_ =	shalt  }
0x7e: {  	_ =	shalt  }
0x7f: {  	_ =	shalt  }
0x80: {  	_ =	shalt  }
0x81: {  	_ =	shalt  }
0x82: {  	_ =	shalt  }
0x83: {  	_ =	shalt  }
0x84: {  	_ =	shalt  }
0x85: {  	_ =	shalt  }
0x86: {  	_ =	shalt  }
0x87: {  	_ =	shalt  }
.Lfunc_end0:
.L_simem_size_0:
called_computation.1_lowered:
.L_overlay_start_0:
0x88: {  	s2 =	sld [smem:$0x3FD9]  }
0x89: {  	s3 =	sld [smem:$0x3FFE];
	_ =	sdelay $0x1  }
0x8a: {  	s1 =	srdreg.scid  }
0x8b: {  	s0 =	sand.u32 $0x1, s1  }
0x8c: {  	s17 =	sshll.u32 s0, $0xA;
	s2 =	sadd.s32 s3, s2  }
0x8d: {  	s2 =	sadd.s32 s2, s17  }
0x8e: {  	[smem:$0x3FB6] =	sst s2  }
0x8f: {  	_ = 	snop  }
0x90: {  	s2 =	sld [smem:$0x3FD0];
	(tm) =	ssettm $0x1  }
0x91: {  	s18 =	sld [smem:$0x3FFB];
	_ =	sdelay $0x3  }
0x92: {  	_ =	strace s18  }
0x93: {  	s3 =	sld [smem:$0x3FFC];
	_ =	sdelay $0x3  }
0x94: {  	_ =	strace s3  }
0x95: {  	s3 =	sld [smem:$0x3FFD];
	_ =	sdelay $0x3  }
0x96: {  	_ =	strace s3  }
0x97: {  	_ =	strace $0x8FFFFFFF  }
0x98: {  	s19 =	sld [smem:$0x3FDB];
	_ =	sdelay $0x1  }
0x99: {  	s4 =	simm.s32 $_scs_section_size  }
0x9a: {  	s5 =	simm.s32 $_size__tile_overlayer_lowered;
	s6 =	simm.s32 $_tile_overlayer_lowered  }
0x9b: {  	s22 =	simm.s32 $0x1BFF;
	s21 =	sshll.u32 s6, $0x1;
	s3 =	sadd.s32 s4, s19  }
0x9c: {  	s7 =	simm.s32 $0x0;
	s20 =	sshll.u32 s5, $0x1;
	s5 =	sadd.s32 s21, s3  }
0x9d: {  	[timem:s7], [sflag:s22] =	dma.local [hbm:s5], s20  }
0x9e: {  	_ =	swait.ge [sflag:s22], s20  }
0x9f: {  	s4 =	ssub.s32 $0x0, s20;
	[sflag:s22] =	ssyncset.done $0x0  }
0xa0: {  	[sflag:s22] =	ssyncadd.s32 s4;
	_ =	sdelay $0x1  }
0xa1: {  	s23 =	simm.s32 $0x1B8B  }
0xa2: {  	_ =	swait.ge [sflag:s23], $0x1  }
0xa3: {  	[sflag:s23] =	ssyncset.done $0x0  }
0xa4: {  	s25 =	simm.s32 $0x1B8E;
	s24 =	sld [smem:$0x3FFE];
	[sflag:s23] =	ssyncadd.s32 $0xFFFFFFFF  }
0xa5: {  	s26 =	simm.s32 $execute0_lowered;
	[smem:$0x3FD2] =	sst s25  }
0xa6: {  	s5 =	sshll.u32 s26, $0x1;
	_ =	strace $0x80000049;
	[dreg:$0x1] =	wrdreg $0xFFFFFFFF  }
0xa7: {  	s28 =	simm.s32 $_size_execute0_lowered;
	s3 =	sadd.s32 s3, s5;
	[dreg:$0x0] =	wrdreg $0x0  }
0xa8: {  	s5 =	sshll.u32 s28, $0x1;
	[dreg:$0x2] =	wrdreg s3  }
0xa9: {  	[dreg:$0x3] =	wrdreg s5  }
0xaa: {  	[dreg:$0x4] =	wrdreg $0xC0  }
0xab: {  	_ =	task [dreg:s7], $0x5FFFF  }
0xac: {  	[dreg:$0x1] =	wrdreg $0xFFFFFFFF  }
0xad: {  	[dreg:$0x0] =	wrdreg $0x60  }
0xae: {  	[dreg:$0x2] =	wrdreg s2  }
0xaf: {  	[dreg:$0x3] =	wrdreg s24  }
0xb0: {  	[dreg:$0x4] =	wrdreg $0x9C400  }
0xb1: {  	[dreg:$0x5] =	wrdreg $0x1D4C00  }
0xb2: {  	[dreg:$0x6] =	wrdreg $0x9  }
0xb3: {  	_ =	task.clear_ibuf [dreg:s7], $0x7FFFF;
	_ =	strace $0x90000049  }
0xb4: {  	s29 =	simm.s32 $0x9;
	_ =	strace $0x8000004B  }
0xb5: {  	_ =	swait.ge [sflag:s29], $0x1  }
0xb6: {  	[sflag:s29] =	ssyncadd.s32 $0xFFFFFFFF  }
0xb7: {  	_ =	strace $0x9000004B  }
0xb8: {  	_ =	sfence  }
0xb9: {  	s30 =	sld [smem:$0x0];
	_ =	sdelay $0x2  }
0xba: {  	s31 =	sshll.u32 s1, $0xD;
	s1 =	sshrl.u32 s1, $0x2  }
0xbb: {  	s3 =	sand.u32 $0x4000, s31;
	s1 =	sadd.s32 s1, s30  }
0xbc: {  	s0 =	sor.u32 s3, s0;
	s1 =	sshll.u32 s1, $0x11  }
0xbd: {  	s0 =	sor.u32 s1, s0  }
0xbe: {  	s0 =	sadd.s32 $0x8F2B, s0  }
0xbf: {  	[sflag:s0] =	ssyncadd.remote.s32 $0x1  }
0xc0: {  	_ =	sfence.sel $0xFFFF  }
0xc1: {  	[dreg:$0x0] =	wrdreg $0xFFFFFFFF;
	(pc) =	sbr.abs _section_cstart, $3  }
0xc2: {  	[dreg:$0x1] =	wrdreg $0xFFFFFFFF  }
0xc3: {  	_ =	task.clear_ibuf [dreg:s7], $0x2FFFF;
	_ =	strace $0x9FFFFFFF  }
0xc4: {  	(tm) =	ssettm $0x7FFFFFFF  }
0xc5: {  	_ =	shalt  }
tec
execute0_lowered:
.L_overlay_start_1:
0x0: {  	(tag) =	ssettag $0x1  }
0x1: {  	s0 =	rddreg [dreg:$0x0]  }
0x2: {  	s1 =	srdreg.scid;
	s4 =	rddreg [dreg:$0x1]  }
0x3: {  	s2 =	rddreg [dreg:$0x2];
	s17 =	stileid.u32  }
0x4: {  	s3 =	rddreg [dreg:$0x3];
	s6 =	simm.s32 $0x0;
	s29 =	simm.s32 $0x7080  }
0x5: {  	s30 =	simm.s32 $0x8CA0;
	s31 =	simm.s32 $0x92E0;
	s28 =	simm.s32 $0x9920  }
0x6: {  	s1 =	sand.u32 $0x1, s1;
	[smem:$0x7FF] =	sst s6;
	s6 =	sadd.s32 $0x7FC00, s4  }
0x7: {  	s7 =	sadd.s32 $0x7AC00, s4;
	s10 =	sadd.s32 $0x90200, s4;
	s12 =	smul.u32 $0x13800, s17  }
0x8: {  	s23 =	sadd.s32 $0x8FC00, s4;
	s24 =	sadd.s32 $0x9C800, s4;
	s13 =	smul.u32 $0x2700, s17  }
0x9: {  	s15 =	sshll.u32 s17, $0x6;
	_ =	strace $0x8000004A;
	[dreg:$0x5] =	wrdreg s10  }
0xa: {  	s18 =	sadd.s32 $0x138000, s2;
	s19 =	sadd.s32 $0x27000, s3;
	[dreg:$0x6] =	wrdreg s23  }
0xb: {  	p0 =	sne.s32 s17, $0xF;
	s5 =	sshll.u32 s1, $0x4;
	[dreg:$0x9] =	wrdreg s18  }
0xc: {  	s11 =	ssub.s32 $0x2, s1;
	s16 =	smul.u32 $0x138800, s1;
	[dreg:$0xa] =	wrdreg s19  }
0xd: {  	s1 =	smul.u32 $0x27100, s1;
	s5 =	sor.u32 s17, s5;
	s14 =	sshrl.u32 s11, $0x1  }
0xe: {  	s25 =	sadd.s32 s12, s2;
	s26 =	sadd.s32 s13, s3;
	s8 =	smul.u32 $0x578, s5  }
0xf: {  	s5 =	sadd.s32 $0x5600, s4;
	s14 =	ssub.s32 s11, s14;
	[dreg:$0x7] =	wrdreg s25  }
0x10: {  	s11 =	sor.u32 $0x1C05, s15;
	[dreg:$0x8] =	wrdreg s26;
	s12 =	sadd.s32 s12, s16  }
0x11: {  	s22 =	sadd.s32 s13, s1;
	s23 =	sshrl.u32 s16, $0x3;
	s1 =	sshrl.u32 s1, $0x3  }
0x12: {  	s12 =	sshrl.u32 s12, $0x3;
	s26 =	smax.u32 s14, $0x1;
	s9 =	sadd.s32 s8, s4  }
0x13: {  	s4 =	sadd.s32 $0x92A00, s4;
	s0 =	sadd.s32 s0, s8;
	s21 =	sadd.s32 s24, s12  }
0x14: {  	s8 =	sadd.s32 s24, s23;
	[dreg:$0x11] =	wrdreg s26;
	s26 =	simm.s32 $0x2  }
0x15: {  	s12 =	simm.s32 $0x0;
	[dreg:$0xb] =	wrdreg s0;
	s20 =	sadd.s32 $0x84C00, s9  }
0x16: {  	[dreg:$0xd] =	wrdreg s21;
	s0 =	sshrl.u32 s22, $0x3;
	s1 =	sadd.s32 s4, s1  }
0x17: {  	s24 =	sadd.s32 $0x27000, s8;
	s22 =	simm.s32 $0x5;
	[dreg:$0xc] =	wrdreg s20  }
0x18: {  	s0 =	sadd.s32 s4, s0;
	[dreg:$0xf] =	wrdreg s24;
	s25 =	sadd.s32 $0x4E00, s1  }
0x19: {  	s24 =	simm.s32 $0x32;
	s1 =	simm.s32 $0x1;
	[dreg:$0xe] =	wrdreg s0  }
0x1a: {  	[dreg:$0x10] =	wrdreg s25;
	s25 =	simm.s32 $0x5780;
	s0 =	simm.s32 $0x9600  }
.LBB2_1:
0x1b: {  	s4 =	rddreg [dreg:$0x7]  }
0x1c: {  	s8 =	sshrl.u32 s4, $0x3;
	s4 =	rddreg [dreg:$0x5]  }
0x1d: {  	[dreg:$0x12] =	wrdreg s8  }
0x1e: {  	[spmem:s8], [sflag:s11] =	dma.local [hbm:s4], $0x2700  }
0x1f: {  	_ =	swait.ge [sflag:s22], $0x2700  }
0x20: {  	[sflag:s22] =	ssyncset.done $0x0;
	s16 =	rddreg [dreg:$0x8]  }
0x21: {  	s8 =	rddreg [dreg:$0x6];
	[sflag:s22] =	ssyncadd.s32 $0xFFFFD900;
	s14 =	sshrl.u32 s16, $0x3  }
0x22: {  	[spmem:s14], [sflag:s11] =	dma.local [hbm:s8], $0x4E0  }
0x23: {  	_ =	swait.ge [sflag:s22], $0x4E0  }
0x24: {  	[sflag:s22] =	ssyncset.done $0x0;
	s9 =	rddreg [dreg:$0x9]  }
0x25: {  	[sflag:s22] =	ssyncadd.s32 $0xFFFFFB20;
	s15 =	sshrl.u32 @!p0 s9, $0x3  }
0x26: {  	[spmem:s15], [sflag:s11] =	dma.local @!p0 [hbm:s4], $0x100  }
0x27: {  	s4 =	simm.s32 @!p0 $0x5  }
0x28: {  	_ =	swait.ge @!p0 [sflag:s4], $0x100  }
0x29: {  	[sflag:s4] =	ssyncset.done @!p0 $0x0;
	s9 =	rddreg [dreg:$0xa]  }
0x2a: {  	[sflag:s4] =	ssyncadd.s32 @!p0 $0xFFFFFF00;
	s16 =	sshrl.u32 @!p0 s9, $0x3  }
0x2b: {  	[spmem:s16], [sflag:s11] =	dma.local @!p0 [hbm:s8], $0x20  }
0x2c: {  	_ =	swait.ge @!p0 [sflag:s4], $0x20  }
0x2d: {  	[sflag:s4] =	ssyncset.done @!p0 $0x0  }
0x2e: {  	s17 =	simm.s32 $0x0;
	s18 =	rddreg [dreg:$0xb];
	[sflag:s4] =	ssyncadd.s32 @!p0 $0xFFFFFFE0  }
0x2f: {  	[tilespmem:s17], [sflag:$0x5] =	stream.linear.gather [hbm4b:s18+s17], $0x2BC0, $0x38;
	[tilespmem:$0x1FBD0] =	vst v63  }
0x30: {  	_ =	swait.ge [sflag:s22], $0x2BC0  }
0x31: {  	[sflag:s22] =	ssyncset.done $0x0  }
0x32: {  	s20 =	simm.s32 $0x2BC0;
	s19 =	rddreg [dreg:$0xc];
	[sflag:s22] =	ssyncadd.s32 $0xFFFFD440  }
0x33: {  	[tilespmem:s20], [sflag:$0x5] =	stream.linear.gather [hbm4b:s19+s17], $0x2BC0, $0x38;
	[tilespmem:$0x1FBD0] =	vst v63  }
0x34: {  	_ =	swait.ge [sflag:s22], $0x2BC0  }
0x35: {  	[sflag:s22] =	ssyncset.done $0x0  }
0x36: {  	[sflag:s22] =	ssyncadd.s32 $0xFFFFD440  }
0x37: {  	[bflag:$0x0] =	sbarrier.arrive $0xFFFF  }
0x38: {  	[tilespmem:s25], [sflag:$0x1] =	stream.indirect.gather [hbm4b:s5+s24], $0x80, s17, s24, $0xb8;
	[tilespmem:$0x1FBD0] =	vst v63  }
0x39: {  	s21 =	simm.s32 $0x8980  }
0x3a: {  	[tilespmem:s21], [sflag:$0x1] =	stream.indirect.gather [hbm4b:s6+s24], $0x10, s17, s24, $0xb8;
	[tilespmem:$0x1FBD0] =	vst v63  }
0x3b: {  	s23 =	simm.s32 $0x8FC0;
	s17 =	simm.s32 $0x0  }
0x3c: {  	[tilespmem:s23], [sflag:$0x1] =	stream.indirect.gather [hbm4b:s7+s24], $0x10, s20, s24, $0xb8;
	[tilespmem:$0x1FBD0] =	vst v63  }
.LBB2_2:
0x3d: {  	p1 =	seq.s32 s17, $0x0  }
0x3e: {  	s4 =	simm.s32 @!p1 $0x4  }
0x3f: {  	_ =	swait.ge @!p1 [sflag:s4], $0x1900  }
0x40: {  	[sflag:s4] =	ssyncset.done @!p1 $0x0  }
0x41: {  	[sflag:s4] =	ssyncadd.s32 @!p1 $0xFFFFE700  }
0x42: {  	s18 =	sshllo.u32 s17, $0x1;
	_ =	swait.ge @!p1 [sflag:s4], $0x320  }
0x43: {  	s8 =	smul.u32 $0x38, s18;
	[sflag:s4] =	ssyncset.done @!p1 $0x0  }
0x44: {  	[sflag:s4] =	ssyncadd.s32 @!p1 $0xFFFFFCE0  }
0x45: {  	[tilespmem:s29], [sflag:$0x2] =	stream.indirect.gather [hbm4b:s5+s24], $0x80, s8, s24, $0xb8;
	[tilespmem:$0x1FBD0] =	vst v63  }
0x46: {  	_ = 	snop  }
0x47: {  	[tilespmem:s30], [sflag:$0x2] =	stream.indirect.gather [hbm4b:s6+s24], $0x10, s8, s24, $0xb8;
	[tilespmem:$0x1FBD0] =	vst v63  }
0x48: {  	s13 =	sadd.s32 $0x2BC0, s8  }
0x49: {  	[tilespmem:s31], [sflag:$0x2] =	stream.indirect.gather [hbm4b:s7+s24], $0x10, s13, s24, $0xb8;
	[tilespmem:$0x1FBD0] =	vst v63  }
0x4a: {  	_ =	swait.ge [sflag:s1], $0x1900  }
0x4b: {  	[sflag:s1] =	ssyncset.done $0x0  }
0x4c: {  	[sflag:s1] =	ssyncadd.s32 $0xFFFFE700  }
0x4d: {  	_ =	swait.ge [sflag:s1], $0x320  }
0x4e: {  	[sflag:s1] =	ssyncset.done $0x0  }
0x4f: {  	[sflag:s1] =	ssyncadd.s32 $0xFFFFFCE0  }
0x50: {  	_ =	swait.ge [sflag:s1], $0x320  }
0x51: {  	[sflag:s1] =	ssyncset.done $0x0  }
0x52: {  	s19 =	simm.s32 $0x89A0;
	[sflag:s1] =	ssyncadd.s32 $0xFFFFFCE0  }
0x53: {  	s20 =	simm.s32 $0x8FE0;
	v0 =	vld [tilespmem:s19+$0x10]  }
0x54: {  	v1 =	vld [tilespmem:s20+$0x10];
	_ =	sdelay $0x2  }
0x55: {  	v3 =	vld [tilespmem:s19+$0xFFFFFFF0]  }
0x56: {  	v4 =	vld [tilespmem:s20+$0xFFFFFFF0]  }
0x57: {  	v5 =	vld [tilespmem:s19+$0x0];
	v0 =	vadd.f32 v1, v0  }
0x58: {  	v6 =	vld [tilespmem:s20+$0x0]  }
0x59: {  	v7 =	vmul.f32 $2.000000030e-01, v0  }
0x5a: {  	v2 =	vld [tilespmem:s20+$0xFFFFFFE0];
	vm0 =	vge.f32 v0, $0.0e+00  }
0x5b: {  	v1 =	vld [tilespmem:s19+$0xFFFFFFE0];
	v3 =	vadd.f32 v4, v3;
	v0 =	vsel vm0, v0, v7  }
0x5c: {  	v0 =	vmul.f32 $1.442695020e+00, v0  }
0x5d: {  	v4 =	vadd.f32 v6, v5;
	v5 =	vmul.f32 $2.000000030e-01, v3  }
0x5e: {  	vm11 =	vge.f32 v3, $0.0e+00;
	(erf) = vpow2.f32 v0  }
0x5f: {  	v3 =	vsel vm11, v3, v5  }
0x60: {  	v1 =	vadd.f32 v2, v1;
	v3 =	vmul.f32 $1.442695020e+00, v3  }
0x61: {  	v2 =	vmul.f32 $2.000000030e-01, v4  }
0x62: {  	vm1 =	vge.f32 v4, $0.0e+00;
	v0 =	vmul.f32 $2.000000030e-01, v1;
	(erf) = vpow2.f32 v3  }
0x63: {  	vm12 =	vge.f32 v1, $0.0e+00;
	v2 =	vsel vm1, v4, v2  }
0x64: {  	v0 =	vsel vm12, v1, v0;
	v1 =	vmul.f32 $1.442695020e+00, v2  }
0x65: {  	s23 =	simm.s32 $0x89E0  }
0x66: {  	v41 =	vld [tilespmem:s23+$0x10];
	v0 =	vmul.f32 $1.442695020e+00, v0;
	(erf) = vpow2.f32 v1  }
0x67: {  	s20 =	simm.s32 $0x9020;
	v50 =	vld [tilespmem:s23+$0xFFFFFFF0];
	v4 =	vpop (erf)  }
0x68: {  	v44 =	vld [tilespmem:s20+$0x10];
	(erf) = vpow2.f32 v0;
	v11 =	vbroadcast v4, $0x0  }
0x69: {  	s21 =	simm.s32 $0x9620;
	v47 =	vld [tilespmem:s20+$0xFFFFFFE0];
	v14 =	vbroadcast v4, $0x1;
	v15 =	vbroadcast v4, $0x2  }
0x6a: {  	v52 =	vld [tilespmem:s20+$0xFFFFFFF0];
	s19 =	simm.s32 $0x5880;
	[tilespmem:s21+$0x10] =	vst v4;
	v1 =	vbroadcast v4, $0x3;
	v0 =	vbroadcast v4, $0x4  }
0x6b: {  	v8 =	vpop (erf);
	v3 =	vbroadcast v4, $0x5;
	v2 =	vbroadcast v4, $0x6;
	v5 =	vld [tilespmem:s19+$0xF0]  }
0x6c: {  	v4 =	vbroadcast v4, $0x7;
	v6 =	vld [tilespmem:s19+$0x80];
	v19 =	vbroadcast v8, $0x0  }
0x6d: {  	v7 =	vld [tilespmem:s19+$0x90];
	v21 =	vbroadcast v8, $0x1;
	v22 =	vbroadcast v8, $0x2  }
0x6e: {  	[tilespmem:s21+$0xFFFFFFF0] =	vst v8;
	v9 =	vld [tilespmem:s19+$0xA0];
	v35 =	vbroadcast v8, $0x3;
	v37 =	vbroadcast v8, $0x4  }
0x6f: {  	v38 =	vbroadcast v8, $0x5;
	v40 =	vbroadcast v8, $0x6;
	v12 =	vld [tilespmem:s19+$0xFFFFFF80];
	v10 =	vpop (erf)  }
0x70: {  	v8 =	vbroadcast v8, $0x7;
	v16 =	vld [tilespmem:s19+$0xFFFFFF90];
	v42 =	vbroadcast v10, $0x0  }
0x71: {  	v36 =	vld [tilespmem:s19+$0xFFFFFFA0];
	v13 =	vpop (erf);
	v43 =	vbroadcast v10, $0x1;
	v45 =	vbroadcast v10, $0x2  }
0x72: {  	v39 =	vld [tilespmem:s19+$0xFFFFFFB0];
	v46 =	vbroadcast v10, $0x3;
	v48 =	vbroadcast v10, $0x4;
	[tilespmem:s21+$0xFFFFFFE0] =	vst v13  }
0x73: {  	v49 =	vbroadcast v10, $0x5;
	v51 =	vbroadcast v10, $0x6;
	v17 =	vld [tilespmem:s19+$0xFFFFFF00]  }
0x74: {  	v24 =	vbroadcast v13, $0x0;
	v26 =	vbroadcast v13, $0x1;
	v18 =	vld [tilespmem:s19+$0xFFFFFF10]  }
0x75: {  	v27 =	vbroadcast v13, $0x2;
	v29 =	vbroadcast v13, $0x3;
	v20 =	vld [tilespmem:s19+$0xFFFFFF20]  }
0x76: {  	v30 =	vbroadcast v13, $0x4;
	v32 =	vbroadcast v13, $0x5;
	v23 =	vld [tilespmem:s19+$0xFFFFFF30]  }
0x77: {  	v33 =	vbroadcast v13, $0x6;
	v13 =	vbroadcast v13, $0x7;
	v28 =	vld [tilespmem:s19+$0xFFFFFF50]  }
0x78: {  	v5 =	vmul.f32 v5, v4;
	v34 =	vld [tilespmem:s19+$0xFFFFFF70];
	v4 =	vbroadcast v10, $0x7  }
0x79: {  	v25 =	vld [tilespmem:s19+$0xFFFFFF40];
	v7 =	vmul.f32 v14, v7;
	v9 =	vmul.f32 v15, v9  }
0x7a: {  	v31 =	vld [tilespmem:s19+$0xFFFFFF60];
	v12 =	vmul.f32 v19, v12;
	[tilespmem:s19+$0xF0] =	vst v5;
	v5 =	vmul.f32 v11, v6  }
0x7b: {  	v6 =	vld [tilespmem:s19+$0xFFFFFFE0];
	v17 =	vmul.f32 v24, v17;
	v18 =	vmul.f32 v26, v18  }
0x7c: {  	v19 =	vadd.f32 v44, v41;
	v24 =	vld [tilespmem:s23+$0x0];
	v20 =	vmul.f32 v27, v20;
	v27 =	vmul.f32 v28, v32  }
0x7d: {  	[tilespmem:s21+$0x0] =	vst v10;
	v26 =	vld [tilespmem:s20+$0x0];
	v10 =	vmul.f32 v34, v13;
	v13 =	vmul.f32 v21, v16  }
0x7e: {  	[tilespmem:s19+$0xFFFFFF80] =	vst v12;
	v28 =	vld [tilespmem:s23+$0xFFFFFFE0];
	v21 =	vmul.f32 v22, v36;
	v22 =	vmul.f32 $2.000000030e-01, v19  }
0x7f: {  	v15 =	vld [tilespmem:s19+$0xFFFFFFF0];
	v11 =	vadd.f32 v52, v50;
	v12 =	vmul.f32 v39, v35;
	vm13 =	vge.f32 v19, $0.0e+00;
	[tilespmem:s19+$0xFFFFFF90] =	vst v13  }
0x80: {  	v23 =	vmul.f32 v23, v29;
	v25 =	vmul.f32 v25, v30;
	v30 =	vld [tilespmem:s19+$0xFFFFFFC0];
	v14 =	vsel vm13, v19, v22;
	[tilespmem:s19+$0xFFFFFF00] =	vst v17  }
0x81: {  	vm14 =	vge.f32 v11, $0.0e+00;
	v16 =	vld [tilespmem:s19+$0xFFFFFFD0];
	[tilespmem:s19+$0xFFFFFF10] =	vst v18;
	v17 =	vmul.f32 $2.000000030e-01, v11;
	v14 =	vmul.f32 $1.442695020e+00, v14  }
0x82: {  	v29 =	vmul.f32 v31, v33;
	v19 =	vld [tilespmem:s19+$0x0];
	[tilespmem:s19+$0xFFFFFF40] =	vst v25;
	v25 =	vmul.f32 v6, v40;
	v13 =	vadd.f32 v26, v24  }
0x83: {  	[tilespmem:s19+$0xFFFFFF30] =	vst v23;
	v23 =	vld [tilespmem:s19+$0x30];
	v11 =	vsel vm14, v11, v17;
	v18 =	vadd.f32 v47, v28;
	(erf) = vpow2.f32 v14  }
0x84: {  	[tilespmem:s19+$0xFFFFFF20] =	vst v20;
	v17 =	vld [tilespmem:s19+$0x20];
	v11 =	vmul.f32 $1.442695020e+00, v11;
	v20 =	vmul.f32 $2.000000030e-01, v13  }
0x85: {  	[tilespmem:s19+$0x90] =	vst v7;
	v14 =	vld [tilespmem:s19+$0x10];
	v26 =	vmul.f32 v15, v8;
	vm15 =	vge.f32 v13, $0.0e+00;
	v22 =	vmul.f32 $2.000000030e-01, v18  }
0x86: {  	[tilespmem:s19+$0xA0] =	vst v9;
	v24 =	vld [tilespmem:s19+$0x60];
	vm2 =	vge.f32 v18, $0.0e+00;
	(erf) = vpow2.f32 v11;
	v13 =	vsel vm15, v13, v20  }
0x87: {  	[tilespmem:s19+$0xFFFFFF50] =	vst v27;
	v11 =	vld [tilespmem:s19+$0x50];
	v27 =	vmul.f32 v42, v19;
	v18 =	vsel vm2, v18, v22;
	v13 =	vmul.f32 $1.442695020e+00, v13  }
0x88: {  	[tilespmem:s19+$0x80] =	vst v5;
	v22 =	vmul.f32 v16, v38;
	v16 =	vld [tilespmem:s19+$0x40];
	v5 =	vmul.f32 $1.442695020e+00, v18  }
0x89: {  	v7 =	vld [tilespmem:s19+$0xD0];
	[tilespmem:s19+$0xFFFFFFB0] =	vst v12;
	v23 =	vmul.f32 v23, v46;
	(erf) = vpow2.f32 v13  }
0x8a: {  	[tilespmem:s19+$0xFFFFFF60] =	vst v29;
	v6 =	vld [tilespmem:s19+$0xB0];
	v20 =	vmul.f32 v30, v37;
	(erf) = vpow2.f32 v5  }
0x8b: {  	[tilespmem:s19+$0xFFFFFF70] =	vst v10;
	v8 =	vld [tilespmem:s19+$0xE0];
	v17 =	vmul.f32 v45, v17;
	v28 =	vmul.f32 v43, v14  }
0x8c: {  	s9 =	simm.s32 $0x9660;
	[tilespmem:s19+$0xFFFFFFA0] =	vst v21;
	v55 =	vmul.f32 v24, v51;
	v13 =	vld [tilespmem:s19+$0x70];
	v54 =	vmul.f32 v11, v49;
	v21 =	vpop (erf)  }
0x8d: {  	s4 =	simm.s32 $0x5A80;
	v5 =	vld [tilespmem:s19+$0xC0];
	v63 =	vmul.f32 v16, v48;
	[tilespmem:s9+$0x10] =	vst v21;
	v16 =	vbroadcast v21, $0x0  }
0x8e: {  	[tilespmem:s19+$0xFFFFFFF0] =	vst v26;
	v15 =	vbroadcast v21, $0x1;
	v14 =	vbroadcast v21, $0x2;
	v29 =	vld [tilespmem:s4+$0xF0]  }
0x8f: {  	[tilespmem:s19+$0xFFFFFFC0] =	vst v20;
	v11 =	vbroadcast v21, $0x3;
	v12 =	vbroadcast v21, $0x4;
	v18 =	vld [tilespmem:s4+$0x80]  }
0x90: {  	[tilespmem:s19+$0xFFFFFFD0] =	vst v22;
	v9 =	vbroadcast v21, $0x5;
	v10 =	vbroadcast v21, $0x6;
	v19 =	vld [tilespmem:s4+$0x90];
	v20 =	vpop (erf)  }
0x91: {  	v21 =	vbroadcast v21, $0x7;
	v24 =	vld [tilespmem:s4+$0xA0];
	[tilespmem:s9+$0xFFFFFFF0] =	vst v20;
	v32 =	vbroadcast v20, $0x0  }
0x92: {  	[tilespmem:s19+$0x10] =	vst v28;
	v33 =	vbroadcast v20, $0x1;
	v31 =	vbroadcast v20, $0x2;
	v34 =	vld [tilespmem:s4+$0xFFFFFF80];
	v56 =	vpop (erf)  }
0x93: {  	[tilespmem:s19+$0x50] =	vst v54;
	v40 =	vbroadcast v20, $0x3;
	v30 =	vbroadcast v20, $0x4;
	v39 =	vld [tilespmem:s4+$0xFFFFFF90];
	v22 =	vpop (erf)  }
0x94: {  	v28 =	vbroadcast v20, $0x6;
	v26 =	vbroadcast v20, $0x7;
	v54 =	vld [tilespmem:s4+$0xFFFFFFA0];
	[tilespmem:s9+$0xFFFFFFE0] =	vst v22  }
0x95: {  	[tilespmem:s19+$0xFFFFFFE0] =	vst v25;
	v21 =	vmul.f32 v29, v21;
	v29 =	vbroadcast v20, $0x5;
	v46 =	vld [tilespmem:s4+$0xFFFFFF00]  }
0x96: {  	[tilespmem:s19+$0x30] =	vst v23;
	v20 =	vbroadcast v56, $0x1;
	v23 =	vbroadcast v56, $0x2;
	v50 =	vld [tilespmem:s4+$0xFFFFFF10]  }
0x97: {  	[tilespmem:s19+$0x0] =	vst v27;
	v27 =	vbroadcast v56, $0x4;
	v25 =	vbroadcast v56, $0x5;
	v51 =	vld [tilespmem:s4+$0xFFFFFF20]  }
0x98: {  	[tilespmem:s19+$0x20] =	vst v17;
	v17 =	vbroadcast v56, $0x6;
	v35 =	vbroadcast v56, $0x7;
	v52 =	vld [tilespmem:s4+$0xFFFFFF30]  }
0x99: {  	v41 =	vbroadcast v22, $0x0;
	v47 =	vbroadcast v22, $0x1;
	v53 =	vld [tilespmem:s4+$0xFFFFFF40]  }
0x9a: {  	[tilespmem:s19+$0x60] =	vst v55;
	v45 =	vbroadcast v22, $0x2;
	v48 =	vbroadcast v22, $0x3;
	v36 =	vld [tilespmem:s4+$0xFFFFFF50]  }
0x9b: {  	[tilespmem:s19+$0x40] =	vst v63;
	v44 =	vbroadcast v22, $0x4;
	v49 =	vbroadcast v22, $0x5;
	v37 =	vld [tilespmem:s4+$0xFFFFFF60]  }
0x9c: {  	s10 =	simm.s32 $0x4;
	[tilespmem:s9+$0x0] =	vst v56;
	v42 =	vbroadcast v22, $0x6;
	v43 =	vbroadcast v22, $0x7;
	v38 =	vld [tilespmem:s4+$0xFFFFFF70]  }
0x9d: {  	s8 =	simm.s32 $0x5A80;
	s21 =	simm.s32 $0x6FF0;
	s23 =	simm.s32 $0x8A20;
	v55 =	vld [tilespmem:s4+$0xFFFFFFB0];
	v22 =	vbroadcast v56, $0x0;
	[tilespmem:s4+$0xF0] =	vst v21;
	v21 =	vbroadcast v56, $0x3  }
.LBB2_3:
0x9e: {  	v56 =	vld [tilespmem:s23+$0x10];
	v41 =	vmul.f32 v41, v46;
	v46 =	vmul.f32 v47, v50;
	s20 =	sadd.s32 $0x40, s20  }
0x9f: {  	s10 =	sadd.s32 $0x4, s10;
	v45 =	vmul.f32 v45, v51;
	v48 =	vmul.f32 v52, v48;
	v47 =	vld [tilespmem:s20+$0x10]  }
0xa0: {  	v36 =	vmul.f32 v36, v49;
	p1 =	slt.u32 s10, $0x2C;
	v50 =	vld [tilespmem:s20+$0xFFFFFFE0];
	[tilespmem:s4+$0xFFFFFF00] =	vst v41;
	v41 =	vmul.f32 v53, v44  }
0xa1: {  	v37 =	vmul.f32 v37, v42;
	v38 =	vmul.f32 v38, v43;
	v44 =	vld [tilespmem:s23+$0xFFFFFFF0];
	[tilespmem:s4+$0xFFFFFF10] =	vst v46  }
0xa2: {  	v32 =	vmul.f32 v32, v34;
	v33 =	vmul.f32 v33, v39;
	v42 =	vld [tilespmem:s20+$0xFFFFFFF0];
	[tilespmem:s4+$0xFFFFFF20] =	vst v45  }
0xa3: {  	v31 =	vmul.f32 v31, v54;
	v39 =	vmul.f32 v55, v40;
	v34 =	vld [tilespmem:s23+$0x0];
	[tilespmem:s4+$0xFFFFFF30] =	vst v48  }
0xa4: {  	v16 =	vmul.f32 v16, v18;
	v13 =	vmul.f32 v13, v4;
	v40 =	vld [tilespmem:s20+$0x0];
	v43 =	vadd.f32 v47, v56;
	[tilespmem:s4+$0xFFFFFF40] =	vst v41  }
0xa5: {  	v15 =	vmul.f32 v15, v19;
	v14 =	vmul.f32 v14, v24;
	v4 =	vmov v35;
	v18 =	vld [tilespmem:s23+$0xFFFFFFE0];
	[tilespmem:s4+$0xFFFFFF50] =	vst v36  }
0xa6: {  	v36 =	vmul.f32 v6, v1;
	v1 =	vmov v11;
	v19 =	vmul.f32 $2.000000030e-01, v43;
	[tilespmem:s4+$0xFFFFFF60] =	vst v37;
	v24 =	vld [tilespmem:s4+$0xFFFFFFC0]  }
0xa7: {  	vm0 =	vge.f32 v43, $0.0e+00;
	v37 =	vmul.f32 v5, v0;
	v0 =	vmovc v12;
	v6 =	vadd.f32 v42, v44;
	[tilespmem:s4+$0xFFFFFF70] =	vst v38;
	v11 =	vld [tilespmem:s4+$0xFFFFFFD0]  }
0xa8: {  	v35 =	vmul.f32 v8, v2;
	v38 =	vmul.f32 v7, v3;
	v5 =	vsel vm0, v43, v19;
	[tilespmem:s4+$0xFFFFFF80] =	vst v32;
	v12 =	vld [tilespmem:s4+$0xFFFFFFE0]  }
0xa9: {  	v2 =	vmovc v10;
	v3 =	vmovc v9;
	v7 =	vmul.f32 $2.000000030e-01, v6;
	v8 =	vadd.f32 v40, v34;
	v5 =	vmul.f32 $1.442695020e+00, v5;
	[tilespmem:s4+$0xFFFFFF90] =	vst v33;
	v19 =	vld [tilespmem:s4+$0xFFFFFFF0]  }
0xaa: {  	vm0 =	vge.f32 v6, $0.0e+00;
	v9 =	vadd.f32 v50, v18;
	[tilespmem:s4+$0xFFFFFFA0] =	vst v31;
	v10 =	vld [tilespmem:s4+$0x0]  }
0xab: {  	vm1 =	vge.f32 v8, $0.0e+00;
	v18 =	vmul.f32 $2.000000030e-01, v8;
	(erf) = vpow2.f32 v5;
	[tilespmem:s4+$0xFFFFFFB0] =	vst v39;
	v5 =	vld [tilespmem:s4+$0x10]  }
0xac: {  	v6 =	vsel vm0, v6, v7;
	vm2 =	vge.f32 v9, $0.0e+00;
	v31 =	vmul.f32 $2.000000030e-01, v9;
	v7 =	vld [tilespmem:s4+$0x20];
	[tilespmem:s19+$0x70] =	vst v13  }
0xad: {  	v6 =	vmul.f32 $1.442695020e+00, v6;
	v13 =	vmul.f32 v24, v30;
	v8 =	vsel vm1, v8, v18;
	v18 =	vld [tilespmem:s4+$0x30];
	[tilespmem:s4+$0x80] =	vst v16  }
0xae: {  	v11 =	vmul.f32 v11, v29;
	v9 =	vsel vm2, v9, v31;
	v8 =	vmul.f32 $1.442695020e+00, v8;
	v16 =	vld [tilespmem:s4+$0x40];
	[tilespmem:s4+$0x90] =	vst v15  }
0xaf: {  	v9 =	vmul.f32 $1.442695020e+00, v9;
	(erf) = vpow2.f32 v6;
	[tilespmem:s4+$0xFFFFFFC0] =	vst v13;
	v15 =	vld [tilespmem:s4+$0x50]  }
0xb0: {  	v6 =	vmul.f32 v12, v28;
	(erf) = vpow2.f32 v8;
	[tilespmem:s4+$0xFFFFFFD0] =	vst v11;
	v24 =	vld [tilespmem:s4+$0x60]  }
0xb1: {  	v8 =	vmul.f32 v19, v26;
	(erf) = vpow2.f32 v9;
	v13 =	vld [tilespmem:s4+$0x70];
	[tilespmem:s4+$0xA0] =	vst v14  }
0xb2: {  	v9 =	vmul.f32 v22, v10;
	v10 =	vmul.f32 v20, v5;
	[tilespmem:s4+$0xFFFFFFE0] =	vst v6;
	v6 =	vld [tilespmem:s4+$0xB0]  }
0xb3: {  	v19 =	vmul.f32 v23, v7;
	v20 =	vmul.f32 v18, v21;
	[tilespmem:s4+$0xFFFFFFF0] =	vst v8;
	v5 =	vld [tilespmem:s4+$0xC0]  }
0xb4: {  	s9 =	sadd.s32 $0x40, s9;
	v22 =	vmul.f32 v16, v27;
	v21 =	vpop (erf);
	[tilespmem:s4+$0x0] =	vst v9;
	v23 =	vmul.f32 v15, v25;
	v7 =	vld [tilespmem:s4+$0xD0]  }
0xb5: {  	s4 =	sadd.s32 $0x200, s4;
	[tilespmem:s9+$0x10] =	vst v21;
	v16 =	vbroadcast v21, $0x0;
	v15 =	vbroadcast v21, $0x1;
	v8 =	vld [tilespmem:s8+$0xE0]  }
0xb6: {  	v14 =	vbroadcast v21, $0x2;
	v11 =	vbroadcast v21, $0x3;
	v25 =	vld [tilespmem:s4+$0xF0];
	[tilespmem:s8+$0x10] =	vst v10  }
0xb7: {  	v12 =	vbroadcast v21, $0x4;
	v9 =	vbroadcast v21, $0x5;
	v18 =	vld [tilespmem:s4+$0x80];
	[tilespmem:s8+$0x20] =	vst v19  }
0xb8: {  	v17 =	vmul.f32 v24, v17;
	v10 =	vbroadcast v21, $0x6;
	v19 =	vld [tilespmem:s4+$0x90];
	v26 =	vpop (erf);
	[tilespmem:s8+$0x30] =	vst v20  }
0xb9: {  	v20 =	vbroadcast v21, $0x7;
	[tilespmem:s9+$0xFFFFFFF0] =	vst v26;
	v32 =	vbroadcast v26, $0x0;
	v24 =	vld [tilespmem:s4+$0xA0];
	v56 =	vpop (erf)  }
0xba: {  	v33 =	vbroadcast v26, $0x1;
	v31 =	vbroadcast v26, $0x2;
	v34 =	vld [tilespmem:s4+$0xFFFFFF80];
	[tilespmem:s9+$0x0] =	vst v56;
	v21 =	vpop (erf)  }
0xbb: {  	[tilespmem:s9+$0xFFFFFFE0] =	vst v21;
	v41 =	vbroadcast v21, $0x0;
	v39 =	vld [tilespmem:s4+$0xFFFFFF90];
	v20 =	vmul.f32 v25, v20  }
0xbc: {  	v47 =	vbroadcast v21, $0x1;
	v45 =	vbroadcast v21, $0x2;
	v46 =	vld [tilespmem:s4+$0xFFFFFF00];
	[tilespmem:s8+$0x40] =	vst v22  }
0xbd: {  	s13 =	simm.s32 $0x0;
	v48 =	vbroadcast v21, $0x3;
	v44 =	vbroadcast v21, $0x4;
	v50 =	vld [tilespmem:s4+$0xFFFFFF10];
	[tilespmem:s4+$0xF0] =	vst v20  }
0xbe: {  	v49 =	vbroadcast v21, $0x5;
	v42 =	vbroadcast v21, $0x6;
	v51 =	vld [tilespmem:s4+$0xFFFFFF20];
	[tilespmem:s8+$0x50] =	vst v23  }
0xbf: {  	v40 =	vbroadcast v26, $0x3;
	v43 =	vbroadcast v21, $0x7;
	v52 =	vld [tilespmem:s4+$0xFFFFFF30];
	[tilespmem:s8+$0x60] =	vst v17  }
0xc0: {  	v30 =	vbroadcast v26, $0x4;
	v29 =	vbroadcast v26, $0x5;
	v53 =	vld [tilespmem:s4+$0xFFFFFF40];
	[tilespmem:s19+$0xB0] =	vst v36  }
.Ltmp0:
0xc1: {  	v28 =	vbroadcast v26, $0x6;
	v26 =	vbroadcast v26, $0x7;
	v36 =	vld [tilespmem:s4+$0xFFFFFF50];
	[tilespmem:s19+$0xC0] =	vst v37;
	(pc) =	sbr.rel @p1 .LBB2_3-.Ltmp0, $4  }
0xc2: {  	v22 =	vbroadcast v56, $0x0;
	v20 =	vbroadcast v56, $0x1;
	v37 =	vld [tilespmem:s4+$0xFFFFFF60];
	[tilespmem:s19+$0xD0] =	vst v38  }
0xc3: {  	v21 =	vbroadcast v56, $0x3;
	v23 =	vbroadcast v56, $0x2;
	v38 =	vld [tilespmem:s4+$0xFFFFFF70];
	[tilespmem:s19+$0xE0] =	vst v35;
	s19 =	smov.u32 s8;
	s8 =	smov.u32 s4  }
0xc4: {  	v27 =	vbroadcast v56, $0x4;
	v25 =	vbroadcast v56, $0x5;
	v54 =	vld [tilespmem:s4+$0xFFFFFFA0]  }
0xc5: {  	s23 =	sadd.s32 $0x40, s23;
	v17 =	vbroadcast v56, $0x6;
	v35 =	vbroadcast v56, $0x7;
	v55 =	vld [tilespmem:s4+$0xFFFFFFB0]  }
0xc6: {  	v41 =	vmul.f32 v41, v46  }
0xc7: {  	v58 =	vmul.f32 v47, v50  }
0xc8: {  	v45 =	vmul.f32 v45, v51;
	[tilespmem:s4+$0xFFFFFF00] =	vst v41  }
0xc9: {  	v59 =	vmul.f32 v52, v48;
	[tilespmem:s4+$0xFFFFFF10] =	vst v58  }
0xca: {  	v44 =	vmul.f32 v53, v44;
	[tilespmem:s4+$0xFFFFFF20] =	vst v45  }
0xcb: {  	v36 =	vmul.f32 v36, v49;
	[tilespmem:s4+$0xFFFFFF30] =	vst v59  }
0xcc: {  	v32 =	vmul.f32 v32, v34;
	[tilespmem:s4+$0xFFFFFF40] =	vst v44  }
0xcd: {  	v33 =	vmul.f32 v33, v39;
	[tilespmem:s4+$0xFFFFFF50] =	vst v36  }
0xce: {  	v4 =	vmul.f32 v13, v4;
	[tilespmem:s4+$0xFFFFFF80] =	vst v32  }
0xcf: {  	v15 =	vmul.f32 v15, v19;
	[tilespmem:s4+$0xFFFFFF90] =	vst v33  }
0xd0: {  	v14 =	vmul.f32 v14, v24;
	[tilespmem:s19+$0x70] =	vst v4  }
0xd1: {  	v1 =	vmul.f32 v6, v1;
	[tilespmem:s4+$0x90] =	vst v15  }
0xd2: {  	v0 =	vmul.f32 v5, v0;
	[tilespmem:s4+$0xA0] =	vst v14  }
0xd3: {  	v60 =	vld [tilespmem:s4+$0xFFFFFFC0];
	v3 =	vmul.f32 v7, v3;
	[tilespmem:s19+$0xB0] =	vst v1  }
0xd4: {  	v61 =	vld [tilespmem:s4+$0xFFFFFFD0];
	v57 =	vmul.f32 v8, v2;
	[tilespmem:s19+$0xC0] =	vst v0  }
0xd5: {  	v63 =	vld [tilespmem:s4+$0xFFFFFFE0];
	v37 =	vmul.f32 v37, v42;
	[tilespmem:s19+$0xD0] =	vst v3  }
0xd6: {  	v39 =	vld [tilespmem:s4+$0xFFFFFFF0];
	v62 =	vmul.f32 v38, v43;
	[tilespmem:s19+$0xE0] =	vst v57  }
0xd7: {  	v46 =	vld [tilespmem:s4+$0x30];
	[tilespmem:s4+$0xFFFFFF60] =	vst v37;
	v31 =	vmul.f32 v31, v54  }
0xd8: {  	v47 =	vld [tilespmem:s4+$0x40];
	v38 =	vmul.f32 v55, v40;
	[tilespmem:s4+$0xFFFFFF70] =	vst v62  }
0xd9: {  	v56 =	vld [tilespmem:s4+$0xD0];
	v40 =	vmul.f32 v16, v18;
	[tilespmem:s4+$0xFFFFFFA0] =	vst v31  }
0xda: {  	v41 =	vld [tilespmem:s4+$0x0];
	v43 =	vmul.f32 v60, v30;
	[tilespmem:s4+$0xFFFFFFB0] =	vst v38  }
0xdb: {  	v42 =	vld [tilespmem:s4+$0x10];
	v45 =	vmul.f32 v61, v29;
	[tilespmem:s4+$0x80] =	vst v40  }
0xdc: {  	v44 =	vld [tilespmem:s4+$0x20];
	v48 =	vmul.f32 v63, v28;
	[tilespmem:s4+$0xFFFFFFC0] =	vst v43  }
0xdd: {  	v49 =	vld [tilespmem:s4+$0x50];
	v26 =	vmul.f32 v39, v26;
	[tilespmem:s4+$0xFFFFFFD0] =	vst v45  }
0xde: {  	v50 =	vld [tilespmem:s4+$0x60];
	v62 =	vmul.f32 v56, v9;
	[tilespmem:s4+$0xFFFFFFE0] =	vst v48  }
0xdf: {  	v54 =	vld [tilespmem:s4+$0xB0];
	v16 =	vmul.f32 v22, v41;
	[tilespmem:s4+$0xFFFFFFF0] =	vst v26  }
0xe0: {  	v55 =	vld [tilespmem:s4+$0xC0];
	v4 =	vmul.f32 v20, v42;
	[tilespmem:s8+$0xD0] =	vst v62  }
0xe1: {  	v51 =	vld [tilespmem:s4+$0x70];
	v13 =	vmul.f32 v23, v44;
	[tilespmem:s4+$0x0] =	vst v16  }
0xe2: {  	v15 =	vmul.f32 v46, v21;
	[tilespmem:s8+$0x10] =	vst v4  }
0xe3: {  	v52 =	vmul.f32 v47, v27;
	[tilespmem:s8+$0x20] =	vst v13  }
0xe4: {  	v53 =	vmul.f32 v49, v25;
	v58 =	vld [tilespmem:s8+$0xE0];
	[tilespmem:s8+$0x30] =	vst v15  }
0xe5: {  	v14 =	vmul.f32 v50, v17;
	[tilespmem:s8+$0x40] =	vst v52  }
0xe6: {  	v59 =	vmul.f32 v51, v35;
	[tilespmem:s8+$0x50] =	vst v53  }
0xe7: {  	v60 =	vmul.f32 v54, v11;
	[tilespmem:s8+$0x60] =	vst v14  }
0xe8: {  	v61 =	vmul.f32 v55, v12;
	[tilespmem:s8+$0x70] =	vst v59  }
0xe9: {  	[tilespmem:s8+$0xB0] =	vst v60;
	v63 =	vmul.f32 v58, v10  }
0xea: {  	[tilespmem:s8+$0xC0] =	vst v61  }
0xeb: {  	[tilespmem:s8+$0xE0] =	vst v63  }
.LBB2_5:
0xec: {  	s4 =	sshra.s32 s13, $0x2  }
0xed: {  	v0 =	vld [tilespmem:s4+$0x8C80]  }
0xee: {  	v1 =	vld [tilespmem:s4+$0x92C0];
	_ =	sdelay $0x4  }
0xef: {  	v0 =	vadd.f32 v1, v0;
	_ =	sdelay $0x1  }
0xf0: {  	v1 =	vmul.f32 $2.000000030e-01, v0  }
0xf1: {  	vm0 =	vge.f32 v0, $0.0e+00  }
0xf2: {  	v0 =	vsel vm0, v0, v1  }
0xf3: {  	v0 =	vmul.f32 $1.442695020e+00, v0;
	_ =	sdelay $0x1  }
0xf4: {  	(erf) = vpow2.f32 v0;
	_ =	sdelay $0x8  }
0xf5: {  	v0 =	vpop (erf)  }
0xf6: {  	[tilespmem:s4+$0x9900] =	vst v0  }
0xf7: {  	v50 =	vld [tilespmem:s21+$0xFFFFFF90];
	_ =	sdelay $0x1  }
0xf8: {  	v51 =	vld [tilespmem:s21+$0xFFFFFFA0]  }
0xf9: {  	v2 =	vbroadcast v0, $0x0  }
0xfa: {  	v53 =	vld [tilespmem:s21+$0xFFFFFFB0]  }
0xfb: {  	v52 =	vbroadcast v0, $0x1;
	v1 =	vmul.f32 v2, v50  }
0xfc: {  	v55 =	vld [tilespmem:s21+$0xFFFFFFC0]  }
0xfd: {  	v54 =	vbroadcast v0, $0x2;
	[tilespmem:s21+$0xFFFFFF90] =	vst v1;
	v1 =	vmul.f32 v52, v51  }
0xfe: {  	v57 =	vld [tilespmem:s21+$0xFFFFFFD0]  }
0xff: {  	v56 =	vbroadcast v0, $0x3;
	[tilespmem:s21+$0xFFFFFFA0] =	vst v1;
	v1 =	vmul.f32 v54, v53  }
0x100: {  	v59 =	vld [tilespmem:s21+$0xFFFFFFE0]  }
0x101: {  	v58 =	vbroadcast v0, $0x4;
	v63 =	vld [tilespmem:s21+$0x0];
	[tilespmem:s21+$0xFFFFFFB0] =	vst v1;
	v1 =	vmul.f32 v55, v56  }
0x102: {  	v61 =	vld [tilespmem:s21+$0xFFFFFFF0]  }
0x103: {  	v60 =	vbroadcast v0, $0x5;
	[tilespmem:s21+$0xFFFFFFC0] =	vst v1;
	v1 =	vmul.f32 v57, v58  }
0x104: {  	p1 =	sne.s32 s13, $0x40;
	v62 =	vbroadcast v0, $0x6;
	v0 =	vbroadcast v0, $0x7  }
.Ltmp1:
0x105: {  	[tilespmem:s21+$0xFFFFFFD0] =	vst v1;
	v1 =	vmul.f32 v59, v60;
	(pc) =	sbr.rel @p1 .LBB2_5-.Ltmp1, $4  }
0x106: {  	v0 =	vmul.f32 v63, v0  }
0x107: {  	[tilespmem:s21+$0xFFFFFFE0] =	vst v1;
	v1 =	vmul.f32 v61, v62  }
0x108: {  	[tilespmem:s21+$0x0] =	vst v0  }
0x109: {  	s13 =	sadd.s32 $0x40, s13;
	[tilespmem:s21+$0xFFFFFFF0] =	vst v1;
	s21 =	sadd.s32 $0x80, s21  }
0x10a: {  	s4 =	smul.u32 $0x1C0, s17;
	_ =	sdelay $0x1  }
0x10b: {  	s4 =	sshra.s32 s4, $0x2  }
0x10c: {  	s4 =	sadd.s32 $0x2BC0, s4  }
0x10d: {  	[spmem:s2] =	stream.indirect.scatter.add.f32 [tilespmem:s25], [sflag:$0x3], $0x80, s4, s24, $0xb8;
	[tilespmem:$0x1FBD0] =	vst v63  }
0x10e: {  	p1 =	seq.s32 s17, $0x63  }
0x10f: {  	[spmem:s3] =	stream.indirect.scatter.add.f32 [tilespmem:s0], [sflag:$0x3], $0x10, s4, s24, $0xb8;
	[tilespmem:$0x1FBD0] =	vst v63  }
0x110: {  	s4 =	simm.s32 @!p1 $0x3  }
0x111: {  	_ =	swait.ge @!p1 [sflag:s4], $0x1900  }
0x112: {  	[sflag:s4] =	ssyncset.done @!p1 $0x0  }
0x113: {  	[sflag:s4] =	ssyncadd.s32 @!p1 $0xFFFFE700  }
0x114: {  	s8 =	smul.u32 @!p1 $0x70, s17;
	_ =	swait.ge @!p1 [sflag:s4], $0x320  }
0x115: {  	s9 =	simm.s32 @!p1 $0x32;
	[sflag:s4] =	ssyncset.done @!p1 $0x0  }
0x116: {  	s10 =	simm.s32 @!p1 $0x5780;
	[sflag:s4] =	ssyncadd.s32 @!p1 $0xFFFFFCE0;
	s4 =	sadd.s32 @!p1 $0x70, s8  }
0x117: {  	[tilespmem:s10], [sflag:$0x1] =	stream.indirect.gather @!p1 [hbm4b:s5+s9], $0x80, s4, s9, $0xb8;
	[tilespmem:$0x1FBD0] =	vst v63  }
0x118: {  	s10 =	simm.s32 @!p1 $0x8980  }
0x119: {  	[tilespmem:s10], [sflag:$0x1] =	stream.indirect.gather @!p1 [hbm4b:s6+s9], $0x10, s4, s9, $0xb8;
	[tilespmem:$0x1FBD0] =	vst v63  }
0x11a: {  	s4 =	sadd.s32 @!p1 $0x2C30, s8;
	s8 =	simm.s32 @!p1 $0x8FC0  }
0x11b: {  	[tilespmem:s8], [sflag:$0x1] =	stream.indirect.gather @!p1 [hbm4b:s7+s9], $0x10, s4, s9, $0xb8;
	[tilespmem:$0x1FBD0] =	vst v63  }
0x11c: {  	_ =	swait.ge [sflag:s26], $0x1900  }
0x11d: {  	[sflag:s26] =	ssyncset.done $0x0  }
0x11e: {  	[sflag:s26] =	ssyncadd.s32 $0xFFFFE700  }
0x11f: {  	_ =	swait.ge [sflag:s26], $0x320  }
0x120: {  	[sflag:s26] =	ssyncset.done $0x0  }
0x121: {  	[sflag:s26] =	ssyncadd.s32 $0xFFFFFCE0  }
0x122: {  	_ =	swait.ge [sflag:s26], $0x320  }
0x123: {  	[sflag:s26] =	ssyncset.done $0x0  }
0x124: {  	s19 =	simm.s32 $0x8CC0;
	[sflag:s26] =	ssyncadd.s32 $0xFFFFFCE0  }
0x125: {  	s20 =	simm.s32 $0x9300;
	v0 =	vld [tilespmem:s19+$0x10]  }
0x126: {  	v1 =	vld [tilespmem:s20+$0x10];
	_ =	sdelay $0x2  }
0x127: {  	v3 =	vld [tilespmem:s19+$0xFFFFFFF0]  }
0x128: {  	v4 =	vld [tilespmem:s20+$0xFFFFFFF0]  }
0x129: {  	v5 =	vld [tilespmem:s19+$0x0];
	v0 =	vadd.f32 v1, v0  }
0x12a: {  	v6 =	vld [tilespmem:s20+$0x0]  }
0x12b: {  	v7 =	vmul.f32 $2.000000030e-01, v0  }
0x12c: {  	v2 =	vld [tilespmem:s20+$0xFFFFFFE0];
	vm0 =	vge.f32 v0, $0.0e+00  }
0x12d: {  	v1 =	vld [tilespmem:s19+$0xFFFFFFE0];
	v3 =	vadd.f32 v4, v3;
	v0 =	vsel vm0, v0, v7  }
0x12e: {  	v0 =	vmul.f32 $1.442695020e+00, v0  }
0x12f: {  	v4 =	vadd.f32 v6, v5;
	v5 =	vmul.f32 $2.000000030e-01, v3  }
0x130: {  	vm11 =	vge.f32 v3, $0.0e+00;
	(erf) = vpow2.f32 v0  }
0x131: {  	v3 =	vsel vm11, v3, v5  }
0x132: {  	v1 =	vadd.f32 v2, v1;
	v3 =	vmul.f32 $1.442695020e+00, v3  }
0x133: {  	v2 =	vmul.f32 $2.000000030e-01, v4  }
0x134: {  	vm1 =	vge.f32 v4, $0.0e+00;
	v0 =	vmul.f32 $2.000000030e-01, v1;
	(erf) = vpow2.f32 v3  }
0x135: {  	vm12 =	vge.f32 v1, $0.0e+00;
	v2 =	vsel vm1, v4, v2  }
0x136: {  	v0 =	vsel vm12, v1, v0;
	v1 =	vmul.f32 $1.442695020e+00, v2  }
0x137: {  	s23 =	simm.s32 $0x8D00  }
0x138: {  	v41 =	vld [tilespmem:s23+$0x10];
	v0 =	vmul.f32 $1.442695020e+00, v0;
	(erf) = vpow2.f32 v1  }
0x139: {  	s20 =	simm.s32 $0x9340;
	v50 =	vld [tilespmem:s23+$0xFFFFFFF0];
	v4 =	vpop (erf)  }
0x13a: {  	v44 =	vld [tilespmem:s20+$0x10];
	(erf) = vpow2.f32 v0;
	v11 =	vbroadcast v4, $0x0  }
0x13b: {  	s21 =	simm.s32 $0x9940;
	v47 =	vld [tilespmem:s20+$0xFFFFFFE0];
	v14 =	vbroadcast v4, $0x1;
	v15 =	vbroadcast v4, $0x2  }
0x13c: {  	v52 =	vld [tilespmem:s20+$0xFFFFFFF0];
	s19 =	simm.s32 $0x7180;
	[tilespmem:s21+$0x10] =	vst v4;
	v1 =	vbroadcast v4, $0x3;
	v0 =	vbroadcast v4, $0x4  }
0x13d: {  	v8 =	vpop (erf);
	v3 =	vbroadcast v4, $0x5;
	v2 =	vbroadcast v4, $0x6;
	v5 =	vld [tilespmem:s19+$0xF0]  }
0x13e: {  	v4 =	vbroadcast v4, $0x7;
	v6 =	vld [tilespmem:s19+$0x80];
	v19 =	vbroadcast v8, $0x0  }
0x13f: {  	v7 =	vld [tilespmem:s19+$0x90];
	v21 =	vbroadcast v8, $0x1;
	v22 =	vbroadcast v8, $0x2  }
0x140: {  	[tilespmem:s21+$0xFFFFFFF0] =	vst v8;
	v9 =	vld [tilespmem:s19+$0xA0];
	v35 =	vbroadcast v8, $0x3;
	v37 =	vbroadcast v8, $0x4  }
0x141: {  	v38 =	vbroadcast v8, $0x5;
	v40 =	vbroadcast v8, $0x6;
	v12 =	vld [tilespmem:s19+$0xFFFFFF80];
	v10 =	vpop (erf)  }
0x142: {  	v8 =	vbroadcast v8, $0x7;
	v16 =	vld [tilespmem:s19+$0xFFFFFF90];
	v42 =	vbroadcast v10, $0x0  }
0x143: {  	v36 =	vld [tilespmem:s19+$0xFFFFFFA0];
	v13 =	vpop (erf);
	v43 =	vbroadcast v10, $0x1;
	v45 =	vbroadcast v10, $0x2  }
0x144: {  	v39 =	vld [tilespmem:s19+$0xFFFFFFB0];
	v46 =	vbroadcast v10, $0x3;
	v48 =	vbroadcast v10, $0x4;
	[tilespmem:s21+$0xFFFFFFE0] =	vst v13  }
0x145: {  	v49 =	vbroadcast v10, $0x5;
	v51 =	vbroadcast v10, $0x6;
	v17 =	vld [tilespmem:s19+$0xFFFFFF00]  }
0x146: {  	v24 =	vbroadcast v13, $0x0;
	v26 =	vbroadcast v13, $0x1;
	v18 =	vld [tilespmem:s19+$0xFFFFFF10]  }
0x147: {  	v27 =	vbroadcast v13, $0x2;
	v29 =	vbroadcast v13, $0x3;
	v20 =	vld [tilespmem:s19+$0xFFFFFF20]  }
0x148: {  	v30 =	vbroadcast v13, $0x4;
	v32 =	vbroadcast v13, $0x5;
	v23 =	vld [tilespmem:s19+$0xFFFFFF30]  }
0x149: {  	v33 =	vbroadcast v13, $0x6;
	v13 =	vbroadcast v13, $0x7;
	v28 =	vld [tilespmem:s19+$0xFFFFFF50]  }
0x14a: {  	v5 =	vmul.f32 v5, v4;
	v34 =	vld [tilespmem:s19+$0xFFFFFF70];
	v4 =	vbroadcast v10, $0x7  }
0x14b: {  	v25 =	vld [tilespmem:s19+$0xFFFFFF40];
	v7 =	vmul.f32 v14, v7;
	v9 =	vmul.f32 v15, v9  }
0x14c: {  	v31 =	vld [tilespmem:s19+$0xFFFFFF60];
	v12 =	vmul.f32 v19, v12;
	[tilespmem:s19+$0xF0] =	vst v5;
	v5 =	vmul.f32 v11, v6  }
0x14d: {  	v6 =	vld [tilespmem:s19+$0xFFFFFFE0];
	v17 =	vmul.f32 v24, v17;
	v18 =	vmul.f32 v26, v18  }
0x14e: {  	v19 =	vadd.f32 v44, v41;
	v24 =	vld [tilespmem:s23+$0x0];
	v20 =	vmul.f32 v27, v20;
	v27 =	vmul.f32 v28, v32  }
0x14f: {  	[tilespmem:s21+$0x0] =	vst v10;
	v26 =	vld [tilespmem:s20+$0x0];
	v10 =	vmul.f32 v34, v13;
	v13 =	vmul.f32 v21, v16  }
0x150: {  	[tilespmem:s19+$0xFFFFFF80] =	vst v12;
	v28 =	vld [tilespmem:s23+$0xFFFFFFE0];
	v21 =	vmul.f32 v22, v36;
	v22 =	vmul.f32 $2.000000030e-01, v19  }
0x151: {  	v15 =	vld [tilespmem:s19+$0xFFFFFFF0];
	v11 =	vadd.f32 v52, v50;
	v12 =	vmul.f32 v39, v35;
	vm13 =	vge.f32 v19, $0.0e+00;
	[tilespmem:s19+$0xFFFFFF90] =	vst v13  }
0x152: {  	v23 =	vmul.f32 v23, v29;
	v25 =	vmul.f32 v25, v30;
	v30 =	vld [tilespmem:s19+$0xFFFFFFC0];
	v14 =	vsel vm13, v19, v22;
	[tilespmem:s19+$0xFFFFFF00] =	vst v17  }
0x153: {  	vm14 =	vge.f32 v11, $0.0e+00;
	v16 =	vld [tilespmem:s19+$0xFFFFFFD0];
	[tilespmem:s19+$0xFFFFFF10] =	vst v18;
	v17 =	vmul.f32 $2.000000030e-01, v11;
	v14 =	vmul.f32 $1.442695020e+00, v14  }
0x154: {  	v29 =	vmul.f32 v31, v33;
	v19 =	vld [tilespmem:s19+$0x0];
	[tilespmem:s19+$0xFFFFFF40] =	vst v25;
	v25 =	vmul.f32 v6, v40;
	v13 =	vadd.f32 v26, v24  }
0x155: {  	[tilespmem:s19+$0xFFFFFF30] =	vst v23;
	v23 =	vld [tilespmem:s19+$0x30];
	v11 =	vsel vm14, v11, v17;
	v18 =	vadd.f32 v47, v28;
	(erf) = vpow2.f32 v14  }
0x156: {  	[tilespmem:s19+$0xFFFFFF20] =	vst v20;
	v17 =	vld [tilespmem:s19+$0x20];
	v11 =	vmul.f32 $1.442695020e+00, v11;
	v20 =	vmul.f32 $2.000000030e-01, v13  }
0x157: {  	[tilespmem:s19+$0x90] =	vst v7;
	v14 =	vld [tilespmem:s19+$0x10];
	v26 =	vmul.f32 v15, v8;
	vm15 =	vge.f32 v13, $0.0e+00;
	v22 =	vmul.f32 $2.000000030e-01, v18  }
0x158: {  	[tilespmem:s19+$0xA0] =	vst v9;
	v24 =	vld [tilespmem:s19+$0x60];
	vm2 =	vge.f32 v18, $0.0e+00;
	(erf) = vpow2.f32 v11;
	v13 =	vsel vm15, v13, v20  }
0x159: {  	[tilespmem:s19+$0xFFFFFF50] =	vst v27;
	v11 =	vld [tilespmem:s19+$0x50];
	v27 =	vmul.f32 v42, v19;
	v18 =	vsel vm2, v18, v22;
	v13 =	vmul.f32 $1.442695020e+00, v13  }
0x15a: {  	[tilespmem:s19+$0x80] =	vst v5;
	v22 =	vmul.f32 v16, v38;
	v16 =	vld [tilespmem:s19+$0x40];
	v5 =	vmul.f32 $1.442695020e+00, v18  }
0x15b: {  	v7 =	vld [tilespmem:s19+$0xD0];
	[tilespmem:s19+$0xFFFFFFB0] =	vst v12;
	v23 =	vmul.f32 v23, v46;
	(erf) = vpow2.f32 v13  }
0x15c: {  	[tilespmem:s19+$0xFFFFFF60] =	vst v29;
	v6 =	vld [tilespmem:s19+$0xB0];
	v20 =	vmul.f32 v30, v37;
	(erf) = vpow2.f32 v5  }
0x15d: {  	[tilespmem:s19+$0xFFFFFF70] =	vst v10;
	v8 =	vld [tilespmem:s19+$0xE0];
	v17 =	vmul.f32 v45, v17;
	v28 =	vmul.f32 v43, v14  }
0x15e: {  	s9 =	simm.s32 $0x9980;
	[tilespmem:s19+$0xFFFFFFA0] =	vst v21;
	v55 =	vmul.f32 v24, v51;
	v13 =	vld [tilespmem:s19+$0x70];
	v54 =	vmul.f32 v11, v49;
	v21 =	vpop (erf)  }
0x15f: {  	s4 =	simm.s32 $0x7380;
	v5 =	vld [tilespmem:s19+$0xC0];
	v63 =	vmul.f32 v16, v48;
	[tilespmem:s9+$0x10] =	vst v21;
	v16 =	vbroadcast v21, $0x0  }
0x160: {  	[tilespmem:s19+$0xFFFFFFF0] =	vst v26;
	v15 =	vbroadcast v21, $0x1;
	v14 =	vbroadcast v21, $0x2;
	v29 =	vld [tilespmem:s4+$0xF0]  }
0x161: {  	[tilespmem:s19+$0xFFFFFFC0] =	vst v20;
	v11 =	vbroadcast v21, $0x3;
	v12 =	vbroadcast v21, $0x4;
	v18 =	vld [tilespmem:s4+$0x80]  }
0x162: {  	[tilespmem:s19+$0xFFFFFFD0] =	vst v22;
	v9 =	vbroadcast v21, $0x5;
	v10 =	vbroadcast v21, $0x6;
	v19 =	vld [tilespmem:s4+$0x90];
	v20 =	vpop (erf)  }
0x163: {  	v21 =	vbroadcast v21, $0x7;
	v24 =	vld [tilespmem:s4+$0xA0];
	[tilespmem:s9+$0xFFFFFFF0] =	vst v20;
	v32 =	vbroadcast v20, $0x0  }
0x164: {  	[tilespmem:s19+$0x10] =	vst v28;
	v33 =	vbroadcast v20, $0x1;
	v31 =	vbroadcast v20, $0x2;
	v34 =	vld [tilespmem:s4+$0xFFFFFF80];
	v56 =	vpop (erf)  }
0x165: {  	[tilespmem:s19+$0x50] =	vst v54;
	v40 =	vbroadcast v20, $0x3;
	v30 =	vbroadcast v20, $0x4;
	v39 =	vld [tilespmem:s4+$0xFFFFFF90];
	v22 =	vpop (erf)  }
0x166: {  	v28 =	vbroadcast v20, $0x6;
	v26 =	vbroadcast v20, $0x7;
	v54 =	vld [tilespmem:s4+$0xFFFFFFA0];
	[tilespmem:s9+$0xFFFFFFE0] =	vst v22  }
0x167: {  	[tilespmem:s19+$0xFFFFFFE0] =	vst v25;
	v21 =	vmul.f32 v29, v21;
	v29 =	vbroadcast v20, $0x5;
	v46 =	vld [tilespmem:s4+$0xFFFFFF00]  }
0x168: {  	[tilespmem:s19+$0x30] =	vst v23;
	v20 =	vbroadcast v56, $0x1;
	v23 =	vbroadcast v56, $0x2;
	v50 =	vld [tilespmem:s4+$0xFFFFFF10]  }
0x169: {  	[tilespmem:s19+$0x0] =	vst v27;
	v27 =	vbroadcast v56, $0x4;
	v25 =	vbroadcast v56, $0x5;
	v51 =	vld [tilespmem:s4+$0xFFFFFF20]  }
0x16a: {  	[tilespmem:s19+$0x20] =	vst v17;
	v17 =	vbroadcast v56, $0x6;
	v35 =	vbroadcast v56, $0x7;
	v52 =	vld [tilespmem:s4+$0xFFFFFF30]  }
0x16b: {  	v41 =	vbroadcast v22, $0x0;
	v47 =	vbroadcast v22, $0x1;
	v53 =	vld [tilespmem:s4+$0xFFFFFF40]  }
0x16c: {  	[tilespmem:s19+$0x60] =	vst v55;
	v45 =	vbroadcast v22, $0x2;
	v48 =	vbroadcast v22, $0x3;
	v36 =	vld [tilespmem:s4+$0xFFFFFF50]  }
0x16d: {  	[tilespmem:s19+$0x40] =	vst v63;
	v44 =	vbroadcast v22, $0x4;
	v49 =	vbroadcast v22, $0x5;
	v37 =	vld [tilespmem:s4+$0xFFFFFF60]  }
0x16e: {  	s10 =	simm.s32 $0x4;
	[tilespmem:s9+$0x0] =	vst v56;
	v42 =	vbroadcast v22, $0x6;
	v43 =	vbroadcast v22, $0x7;
	v38 =	vld [tilespmem:s4+$0xFFFFFF70]  }
0x16f: {  	s8 =	simm.s32 $0x7380;
	s21 =	simm.s32 $0x88F0;
	s23 =	simm.s32 $0x8D40;
	v55 =	vld [tilespmem:s4+$0xFFFFFFB0];
	v22 =	vbroadcast v56, $0x0;
	[tilespmem:s4+$0xF0] =	vst v21;
	v21 =	vbroadcast v56, $0x3  }
.LBB2_7:
0x170: {  	v56 =	vld [tilespmem:s23+$0x10];
	v41 =	vmul.f32 v41, v46;
	v46 =	vmul.f32 v47, v50;
	s20 =	sadd.s32 $0x40, s20  }
0x171: {  	s10 =	sadd.s32 $0x4, s10;
	v45 =	vmul.f32 v45, v51;
	v48 =	vmul.f32 v52, v48;
	v47 =	vld [tilespmem:s20+$0x10]  }
0x172: {  	v36 =	vmul.f32 v36, v49;
	p1 =	slt.u32 s10, $0x2C;
	v50 =	vld [tilespmem:s20+$0xFFFFFFE0];
	[tilespmem:s4+$0xFFFFFF00] =	vst v41;
	v41 =	vmul.f32 v53, v44  }
0x173: {  	v37 =	vmul.f32 v37, v42;
	v38 =	vmul.f32 v38, v43;
	v44 =	vld [tilespmem:s23+$0xFFFFFFF0];
	[tilespmem:s4+$0xFFFFFF10] =	vst v46  }
0x174: {  	v32 =	vmul.f32 v32, v34;
	v33 =	vmul.f32 v33, v39;
	v42 =	vld [tilespmem:s20+$0xFFFFFFF0];
	[tilespmem:s4+$0xFFFFFF20] =	vst v45  }
0x175: {  	v31 =	vmul.f32 v31, v54;
	v39 =	vmul.f32 v55, v40;
	v34 =	vld [tilespmem:s23+$0x0];
	[tilespmem:s4+$0xFFFFFF30] =	vst v48  }
0x176: {  	v16 =	vmul.f32 v16, v18;
	v13 =	vmul.f32 v13, v4;
	v40 =	vld [tilespmem:s20+$0x0];
	v43 =	vadd.f32 v47, v56;
	[tilespmem:s4+$0xFFFFFF40] =	vst v41  }
0x177: {  	v15 =	vmul.f32 v15, v19;
	v14 =	vmul.f32 v14, v24;
	v4 =	vmov v35;
	v18 =	vld [tilespmem:s23+$0xFFFFFFE0];
	[tilespmem:s4+$0xFFFFFF50] =	vst v36  }
0x178: {  	v36 =	vmul.f32 v6, v1;
	v1 =	vmov v11;
	v19 =	vmul.f32 $2.000000030e-01, v43;
	[tilespmem:s4+$0xFFFFFF60] =	vst v37;
	v24 =	vld [tilespmem:s4+$0xFFFFFFC0]  }
0x179: {  	vm0 =	vge.f32 v43, $0.0e+00;
	v37 =	vmul.f32 v5, v0;
	v0 =	vmovc v12;
	v6 =	vadd.f32 v42, v44;
	[tilespmem:s4+$0xFFFFFF70] =	vst v38;
	v11 =	vld [tilespmem:s4+$0xFFFFFFD0]  }
0x17a: {  	v35 =	vmul.f32 v8, v2;
	v38 =	vmul.f32 v7, v3;
	v5 =	vsel vm0, v43, v19;
	[tilespmem:s4+$0xFFFFFF80] =	vst v32;
	v12 =	vld [tilespmem:s4+$0xFFFFFFE0]  }
0x17b: {  	v2 =	vmovc v10;
	v3 =	vmovc v9;
	v7 =	vmul.f32 $2.000000030e-01, v6;
	v8 =	vadd.f32 v40, v34;
	v5 =	vmul.f32 $1.442695020e+00, v5;
	[tilespmem:s4+$0xFFFFFF90] =	vst v33;
	v19 =	vld [tilespmem:s4+$0xFFFFFFF0]  }
0x17c: {  	vm0 =	vge.f32 v6, $0.0e+00;
	v9 =	vadd.f32 v50, v18;
	[tilespmem:s4+$0xFFFFFFA0] =	vst v31;
	v10 =	vld [tilespmem:s4+$0x0]  }
0x17d: {  	vm1 =	vge.f32 v8, $0.0e+00;
	v18 =	vmul.f32 $2.000000030e-01, v8;
	(erf) = vpow2.f32 v5;
	[tilespmem:s4+$0xFFFFFFB0] =	vst v39;
	v5 =	vld [tilespmem:s4+$0x10]  }
0x17e: {  	v6 =	vsel vm0, v6, v7;
	vm2 =	vge.f32 v9, $0.0e+00;
	v31 =	vmul.f32 $2.000000030e-01, v9;
	v7 =	vld [tilespmem:s4+$0x20];
	[tilespmem:s19+$0x70] =	vst v13  }
0x17f: {  	v6 =	vmul.f32 $1.442695020e+00, v6;
	v13 =	vmul.f32 v24, v30;
	v8 =	vsel vm1, v8, v18;
	v18 =	vld [tilespmem:s4+$0x30];
	[tilespmem:s4+$0x80] =	vst v16  }
0x180: {  	v11 =	vmul.f32 v11, v29;
	v9 =	vsel vm2, v9, v31;
	v8 =	vmul.f32 $1.442695020e+00, v8;
	v16 =	vld [tilespmem:s4+$0x40];
	[tilespmem:s4+$0x90] =	vst v15  }
0x181: {  	v9 =	vmul.f32 $1.442695020e+00, v9;
	(erf) = vpow2.f32 v6;
	[tilespmem:s4+$0xFFFFFFC0] =	vst v13;
	v15 =	vld [tilespmem:s4+$0x50]  }
0x182: {  	v6 =	vmul.f32 v12, v28;
	(erf) = vpow2.f32 v8;
	[tilespmem:s4+$0xFFFFFFD0] =	vst v11;
	v24 =	vld [tilespmem:s4+$0x60]  }
0x183: {  	v8 =	vmul.f32 v19, v26;
	(erf) = vpow2.f32 v9;
	v13 =	vld [tilespmem:s4+$0x70];
	[tilespmem:s4+$0xA0] =	vst v14  }
0x184: {  	v9 =	vmul.f32 v22, v10;
	v10 =	vmul.f32 v20, v5;
	[tilespmem:s4+$0xFFFFFFE0] =	vst v6;
	v6 =	vld [tilespmem:s4+$0xB0]  }
0x185: {  	v19 =	vmul.f32 v23, v7;
	v20 =	vmul.f32 v18, v21;
	[tilespmem:s4+$0xFFFFFFF0] =	vst v8;
	v5 =	vld [tilespmem:s4+$0xC0]  }
0x186: {  	s9 =	sadd.s32 $0x40, s9;
	v22 =	vmul.f32 v16, v27;
	v21 =	vpop (erf);
	[tilespmem:s4+$0x0] =	vst v9;
	v23 =	vmul.f32 v15, v25;
	v7 =	vld [tilespmem:s4+$0xD0]  }
0x187: {  	s4 =	sadd.s32 $0x200, s4;
	[tilespmem:s9+$0x10] =	vst v21;
	v16 =	vbroadcast v21, $0x0;
	v15 =	vbroadcast v21, $0x1;
	v8 =	vld [tilespmem:s8+$0xE0]  }
0x188: {  	v14 =	vbroadcast v21, $0x2;
	v11 =	vbroadcast v21, $0x3;
	v25 =	vld [tilespmem:s4+$0xF0];
	[tilespmem:s8+$0x10] =	vst v10  }
0x189: {  	v12 =	vbroadcast v21, $0x4;
	v9 =	vbroadcast v21, $0x5;
	v18 =	vld [tilespmem:s4+$0x80];
	[tilespmem:s8+$0x20] =	vst v19  }
0x18a: {  	v17 =	vmul.f32 v24, v17;
	v10 =	vbroadcast v21, $0x6;
	v19 =	vld [tilespmem:s4+$0x90];
	v26 =	vpop (erf);
	[tilespmem:s8+$0x30] =	vst v20  }
0x18b: {  	v20 =	vbroadcast v21, $0x7;
	[tilespmem:s9+$0xFFFFFFF0] =	vst v26;
	v32 =	vbroadcast v26, $0x0;
	v24 =	vld [tilespmem:s4+$0xA0];
	v56 =	vpop (erf)  }
0x18c: {  	v33 =	vbroadcast v26, $0x1;
	v31 =	vbroadcast v26, $0x2;
	v34 =	vld [tilespmem:s4+$0xFFFFFF80];
	[tilespmem:s9+$0x0] =	vst v56;
	v21 =	vpop (erf)  }
0x18d: {  	[tilespmem:s9+$0xFFFFFFE0] =	vst v21;
	v41 =	vbroadcast v21, $0x0;
	v39 =	vld [tilespmem:s4+$0xFFFFFF90];
	v20 =	vmul.f32 v25, v20  }
0x18e: {  	v47 =	vbroadcast v21, $0x1;
	v45 =	vbroadcast v21, $0x2;
	v46 =	vld [tilespmem:s4+$0xFFFFFF00];
	[tilespmem:s8+$0x40] =	vst v22  }
0x18f: {  	s13 =	simm.s32 $0x0;
	v48 =	vbroadcast v21, $0x3;
	v44 =	vbroadcast v21, $0x4;
	v50 =	vld [tilespmem:s4+$0xFFFFFF10];
	[tilespmem:s4+$0xF0] =	vst v20  }
0x190: {  	v49 =	vbroadcast v21, $0x5;
	v42 =	vbroadcast v21, $0x6;
	v51 =	vld [tilespmem:s4+$0xFFFFFF20];
	[tilespmem:s8+$0x50] =	vst v23  }
0x191: {  	v40 =	vbroadcast v26, $0x3;
	v43 =	vbroadcast v21, $0x7;
	v52 =	vld [tilespmem:s4+$0xFFFFFF30];
	[tilespmem:s8+$0x60] =	vst v17  }
0x192: {  	v30 =	vbroadcast v26, $0x4;
	v29 =	vbroadcast v26, $0x5;
	v53 =	vld [tilespmem:s4+$0xFFFFFF40];
	[tilespmem:s19+$0xB0] =	vst v36  }
.Ltmp2:
0x193: {  	v28 =	vbroadcast v26, $0x6;
	v26 =	vbroadcast v26, $0x7;
	v36 =	vld [tilespmem:s4+$0xFFFFFF50];
	[tilespmem:s19+$0xC0] =	vst v37;
	(pc) =	sbr.rel @p1 .LBB2_7-.Ltmp2, $4  }
0x194: {  	v22 =	vbroadcast v56, $0x0;
	v20 =	vbroadcast v56, $0x1;
	v37 =	vld [tilespmem:s4+$0xFFFFFF60];
	[tilespmem:s19+$0xD0] =	vst v38  }
0x195: {  	v21 =	vbroadcast v56, $0x3;
	v23 =	vbroadcast v56, $0x2;
	v38 =	vld [tilespmem:s4+$0xFFFFFF70];
	[tilespmem:s19+$0xE0] =	vst v35;
	s19 =	smov.u32 s8;
	s8 =	smov.u32 s4  }
0x196: {  	v27 =	vbroadcast v56, $0x4;
	v25 =	vbroadcast v56, $0x5;
	v54 =	vld [tilespmem:s4+$0xFFFFFFA0]  }
0x197: {  	s23 =	sadd.s32 $0x40, s23;
	v17 =	vbroadcast v56, $0x6;
	v35 =	vbroadcast v56, $0x7;
	v55 =	vld [tilespmem:s4+$0xFFFFFFB0]  }
0x198: {  	v41 =	vmul.f32 v41, v46  }
0x199: {  	v58 =	vmul.f32 v47, v50  }
0x19a: {  	v45 =	vmul.f32 v45, v51;
	[tilespmem:s4+$0xFFFFFF00] =	vst v41  }
0x19b: {  	v59 =	vmul.f32 v52, v48;
	[tilespmem:s4+$0xFFFFFF10] =	vst v58  }
0x19c: {  	v44 =	vmul.f32 v53, v44;
	[tilespmem:s4+$0xFFFFFF20] =	vst v45  }
0x19d: {  	v36 =	vmul.f32 v36, v49;
	[tilespmem:s4+$0xFFFFFF30] =	vst v59  }
0x19e: {  	v32 =	vmul.f32 v32, v34;
	[tilespmem:s4+$0xFFFFFF40] =	vst v44  }
0x19f: {  	v33 =	vmul.f32 v33, v39;
	[tilespmem:s4+$0xFFFFFF50] =	vst v36  }
0x1a0: {  	v4 =	vmul.f32 v13, v4;
	[tilespmem:s4+$0xFFFFFF80] =	vst v32  }
0x1a1: {  	v15 =	vmul.f32 v15, v19;
	[tilespmem:s4+$0xFFFFFF90] =	vst v33  }
0x1a2: {  	v14 =	vmul.f32 v14, v24;
	[tilespmem:s19+$0x70] =	vst v4  }
0x1a3: {  	v1 =	vmul.f32 v6, v1;
	[tilespmem:s4+$0x90] =	vst v15  }
0x1a4: {  	v0 =	vmul.f32 v5, v0;
	[tilespmem:s4+$0xA0] =	vst v14  }
0x1a5: {  	v60 =	vld [tilespmem:s4+$0xFFFFFFC0];
	v3 =	vmul.f32 v7, v3;
	[tilespmem:s19+$0xB0] =	vst v1  }
0x1a6: {  	v61 =	vld [tilespmem:s4+$0xFFFFFFD0];
	v57 =	vmul.f32 v8, v2;
	[tilespmem:s19+$0xC0] =	vst v0  }
0x1a7: {  	v63 =	vld [tilespmem:s4+$0xFFFFFFE0];
	v37 =	vmul.f32 v37, v42;
	[tilespmem:s19+$0xD0] =	vst v3  }
0x1a8: {  	v39 =	vld [tilespmem:s4+$0xFFFFFFF0];
	v62 =	vmul.f32 v38, v43;
	[tilespmem:s19+$0xE0] =	vst v57  }
0x1a9: {  	v46 =	vld [tilespmem:s4+$0x30];
	[tilespmem:s4+$0xFFFFFF60] =	vst v37;
	v31 =	vmul.f32 v31, v54  }
0x1aa: {  	v47 =	vld [tilespmem:s4+$0x40];
	v38 =	vmul.f32 v55, v40;
	[tilespmem:s4+$0xFFFFFF70] =	vst v62  }
0x1ab: {  	v56 =	vld [tilespmem:s4+$0xD0];
	v40 =	vmul.f32 v16, v18;
	[tilespmem:s4+$0xFFFFFFA0] =	vst v31  }
0x1ac: {  	v41 =	vld [tilespmem:s4+$0x0];
	v43 =	vmul.f32 v60, v30;
	[tilespmem:s4+$0xFFFFFFB0] =	vst v38  }
0x1ad: {  	v42 =	vld [tilespmem:s4+$0x10];
	v45 =	vmul.f32 v61, v29;
	[tilespmem:s4+$0x80] =	vst v40  }
0x1ae: {  	v44 =	vld [tilespmem:s4+$0x20];
	v48 =	vmul.f32 v63, v28;
	[tilespmem:s4+$0xFFFFFFC0] =	vst v43  }
0x1af: {  	v49 =	vld [tilespmem:s4+$0x50];
	v26 =	vmul.f32 v39, v26;
	[tilespmem:s4+$0xFFFFFFD0] =	vst v45  }
0x1b0: {  	v50 =	vld [tilespmem:s4+$0x60];
	v62 =	vmul.f32 v56, v9;
	[tilespmem:s4+$0xFFFFFFE0] =	vst v48  }
0x1b1: {  	v54 =	vld [tilespmem:s4+$0xB0];
	v16 =	vmul.f32 v22, v41;
	[tilespmem:s4+$0xFFFFFFF0] =	vst v26  }
0x1b2: {  	v55 =	vld [tilespmem:s4+$0xC0];
	v4 =	vmul.f32 v20, v42;
	[tilespmem:s8+$0xD0] =	vst v62  }
0x1b3: {  	v51 =	vld [tilespmem:s4+$0x70];
	v13 =	vmul.f32 v23, v44;
	[tilespmem:s4+$0x0] =	vst v16  }
0x1b4: {  	v15 =	vmul.f32 v46, v21;
	[tilespmem:s8+$0x10] =	vst v4  }
0x1b5: {  	v52 =	vmul.f32 v47, v27;
	[tilespmem:s8+$0x20] =	vst v13  }
0x1b6: {  	v53 =	vmul.f32 v49, v25;
	v58 =	vld [tilespmem:s8+$0xE0];
	[tilespmem:s8+$0x30] =	vst v15  }
0x1b7: {  	v14 =	vmul.f32 v50, v17;
	[tilespmem:s8+$0x40] =	vst v52  }
0x1b8: {  	v59 =	vmul.f32 v51, v35;
	[tilespmem:s8+$0x50] =	vst v53  }
0x1b9: {  	v60 =	vmul.f32 v54, v11;
	[tilespmem:s8+$0x60] =	vst v14  }
0x1ba: {  	v61 =	vmul.f32 v55, v12;
	[tilespmem:s8+$0x70] =	vst v59  }
0x1bb: {  	[tilespmem:s8+$0xB0] =	vst v60;
	v63 =	vmul.f32 v58, v10  }
0x1bc: {  	[tilespmem:s8+$0xC0] =	vst v61  }
0x1bd: {  	[tilespmem:s8+$0xE0] =	vst v63  }
.LBB2_9:
0x1be: {  	s4 =	sshra.s32 s13, $0x2  }
0x1bf: {  	v0 =	vld [tilespmem:s4+$0x8FA0]  }
0x1c0: {  	v1 =	vld [tilespmem:s4+$0x95E0];
	_ =	sdelay $0x4  }
0x1c1: {  	v0 =	vadd.f32 v1, v0;
	_ =	sdelay $0x1  }
0x1c2: {  	v1 =	vmul.f32 $2.000000030e-01, v0  }
0x1c3: {  	vm0 =	vge.f32 v0, $0.0e+00  }
0x1c4: {  	v0 =	vsel vm0, v0, v1  }
0x1c5: {  	v0 =	vmul.f32 $1.442695020e+00, v0;
	_ =	sdelay $0x1  }
0x1c6: {  	(erf) = vpow2.f32 v0;
	_ =	sdelay $0x8  }
0x1c7: {  	v0 =	vpop (erf)  }
0x1c8: {  	[tilespmem:s4+$0x9C20] =	vst v0  }
0x1c9: {  	v50 =	vld [tilespmem:s21+$0xFFFFFF90];
	_ =	sdelay $0x1  }
0x1ca: {  	v51 =	vld [tilespmem:s21+$0xFFFFFFA0]  }
0x1cb: {  	v2 =	vbroadcast v0, $0x0  }
0x1cc: {  	v53 =	vld [tilespmem:s21+$0xFFFFFFB0]  }
0x1cd: {  	v52 =	vbroadcast v0, $0x1;
	v1 =	vmul.f32 v2, v50  }
0x1ce: {  	v55 =	vld [tilespmem:s21+$0xFFFFFFC0]  }
0x1cf: {  	v54 =	vbroadcast v0, $0x2;
	[tilespmem:s21+$0xFFFFFF90] =	vst v1;
	v1 =	vmul.f32 v52, v51  }
0x1d0: {  	v57 =	vld [tilespmem:s21+$0xFFFFFFD0]  }
0x1d1: {  	v56 =	vbroadcast v0, $0x3;
	[tilespmem:s21+$0xFFFFFFA0] =	vst v1;
	v1 =	vmul.f32 v54, v53  }
0x1d2: {  	v59 =	vld [tilespmem:s21+$0xFFFFFFE0]  }
0x1d3: {  	v58 =	vbroadcast v0, $0x4;
	v63 =	vld [tilespmem:s21+$0x0];
	[tilespmem:s21+$0xFFFFFFB0] =	vst v1;
	v1 =	vmul.f32 v55, v56  }
0x1d4: {  	v61 =	vld [tilespmem:s21+$0xFFFFFFF0]  }
0x1d5: {  	v60 =	vbroadcast v0, $0x5;
	[tilespmem:s21+$0xFFFFFFC0] =	vst v1;
	v1 =	vmul.f32 v57, v58  }
0x1d6: {  	p1 =	sne.s32 s13, $0x40;
	v62 =	vbroadcast v0, $0x6;
	v0 =	vbroadcast v0, $0x7  }
.Ltmp3:
0x1d7: {  	[tilespmem:s21+$0xFFFFFFD0] =	vst v1;
	v1 =	vmul.f32 v59, v60;
	(pc) =	sbr.rel @p1 .LBB2_9-.Ltmp3, $4  }
0x1d8: {  	v0 =	vmul.f32 v63, v0  }
0x1d9: {  	[tilespmem:s21+$0xFFFFFFE0] =	vst v1;
	v1 =	vmul.f32 v61, v62  }
0x1da: {  	[tilespmem:s21+$0x0] =	vst v0  }
0x1db: {  	s13 =	sadd.s32 $0x40, s13;
	[tilespmem:s21+$0xFFFFFFF0] =	vst v1;
	s21 =	sadd.s32 $0x80, s21  }
0x1dc: {  	s4 =	smul.u32 $0xE0, s18;
	s17 =	sadd.s32 $0x1, s17  }
0x1dd: {  	p1 =	sne.s32 s17, $0x64  }
.Ltmp4:
0x1de: {  	s4 =	sshra.s32 s4, $0x2;
	(pc) =	sbr.rel @p1 .LBB2_2-.Ltmp4, $4  }
0x1df: {  	s4 =	sadd.s32 $0x2BC0, s4  }
0x1e0: {  	[spmem:s2] =	stream.indirect.scatter.add.f32 [tilespmem:s29], [sflag:$0x4], $0x80, s4, s24, $0xb8;
	[tilespmem:$0x1FBD0] =	vst v63  }
0x1e1: {  	_ = 	snop  }
0x1e2: {  	[spmem:s3] =	stream.indirect.scatter.add.f32 [tilespmem:s28], [sflag:$0x4], $0x10, s4, s24, $0xb8;
	[tilespmem:$0x1FBD0] =	vst v63  }
0x1e3: {  	s4 =	simm.s32 $0x3  }
0x1e4: {  	_ =	swait.ge [sflag:s4], $0x1900  }
0x1e5: {  	[sflag:s4] =	ssyncset.done $0x0  }
0x1e6: {  	[sflag:s4] =	ssyncadd.s32 $0xFFFFE700  }
0x1e7: {  	_ =	swait.ge [sflag:s4], $0x320  }
0x1e8: {  	[sflag:s4] =	ssyncset.done $0x0  }
0x1e9: {  	s19 =	simm.s32 $0x4;
	[sflag:s4] =	ssyncadd.s32 $0xFFFFFCE0  }
0x1ea: {  	_ =	swait.ge [sflag:s19], $0x1900  }
0x1eb: {  	[sflag:s19] =	ssyncset.done $0x0  }
0x1ec: {  	[sflag:s19] =	ssyncadd.s32 $0xFFFFE700  }
0x1ed: {  	_ =	swait.ge [sflag:s19], $0x320  }
0x1ee: {  	[sflag:s19] =	ssyncset.done $0x0  }
0x1ef: {  	[sflag:s19] =	ssyncadd.s32 $0xFFFFFCE0  }
0x1f0: {  	[bflag:$0x0] =	sbarrier.arrive $0xFFFF  }
0x1f1: {  	s20 =	rddreg [dreg:$0xd]  }
0x1f2: {  	s8 =	rddreg [dreg:$0x12]  }
0x1f3: {  	[hbm:s20], [sflag:s11] =	dma.local [spmem:s8], $0x2700  }
0x1f4: {  	_ =	swait.ge [sflag:s22], $0x2700  }
0x1f5: {  	[sflag:s22] =	ssyncset.done $0x0  }
0x1f6: {  	s21 =	rddreg [dreg:$0xe];
	[sflag:s22] =	ssyncadd.s32 $0xFFFFD900  }
0x1f7: {  	[hbm:s21], [sflag:s11] =	dma.local [spmem:s14], $0x4E0  }
0x1f8: {  	_ =	swait.ge [sflag:s22], $0x4E0  }
0x1f9: {  	[sflag:s22] =	ssyncset.done $0x0  }
0x1fa: {  	s4 =	rddreg [dreg:$0xf];
	[sflag:s22] =	ssyncadd.s32 $0xFFFFFB20  }
0x1fb: {  	[hbm:s4], [sflag:s11] =	dma.local @!p0 [spmem:s15], $0x100  }
0x1fc: {  	s4 =	simm.s32 @!p0 $0x5  }
0x1fd: {  	_ =	swait.ge @!p0 [sflag:s4], $0x100  }
0x1fe: {  	[sflag:s4] =	ssyncset.done @!p0 $0x0  }
0x1ff: {  	s8 =	rddreg [dreg:$0x10];
	[sflag:s4] =	ssyncadd.s32 @!p0 $0xFFFFFF00  }
0x200: {  	[hbm:s8], [sflag:s11] =	dma.local @!p0 [spmem:s16], $0x20  }
0x201: {  	_ =	swait.ge @!p0 [sflag:s4], $0x20  }
0x202: {  	s12 =	sadd.s32 $0x1, s12;
	s23 =	rddreg [dreg:$0x11]  }
0x203: {  	p1 =	sne.s32 s12, s23  }
.Ltmp5:
0x204: {  	_ = 	snop;
	(pc) =	sbr.rel @p1 .LBB2_1-.Ltmp5, $3  }
0x205: {  	_ =	sdelay $0x1  }
0x206: {  	[sflag:s4] =	ssyncset.done @!p0 $0x0  }
0x207: {  	[sflag:s4] =	ssyncadd.s32 @!p0 $0xFFFFFFE0  }
0x208: {  	_ =	sfence.sel $0x180000  }
0x209: {  	[bflag:$0x0] =	sbarrier.arrive $0xFFFF  }
0x20a: {  	_ =	strace $0x9000004A  }
0x20b: {  	s0 =	stileid.u32;
	[bflag:$0x2] =	sbarrier.arrive $0xFFFF  }
0x20c: {  	p0 =	sne.s32 s0, $0x0;
	s0 =	rddreg [dreg:$0x4]  }
0x20d: {  	s0 =	sadd.s32 @!p0 $0x100000, s0  }
0x20e: {  	[sflag:s0] =	ssyncadd.tile.s32 @!p0 $0x1;
	_ =	shalt  }
.Lfunc_end2:
_tile_overlayer_lowered:
.L_overlay_start_2:
0x20f: {  	(tag) =	ssettag $0x2  }
0x210: {  	s0 =	rddreg [dreg:$0x0];
	s2 =	stileid.u32  }
0x211: {  	s1 =	rddreg [dreg:$0x1];
	p0 =	sne.s32 s2, $0x0  }
0x212: {  	s3 =	rddreg [dreg:$0x2];
	[bflag:$0x3] =	sbarrier.arrive $0xFFFF;
	s2 =	simm.s32 @!p0 $0x1C05  }
0x213: {  	[timem:s3], [sflag:s2] =	dma.local @!p0 [hbm:s0], s1  }
0x214: {  	s0 =	simm.s32 @!p0 $0x5  }
0x215: {  	_ =	swait.ge @!p0 [sflag:s0], s1  }
0x216: {  	s1 =	ssub.s32 @!p0 $0x0, s1;
	[sflag:s0] =	ssyncset.done @!p0 $0x0  }
0x217: {  	[sflag:s0] =	ssyncadd.s32 @!p0 s1  }
0x218: {  	[bflag:$0x3] =	sbarrier.arrive $0xFFFF  }
0x219: {  	_ =	shalt  }

// kernel: _impl.15.cloned.1.call-start
scs
__scs_entry_jumppad:
0x0: {  	(pc) =	sbr.rel $0x88, $3  }
0x1: {  	(tag) =	ssettag $0x0;
	lr =	simm.s32 $0x1  }
0x2: {  	[smem:$0x3F8F] =	sst lr;
	_ =	strace $0xD0000000  }
0x3: {  	_ = 	snop  }
0x4: {  	_ = 	snop  }
0x5: {  	_ = 	snop  }
0x6: {  	_ = 	snop  }
0x7: {  	_ = 	snop  }
__scs_overlays_trampoline_lowered:
0x8: {  	[smem:$0x3F9E] =	sst s0  }
0x9: {  	[smem:$0x3F9F] =	sst s1  }
0xa: {  	[smem:$0x3FA0] =	sst s2  }
0xb: {  	[smem:$0x3FA1] =	sst s3  }
0xc: {  	[smem:$0x3FA2] =	sst s4  }
0xd: {  	[smem:$0x3FA3] =	sst s5  }
0xe: {  	[smem:$0x3FA4] =	sst s6  }
0xf: {  	[smem:$0x3FA5] =	sst s7  }
0x10: {  	[smem:$0x3FA6] =	sst s8  }
0x11: {  	[smem:$0x3FA7] =	sst s9;
	s0 =	simm.s32 @!p0 $0x0  }
0x12: {  	s1 =	sld [smem:$0x3F8D];
	s0 =	simm.s32 @p0 $0x1  }
0x13: {  	[smem:$0x3FA8] =	sst s0;
	s0 =	simm.s32 @!p1 $0x0  }
0x14: {  	s2 =	sld [smem:$0x3F8C];
	s0 =	simm.s32 @p1 $0x1  }
0x15: {  	[smem:$0x3FA9] =	sst s0;
	s0 =	simm.s32 @!p2 $0x0  }
0x16: {  	s3 =	sld [smem:$0x3FDB];
	s0 =	simm.s32 @p2 $0x1  }
0x17: {  	s4 =	simm.s32 $0x1BF5;
	[smem:$0x3FAB] =	sst s0  }
0x18: {  	s0 =	sld [smem:$0x3F8E];
	_ =	swait.ge [sflag:s4], $0x0  }
0x19: {  	s7 =	sld [smem:$0x3F8F]  }
0x1a: {  	s8 =	sadd.s32 $0xFFFFE003, lr  }
0x1b: {  	s9 =	sadd.s32 $0xFFFFFEF7, lr;
	s5 =	simm.s32 $0xFFFFFFFF;
	p2 =	slt.u32 s8, $0xFFFFF086  }
0x1c: {  	p1 =	slt.u32 s9, $0xF7A;
	s5 =	simm.s32 @!p2 $0x0  }
0x1d: {  	s5 =	simm.s32 @p1 $0x1;
	p0 =	seq.s32 s7, s2  }
0x1e: {  	s7 =	smul.u32 @!p0 $0xF7A, s2;
	p2 =	seq.s32 @!p0 s5, $0x0  }
0x1f: {  	s9 =	smul.u32 $0xF7A, s1;
	s8 =	simm.s32 @!p0 $0x1BF5;
	p2 =	por !p2, p0  }
0x20: {  	[sflag:s8] =	ssyncset.s32 @!p0 $0xFFFFF086;
	s6 =	sadd.s32 @!p0 s3, s7;
	s7 =	simm.s32 @!p0 $0x108  }
0x21: {  	s3 =	sadd.s32 s3, s9;
	s6 =	sadd.s32 @!p0 $0x88, s6;
	s7 =	simm.s32 @p2 $0x1082  }
0x22: {  	[simem:s7], [sflag:s8] =	dma.local @!p0 [hbm:s6], $0xF7A  }
0x23: {  	s9 =	sor.u32 $0xD0000000, s2;
	s6 =	simm.s32 $0x108;
	_ =	swait.ge @!p0 [sflag:s8], $0x0  }
0x24: {  	s3 =	sadd.s32 $0x88, s3;
	s6 =	simm.s32 @!p1 $0x1082;
	[sflag:s4] =	ssyncset.s32 $0xFFFFF086  }
0x25: {  	[simem:s6], [sflag:s4] =	dma.local [hbm:s3], $0xF7A  }
0x26: {  	[smem:$0x3F8F] =	sst s1;
	(tag) =	ssettag s2;
	_ =	strace s9  }
0x27: {  	s1 =	sld [smem:$0x3F9F]  }
0x28: {  	s2 =	sld [smem:$0x3FA0]  }
0x29: {  	s4 =	sld [smem:$0x3FA2]  }
0x2a: {  	p0 =	seq.s32 s5, $0x0;
	s5 =	sld [smem:$0x3FA3]  }
0x2b: {  	s6 =	sld [smem:$0x3FA4]  }
0x2c: {  	s7 =	sld [smem:$0x3FA5]  }
0x2d: {  	s3 =	simm.s32 $0x108;
	s8 =	sld [smem:$0x3FA6]  }
0x2e: {  	s3 =	simm.s32 @!p0 $0x1082;
	s9 =	sld [smem:$0x3FA7]  }
0x2f: {  	lr =	sadd.s32 s0, s3;
	s0 =	sld [smem:$0x3F9E]  }
0x30: {  	s3 =	sld [smem:$0x3FA1]  }
0x31: {  	[smem:$0x3FAA] =	sst s10  }
0x32: {  	s10 =	sld [smem:$0x3FA8];
	_ =	sdelay $0x3  }
0x33: {  	p0 =	seq.s32 s10, $0x1;
	s10 =	sld [smem:$0x3FAA];
	_ =	sdelay $0x3  }
0x34: {  	[smem:$0x3FAA] =	sst s10  }
0x35: {  	s10 =	sld [smem:$0x3FA9];
	_ =	sdelay $0x3  }
0x36: {  	p1 =	seq.s32 s10, $0x1;
	s10 =	sld [smem:$0x3FAA];
	_ =	sdelay $0x3  }
0x37: {  	[smem:$0x3FAA] =	sst s10  }
0x38: {  	s10 =	sld [smem:$0x3FAB]  }
0x39: {  	_ = 	snop;
	(pc) =	sbr.ind lr, $3  }
0x3a: {  	_ = 	snop  }
0x3b: {  	_ = 	snop  }
0x3c: {  	p2 =	seq.s32 s10, $0x1;
	s10 =	sld [smem:$0x3FAA]  }
0x3d: {  	_ =	shalt  }
0x3e: {  	_ =	shalt  }
0x3f: {  	_ =	shalt  }
0x40: {  	_ =	shalt  }
0x41: {  	_ =	shalt  }
0x42: {  	_ =	shalt  }
0x43: {  	_ =	shalt  }
0x44: {  	_ =	shalt  }
0x45: {  	_ =	shalt  }
0x46: {  	_ =	shalt  }
0x47: {  	_ =	shalt  }
0x48: {  	_ =	shalt  }
0x49: {  	_ =	shalt  }
0x4a: {  	_ =	shalt  }
0x4b: {  	_ =	shalt  }
0x4c: {  	_ =	shalt  }
0x4d: {  	_ =	shalt  }
0x4e: {  	_ =	shalt  }
0x4f: {  	_ =	shalt  }
0x50: {  	_ =	shalt  }
0x51: {  	_ =	shalt  }
0x52: {  	_ =	shalt  }
0x53: {  	_ =	shalt  }
0x54: {  	_ =	shalt  }
0x55: {  	_ =	shalt  }
0x56: {  	_ =	shalt  }
0x57: {  	_ =	shalt  }
0x58: {  	_ =	shalt  }
0x59: {  	_ =	shalt  }
0x5a: {  	_ =	shalt  }
0x5b: {  	_ =	shalt  }
0x5c: {  	_ =	shalt  }
0x5d: {  	_ =	shalt  }
0x5e: {  	_ =	shalt  }
0x5f: {  	_ =	shalt  }
0x60: {  	_ =	shalt  }
0x61: {  	_ =	shalt  }
0x62: {  	_ =	shalt  }
0x63: {  	_ =	shalt  }
0x64: {  	_ =	shalt  }
0x65: {  	_ =	shalt  }
0x66: {  	_ =	shalt  }
0x67: {  	_ =	shalt  }
0x68: {  	_ =	shalt  }
0x69: {  	_ =	shalt  }
0x6a: {  	_ =	shalt  }
0x6b: {  	_ =	shalt  }
0x6c: {  	_ =	shalt  }
0x6d: {  	_ =	shalt  }
0x6e: {  	_ =	shalt  }
0x6f: {  	_ =	shalt  }
0x70: {  	_ =	shalt  }
0x71: {  	_ =	shalt  }
0x72: {  	_ =	shalt  }
0x73: {  	_ =	shalt  }
0x74: {  	_ =	shalt  }
0x75: {  	_ =	shalt  }
0x76: {  	_ =	shalt  }
0x77: {  	_ =	shalt  }
0x78: {  	_ =	shalt  }
0x79: {  	_ =	shalt  }
0x7a: {  	_ =	shalt  }
0x7b: {  	_ =	shalt  }
0x7c: {  	_ =	shalt  }
0x7d: {  	_ =	shalt  }
0x7e: {  	_ =	shalt  }
0x7f: {  	_ =	shalt  }
0x80: {  	_ =	shalt  }
0x81: {  	_ =	shalt  }
0x82: {  	_ =	shalt  }
0x83: {  	_ =	shalt  }
0x84: {  	_ =	shalt  }
0x85: {  	_ =	shalt  }
0x86: {  	_ =	shalt  }
0x87: {  	_ =	shalt  }
.Lfunc_end0:
.L_simem_size_0:
called_computation.2_lowered:
.L_overlay_start_0:
0x88: {  	s2 =	sld [smem:$0x3FD9]  }
0x89: {  	s3 =	sld [smem:$0x3FFE];
	_ =	sdelay $0x1  }
0x8a: {  	s1 =	srdreg.scid  }
0x8b: {  	s0 =	sand.u32 $0x1, s1  }
0x8c: {  	s17 =	sshll.u32 s0, $0xA;
	s2 =	sadd.s32 s3, s2  }
0x8d: {  	s2 =	sadd.s32 s2, s17  }
0x8e: {  	[smem:$0x3FB6] =	sst s2  }
0x8f: {  	_ = 	snop  }
0x90: {  	s2 =	sld [smem:$0x3FD0];
	(tm) =	ssettm $0x1  }
0x91: {  	s18 =	sld [smem:$0x3FFB];
	_ =	sdelay $0x3  }
0x92: {  	_ =	strace s18  }
0x93: {  	s3 =	sld [smem:$0x3FFC];
	_ =	sdelay $0x3  }
0x94: {  	_ =	strace s3  }
0x95: {  	s3 =	sld [smem:$0x3FFD];
	_ =	sdelay $0x3  }
0x96: {  	_ =	strace s3  }
0x97: {  	_ =	strace $0x8FFFFFFF  }
0x98: {  	s19 =	sld [smem:$0x3FDB];
	_ =	sdelay $0x1  }
0x99: {  	s4 =	simm.s32 $_scs_section_size  }
0x9a: {  	s5 =	simm.s32 $_size__tile_overlayer_lowered;
	s6 =	simm.s32 $_tile_overlayer_lowered  }
0x9b: {  	s22 =	simm.s32 $0x1BFF;
	s21 =	sshll.u32 s6, $0x1;
	s3 =	sadd.s32 s4, s19  }
0x9c: {  	s7 =	simm.s32 $0x0;
	s20 =	sshll.u32 s5, $0x1;
	s5 =	sadd.s32 s21, s3  }
0x9d: {  	[timem:s7], [sflag:s22] =	dma.local [hbm:s5], s20  }
0x9e: {  	_ =	swait.ge [sflag:s22], s20  }
0x9f: {  	s4 =	ssub.s32 $0x0, s20;
	[sflag:s22] =	ssyncset.done $0x0  }
0xa0: {  	[sflag:s22] =	ssyncadd.s32 s4;
	_ =	sdelay $0x1  }
0xa1: {  	s23 =	simm.s32 $0x1B8B  }
0xa2: {  	_ =	swait.ge [sflag:s23], $0x1  }
0xa3: {  	[sflag:s23] =	ssyncset.done $0x0  }
0xa4: {  	s25 =	simm.s32 $0x1B8E;
	s24 =	sld [smem:$0x3FFE];
	[sflag:s23] =	ssyncadd.s32 $0xFFFFFFFF  }
0xa5: {  	s26 =	simm.s32 $execute0_lowered;
	[smem:$0x3FD2] =	sst s25  }
0xa6: {  	s5 =	sshll.u32 s26, $0x1;
	_ =	strace $0x8000004C;
	[dreg:$0x1] =	wrdreg $0xFFFFFFFF  }
0xa7: {  	s28 =	simm.s32 $_size_execute0_lowered;
	s3 =	sadd.s32 s3, s5;
	[dreg:$0x0] =	wrdreg $0x0  }
0xa8: {  	s5 =	sshll.u32 s28, $0x1;
	[dreg:$0x2] =	wrdreg s3  }
0xa9: {  	[dreg:$0x3] =	wrdreg s5  }
0xaa: {  	[dreg:$0x4] =	wrdreg $0xC0  }
0xab: {  	_ =	task [dreg:s7], $0x5FFFF  }
0xac: {  	[dreg:$0x1] =	wrdreg $0xFFFFFFFF  }
0xad: {  	[dreg:$0x0] =	wrdreg $0x60  }
0xae: {  	[dreg:$0x2] =	wrdreg s2  }
0xaf: {  	[dreg:$0x3] =	wrdreg s24  }
0xb0: {  	[dreg:$0x4] =	wrdreg $0x7D000  }
0xb1: {  	[dreg:$0x5] =	wrdreg $0xF2300  }
0xb2: {  	[dreg:$0x6] =	wrdreg $0x9  }
0xb3: {  	_ =	task.clear_ibuf [dreg:s7], $0x7FFFF;
	_ =	strace $0x9000004C  }
0xb4: {  	s29 =	simm.s32 $0x9;
	_ =	strace $0x8000004E  }
0xb5: {  	_ =	swait.ge [sflag:s29], $0x1  }
0xb6: {  	[sflag:s29] =	ssyncadd.s32 $0xFFFFFFFF  }
0xb7: {  	_ =	strace $0x9000004E  }
0xb8: {  	_ =	sfence  }
0xb9: {  	s30 =	sld [smem:$0x0];
	_ =	sdelay $0x2  }
0xba: {  	s31 =	sshll.u32 s1, $0xD;
	s1 =	sshrl.u32 s1, $0x2  }
0xbb: {  	s3 =	sand.u32 $0x4000, s31;
	s1 =	sadd.s32 s1, s30  }
0xbc: {  	s0 =	sor.u32 s3, s0;
	s1 =	sshll.u32 s1, $0x11  }
0xbd: {  	s0 =	sor.u32 s1, s0  }
0xbe: {  	s0 =	sadd.s32 $0x8F2B, s0  }
0xbf: {  	[sflag:s0] =	ssyncadd.remote.s32 $0x1  }
0xc0: {  	_ =	sfence.sel $0xFFFF  }
0xc1: {  	[dreg:$0x0] =	wrdreg $0xFFFFFFFF;
	(pc) =	sbr.abs _section_cstart, $3  }
0xc2: {  	[dreg:$0x1] =	wrdreg $0xFFFFFFFF  }
0xc3: {  	_ =	task.clear_ibuf [dreg:s7], $0x2FFFF;
	_ =	strace $0x9FFFFFFF  }
0xc4: {  	(tm) =	ssettm $0x7FFFFFFF  }
0xc5: {  	_ =	shalt  }
tec
execute0_lowered:
.L_overlay_start_1:
0x0: {  	(tag) =	ssettag $0x1  }
0x1: {  	s0 =	rddreg [dreg:$0x0]  }
0x2: {  	s4 =	rddreg [dreg:$0x1]  }
0x3: {  	s1 =	srdreg.scid;
	s2 =	rddreg [dreg:$0x2]  }
0x4: {  	s17 =	stileid.u32;
	s3 =	rddreg [dreg:$0x3];
	s6 =	simm.s32 $0x0  }
0x5: {  	s29 =	simm.s32 $0x60E0;
	s30 =	simm.s32 $0x6D60;
	s31 =	simm.s32 $0x73A0  }
0x6: {  	s28 =	simm.s32 $0x79E0;
	s1 =	sand.u32 $0x1, s1;
	[smem:$0x7FF] =	sst s6  }
0x7: {  	s6 =	sadd.s32 $0x19200, s4;
	s7 =	sadd.s32 $0x14200, s4;
	s10 =	sadd.s32 $0x1E200, s4  }
0x8: {  	s23 =	sadd.s32 $0x8FC00, s4;
	s24 =	sadd.s32 $0x29000, s4;
	s12 =	smul.u32 $0x7500, s17  }
0x9: {  	s13 =	smul.u32 $0x2700, s17;
	s15 =	sshll.u32 s17, $0x6;
	s18 =	sadd.s32 $0x75000, s2  }
0xa: {  	s19 =	sadd.s32 $0x27000, s3;
	_ =	strace $0x8000004D;
	[dreg:$0x5] =	wrdreg s10  }
0xb: {  	p0 =	sne.s32 s17, $0xF;
	s5 =	sshll.u32 s1, $0x4;
	[dreg:$0x6] =	wrdreg s23  }
0xc: {  	s11 =	ssub.s32 $0x2, s1;
	s16 =	smul.u32 $0x75300, s1;
	[dreg:$0x9] =	wrdreg s18  }
0xd: {  	[dreg:$0xa] =	wrdreg s19;
	s1 =	smul.u32 $0x27100, s1;
	s10 =	simm.s32 $0x3  }
0xe: {  	s5 =	sor.u32 s17, s5;
	s14 =	sshrl.u32 s11, $0x1;
	s25 =	sadd.s32 s12, s2  }
0xf: {  	s26 =	sadd.s32 s13, s3;
	s8 =	smul.u32 $0x578, s5;
	s5 =	sadd.s32 $0x5600, s4  }
0x10: {  	s14 =	ssub.s32 s11, s14;
	[dreg:$0x7] =	wrdreg s25;
	s11 =	sor.u32 $0x1C05, s15  }
0x11: {  	[dreg:$0x8] =	wrdreg s26;
	s12 =	sadd.s32 s12, s16;
	s22 =	sadd.s32 s13, s1  }
0x12: {  	s23 =	sshrl.u32 s16, $0x3;
	s1 =	sshrl.u32 s1, $0x3;
	s13 =	simm.s32 $0x0  }
0x13: {  	s12 =	sshrl.u32 s12, $0x3;
	s26 =	smax.u32 s14, $0x1;
	s9 =	sadd.s32 s8, s4  }
0x14: {  	s4 =	sadd.s32 $0x1F200, s4;
	s0 =	sadd.s32 s0, s8;
	s21 =	sadd.s32 s24, s12  }
0x15: {  	s8 =	sadd.s32 s24, s23;
	[dreg:$0x11] =	wrdreg s26;
	s26 =	simm.s32 $0x2  }
0x16: {  	s12 =	simm.s32 $0x4;
	[dreg:$0xb] =	wrdreg s0;
	s20 =	sadd.s32 $0x84C00, s9  }
0x17: {  	[dreg:$0xd] =	wrdreg s21;
	s0 =	sshrl.u32 s22, $0x3;
	s1 =	sadd.s32 s4, s1  }
0x18: {  	s24 =	sadd.s32 $0xEA00, s8;
	s22 =	simm.s32 $0x5;
	[dreg:$0xc] =	wrdreg s20  }
0x19: {  	s0 =	sadd.s32 s4, s0;
	[dreg:$0xf] =	wrdreg s24;
	s25 =	sadd.s32 $0x4E00, s1  }
0x1a: {  	s24 =	simm.s32 $0x32;
	s1 =	simm.s32 $0x1;
	[dreg:$0xe] =	wrdreg s0  }
0x1b: {  	[dreg:$0x10] =	wrdreg s25;
	s25 =	simm.s32 $0x5780;
	s0 =	simm.s32 $0x76C0  }
.LBB2_1:
0x1c: {  	s4 =	rddreg [dreg:$0x7]  }
0x1d: {  	s14 =	sshrl.u32 s4, $0x3;
	s4 =	rddreg [dreg:$0x5]  }
0x1e: {  	[spmem:s14], [sflag:s11] =	dma.local [hbm:s4], $0xEA0  }
0x1f: {  	_ =	swait.ge [sflag:s22], $0xEA0  }
0x20: {  	[sflag:s22] =	ssyncset.done $0x0;
	s8 =	rddreg [dreg:$0x8]  }
0x21: {  	[sflag:s22] =	ssyncadd.s32 $0xFFFFF160;
	s15 =	sshrl.u32 s8, $0x3;
	s8 =	rddreg [dreg:$0x6]  }
0x22: {  	[spmem:s15], [sflag:s11] =	dma.local [hbm:s8], $0x4E0  }
0x23: {  	_ =	swait.ge [sflag:s22], $0x4E0  }
0x24: {  	[sflag:s22] =	ssyncset.done $0x0;
	s9 =	rddreg [dreg:$0x9]  }
0x25: {  	[sflag:s22] =	ssyncadd.s32 $0xFFFFFB20;
	s16 =	sshrl.u32 @!p0 s9, $0x3  }
0x26: {  	[spmem:s16], [sflag:s11] =	dma.local @!p0 [hbm:s4], $0x60  }
0x27: {  	s4 =	simm.s32 @!p0 $0x5  }
0x28: {  	_ =	swait.ge @!p0 [sflag:s4], $0x60  }
0x29: {  	[sflag:s4] =	ssyncset.done @!p0 $0x0;
	s9 =	rddreg [dreg:$0xa]  }
0x2a: {  	[sflag:s4] =	ssyncadd.s32 @!p0 $0xFFFFFFA0;
	s17 =	sshrl.u32 @!p0 s9, $0x3  }
0x2b: {  	[spmem:s17], [sflag:s11] =	dma.local @!p0 [hbm:s8], $0x20  }
0x2c: {  	_ =	swait.ge @!p0 [sflag:s4], $0x20  }
0x2d: {  	[sflag:s4] =	ssyncset.done @!p0 $0x0  }
0x2e: {  	s9 =	simm.s32 $0x0;
	s18 =	rddreg [dreg:$0xb];
	[sflag:s4] =	ssyncadd.s32 @!p0 $0xFFFFFFE0  }
0x2f: {  	[tilespmem:s9], [sflag:$0x5] =	stream.linear.gather [hbm4b:s18+s9], $0x2BC0, $0x38;
	[tilespmem:$0x11940] =	vst v63  }
0x30: {  	_ =	swait.ge [sflag:s22], $0x2BC0  }
0x31: {  	[sflag:s22] =	ssyncset.done $0x0  }
0x32: {  	s20 =	simm.s32 $0x2BC0;
	s19 =	rddreg [dreg:$0xc];
	[sflag:s22] =	ssyncadd.s32 $0xFFFFD440  }
0x33: {  	[tilespmem:s20], [sflag:$0x5] =	stream.linear.gather [hbm4b:s19+s9], $0x2BC0, $0x38;
	[tilespmem:$0x11940] =	vst v63  }
0x34: {  	_ =	swait.ge [sflag:s22], $0x2BC0  }
0x35: {  	[sflag:s22] =	ssyncset.done $0x0  }
0x36: {  	[sflag:s22] =	ssyncadd.s32 $0xFFFFD440  }
0x37: {  	[bflag:$0x0] =	sbarrier.arrive $0xFFFF  }
0x38: {  	[tilespmem:s25], [sflag:$0x1] =	stream.indirect.gather [hbm4b:s5+s24], $0x30, s9, s24, $0xb8;
	[tilespmem:$0x11940] =	vst v63  }
0x39: {  	s21 =	simm.s32 $0x6A40  }
0x3a: {  	[tilespmem:s21], [sflag:$0x1] =	stream.indirect.gather [hbm4b:s6+s24], $0x10, s9, s24, $0xb8;
	[tilespmem:$0x11940] =	vst v63  }
0x3b: {  	s23 =	simm.s32 $0x7080  }
0x3c: {  	[tilespmem:s23], [sflag:$0x1] =	stream.indirect.gather [hbm4b:s7+s24], $0x10, s20, s24, $0xb8;
	[tilespmem:$0x11940] =	vst v63  }
0x3d: {  	s23 =	simm.s32 $0x0  }
.LBB2_2:
0x3e: {  	p1 =	seq.s32 s23, $0x0  }
0x3f: {  	s4 =	simm.s32 @!p1 $0x4  }
0x40: {  	_ =	swait.ge @!p1 [sflag:s4], $0x960  }
0x41: {  	[sflag:s4] =	ssyncset.done @!p1 $0x0  }
0x42: {  	[sflag:s4] =	ssyncadd.s32 @!p1 $0xFFFFF6A0  }
0x43: {  	s18 =	sshllo.u32 s23, $0x1;
	_ =	swait.ge @!p1 [sflag:s4], $0x320  }
0x44: {  	s8 =	smul.u32 $0x38, s18;
	[sflag:s4] =	ssyncset.done @!p1 $0x0  }
0x45: {  	[sflag:s4] =	ssyncadd.s32 @!p1 $0xFFFFFCE0  }
0x46: {  	[tilespmem:s29], [sflag:$0x2] =	stream.indirect.gather [hbm4b:s5+s24], $0x30, s8, s24, $0xb8;
	[tilespmem:$0x11940] =	vst v63  }
0x47: {  	_ = 	snop  }
0x48: {  	[tilespmem:s30], [sflag:$0x2] =	stream.indirect.gather [hbm4b:s6+s24], $0x10, s8, s24, $0xb8;
	[tilespmem:$0x11940] =	vst v63  }
0x49: {  	s19 =	sadd.s32 $0x2BC0, s8  }
0x4a: {  	[tilespmem:s31], [sflag:$0x2] =	stream.indirect.gather [hbm4b:s7+s24], $0x10, s19, s24, $0xb8;
	[tilespmem:$0x11940] =	vst v63  }
0x4b: {  	_ =	swait.ge [sflag:s1], $0x960  }
0x4c: {  	[sflag:s1] =	ssyncset.done $0x0  }
0x4d: {  	[sflag:s1] =	ssyncadd.s32 $0xFFFFF6A0  }
0x4e: {  	_ =	swait.ge [sflag:s1], $0x320  }
0x4f: {  	[sflag:s1] =	ssyncset.done $0x0  }
0x50: {  	[sflag:s1] =	ssyncadd.s32 $0xFFFFFCE0  }
0x51: {  	_ =	swait.ge [sflag:s1], $0x320  }
0x52: {  	[sflag:s1] =	ssyncset.done $0x0  }
0x53: {  	s20 =	simm.s32 $0x6A60;
	[sflag:s1] =	ssyncadd.s32 $0xFFFFFCE0  }
0x54: {  	s21 =	simm.s32 $0x70A0;
	v0 =	vld [tilespmem:s20+$0x10]  }
0x55: {  	v1 =	vld [tilespmem:s21+$0x10];
	_ =	sdelay $0x1  }
0x56: {  	v2 =	vld [tilespmem:s21+$0xFFFFFFE0]  }
0x57: {  	v3 =	vld [tilespmem:s20+$0xFFFFFFF0]  }
0x58: {  	v4 =	vld [tilespmem:s21+$0xFFFFFFF0]  }
0x59: {  	v5 =	vld [tilespmem:s21+$0x0];
	v0 =	vadd.f32 v1, v0  }
0x5a: {  	v1 =	vld [tilespmem:s20+$0x0]  }
0x5b: {  	v7 =	vld [tilespmem:s20+$0xFFFFFFE0];
	v6 =	vmul.f32 $2.000000030e-01, v0  }
0x5c: {  	vm0 =	vge.f32 v0, $0.0e+00  }
0x5d: {  	v0 =	vsel vm0, v0, v6  }
0x5e: {  	v3 =	vadd.f32 v4, v3;
	v0 =	vmul.f32 $1.442695020e+00, v0  }
0x5f: {  	v1 =	vadd.f32 v5, v1  }
0x60: {  	v2 =	vadd.f32 v2, v7;
	(erf) = vpow2.f32 v0;
	v0 =	vmul.f32 $2.000000030e-01, v3  }
0x61: {  	vm10 =	vge.f32 v3, $0.0e+00;
	v4 =	vmul.f32 $2.000000030e-01, v1  }
0x62: {  	vm11 =	vge.f32 v1, $0.0e+00;
	v0 =	vsel vm10, v3, v0;
	v3 =	vmul.f32 $2.000000030e-01, v2  }
0x63: {  	vm1 =	vge.f32 v2, $0.0e+00;
	v1 =	vsel vm11, v1, v4;
	v0 =	vmul.f32 $1.442695020e+00, v0  }
0x64: {  	s9 =	simm.s32 $0x6AA0;
	v1 =	vmul.f32 $1.442695020e+00, v1;
	v2 =	vsel vm1, v2, v3  }
0x65: {  	s21 =	simm.s32 $0x70E0;
	v10 =	vld [tilespmem:s9+$0xFFFFFFE0];
	(erf) = vpow2.f32 v0;
	v0 =	vmul.f32 $1.442695020e+00, v2  }
0x66: {  	v7 =	vld [tilespmem:s21+$0x0];
	(erf) = vpow2.f32 v1  }
0x67: {  	v1 =	vld [tilespmem:s9+$0x10];
	(erf) = vpow2.f32 v0  }
0x68: {  	v0 =	vld [tilespmem:s21+$0x10]  }
0x69: {  	v6 =	vld [tilespmem:s9+$0x0]  }
0x6a: {  	s20 =	simm.s32 $0x76E0;
	v5 =	vld [tilespmem:s21+$0xFFFFFFF0];
	v2 =	vpop (erf)  }
0x6b: {  	s19 =	simm.s32 $0x57E0;
	v3 =	vld [tilespmem:s9+$0xFFFFFFF0];
	[tilespmem:s20+$0x10] =	vst v2  }
0x6c: {  	v4 =	vld [tilespmem:s19+$0x50]  }
0x6d: {  	v8 =	vld [tilespmem:s21+$0xFFFFFFE0];
	v9 =	vadd.f32 v0, v1  }
0x6e: {  	v1 =	vpop (erf)  }
0x6f: {  	v0 =	vbroadcast v2, $0x0;
	v12 =	vmul.f32 $2.000000030e-01, v9;
	[tilespmem:s20+$0xFFFFFFF0] =	vst v1;
	v11 =	vpop (erf)  }
0x70: {  	v6 =	vadd.f32 v7, v6;
	vm12 =	vge.f32 v9, $0.0e+00;
	v13 =	vld [tilespmem:s19+$0xFFFFFFD0];
	v14 =	vpop (erf)  }
0x71: {  	v15 =	vmul.f32 v0, v4;
	v4 =	vadd.f32 v5, v3;
	v3 =	vld [tilespmem:s19+$0xFFFFFFE0];
	v5 =	vsel vm12, v9, v12;
	[tilespmem:s20+$0xFFFFFFE0] =	vst v14  }
0x72: {  	v8 =	vadd.f32 v8, v10;
	v10 =	vmul.f32 $2.000000030e-01, v6;
	v5 =	vmul.f32 $1.442695020e+00, v5;
	v9 =	vld [tilespmem:s19+$0xFFFFFFA0]  }
0x73: {  	v12 =	vbroadcast v14, $0x0;
	v7 =	vmul.f32 $2.000000030e-01, v4;
	v14 =	vld [tilespmem:s19+$0xFFFFFFB0]  }
0x74: {  	vm14 =	vge.f32 v6, $0.0e+00;
	vm13 =	vge.f32 v4, $0.0e+00;
	v16 =	vld [tilespmem:s19+$0xFFFFFFC0];
	(erf) = vpow2.f32 v5  }
0x75: {  	v2 =	vbroadcast v1, $0x0;
	v1 =	vbroadcast v11, $0x0;
	[tilespmem:s20+$0x0] =	vst v11;
	v5 =	vld [tilespmem:s19+$0xFFFFFFF0];
	v4 =	vsel vm13, v4, v7  }
0x76: {  	v6 =	vsel vm14, v6, v10;
	v11 =	vmul.f32 $2.000000030e-01, v8;
	v7 =	vld [tilespmem:s19+$0x0];
	v17 =	vmul.f32 $1.442695020e+00, v4  }
0x77: {  	vm15 =	vge.f32 v8, $0.0e+00;
	[tilespmem:s19+$0x50] =	vst v15;
	v15 =	vmul.f32 $1.442695020e+00, v6;
	v13 =	vmul.f32 v2, v13;
	v4 =	vld [tilespmem:s19+$0x10]  }
0x78: {  	v8 =	vsel vm15, v8, v11;
	v18 =	vmul.f32 v12, v9;
	(erf) = vpow2.f32 v17;
	v9 =	vld [tilespmem:s19+$0x20]  }
0x79: {  	v6 =	vld [tilespmem:s19+$0x30];
	v10 =	vmul.f32 $1.442695020e+00, v8;
	v11 =	vmul.f32 v12, v14;
	[tilespmem:s19+$0xFFFFFFD0] =	vst v13  }
0x7a: {  	s4 =	simm.s32 $0x57E0;
	s8 =	simm.s32 $0x4;
	s9 =	simm.s32 $0x6AE0;
	v8 =	vld [tilespmem:s19+$0x40];
	v12 =	vmul.f32 v12, v16;
	(erf) = vpow2.f32 v15;
	[tilespmem:s19+$0xFFFFFFA0] =	vst v18  }
.LBB2_3:
0x7b: {  	v13 =	vld [tilespmem:s9+$0x10];
	s21 =	sadd.s32 $0x40, s21;
	(erf) = vpow2.f32 v10;
	[tilespmem:s19+$0xFFFFFFB0] =	vst v11;
	v3 =	vmul.f32 v2, v3  }
0x7c: {  	s8 =	sadd.s32 $0x4, s8;
	v2 =	vmul.f32 v2, v5;
	v5 =	vmul.f32 v1, v7;
	v10 =	vld [tilespmem:s21+$0x10];
	[tilespmem:s19+$0xFFFFFFC0] =	vst v12  }
0x7d: {  	s20 =	sadd.s32 $0x40, s20;
	p1 =	slt.u32 s8, $0x2C;
	v7 =	vld [tilespmem:s21+$0xFFFFFFE0];
	v11 =	vpop (erf);
	[tilespmem:s19+$0xFFFFFFE0] =	vst v3;
	v3 =	vmul.f32 v1, v4;
	v1 =	vmul.f32 v1, v9  }
0x7e: {  	s19 =	sadd.s32 $0xC0, s19;
	v4 =	vld [tilespmem:s9+$0xFFFFFFF0];
	[tilespmem:s20+$0x10] =	vst v11;
	v6 =	vmul.f32 v0, v6  }
0x7f: {  	v9 =	vld [tilespmem:s19+$0x50];
	[tilespmem:s4+$0xFFFFFFF0] =	vst v2;
	v8 =	vmul.f32 v0, v8  }
0x80: {  	v12 =	vld [tilespmem:s21+$0xFFFFFFF0];
	[tilespmem:s4+$0x0] =	vst v5  }
0x81: {  	v5 =	vld [tilespmem:s9+$0x0];
	v10 =	vadd.f32 v10, v13;
	v0 =	vpop (erf);
	[tilespmem:s4+$0x10] =	vst v3  }
0x82: {  	v13 =	vld [tilespmem:s21+$0x0];
	[tilespmem:s20+$0xFFFFFFF0] =	vst v0;
	v2 =	vbroadcast v0, $0x0;
	v0 =	vbroadcast v11, $0x0  }
0x83: {  	v11 =	vld [tilespmem:s9+$0xFFFFFFE0];
	v3 =	vmul.f32 $2.000000030e-01, v10;
	v14 =	vpop (erf);
	[tilespmem:s4+$0x20] =	vst v1  }
0x84: {  	vm0 =	vge.f32 v10, $0.0e+00;
	v15 =	vld [tilespmem:s19+$0xFFFFFFD0];
	[tilespmem:s20+$0x0] =	vst v14;
	v1 =	vbroadcast v14, $0x0;
	v9 =	vmul.f32 v0, v9;
	v14 =	vpop (erf)  }
0x85: {  	v4 =	vadd.f32 v12, v4;
	v10 =	vsel vm0, v10, v3;
	[tilespmem:s20+$0xFFFFFFE0] =	vst v14;
	v12 =	vbroadcast v14, $0x0;
	v3 =	vld [tilespmem:s19+$0xFFFFFFE0]  }
0x86: {  	v10 =	vmul.f32 $1.442695020e+00, v10;
	v14 =	vld [tilespmem:s19+$0xFFFFFFA0];
	[tilespmem:s19+$0x50] =	vst v9  }
0x87: {  	vm0 =	vge.f32 v4, $0.0e+00;
	v9 =	vmul.f32 $2.000000030e-01, v4;
	v13 =	vadd.f32 v13, v5;
	v16 =	vld [tilespmem:s19+$0xFFFFFFB0];
	[tilespmem:s4+$0x30] =	vst v6  }
0x88: {  	v6 =	vadd.f32 v7, v11;
	(erf) = vpow2.f32 v10;
	v17 =	vld [tilespmem:s19+$0xFFFFFFC0];
	[tilespmem:s4+$0x40] =	vst v8;
	s4 =	smov.u32 s19  }
0x89: {  	v4 =	vsel vm0, v4, v9;
	vm0 =	vge.f32 v13, $0.0e+00;
	v8 =	vmul.f32 $2.000000030e-01, v13;
	v5 =	vld [tilespmem:s19+$0xFFFFFFF0]  }
.Ltmp0:
0x8a: {  	vm1 =	vge.f32 v6, $0.0e+00;
	v9 =	vmul.f32 $2.000000030e-01, v6;
	v10 =	vmul.f32 $1.442695020e+00, v4;
	v7 =	vld [tilespmem:s19+$0x0];
	(pc) =	sbr.rel @p1 .LBB2_3-.Ltmp0, $4  }
0x8b: {  	v8 =	vsel vm0, v13, v8;
	v11 =	vmul.f32 v12, v14;
	v13 =	vmul.f32 v2, v15;
	v4 =	vld [tilespmem:s19+$0x10]  }
0x8c: {  	v6 =	vsel vm1, v6, v9;
	v8 =	vmul.f32 $1.442695020e+00, v8;
	(erf) = vpow2.f32 v10;
	v9 =	vld [tilespmem:s19+$0x20]  }
0x8d: {  	v10 =	vmul.f32 $1.442695020e+00, v6;
	[tilespmem:s19+$0xFFFFFFA0] =	vst v11;
	v11 =	vmul.f32 v12, v16;
	v6 =	vld [tilespmem:s19+$0x30]  }
0x8e: {  	s9 =	sadd.s32 $0x40, s9;
	v12 =	vmul.f32 v12, v17;
	(erf) = vpow2.f32 v8;
	[tilespmem:s19+$0xFFFFFFD0] =	vst v13;
	v8 =	vld [tilespmem:s19+$0x40]  }
0x8f: {  	[tilespmem:s19+$0xFFFFFFB0] =	vst v11;
	v3 =	vmul.f32 v2, v3  }
0x90: {  	v38 =	vmul.f32 v1, v7;
	[tilespmem:s19+$0xFFFFFFC0] =	vst v12  }
0x91: {  	(erf) = vpow2.f32 v10;
	[tilespmem:s19+$0xFFFFFFE0] =	vst v3  }
0x92: {  	v36 =	vmul.f32 v2, v5;
	s8 =	sadd.s32 $0x40, s20;
	v37 =	vpop (erf);
	[tilespmem:s4+$0x0] =	vst v38  }
0x93: {  	v4 =	vmul.f32 v1, v4;
	[tilespmem:s8+$0x10] =	vst v37  }
0x94: {  	s9 =	sadd.s32 $0xC0, s19;
	v43 =	vmul.f32 v1, v9;
	[tilespmem:s4+$0xFFFFFFF0] =	vst v36  }
0x95: {  	[tilespmem:s4+$0x10] =	vst v4;
	v40 =	vld [tilespmem:s9+$0x50]  }
0x96: {  	v6 =	vmul.f32 v0, v6;
	[tilespmem:s4+$0x20] =	vst v43;
	v57 =	vld [tilespmem:s9+$0x30];
	v39 =	vpop (erf)  }
0x97: {  	v49 =	vmul.f32 v0, v8;
	v59 =	vld [tilespmem:s9+$0x40];
	[tilespmem:s8+$0xFFFFFFF0] =	vst v39  }
0x98: {  	v5 =	vbroadcast v37, $0x0;
	[tilespmem:s4+$0x30] =	vst v6;
	v45 =	vld [tilespmem:s9+$0xFFFFFFD0]  }
0x99: {  	[tilespmem:s4+$0x40] =	vst v49;
	v41 =	vpop (erf);
	v50 =	vld [tilespmem:s9+$0xFFFFFFE0]  }
0x9a: {  	v51 =	vld [tilespmem:s9+$0xFFFFFFF0];
	v42 =	vpop (erf);
	v46 =	vmul.f32 v5, v40;
	[tilespmem:s8+$0x0] =	vst v41  }
0x9b: {  	v7 =	vbroadcast v39, $0x0;
	v62 =	vmul.f32 v5, v57;
	[tilespmem:s8+$0xFFFFFFE0] =	vst v42;
	v53 =	vld [tilespmem:s9+$0x0]  }
0x9c: {  	v63 =	vmul.f32 v5, v59;
	v54 =	vld [tilespmem:s9+$0x10];
	[tilespmem:s9+$0x50] =	vst v46  }
0x9d: {  	v56 =	vld [tilespmem:s9+$0x20];
	[tilespmem:s9+$0x30] =	vst v62;
	v4 =	vmul.f32 v7, v45  }
0x9e: {  	v2 =	vbroadcast v41, $0x0;
	v44 =	vld [tilespmem:s9+$0xFFFFFFA0];
	[tilespmem:s9+$0x40] =	vst v63;
	v58 =	vmul.f32 v7, v50  }
0x9f: {  	v47 =	vld [tilespmem:s9+$0xFFFFFFB0];
	v1 =	vmul.f32 v7, v51;
	[tilespmem:s9+$0xFFFFFFD0] =	vst v4  }
0xa0: {  	v48 =	vld [tilespmem:s9+$0xFFFFFFC0];
	v0 =	vmul.f32 v2, v53;
	[tilespmem:s9+$0xFFFFFFE0] =	vst v58  }
0xa1: {  	v3 =	vbroadcast v42, $0x0;
	v60 =	vmul.f32 v2, v54;
	[tilespmem:s9+$0xFFFFFFF0] =	vst v1  }
0xa2: {  	v61 =	vmul.f32 v2, v56;
	[tilespmem:s9+$0x0] =	vst v0  }
0xa3: {  	v52 =	vmul.f32 v3, v44;
	[tilespmem:s9+$0x10] =	vst v60  }
0xa4: {  	v55 =	vmul.f32 v3, v47;
	[tilespmem:s9+$0x20] =	vst v61  }
0xa5: {  	v3 =	vmul.f32 v3, v48;
	[tilespmem:s9+$0xFFFFFFA0] =	vst v52  }
0xa6: {  	[tilespmem:s9+$0xFFFFFFB0] =	vst v55  }
0xa7: {  	s4 =	simm.s32 $0x0;
	s8 =	simm.s32 $0x60A0;
	[tilespmem:s9+$0xFFFFFFC0] =	vst v3  }
.LBB2_5:
0xa8: {  	s9 =	sshra.s32 s4, $0x2  }
0xa9: {  	v0 =	vld [tilespmem:s9+$0x6D40]  }
0xaa: {  	v1 =	vld [tilespmem:s9+$0x7380];
	_ =	sdelay $0x4  }
0xab: {  	v0 =	vadd.f32 v1, v0;
	_ =	sdelay $0x1  }
0xac: {  	v1 =	vmul.f32 $2.000000030e-01, v0  }
0xad: {  	vm0 =	vge.f32 v0, $0.0e+00  }
0xae: {  	v0 =	vsel vm0, v0, v1  }
0xaf: {  	v0 =	vmul.f32 $1.442695020e+00, v0;
	_ =	sdelay $0x1  }
0xb0: {  	(erf) = vpow2.f32 v0;
	_ =	sdelay $0x8  }
0xb1: {  	v0 =	vpop (erf)  }
0xb2: {  	[tilespmem:s9+$0x79C0] =	vst v0  }
0xb3: {  	v61 =	vld [tilespmem:s8+$0xFFFFFFE0];
	_ =	sdelay $0x1  }
0xb4: {  	v62 =	vld [tilespmem:s8+$0xFFFFFFF0]  }
0xb5: {  	v0 =	vbroadcast v0, $0x0;
	v63 =	vld [tilespmem:s8+$0x0];
	_ =	sdelay $0x1  }
0xb6: {  	p1 =	sne.s32 s4, $0x40;
	v1 =	vmul.f32 v0, v61  }
.Ltmp1:
0xb7: {  	_ = 	snop;
	(pc) =	sbr.rel @p1 .LBB2_5-.Ltmp1, $4  }
0xb8: {  	[tilespmem:s8+$0xFFFFFFE0] =	vst v1;
	v1 =	vmul.f32 v0, v62  }
0xb9: {  	v0 =	vmul.f32 v0, v63  }
0xba: {  	[tilespmem:s8+$0xFFFFFFF0] =	vst v1  }
0xbb: {  	s4 =	sadd.s32 $0x40, s4;
	[tilespmem:s8+$0x0] =	vst v0;
	s8 =	sadd.s32 $0x30, s8  }
0xbc: {  	s4 =	smul.u32 $0x1C0, s23;
	_ =	sdelay $0x1  }
0xbd: {  	s4 =	sshra.s32 s4, $0x2  }
0xbe: {  	s4 =	sadd.s32 $0x2BC0, s4  }
0xbf: {  	[spmem:s2] =	stream.indirect.scatter.add.f32 [tilespmem:s25], [sflag:$0x3], $0x30, s4, s24, $0xb8;
	[tilespmem:$0x11940] =	vst v63  }
0xc0: {  	p1 =	seq.s32 s23, $0x63  }
0xc1: {  	[spmem:s3] =	stream.indirect.scatter.add.f32 [tilespmem:s0], [sflag:$0x3], $0x10, s4, s24, $0xb8;
	[tilespmem:$0x11940] =	vst v63  }
0xc2: {  	s4 =	simm.s32 @!p1 $0x3  }
0xc3: {  	_ =	swait.ge @!p1 [sflag:s4], $0x960  }
0xc4: {  	[sflag:s4] =	ssyncset.done @!p1 $0x0  }
0xc5: {  	[sflag:s4] =	ssyncadd.s32 @!p1 $0xFFFFF6A0  }
0xc6: {  	s8 =	smul.u32 @!p1 $0x70, s23;
	_ =	swait.ge @!p1 [sflag:s4], $0x320  }
0xc7: {  	s9 =	simm.s32 @!p1 $0x32;
	[sflag:s4] =	ssyncset.done @!p1 $0x0  }
0xc8: {  	s19 =	simm.s32 @!p1 $0x5780;
	[sflag:s4] =	ssyncadd.s32 @!p1 $0xFFFFFCE0;
	s4 =	sadd.s32 @!p1 $0x70, s8  }
0xc9: {  	[tilespmem:s19], [sflag:$0x1] =	stream.indirect.gather @!p1 [hbm4b:s5+s9], $0x30, s4, s9, $0xb8;
	[tilespmem:$0x11940] =	vst v63  }
0xca: {  	s19 =	simm.s32 @!p1 $0x6A40  }
0xcb: {  	[tilespmem:s19], [sflag:$0x1] =	stream.indirect.gather @!p1 [hbm4b:s6+s9], $0x10, s4, s9, $0xb8;
	[tilespmem:$0x11940] =	vst v63  }
0xcc: {  	s4 =	sadd.s32 @!p1 $0x2C30, s8;
	s8 =	simm.s32 @!p1 $0x7080  }
0xcd: {  	[tilespmem:s8], [sflag:$0x1] =	stream.indirect.gather @!p1 [hbm4b:s7+s9], $0x10, s4, s9, $0xb8;
	[tilespmem:$0x11940] =	vst v63  }
0xce: {  	_ =	swait.ge [sflag:s26], $0x960  }
0xcf: {  	[sflag:s26] =	ssyncset.done $0x0  }
0xd0: {  	[sflag:s26] =	ssyncadd.s32 $0xFFFFF6A0  }
0xd1: {  	_ =	swait.ge [sflag:s26], $0x320  }
0xd2: {  	[sflag:s26] =	ssyncset.done $0x0  }
0xd3: {  	[sflag:s26] =	ssyncadd.s32 $0xFFFFFCE0  }
0xd4: {  	_ =	swait.ge [sflag:s26], $0x320  }
0xd5: {  	[sflag:s26] =	ssyncset.done $0x0  }
0xd6: {  	s20 =	simm.s32 $0x6D80;
	[sflag:s26] =	ssyncadd.s32 $0xFFFFFCE0  }
0xd7: {  	s21 =	simm.s32 $0x73C0;
	v0 =	vld [tilespmem:s20+$0x10]  }
0xd8: {  	v1 =	vld [tilespmem:s21+$0x10];
	_ =	sdelay $0x1  }
0xd9: {  	v2 =	vld [tilespmem:s21+$0xFFFFFFE0]  }
0xda: {  	v3 =	vld [tilespmem:s20+$0xFFFFFFF0]  }
0xdb: {  	v4 =	vld [tilespmem:s21+$0xFFFFFFF0]  }
0xdc: {  	v5 =	vld [tilespmem:s21+$0x0];
	v0 =	vadd.f32 v1, v0  }
0xdd: {  	v1 =	vld [tilespmem:s20+$0x0]  }
0xde: {  	v7 =	vld [tilespmem:s20+$0xFFFFFFE0];
	v6 =	vmul.f32 $2.000000030e-01, v0  }
0xdf: {  	vm0 =	vge.f32 v0, $0.0e+00  }
0xe0: {  	v0 =	vsel vm0, v0, v6  }
0xe1: {  	v3 =	vadd.f32 v4, v3;
	v0 =	vmul.f32 $1.442695020e+00, v0  }
0xe2: {  	v1 =	vadd.f32 v5, v1  }
0xe3: {  	v2 =	vadd.f32 v2, v7;
	(erf) = vpow2.f32 v0;
	v0 =	vmul.f32 $2.000000030e-01, v3  }
0xe4: {  	vm10 =	vge.f32 v3, $0.0e+00;
	v4 =	vmul.f32 $2.000000030e-01, v1  }
0xe5: {  	vm11 =	vge.f32 v1, $0.0e+00;
	v0 =	vsel vm10, v3, v0;
	v3 =	vmul.f32 $2.000000030e-01, v2  }
0xe6: {  	vm1 =	vge.f32 v2, $0.0e+00;
	v1 =	vsel vm11, v1, v4;
	v0 =	vmul.f32 $1.442695020e+00, v0  }
0xe7: {  	s9 =	simm.s32 $0x6DC0;
	v1 =	vmul.f32 $1.442695020e+00, v1;
	v2 =	vsel vm1, v2, v3  }
0xe8: {  	s21 =	simm.s32 $0x7400;
	v10 =	vld [tilespmem:s9+$0xFFFFFFE0];
	(erf) = vpow2.f32 v0;
	v0 =	vmul.f32 $1.442695020e+00, v2  }
0xe9: {  	v7 =	vld [tilespmem:s21+$0x0];
	(erf) = vpow2.f32 v1  }
0xea: {  	v1 =	vld [tilespmem:s9+$0x10];
	(erf) = vpow2.f32 v0  }
0xeb: {  	v0 =	vld [tilespmem:s21+$0x10]  }
0xec: {  	v6 =	vld [tilespmem:s9+$0x0]  }
0xed: {  	s20 =	simm.s32 $0x7A00;
	v5 =	vld [tilespmem:s21+$0xFFFFFFF0];
	v2 =	vpop (erf)  }
0xee: {  	s19 =	simm.s32 $0x6140;
	v3 =	vld [tilespmem:s9+$0xFFFFFFF0];
	[tilespmem:s20+$0x10] =	vst v2  }
0xef: {  	v4 =	vld [tilespmem:s19+$0x50]  }
0xf0: {  	v8 =	vld [tilespmem:s21+$0xFFFFFFE0];
	v9 =	vadd.f32 v0, v1  }
0xf1: {  	v1 =	vpop (erf)  }
0xf2: {  	v0 =	vbroadcast v2, $0x0;
	v12 =	vmul.f32 $2.000000030e-01, v9;
	[tilespmem:s20+$0xFFFFFFF0] =	vst v1;
	v11 =	vpop (erf)  }
0xf3: {  	v6 =	vadd.f32 v7, v6;
	vm12 =	vge.f32 v9, $0.0e+00;
	v13 =	vld [tilespmem:s19+$0xFFFFFFD0];
	v14 =	vpop (erf)  }
0xf4: {  	v15 =	vmul.f32 v0, v4;
	v4 =	vadd.f32 v5, v3;
	v3 =	vld [tilespmem:s19+$0xFFFFFFE0];
	v5 =	vsel vm12, v9, v12;
	[tilespmem:s20+$0xFFFFFFE0] =	vst v14  }
0xf5: {  	v8 =	vadd.f32 v8, v10;
	v10 =	vmul.f32 $2.000000030e-01, v6;
	v5 =	vmul.f32 $1.442695020e+00, v5;
	v9 =	vld [tilespmem:s19+$0xFFFFFFA0]  }
0xf6: {  	v12 =	vbroadcast v14, $0x0;
	v7 =	vmul.f32 $2.000000030e-01, v4;
	v14 =	vld [tilespmem:s19+$0xFFFFFFB0]  }
0xf7: {  	vm14 =	vge.f32 v6, $0.0e+00;
	vm13 =	vge.f32 v4, $0.0e+00;
	v16 =	vld [tilespmem:s19+$0xFFFFFFC0];
	(erf) = vpow2.f32 v5  }
0xf8: {  	v2 =	vbroadcast v1, $0x0;
	v1 =	vbroadcast v11, $0x0;
	[tilespmem:s20+$0x0] =	vst v11;
	v5 =	vld [tilespmem:s19+$0xFFFFFFF0];
	v4 =	vsel vm13, v4, v7  }
0xf9: {  	v6 =	vsel vm14, v6, v10;
	v11 =	vmul.f32 $2.000000030e-01, v8;
	v7 =	vld [tilespmem:s19+$0x0];
	v17 =	vmul.f32 $1.442695020e+00, v4  }
0xfa: {  	vm15 =	vge.f32 v8, $0.0e+00;
	[tilespmem:s19+$0x50] =	vst v15;
	v15 =	vmul.f32 $1.442695020e+00, v6;
	v13 =	vmul.f32 v2, v13;
	v4 =	vld [tilespmem:s19+$0x10]  }
0xfb: {  	v8 =	vsel vm15, v8, v11;
	v18 =	vmul.f32 v12, v9;
	(erf) = vpow2.f32 v17;
	v9 =	vld [tilespmem:s19+$0x20]  }
0xfc: {  	v6 =	vld [tilespmem:s19+$0x30];
	v10 =	vmul.f32 $1.442695020e+00, v8;
	v11 =	vmul.f32 v12, v14;
	[tilespmem:s19+$0xFFFFFFD0] =	vst v13  }
0xfd: {  	s8 =	simm.s32 $0x4;
	s4 =	simm.s32 $0x6140;
	s9 =	simm.s32 $0x6E00;
	v8 =	vld [tilespmem:s19+$0x40];
	v12 =	vmul.f32 v12, v16;
	(erf) = vpow2.f32 v15;
	[tilespmem:s19+$0xFFFFFFA0] =	vst v18  }
.LBB2_7:
0xfe: {  	v13 =	vld [tilespmem:s9+$0x10];
	s21 =	sadd.s32 $0x40, s21;
	(erf) = vpow2.f32 v10;
	[tilespmem:s19+$0xFFFFFFB0] =	vst v11;
	v3 =	vmul.f32 v2, v3  }
0xff: {  	s8 =	sadd.s32 $0x4, s8;
	v2 =	vmul.f32 v2, v5;
	v5 =	vmul.f32 v1, v7;
	v10 =	vld [tilespmem:s21+$0x10];
	[tilespmem:s19+$0xFFFFFFC0] =	vst v12  }
0x100: {  	s20 =	sadd.s32 $0x40, s20;
	p1 =	slt.u32 s8, $0x2C;
	v7 =	vld [tilespmem:s21+$0xFFFFFFE0];
	v11 =	vpop (erf);
	[tilespmem:s19+$0xFFFFFFE0] =	vst v3;
	v3 =	vmul.f32 v1, v4;
	v1 =	vmul.f32 v1, v9  }
0x101: {  	s19 =	sadd.s32 $0xC0, s19;
	v4 =	vld [tilespmem:s9+$0xFFFFFFF0];
	[tilespmem:s20+$0x10] =	vst v11;
	v6 =	vmul.f32 v0, v6  }
0x102: {  	v9 =	vld [tilespmem:s19+$0x50];
	[tilespmem:s4+$0xFFFFFFF0] =	vst v2;
	v8 =	vmul.f32 v0, v8  }
0x103: {  	v12 =	vld [tilespmem:s21+$0xFFFFFFF0];
	[tilespmem:s4+$0x0] =	vst v5  }
0x104: {  	v5 =	vld [tilespmem:s9+$0x0];
	v10 =	vadd.f32 v10, v13;
	v0 =	vpop (erf);
	[tilespmem:s4+$0x10] =	vst v3  }
0x105: {  	v13 =	vld [tilespmem:s21+$0x0];
	[tilespmem:s20+$0xFFFFFFF0] =	vst v0;
	v2 =	vbroadcast v0, $0x0;
	v0 =	vbroadcast v11, $0x0  }
0x106: {  	v11 =	vld [tilespmem:s9+$0xFFFFFFE0];
	v3 =	vmul.f32 $2.000000030e-01, v10;
	v14 =	vpop (erf);
	[tilespmem:s4+$0x20] =	vst v1  }
0x107: {  	vm0 =	vge.f32 v10, $0.0e+00;
	v15 =	vld [tilespmem:s19+$0xFFFFFFD0];
	[tilespmem:s20+$0x0] =	vst v14;
	v1 =	vbroadcast v14, $0x0;
	v9 =	vmul.f32 v0, v9;
	v14 =	vpop (erf)  }
0x108: {  	v4 =	vadd.f32 v12, v4;
	v10 =	vsel vm0, v10, v3;
	[tilespmem:s20+$0xFFFFFFE0] =	vst v14;
	v12 =	vbroadcast v14, $0x0;
	v3 =	vld [tilespmem:s19+$0xFFFFFFE0]  }
0x109: {  	v10 =	vmul.f32 $1.442695020e+00, v10;
	v14 =	vld [tilespmem:s19+$0xFFFFFFA0];
	[tilespmem:s19+$0x50] =	vst v9  }
0x10a: {  	vm0 =	vge.f32 v4, $0.0e+00;
	v9 =	vmul.f32 $2.000000030e-01, v4;
	v13 =	vadd.f32 v13, v5;
	v16 =	vld [tilespmem:s19+$0xFFFFFFB0];
	[tilespmem:s4+$0x30] =	vst v6  }
0x10b: {  	v6 =	vadd.f32 v7, v11;
	(erf) = vpow2.f32 v10;
	v17 =	vld [tilespmem:s19+$0xFFFFFFC0];
	[tilespmem:s4+$0x40] =	vst v8;
	s4 =	smov.u32 s19  }
0x10c: {  	v4 =	vsel vm0, v4, v9;
	vm0 =	vge.f32 v13, $0.0e+00;
	v8 =	vmul.f32 $2.000000030e-01, v13;
	v5 =	vld [tilespmem:s19+$0xFFFFFFF0]  }
.Ltmp2:
0x10d: {  	vm1 =	vge.f32 v6, $0.0e+00;
	v9 =	vmul.f32 $2.000000030e-01, v6;
	v10 =	vmul.f32 $1.442695020e+00, v4;
	v7 =	vld [tilespmem:s19+$0x0];
	(pc) =	sbr.rel @p1 .LBB2_7-.Ltmp2, $4  }
0x10e: {  	v8 =	vsel vm0, v13, v8;
	v11 =	vmul.f32 v12, v14;
	v13 =	vmul.f32 v2, v15;
	v4 =	vld [tilespmem:s19+$0x10]  }
0x10f: {  	v6 =	vsel vm1, v6, v9;
	v8 =	vmul.f32 $1.442695020e+00, v8;
	(erf) = vpow2.f32 v10;
	v9 =	vld [tilespmem:s19+$0x20]  }
0x110: {  	v10 =	vmul.f32 $1.442695020e+00, v6;
	[tilespmem:s19+$0xFFFFFFA0] =	vst v11;
	v11 =	vmul.f32 v12, v16;
	v6 =	vld [tilespmem:s19+$0x30]  }
0x111: {  	s9 =	sadd.s32 $0x40, s9;
	v12 =	vmul.f32 v12, v17;
	(erf) = vpow2.f32 v8;
	[tilespmem:s19+$0xFFFFFFD0] =	vst v13;
	v8 =	vld [tilespmem:s19+$0x40]  }
0x112: {  	[tilespmem:s19+$0xFFFFFFB0] =	vst v11;
	v3 =	vmul.f32 v2, v3  }
0x113: {  	v38 =	vmul.f32 v1, v7;
	[tilespmem:s19+$0xFFFFFFC0] =	vst v12  }
0x114: {  	(erf) = vpow2.f32 v10;
	[tilespmem:s19+$0xFFFFFFE0] =	vst v3  }
0x115: {  	v36 =	vmul.f32 v2, v5;
	s8 =	sadd.s32 $0x40, s20;
	v37 =	vpop (erf);
	[tilespmem:s4+$0x0] =	vst v38  }
0x116: {  	v4 =	vmul.f32 v1, v4;
	[tilespmem:s8+$0x10] =	vst v37  }
0x117: {  	s9 =	sadd.s32 $0xC0, s19;
	v43 =	vmul.f32 v1, v9;
	[tilespmem:s4+$0xFFFFFFF0] =	vst v36  }
0x118: {  	[tilespmem:s4+$0x10] =	vst v4;
	v40 =	vld [tilespmem:s9+$0x50]  }
0x119: {  	v6 =	vmul.f32 v0, v6;
	[tilespmem:s4+$0x20] =	vst v43;
	v57 =	vld [tilespmem:s9+$0x30];
	v39 =	vpop (erf)  }
0x11a: {  	v49 =	vmul.f32 v0, v8;
	v59 =	vld [tilespmem:s9+$0x40];
	[tilespmem:s8+$0xFFFFFFF0] =	vst v39  }
0x11b: {  	v5 =	vbroadcast v37, $0x0;
	[tilespmem:s4+$0x30] =	vst v6;
	v45 =	vld [tilespmem:s9+$0xFFFFFFD0]  }
0x11c: {  	[tilespmem:s4+$0x40] =	vst v49;
	v41 =	vpop (erf);
	v50 =	vld [tilespmem:s9+$0xFFFFFFE0]  }
0x11d: {  	v51 =	vld [tilespmem:s9+$0xFFFFFFF0];
	v42 =	vpop (erf);
	v46 =	vmul.f32 v5, v40;
	[tilespmem:s8+$0x0] =	vst v41  }
0x11e: {  	v7 =	vbroadcast v39, $0x0;
	v62 =	vmul.f32 v5, v57;
	[tilespmem:s8+$0xFFFFFFE0] =	vst v42;
	v53 =	vld [tilespmem:s9+$0x0]  }
0x11f: {  	v63 =	vmul.f32 v5, v59;
	v54 =	vld [tilespmem:s9+$0x10];
	[tilespmem:s9+$0x50] =	vst v46  }
0x120: {  	v56 =	vld [tilespmem:s9+$0x20];
	[tilespmem:s9+$0x30] =	vst v62;
	v4 =	vmul.f32 v7, v45  }
0x121: {  	v2 =	vbroadcast v41, $0x0;
	v44 =	vld [tilespmem:s9+$0xFFFFFFA0];
	[tilespmem:s9+$0x40] =	vst v63;
	v58 =	vmul.f32 v7, v50  }
0x122: {  	v47 =	vld [tilespmem:s9+$0xFFFFFFB0];
	v1 =	vmul.f32 v7, v51;
	[tilespmem:s9+$0xFFFFFFD0] =	vst v4  }
0x123: {  	v48 =	vld [tilespmem:s9+$0xFFFFFFC0];
	v0 =	vmul.f32 v2, v53;
	[tilespmem:s9+$0xFFFFFFE0] =	vst v58  }
0x124: {  	v3 =	vbroadcast v42, $0x0;
	v60 =	vmul.f32 v2, v54;
	[tilespmem:s9+$0xFFFFFFF0] =	vst v1  }
0x125: {  	v61 =	vmul.f32 v2, v56;
	[tilespmem:s9+$0x0] =	vst v0  }
0x126: {  	v52 =	vmul.f32 v3, v44;
	[tilespmem:s9+$0x10] =	vst v60  }
0x127: {  	v55 =	vmul.f32 v3, v47;
	[tilespmem:s9+$0x20] =	vst v61  }
0x128: {  	v3 =	vmul.f32 v3, v48;
	[tilespmem:s9+$0xFFFFFFA0] =	vst v52  }
0x129: {  	[tilespmem:s9+$0xFFFFFFB0] =	vst v55  }
0x12a: {  	s4 =	simm.s32 $0x0;
	s8 =	simm.s32 $0x6A00;
	[tilespmem:s9+$0xFFFFFFC0] =	vst v3  }
.LBB2_9:
0x12b: {  	s9 =	sshra.s32 s4, $0x2  }
0x12c: {  	v0 =	vld [tilespmem:s9+$0x7060]  }
0x12d: {  	v1 =	vld [tilespmem:s9+$0x76A0];
	_ =	sdelay $0x4  }
0x12e: {  	v0 =	vadd.f32 v1, v0;
	_ =	sdelay $0x1  }
0x12f: {  	v1 =	vmul.f32 $2.000000030e-01, v0  }
0x130: {  	vm0 =	vge.f32 v0, $0.0e+00  }
0x131: {  	v0 =	vsel vm0, v0, v1  }
0x132: {  	v0 =	vmul.f32 $1.442695020e+00, v0;
	_ =	sdelay $0x1  }
0x133: {  	(erf) = vpow2.f32 v0;
	_ =	sdelay $0x8  }
0x134: {  	v0 =	vpop (erf)  }
0x135: {  	[tilespmem:s9+$0x7CE0] =	vst v0  }
0x136: {  	v61 =	vld [tilespmem:s8+$0xFFFFFFE0];
	_ =	sdelay $0x1  }
0x137: {  	v62 =	vld [tilespmem:s8+$0xFFFFFFF0]  }
0x138: {  	v0 =	vbroadcast v0, $0x0;
	v63 =	vld [tilespmem:s8+$0x0];
	_ =	sdelay $0x1  }
0x139: {  	p1 =	sne.s32 s4, $0x40;
	v1 =	vmul.f32 v0, v61  }
.Ltmp3:
0x13a: {  	_ = 	snop;
	(pc) =	sbr.rel @p1 .LBB2_9-.Ltmp3, $4  }
0x13b: {  	[tilespmem:s8+$0xFFFFFFE0] =	vst v1;
	v1 =	vmul.f32 v0, v62  }
0x13c: {  	v0 =	vmul.f32 v0, v63  }
0x13d: {  	[tilespmem:s8+$0xFFFFFFF0] =	vst v1  }
0x13e: {  	s4 =	sadd.s32 $0x40, s4;
	[tilespmem:s8+$0x0] =	vst v0;
	s8 =	sadd.s32 $0x30, s8  }
0x13f: {  	s4 =	smul.u32 $0xE0, s18;
	s23 =	sadd.s32 $0x1, s23  }
0x140: {  	p1 =	sne.s32 s23, $0x64  }
.Ltmp4:
0x141: {  	s4 =	sshra.s32 s4, $0x2;
	(pc) =	sbr.rel @p1 .LBB2_2-.Ltmp4, $4  }
0x142: {  	s4 =	sadd.s32 $0x2BC0, s4  }
0x143: {  	[spmem:s2] =	stream.indirect.scatter.add.f32 [tilespmem:s29], [sflag:$0x4], $0x30, s4, s24, $0xb8;
	[tilespmem:$0x11940] =	vst v63  }
0x144: {  	_ = 	snop  }
0x145: {  	[spmem:s3] =	stream.indirect.scatter.add.f32 [tilespmem:s28], [sflag:$0x4], $0x10, s4, s24, $0xb8;
	[tilespmem:$0x11940] =	vst v63  }
0x146: {  	_ =	swait.ge [sflag:s10], $0x960  }
0x147: {  	[sflag:s10] =	ssyncset.done $0x0  }
0x148: {  	[sflag:s10] =	ssyncadd.s32 $0xFFFFF6A0  }
0x149: {  	_ =	swait.ge [sflag:s10], $0x320  }
0x14a: {  	[sflag:s10] =	ssyncset.done $0x0  }
0x14b: {  	[sflag:s10] =	ssyncadd.s32 $0xFFFFFCE0  }
0x14c: {  	_ =	swait.ge [sflag:s12], $0x960  }
0x14d: {  	[sflag:s12] =	ssyncset.done $0x0  }
0x14e: {  	[sflag:s12] =	ssyncadd.s32 $0xFFFFF6A0  }
0x14f: {  	_ =	swait.ge [sflag:s12], $0x320  }
0x150: {  	[sflag:s12] =	ssyncset.done $0x0  }
0x151: {  	[sflag:s12] =	ssyncadd.s32 $0xFFFFFCE0  }
0x152: {  	[bflag:$0x0] =	sbarrier.arrive $0xFFFF  }
0x153: {  	s4 =	rddreg [dreg:$0xd]  }
0x154: {  	[hbm:s4], [sflag:s11] =	dma.local [spmem:s14], $0xEA0  }
0x155: {  	_ =	swait.ge [sflag:s22], $0xEA0  }
0x156: {  	[sflag:s22] =	ssyncset.done $0x0  }
0x157: {  	s21 =	rddreg [dreg:$0xe];
	[sflag:s22] =	ssyncadd.s32 $0xFFFFF160  }
0x158: {  	[hbm:s21], [sflag:s11] =	dma.local [spmem:s15], $0x4E0  }
0x159: {  	_ =	swait.ge [sflag:s22], $0x4E0  }
0x15a: {  	[sflag:s22] =	ssyncset.done $0x0  }
0x15b: {  	s4 =	rddreg [dreg:$0xf];
	[sflag:s22] =	ssyncadd.s32 $0xFFFFFB20  }
0x15c: {  	[hbm:s4], [sflag:s11] =	dma.local @!p0 [spmem:s16], $0x60  }
0x15d: {  	s4 =	simm.s32 @!p0 $0x5  }
0x15e: {  	_ =	swait.ge @!p0 [sflag:s4], $0x60  }
0x15f: {  	[sflag:s4] =	ssyncset.done @!p0 $0x0  }
0x160: {  	s8 =	rddreg [dreg:$0x10];
	[sflag:s4] =	ssyncadd.s32 @!p0 $0xFFFFFFA0  }
0x161: {  	[hbm:s8], [sflag:s11] =	dma.local @!p0 [spmem:s17], $0x20  }
0x162: {  	_ =	swait.ge @!p0 [sflag:s4], $0x20  }
0x163: {  	s13 =	sadd.s32 $0x1, s13;
	s23 =	rddreg [dreg:$0x11]  }
0x164: {  	p1 =	sne.s32 s13, s23  }
.Ltmp5:
0x165: {  	_ = 	snop;
	(pc) =	sbr.rel @p1 .LBB2_1-.Ltmp5, $3  }
0x166: {  	_ =	sdelay $0x1  }
0x167: {  	[sflag:s4] =	ssyncset.done @!p0 $0x0  }
0x168: {  	[sflag:s4] =	ssyncadd.s32 @!p0 $0xFFFFFFE0  }
0x169: {  	_ =	sfence.sel $0x180000  }
0x16a: {  	[bflag:$0x0] =	sbarrier.arrive $0xFFFF  }
0x16b: {  	_ =	strace $0x9000004D  }
0x16c: {  	s0 =	stileid.u32;
	[bflag:$0x2] =	sbarrier.arrive $0xFFFF  }
0x16d: {  	p0 =	sne.s32 s0, $0x0;
	s0 =	rddreg [dreg:$0x4]  }
0x16e: {  	s0 =	sadd.s32 @!p0 $0x100000, s0  }
0x16f: {  	[sflag:s0] =	ssyncadd.tile.s32 @!p0 $0x1;
	_ =	shalt  }
.Lfunc_end2:
_tile_overlayer_lowered:
.L_overlay_start_2:
0x170: {  	(tag) =	ssettag $0x2  }
0x171: {  	s0 =	rddreg [dreg:$0x0];
	s2 =	stileid.u32  }
0x172: {  	s1 =	rddreg [dreg:$0x1];
	p0 =	sne.s32 s2, $0x0  }
0x173: {  	s3 =	rddreg [dreg:$0x2];
	[bflag:$0x3] =	sbarrier.arrive $0xFFFF;
	s2 =	simm.s32 @!p0 $0x1C05  }
0x174: {  	[timem:s3], [sflag:s2] =	dma.local @!p0 [hbm:s0], s1  }
0x175: {  	s0 =	simm.s32 @!p0 $0x5  }
0x176: {  	_ =	swait.ge @!p0 [sflag:s0], s1  }
0x177: {  	s1 =	ssub.s32 @!p0 $0x0, s1;
	[sflag:s0] =	ssyncset.done @!p0 $0x0  }
0x178: {  	[sflag:s0] =	ssyncadd.s32 @!p0 s1  }
0x179: {  	[bflag:$0x3] =	sbarrier.arrive $0xFFFF  }
0x17a: {  	_ =	shalt  }

// kernel: _impl.9.cloned.1.call-start
scs
__scs_entry_jumppad:
0x0: {  	(pc) =	sbr.rel $0x88, $3  }
0x1: {  	(tag) =	ssettag $0x0;
	lr =	simm.s32 $0x1  }
0x2: {  	[smem:$0x3F8F] =	sst lr;
	_ =	strace $0xD0000000  }
0x3: {  	_ = 	snop  }
0x4: {  	_ = 	snop  }
0x5: {  	_ = 	snop  }
0x6: {  	_ = 	snop  }
0x7: {  	_ = 	snop  }
__scs_overlays_trampoline_lowered:
0x8: {  	[smem:$0x3F9E] =	sst s0  }
0x9: {  	[smem:$0x3F9F] =	sst s1  }
0xa: {  	[smem:$0x3FA0] =	sst s2  }
0xb: {  	[smem:$0x3FA1] =	sst s3  }
0xc: {  	[smem:$0x3FA2] =	sst s4  }
0xd: {  	[smem:$0x3FA3] =	sst s5  }
0xe: {  	[smem:$0x3FA4] =	sst s6  }
0xf: {  	[smem:$0x3FA5] =	sst s7  }
0x10: {  	[smem:$0x3FA6] =	sst s8  }
0x11: {  	[smem:$0x3FA7] =	sst s9;
	s0 =	simm.s32 @!p0 $0x0  }
0x12: {  	s1 =	sld [smem:$0x3F8D];
	s0 =	simm.s32 @p0 $0x1  }
0x13: {  	[smem:$0x3FA8] =	sst s0;
	s0 =	simm.s32 @!p1 $0x0  }
0x14: {  	s2 =	sld [smem:$0x3F8C];
	s0 =	simm.s32 @p1 $0x1  }
0x15: {  	[smem:$0x3FA9] =	sst s0;
	s0 =	simm.s32 @!p2 $0x0  }
0x16: {  	s3 =	sld [smem:$0x3FDB];
	s0 =	simm.s32 @p2 $0x1  }
0x17: {  	s4 =	simm.s32 $0x1BF5;
	[smem:$0x3FAB] =	sst s0  }
0x18: {  	s0 =	sld [smem:$0x3F8E];
	_ =	swait.ge [sflag:s4], $0x0  }
0x19: {  	s7 =	sld [smem:$0x3F8F]  }
0x1a: {  	s8 =	sadd.s32 $0xFFFFE003, lr  }
0x1b: {  	s9 =	sadd.s32 $0xFFFFFEF7, lr;
	s5 =	simm.s32 $0xFFFFFFFF;
	p2 =	slt.u32 s8, $0xFFFFF086  }
0x1c: {  	p1 =	slt.u32 s9, $0xF7A;
	s5 =	simm.s32 @!p2 $0x0  }
0x1d: {  	s5 =	simm.s32 @p1 $0x1;
	p0 =	seq.s32 s7, s2  }
0x1e: {  	s7 =	smul.u32 @!p0 $0xF7A, s2;
	p2 =	seq.s32 @!p0 s5, $0x0  }
0x1f: {  	s9 =	smul.u32 $0xF7A, s1;
	s8 =	simm.s32 @!p0 $0x1BF5;
	p2 =	por !p2, p0  }
0x20: {  	[sflag:s8] =	ssyncset.s32 @!p0 $0xFFFFF086;
	s6 =	sadd.s32 @!p0 s3, s7;
	s7 =	simm.s32 @!p0 $0x108  }
0x21: {  	s3 =	sadd.s32 s3, s9;
	s6 =	sadd.s32 @!p0 $0x88, s6;
	s7 =	simm.s32 @p2 $0x1082  }
0x22: {  	[simem:s7], [sflag:s8] =	dma.local @!p0 [hbm:s6], $0xF7A  }
0x23: {  	s9 =	sor.u32 $0xD0000000, s2;
	s6 =	simm.s32 $0x108;
	_ =	swait.ge @!p0 [sflag:s8], $0x0  }
0x24: {  	s3 =	sadd.s32 $0x88, s3;
	s6 =	simm.s32 @!p1 $0x1082;
	[sflag:s4] =	ssyncset.s32 $0xFFFFF086  }
0x25: {  	[simem:s6], [sflag:s4] =	dma.local [hbm:s3], $0xF7A  }
0x26: {  	[smem:$0x3F8F] =	sst s1;
	(tag) =	ssettag s2;
	_ =	strace s9  }
0x27: {  	s1 =	sld [smem:$0x3F9F]  }
0x28: {  	s2 =	sld [smem:$0x3FA0]  }
0x29: {  	s4 =	sld [smem:$0x3FA2]  }
0x2a: {  	p0 =	seq.s32 s5, $0x0;
	s5 =	sld [smem:$0x3FA3]  }
0x2b: {  	s6 =	sld [smem:$0x3FA4]  }
0x2c: {  	s7 =	sld [smem:$0x3FA5]  }
0x2d: {  	s3 =	simm.s32 $0x108;
	s8 =	sld [smem:$0x3FA6]  }
0x2e: {  	s3 =	simm.s32 @!p0 $0x1082;
	s9 =	sld [smem:$0x3FA7]  }
0x2f: {  	lr =	sadd.s32 s0, s3;
	s0 =	sld [smem:$0x3F9E]  }
0x30: {  	s3 =	sld [smem:$0x3FA1]  }
0x31: {  	[smem:$0x3FAA] =	sst s10  }
0x32: {  	s10 =	sld [smem:$0x3FA8];
	_ =	sdelay $0x3  }
0x33: {  	p0 =	seq.s32 s10, $0x1;
	s10 =	sld [smem:$0x3FAA];
	_ =	sdelay $0x3  }
0x34: {  	[smem:$0x3FAA] =	sst s10  }
0x35: {  	s10 =	sld [smem:$0x3FA9];
	_ =	sdelay $0x3  }
0x36: {  	p1 =	seq.s32 s10, $0x1;
	s10 =	sld [smem:$0x3FAA];
	_ =	sdelay $0x3  }
0x37: {  	[smem:$0x3FAA] =	sst s10  }
0x38: {  	s10 =	sld [smem:$0x3FAB]  }
0x39: {  	_ = 	snop;
	(pc) =	sbr.ind lr, $3  }
0x3a: {  	_ = 	snop  }
0x3b: {  	_ = 	snop  }
0x3c: {  	p2 =	seq.s32 s10, $0x1;
	s10 =	sld [smem:$0x3FAA]  }
0x3d: {  	_ =	shalt  }
0x3e: {  	_ =	shalt  }
0x3f: {  	_ =	shalt  }
0x40: {  	_ =	shalt  }
0x41: {  	_ =	shalt  }
0x42: {  	_ =	shalt  }
0x43: {  	_ =	shalt  }
0x44: {  	_ =	shalt  }
0x45: {  	_ =	shalt  }
0x46: {  	_ =	shalt  }
0x47: {  	_ =	shalt  }
0x48: {  	_ =	shalt  }
0x49: {  	_ =	shalt  }
0x4a: {  	_ =	shalt  }
0x4b: {  	_ =	shalt  }
0x4c: {  	_ =	shalt  }
0x4d: {  	_ =	shalt  }
0x4e: {  	_ =	shalt  }
0x4f: {  	_ =	shalt  }
0x50: {  	_ =	shalt  }
0x51: {  	_ =	shalt  }
0x52: {  	_ =	shalt  }
0x53: {  	_ =	shalt  }
0x54: {  	_ =	shalt  }
0x55: {  	_ =	shalt  }
0x56: {  	_ =	shalt  }
0x57: {  	_ =	shalt  }
0x58: {  	_ =	shalt  }
0x59: {  	_ =	shalt  }
0x5a: {  	_ =	shalt  }
0x5b: {  	_ =	shalt  }
0x5c: {  	_ =	shalt  }
0x5d: {  	_ =	shalt  }
0x5e: {  	_ =	shalt  }
0x5f: {  	_ =	shalt  }
0x60: {  	_ =	shalt  }
0x61: {  	_ =	shalt  }
0x62: {  	_ =	shalt  }
0x63: {  	_ =	shalt  }
0x64: {  	_ =	shalt  }
0x65: {  	_ =	shalt  }
0x66: {  	_ =	shalt  }
0x67: {  	_ =	shalt  }
0x68: {  	_ =	shalt  }
0x69: {  	_ =	shalt  }
0x6a: {  	_ =	shalt  }
0x6b: {  	_ =	shalt  }
0x6c: {  	_ =	shalt  }
0x6d: {  	_ =	shalt  }
0x6e: {  	_ =	shalt  }
0x6f: {  	_ =	shalt  }
0x70: {  	_ =	shalt  }
0x71: {  	_ =	shalt  }
0x72: {  	_ =	shalt  }
0x73: {  	_ =	shalt  }
0x74: {  	_ =	shalt  }
0x75: {  	_ =	shalt  }
0x76: {  	_ =	shalt  }
0x77: {  	_ =	shalt  }
0x78: {  	_ =	shalt  }
0x79: {  	_ =	shalt  }
0x7a: {  	_ =	shalt  }
0x7b: {  	_ =	shalt  }
0x7c: {  	_ =	shalt  }
0x7d: {  	_ =	shalt  }
0x7e: {  	_ =	shalt  }
0x7f: {  	_ =	shalt  }
0x80: {  	_ =	shalt  }
0x81: {  	_ =	shalt  }
0x82: {  	_ =	shalt  }
0x83: {  	_ =	shalt  }
0x84: {  	_ =	shalt  }
0x85: {  	_ =	shalt  }
0x86: {  	_ =	shalt  }
0x87: {  	_ =	shalt  }
.Lfunc_end0:
.L_simem_size_0:
called_computation_lowered:
.L_overlay_start_0:
0x88: {  	s2 =	sld [smem:$0x3FD9]  }
0x89: {  	s3 =	sld [smem:$0x3FFE];
	_ =	sdelay $0x1  }
0x8a: {  	s1 =	srdreg.scid  }
0x8b: {  	s0 =	sand.u32 $0x1, s1  }
0x8c: {  	s17 =	sshll.u32 s0, $0xA;
	s2 =	sadd.s32 s3, s2  }
0x8d: {  	s2 =	sadd.s32 s2, s17  }
0x8e: {  	[smem:$0x3FB6] =	sst s2  }
0x8f: {  	_ = 	snop  }
0x90: {  	s2 =	sld [smem:$0x3FD0];
	(tm) =	ssettm $0x1  }
0x91: {  	s18 =	sld [smem:$0x3FFB];
	_ =	sdelay $0x3  }
0x92: {  	_ =	strace s18  }
0x93: {  	s3 =	sld [smem:$0x3FFC];
	_ =	sdelay $0x3  }
0x94: {  	_ =	strace s3  }
0x95: {  	s3 =	sld [smem:$0x3FFD];
	_ =	sdelay $0x3  }
0x96: {  	_ =	strace s3  }
0x97: {  	_ =	strace $0x8FFFFFFF  }
0x98: {  	s19 =	sld [smem:$0x3FDB];
	_ =	sdelay $0x1  }
0x99: {  	s4 =	simm.s32 $_scs_section_size  }
0x9a: {  	s5 =	simm.s32 $_size__tile_overlayer_lowered;
	s6 =	simm.s32 $_tile_overlayer_lowered  }
0x9b: {  	s22 =	simm.s32 $0x1BFF;
	s21 =	sshll.u32 s6, $0x1;
	s3 =	sadd.s32 s4, s19  }
0x9c: {  	s7 =	simm.s32 $0x0;
	s20 =	sshll.u32 s5, $0x1;
	s5 =	sadd.s32 s21, s3  }
0x9d: {  	[timem:s7], [sflag:s22] =	dma.local [hbm:s5], s20  }
0x9e: {  	_ =	swait.ge [sflag:s22], s20  }
0x9f: {  	s4 =	ssub.s32 $0x0, s20;
	[sflag:s22] =	ssyncset.done $0x0  }
0xa0: {  	[sflag:s22] =	ssyncadd.s32 s4;
	_ =	sdelay $0x1  }
0xa1: {  	s23 =	simm.s32 $0x1B8B  }
0xa2: {  	_ =	swait.ge [sflag:s23], $0x1  }
0xa3: {  	[sflag:s23] =	ssyncset.done $0x0  }
0xa4: {  	s25 =	simm.s32 $0x1B8E;
	s24 =	sld [smem:$0x3FFE];
	[sflag:s23] =	ssyncadd.s32 $0xFFFFFFFF  }
0xa5: {  	s26 =	simm.s32 $execute0_lowered;
	[smem:$0x3FD2] =	sst s25  }
0xa6: {  	s5 =	sshll.u32 s26, $0x1;
	_ =	strace $0x80000046;
	[dreg:$0x1] =	wrdreg $0xFFFFFFFF  }
0xa7: {  	s28 =	simm.s32 $_size_execute0_lowered;
	s3 =	sadd.s32 s3, s5;
	[dreg:$0x0] =	wrdreg $0x0  }
0xa8: {  	s5 =	sshll.u32 s28, $0x1;
	[dreg:$0x2] =	wrdreg s3  }
0xa9: {  	[dreg:$0x3] =	wrdreg s5  }
0xaa: {  	[dreg:$0x4] =	wrdreg $0xC0  }
0xab: {  	_ =	task [dreg:s7], $0x5FFFF  }
0xac: {  	[dreg:$0x1] =	wrdreg $0xFFFFFFFF  }
0xad: {  	[dreg:$0x0] =	wrdreg $0x60  }
0xae: {  	[dreg:$0x2] =	wrdreg s2  }
0xaf: {  	[dreg:$0x3] =	wrdreg s24  }
0xb0: {  	[dreg:$0x4] =	wrdreg $0x9C400  }
0xb1: {  	[dreg:$0x5] =	wrdreg $0x1D4C00  }
0xb2: {  	[dreg:$0x6] =	wrdreg $0x9  }
0xb3: {  	_ =	task.clear_ibuf [dreg:s7], $0x7FFFF;
	_ =	strace $0x90000046  }
0xb4: {  	s29 =	simm.s32 $0x9;
	_ =	strace $0x80000048  }
0xb5: {  	_ =	swait.ge [sflag:s29], $0x1  }
0xb6: {  	[sflag:s29] =	ssyncadd.s32 $0xFFFFFFFF  }
0xb7: {  	_ =	strace $0x90000048  }
0xb8: {  	_ =	sfence  }
0xb9: {  	s30 =	sld [smem:$0x0];
	_ =	sdelay $0x2  }
0xba: {  	s31 =	sshll.u32 s1, $0xD;
	s1 =	sshrl.u32 s1, $0x2  }
0xbb: {  	s3 =	sand.u32 $0x4000, s31;
	s1 =	sadd.s32 s1, s30  }
0xbc: {  	s0 =	sor.u32 s3, s0;
	s1 =	sshll.u32 s1, $0x11  }
0xbd: {  	s0 =	sor.u32 s1, s0  }
0xbe: {  	s0 =	sadd.s32 $0x8F2B, s0  }
0xbf: {  	[sflag:s0] =	ssyncadd.remote.s32 $0x1  }
0xc0: {  	_ =	sfence.sel $0xFFFF  }
0xc1: {  	[dreg:$0x0] =	wrdreg $0xFFFFFFFF;
	(pc) =	sbr.abs _section_cstart, $3  }
0xc2: {  	[dreg:$0x1] =	wrdreg $0xFFFFFFFF  }
0xc3: {  	_ =	task.clear_ibuf [dreg:s7], $0x2FFFF;
	_ =	strace $0x9FFFFFFF  }
0xc4: {  	(tm) =	ssettm $0x7FFFFFFF  }
0xc5: {  	_ =	shalt  }
tec
execute0_lowered:
.L_overlay_start_1:
0x0: {  	(tag) =	ssettag $0x1  }
0x1: {  	s0 =	rddreg [dreg:$0x0]  }
0x2: {  	s1 =	srdreg.scid;
	s4 =	rddreg [dreg:$0x1]  }
0x3: {  	s2 =	rddreg [dreg:$0x2];
	s17 =	stileid.u32  }
0x4: {  	s3 =	rddreg [dreg:$0x3];
	s6 =	simm.s32 $0x0;
	s29 =	simm.s32 $0x7080  }
0x5: {  	s30 =	simm.s32 $0x8CA0;
	s31 =	simm.s32 $0x92E0;
	s28 =	simm.s32 $0x9920  }
0x6: {  	s1 =	sand.u32 $0x1, s1;
	[smem:$0x7FF] =	sst s6;
	s6 =	sadd.s32 $0x7FC00, s4  }
0x7: {  	s7 =	sadd.s32 $0x7AC00, s4;
	s10 =	sadd.s32 $0x90200, s4;
	s12 =	smul.u32 $0x13800, s17  }
0x8: {  	s23 =	sadd.s32 $0x8FC00, s4;
	s24 =	sadd.s32 $0x9C800, s4;
	s13 =	smul.u32 $0x2700, s17  }
0x9: {  	s15 =	sshll.u32 s17, $0x6;
	_ =	strace $0x80000047;
	[dreg:$0x5] =	wrdreg s10  }
0xa: {  	s18 =	sadd.s32 $0x138000, s2;
	s19 =	sadd.s32 $0x27000, s3;
	[dreg:$0x6] =	wrdreg s23  }
0xb: {  	p0 =	sne.s32 s17, $0xF;
	s5 =	sshll.u32 s1, $0x4;
	[dreg:$0x9] =	wrdreg s18  }
0xc: {  	s11 =	ssub.s32 $0x2, s1;
	s16 =	smul.u32 $0x138800, s1;
	[dreg:$0xa] =	wrdreg s19  }
0xd: {  	s1 =	smul.u32 $0x27100, s1;
	s5 =	sor.u32 s17, s5;
	s14 =	sshrl.u32 s11, $0x1  }
0xe: {  	s25 =	sadd.s32 s12, s2;
	s26 =	sadd.s32 s13, s3;
	s8 =	smul.u32 $0x578, s5  }
0xf: {  	s5 =	sadd.s32 $0x5600, s4;
	s14 =	ssub.s32 s11, s14;
	[dreg:$0x7] =	wrdreg s25  }
0x10: {  	s11 =	sor.u32 $0x1C05, s15;
	[dreg:$0x8] =	wrdreg s26;
	s12 =	sadd.s32 s12, s16  }
0x11: {  	s22 =	sadd.s32 s13, s1;
	s23 =	sshrl.u32 s16, $0x3;
	s1 =	sshrl.u32 s1, $0x3  }
0x12: {  	s12 =	sshrl.u32 s12, $0x3;
	s26 =	smax.u32 s14, $0x1;
	s9 =	sadd.s32 s8, s4  }
0x13: {  	s4 =	sadd.s32 $0x92A00, s4;
	s0 =	sadd.s32 s0, s8;
	s21 =	sadd.s32 s24, s12  }
0x14: {  	s8 =	sadd.s32 s24, s23;
	[dreg:$0x11] =	wrdreg s26;
	s26 =	simm.s32 $0x2  }
0x15: {  	s12 =	simm.s32 $0x0;
	[dreg:$0xb] =	wrdreg s0;
	s20 =	sadd.s32 $0x84C00, s9  }
0x16: {  	[dreg:$0xd] =	wrdreg s21;
	s0 =	sshrl.u32 s22, $0x3;
	s1 =	sadd.s32 s4, s1  }
0x17: {  	s24 =	sadd.s32 $0x27000, s8;
	s22 =	simm.s32 $0x5;
	[dreg:$0xc] =	wrdreg s20  }
0x18: {  	s0 =	sadd.s32 s4, s0;
	[dreg:$0xf] =	wrdreg s24;
	s25 =	sadd.s32 $0x4E00, s1  }
0x19: {  	s24 =	simm.s32 $0x32;
	s1 =	simm.s32 $0x1;
	[dreg:$0xe] =	wrdreg s0  }
0x1a: {  	[dreg:$0x10] =	wrdreg s25;
	s25 =	simm.s32 $0x5780;
	s0 =	simm.s32 $0x9600  }
.LBB2_1:
0x1b: {  	s4 =	rddreg [dreg:$0x7]  }
0x1c: {  	s8 =	sshrl.u32 s4, $0x3;
	s4 =	rddreg [dreg:$0x5]  }
0x1d: {  	[dreg:$0x12] =	wrdreg s8  }
0x1e: {  	[spmem:s8], [sflag:s11] =	dma.local [hbm:s4], $0x2700  }
0x1f: {  	_ =	swait.ge [sflag:s22], $0x2700  }
0x20: {  	[sflag:s22] =	ssyncset.done $0x0;
	s16 =	rddreg [dreg:$0x8]  }
0x21: {  	s8 =	rddreg [dreg:$0x6];
	[sflag:s22] =	ssyncadd.s32 $0xFFFFD900;
	s14 =	sshrl.u32 s16, $0x3  }
0x22: {  	[spmem:s14], [sflag:s11] =	dma.local [hbm:s8], $0x4E0  }
0x23: {  	_ =	swait.ge [sflag:s22], $0x4E0  }
0x24: {  	[sflag:s22] =	ssyncset.done $0x0;
	s9 =	rddreg [dreg:$0x9]  }
0x25: {  	[sflag:s22] =	ssyncadd.s32 $0xFFFFFB20;
	s15 =	sshrl.u32 @!p0 s9, $0x3  }
0x26: {  	[spmem:s15], [sflag:s11] =	dma.local @!p0 [hbm:s4], $0x100  }
0x27: {  	s4 =	simm.s32 @!p0 $0x5  }
0x28: {  	_ =	swait.ge @!p0 [sflag:s4], $0x100  }
0x29: {  	[sflag:s4] =	ssyncset.done @!p0 $0x0;
	s9 =	rddreg [dreg:$0xa]  }
0x2a: {  	[sflag:s4] =	ssyncadd.s32 @!p0 $0xFFFFFF00;
	s16 =	sshrl.u32 @!p0 s9, $0x3  }
0x2b: {  	[spmem:s16], [sflag:s11] =	dma.local @!p0 [hbm:s8], $0x20  }
0x2c: {  	_ =	swait.ge @!p0 [sflag:s4], $0x20  }
0x2d: {  	[sflag:s4] =	ssyncset.done @!p0 $0x0  }
0x2e: {  	s17 =	simm.s32 $0x0;
	s18 =	rddreg [dreg:$0xb];
	[sflag:s4] =	ssyncadd.s32 @!p0 $0xFFFFFFE0  }
0x2f: {  	[tilespmem:s17], [sflag:$0x5] =	stream.linear.gather [hbm4b:s18+s17], $0x2BC0, $0x38;
	[tilespmem:$0x1FBD0] =	vst v63  }
0x30: {  	_ =	swait.ge [sflag:s22], $0x2BC0  }
0x31: {  	[sflag:s22] =	ssyncset.done $0x0  }
0x32: {  	s20 =	simm.s32 $0x2BC0;
	s19 =	rddreg [dreg:$0xc];
	[sflag:s22] =	ssyncadd.s32 $0xFFFFD440  }
0x33: {  	[tilespmem:s20], [sflag:$0x5] =	stream.linear.gather [hbm4b:s19+s17], $0x2BC0, $0x38;
	[tilespmem:$0x1FBD0] =	vst v63  }
0x34: {  	_ =	swait.ge [sflag:s22], $0x2BC0  }
0x35: {  	[sflag:s22] =	ssyncset.done $0x0  }
0x36: {  	[sflag:s22] =	ssyncadd.s32 $0xFFFFD440  }
0x37: {  	[bflag:$0x0] =	sbarrier.arrive $0xFFFF  }
0x38: {  	[tilespmem:s25], [sflag:$0x1] =	stream.indirect.gather [hbm4b:s5+s24], $0x80, s17, s24, $0xb8;
	[tilespmem:$0x1FBD0] =	vst v63  }
0x39: {  	s21 =	simm.s32 $0x8980  }
0x3a: {  	[tilespmem:s21], [sflag:$0x1] =	stream.indirect.gather [hbm4b:s6+s24], $0x10, s17, s24, $0xb8;
	[tilespmem:$0x1FBD0] =	vst v63  }
0x3b: {  	s23 =	simm.s32 $0x8FC0;
	s17 =	simm.s32 $0x0  }
0x3c: {  	[tilespmem:s23], [sflag:$0x1] =	stream.indirect.gather [hbm4b:s7+s24], $0x10, s20, s24, $0xb8;
	[tilespmem:$0x1FBD0] =	vst v63  }
.LBB2_2:
0x3d: {  	p1 =	seq.s32 s17, $0x0  }
0x3e: {  	s4 =	simm.s32 @!p1 $0x4  }
0x3f: {  	_ =	swait.ge @!p1 [sflag:s4], $0x1900  }
0x40: {  	[sflag:s4] =	ssyncset.done @!p1 $0x0  }
0x41: {  	[sflag:s4] =	ssyncadd.s32 @!p1 $0xFFFFE700  }
0x42: {  	s18 =	sshllo.u32 s17, $0x1;
	_ =	swait.ge @!p1 [sflag:s4], $0x320  }
0x43: {  	s8 =	smul.u32 $0x38, s18;
	[sflag:s4] =	ssyncset.done @!p1 $0x0  }
0x44: {  	[sflag:s4] =	ssyncadd.s32 @!p1 $0xFFFFFCE0  }
0x45: {  	[tilespmem:s29], [sflag:$0x2] =	stream.indirect.gather [hbm4b:s5+s24], $0x80, s8, s24, $0xb8;
	[tilespmem:$0x1FBD0] =	vst v63  }
0x46: {  	_ = 	snop  }
0x47: {  	[tilespmem:s30], [sflag:$0x2] =	stream.indirect.gather [hbm4b:s6+s24], $0x10, s8, s24, $0xb8;
	[tilespmem:$0x1FBD0] =	vst v63  }
0x48: {  	s13 =	sadd.s32 $0x2BC0, s8  }
0x49: {  	[tilespmem:s31], [sflag:$0x2] =	stream.indirect.gather [hbm4b:s7+s24], $0x10, s13, s24, $0xb8;
	[tilespmem:$0x1FBD0] =	vst v63  }
0x4a: {  	_ =	swait.ge [sflag:s1], $0x1900  }
0x4b: {  	[sflag:s1] =	ssyncset.done $0x0  }
0x4c: {  	[sflag:s1] =	ssyncadd.s32 $0xFFFFE700  }
0x4d: {  	_ =	swait.ge [sflag:s1], $0x320  }
0x4e: {  	[sflag:s1] =	ssyncset.done $0x0  }
0x4f: {  	[sflag:s1] =	ssyncadd.s32 $0xFFFFFCE0  }
0x50: {  	_ =	swait.ge [sflag:s1], $0x320  }
0x51: {  	[sflag:s1] =	ssyncset.done $0x0  }
0x52: {  	s19 =	simm.s32 $0x89A0;
	[sflag:s1] =	ssyncadd.s32 $0xFFFFFCE0  }
0x53: {  	s20 =	simm.s32 $0x8FE0;
	v0 =	vld [tilespmem:s19+$0x10]  }
0x54: {  	v1 =	vld [tilespmem:s20+$0x10];
	_ =	sdelay $0x2  }
0x55: {  	v3 =	vld [tilespmem:s19+$0xFFFFFFF0]  }
0x56: {  	v4 =	vld [tilespmem:s20+$0xFFFFFFF0]  }
0x57: {  	v5 =	vld [tilespmem:s19+$0x0];
	v0 =	vadd.f32 v1, v0  }
0x58: {  	v6 =	vld [tilespmem:s20+$0x0]  }
0x59: {  	v7 =	vmul.f32 $2.000000030e-01, v0  }
0x5a: {  	v2 =	vld [tilespmem:s20+$0xFFFFFFE0];
	vm0 =	vge.f32 v0, $0.0e+00  }
0x5b: {  	v1 =	vld [tilespmem:s19+$0xFFFFFFE0];
	v3 =	vadd.f32 v4, v3;
	v0 =	vsel vm0, v0, v7  }
0x5c: {  	v0 =	vmul.f32 $1.442695020e+00, v0  }
0x5d: {  	v4 =	vadd.f32 v6, v5;
	v5 =	vmul.f32 $2.000000030e-01, v3  }
0x5e: {  	vm11 =	vge.f32 v3, $0.0e+00;
	(erf) = vpow2.f32 v0  }
0x5f: {  	v3 =	vsel vm11, v3, v5  }
0x60: {  	v1 =	vadd.f32 v2, v1;
	v3 =	vmul.f32 $1.442695020e+00, v3  }
0x61: {  	v2 =	vmul.f32 $2.000000030e-01, v4  }
0x62: {  	vm1 =	vge.f32 v4, $0.0e+00;
	v0 =	vmul.f32 $2.000000030e-01, v1;
	(erf) = vpow2.f32 v3  }
0x63: {  	vm12 =	vge.f32 v1, $0.0e+00;
	v2 =	vsel vm1, v4, v2  }
0x64: {  	v0 =	vsel vm12, v1, v0;
	v1 =	vmul.f32 $1.442695020e+00, v2  }
0x65: {  	s23 =	simm.s32 $0x89E0  }
0x66: {  	v41 =	vld [tilespmem:s23+$0x10];
	v0 =	vmul.f32 $1.442695020e+00, v0;
	(erf) = vpow2.f32 v1  }
0x67: {  	s20 =	simm.s32 $0x9020;
	v50 =	vld [tilespmem:s23+$0xFFFFFFF0];
	v4 =	vpop (erf)  }
0x68: {  	v44 =	vld [tilespmem:s20+$0x10];
	(erf) = vpow2.f32 v0;
	v11 =	vbroadcast v4, $0x0  }
0x69: {  	s21 =	simm.s32 $0x9620;
	v47 =	vld [tilespmem:s20+$0xFFFFFFE0];
	v14 =	vbroadcast v4, $0x1;
	v15 =	vbroadcast v4, $0x2  }
0x6a: {  	v52 =	vld [tilespmem:s20+$0xFFFFFFF0];
	s19 =	simm.s32 $0x5880;
	[tilespmem:s21+$0x10] =	vst v4;
	v1 =	vbroadcast v4, $0x3;
	v0 =	vbroadcast v4, $0x4  }
0x6b: {  	v8 =	vpop (erf);
	v3 =	vbroadcast v4, $0x5;
	v2 =	vbroadcast v4, $0x6;
	v5 =	vld [tilespmem:s19+$0xF0]  }
0x6c: {  	v4 =	vbroadcast v4, $0x7;
	v6 =	vld [tilespmem:s19+$0x80];
	v19 =	vbroadcast v8, $0x0  }
0x6d: {  	v7 =	vld [tilespmem:s19+$0x90];
	v21 =	vbroadcast v8, $0x1;
	v22 =	vbroadcast v8, $0x2  }
0x6e: {  	[tilespmem:s21+$0xFFFFFFF0] =	vst v8;
	v9 =	vld [tilespmem:s19+$0xA0];
	v35 =	vbroadcast v8, $0x3;
	v37 =	vbroadcast v8, $0x4  }
0x6f: {  	v38 =	vbroadcast v8, $0x5;
	v40 =	vbroadcast v8, $0x6;
	v12 =	vld [tilespmem:s19+$0xFFFFFF80];
	v10 =	vpop (erf)  }
0x70: {  	v8 =	vbroadcast v8, $0x7;
	v16 =	vld [tilespmem:s19+$0xFFFFFF90];
	v42 =	vbroadcast v10, $0x0  }
0x71: {  	v36 =	vld [tilespmem:s19+$0xFFFFFFA0];
	v13 =	vpop (erf);
	v43 =	vbroadcast v10, $0x1;
	v45 =	vbroadcast v10, $0x2  }
0x72: {  	v39 =	vld [tilespmem:s19+$0xFFFFFFB0];
	v46 =	vbroadcast v10, $0x3;
	v48 =	vbroadcast v10, $0x4;
	[tilespmem:s21+$0xFFFFFFE0] =	vst v13  }
0x73: {  	v49 =	vbroadcast v10, $0x5;
	v51 =	vbroadcast v10, $0x6;
	v17 =	vld [tilespmem:s19+$0xFFFFFF00]  }
0x74: {  	v24 =	vbroadcast v13, $0x0;
	v26 =	vbroadcast v13, $0x1;
	v18 =	vld [tilespmem:s19+$0xFFFFFF10]  }
0x75: {  	v27 =	vbroadcast v13, $0x2;
	v29 =	vbroadcast v13, $0x3;
	v20 =	vld [tilespmem:s19+$0xFFFFFF20]  }
0x76: {  	v30 =	vbroadcast v13, $0x4;
	v32 =	vbroadcast v13, $0x5;
	v23 =	vld [tilespmem:s19+$0xFFFFFF30]  }
0x77: {  	v33 =	vbroadcast v13, $0x6;
	v13 =	vbroadcast v13, $0x7;
	v28 =	vld [tilespmem:s19+$0xFFFFFF50]  }
0x78: {  	v5 =	vmul.f32 v5, v4;
	v34 =	vld [tilespmem:s19+$0xFFFFFF70];
	v4 =	vbroadcast v10, $0x7  }
0x79: {  	v25 =	vld [tilespmem:s19+$0xFFFFFF40];
	v7 =	vmul.f32 v14, v7;
	v9 =	vmul.f32 v15, v9  }
0x7a: {  	v31 =	vld [tilespmem:s19+$0xFFFFFF60];
	v12 =	vmul.f32 v19, v12;
	[tilespmem:s19+$0xF0] =	vst v5;
	v5 =	vmul.f32 v11, v6  }
0x7b: {  	v6 =	vld [tilespmem:s19+$0xFFFFFFE0];
	v17 =	vmul.f32 v24, v17;
	v18 =	vmul.f32 v26, v18  }
0x7c: {  	v19 =	vadd.f32 v44, v41;
	v24 =	vld [tilespmem:s23+$0x0];
	v20 =	vmul.f32 v27, v20;
	v27 =	vmul.f32 v28, v32  }
0x7d: {  	[tilespmem:s21+$0x0] =	vst v10;
	v26 =	vld [tilespmem:s20+$0x0];
	v10 =	vmul.f32 v34, v13;
	v13 =	vmul.f32 v21, v16  }
0x7e: {  	[tilespmem:s19+$0xFFFFFF80] =	vst v12;
	v28 =	vld [tilespmem:s23+$0xFFFFFFE0];
	v21 =	vmul.f32 v22, v36;
	v22 =	vmul.f32 $2.000000030e-01, v19  }
0x7f: {  	v15 =	vld [tilespmem:s19+$0xFFFFFFF0];
	v11 =	vadd.f32 v52, v50;
	v12 =	vmul.f32 v39, v35;
	vm13 =	vge.f32 v19, $0.0e+00;
	[tilespmem:s19+$0xFFFFFF90] =	vst v13  }
0x80: {  	v23 =	vmul.f32 v23, v29;
	v25 =	vmul.f32 v25, v30;
	v30 =	vld [tilespmem:s19+$0xFFFFFFC0];
	v14 =	vsel vm13, v19, v22;
	[tilespmem:s19+$0xFFFFFF00] =	vst v17  }
0x81: {  	vm14 =	vge.f32 v11, $0.0e+00;
	v16 =	vld [tilespmem:s19+$0xFFFFFFD0];
	[tilespmem:s19+$0xFFFFFF10] =	vst v18;
	v17 =	vmul.f32 $2.000000030e-01, v11;
	v14 =	vmul.f32 $1.442695020e+00, v14  }
0x82: {  	v29 =	vmul.f32 v31, v33;
	v19 =	vld [tilespmem:s19+$0x0];
	[tilespmem:s19+$0xFFFFFF40] =	vst v25;
	v25 =	vmul.f32 v6, v40;
	v13 =	vadd.f32 v26, v24  }
0x83: {  	[tilespmem:s19+$0xFFFFFF30] =	vst v23;
	v23 =	vld [tilespmem:s19+$0x30];
	v11 =	vsel vm14, v11, v17;
	v18 =	vadd.f32 v47, v28;
	(erf) = vpow2.f32 v14  }
0x84: {  	[tilespmem:s19+$0xFFFFFF20] =	vst v20;
	v17 =	vld [tilespmem:s19+$0x20];
	v11 =	vmul.f32 $1.442695020e+00, v11;
	v20 =	vmul.f32 $2.000000030e-01, v13  }
0x85: {  	[tilespmem:s19+$0x90] =	vst v7;
	v14 =	vld [tilespmem:s19+$0x10];
	v26 =	vmul.f32 v15, v8;
	vm15 =	vge.f32 v13, $0.0e+00;
	v22 =	vmul.f32 $2.000000030e-01, v18  }
0x86: {  	[tilespmem:s19+$0xA0] =	vst v9;
	v24 =	vld [tilespmem:s19+$0x60];
	vm2 =	vge.f32 v18, $0.0e+00;
	(erf) = vpow2.f32 v11;
	v13 =	vsel vm15, v13, v20  }
0x87: {  	[tilespmem:s19+$0xFFFFFF50] =	vst v27;
	v11 =	vld [tilespmem:s19+$0x50];
	v27 =	vmul.f32 v42, v19;
	v18 =	vsel vm2, v18, v22;
	v13 =	vmul.f32 $1.442695020e+00, v13  }
0x88: {  	[tilespmem:s19+$0x80] =	vst v5;
	v22 =	vmul.f32 v16, v38;
	v16 =	vld [tilespmem:s19+$0x40];
	v5 =	vmul.f32 $1.442695020e+00, v18  }
0x89: {  	v7 =	vld [tilespmem:s19+$0xD0];
	[tilespmem:s19+$0xFFFFFFB0] =	vst v12;
	v23 =	vmul.f32 v23, v46;
	(erf) = vpow2.f32 v13  }
0x8a: {  	[tilespmem:s19+$0xFFFFFF60] =	vst v29;
	v6 =	vld [tilespmem:s19+$0xB0];
	v20 =	vmul.f32 v30, v37;
	(erf) = vpow2.f32 v5  }
0x8b: {  	[tilespmem:s19+$0xFFFFFF70] =	vst v10;
	v8 =	vld [tilespmem:s19+$0xE0];
	v17 =	vmul.f32 v45, v17;
	v28 =	vmul.f32 v43, v14  }
0x8c: {  	s9 =	simm.s32 $0x9660;
	[tilespmem:s19+$0xFFFFFFA0] =	vst v21;
	v55 =	vmul.f32 v24, v51;
	v13 =	vld [tilespmem:s19+$0x70];
	v54 =	vmul.f32 v11, v49;
	v21 =	vpop (erf)  }
0x8d: {  	s4 =	simm.s32 $0x5A80;
	v5 =	vld [tilespmem:s19+$0xC0];
	v63 =	vmul.f32 v16, v48;
	[tilespmem:s9+$0x10] =	vst v21;
	v16 =	vbroadcast v21, $0x0  }
0x8e: {  	[tilespmem:s19+$0xFFFFFFF0] =	vst v26;
	v15 =	vbroadcast v21, $0x1;
	v14 =	vbroadcast v21, $0x2;
	v29 =	vld [tilespmem:s4+$0xF0]  }
0x8f: {  	[tilespmem:s19+$0xFFFFFFC0] =	vst v20;
	v11 =	vbroadcast v21, $0x3;
	v12 =	vbroadcast v21, $0x4;
	v18 =	vld [tilespmem:s4+$0x80]  }
0x90: {  	[tilespmem:s19+$0xFFFFFFD0] =	vst v22;
	v9 =	vbroadcast v21, $0x5;
	v10 =	vbroadcast v21, $0x6;
	v19 =	vld [tilespmem:s4+$0x90];
	v20 =	vpop (erf)  }
0x91: {  	v21 =	vbroadcast v21, $0x7;
	v24 =	vld [tilespmem:s4+$0xA0];
	[tilespmem:s9+$0xFFFFFFF0] =	vst v20;
	v32 =	vbroadcast v20, $0x0  }
0x92: {  	[tilespmem:s19+$0x10] =	vst v28;
	v33 =	vbroadcast v20, $0x1;
	v31 =	vbroadcast v20, $0x2;
	v34 =	vld [tilespmem:s4+$0xFFFFFF80];
	v56 =	vpop (erf)  }
0x93: {  	[tilespmem:s19+$0x50] =	vst v54;
	v40 =	vbroadcast v20, $0x3;
	v30 =	vbroadcast v20, $0x4;
	v39 =	vld [tilespmem:s4+$0xFFFFFF90];
	v22 =	vpop (erf)  }
0x94: {  	v28 =	vbroadcast v20, $0x6;
	v26 =	vbroadcast v20, $0x7;
	v54 =	vld [tilespmem:s4+$0xFFFFFFA0];
	[tilespmem:s9+$0xFFFFFFE0] =	vst v22  }
0x95: {  	[tilespmem:s19+$0xFFFFFFE0] =	vst v25;
	v21 =	vmul.f32 v29, v21;
	v29 =	vbroadcast v20, $0x5;
	v46 =	vld [tilespmem:s4+$0xFFFFFF00]  }
0x96: {  	[tilespmem:s19+$0x30] =	vst v23;
	v20 =	vbroadcast v56, $0x1;
	v23 =	vbroadcast v56, $0x2;
	v50 =	vld [tilespmem:s4+$0xFFFFFF10]  }
0x97: {  	[tilespmem:s19+$0x0] =	vst v27;
	v27 =	vbroadcast v56, $0x4;
	v25 =	vbroadcast v56, $0x5;
	v51 =	vld [tilespmem:s4+$0xFFFFFF20]  }
0x98: {  	[tilespmem:s19+$0x20] =	vst v17;
	v17 =	vbroadcast v56, $0x6;
	v35 =	vbroadcast v56, $0x7;
	v52 =	vld [tilespmem:s4+$0xFFFFFF30]  }
0x99: {  	v41 =	vbroadcast v22, $0x0;
	v47 =	vbroadcast v22, $0x1;
	v53 =	vld [tilespmem:s4+$0xFFFFFF40]  }
0x9a: {  	[tilespmem:s19+$0x60] =	vst v55;
	v45 =	vbroadcast v22, $0x2;
	v48 =	vbroadcast v22, $0x3;
	v36 =	vld [tilespmem:s4+$0xFFFFFF50]  }
0x9b: {  	[tilespmem:s19+$0x40] =	vst v63;
	v44 =	vbroadcast v22, $0x4;
	v49 =	vbroadcast v22, $0x5;
	v37 =	vld [tilespmem:s4+$0xFFFFFF60]  }
0x9c: {  	s10 =	simm.s32 $0x4;
	[tilespmem:s9+$0x0] =	vst v56;
	v42 =	vbroadcast v22, $0x6;
	v43 =	vbroadcast v22, $0x7;
	v38 =	vld [tilespmem:s4+$0xFFFFFF70]  }
0x9d: {  	s8 =	simm.s32 $0x5A80;
	s21 =	simm.s32 $0x6FF0;
	s23 =	simm.s32 $0x8A20;
	v55 =	vld [tilespmem:s4+$0xFFFFFFB0];
	v22 =	vbroadcast v56, $0x0;
	[tilespmem:s4+$0xF0] =	vst v21;
	v21 =	vbroadcast v56, $0x3  }
.LBB2_3:
0x9e: {  	v56 =	vld [tilespmem:s23+$0x10];
	v41 =	vmul.f32 v41, v46;
	v46 =	vmul.f32 v47, v50;
	s20 =	sadd.s32 $0x40, s20  }
0x9f: {  	s10 =	sadd.s32 $0x4, s10;
	v45 =	vmul.f32 v45, v51;
	v48 =	vmul.f32 v52, v48;
	v47 =	vld [tilespmem:s20+$0x10]  }
0xa0: {  	v36 =	vmul.f32 v36, v49;
	p1 =	slt.u32 s10, $0x2C;
	v50 =	vld [tilespmem:s20+$0xFFFFFFE0];
	[tilespmem:s4+$0xFFFFFF00] =	vst v41;
	v41 =	vmul.f32 v53, v44  }
0xa1: {  	v37 =	vmul.f32 v37, v42;
	v38 =	vmul.f32 v38, v43;
	v44 =	vld [tilespmem:s23+$0xFFFFFFF0];
	[tilespmem:s4+$0xFFFFFF10] =	vst v46  }
0xa2: {  	v32 =	vmul.f32 v32, v34;
	v33 =	vmul.f32 v33, v39;
	v42 =	vld [tilespmem:s20+$0xFFFFFFF0];
	[tilespmem:s4+$0xFFFFFF20] =	vst v45  }
0xa3: {  	v31 =	vmul.f32 v31, v54;
	v39 =	vmul.f32 v55, v40;
	v34 =	vld [tilespmem:s23+$0x0];
	[tilespmem:s4+$0xFFFFFF30] =	vst v48  }
0xa4: {  	v16 =	vmul.f32 v16, v18;
	v13 =	vmul.f32 v13, v4;
	v40 =	vld [tilespmem:s20+$0x0];
	v43 =	vadd.f32 v47, v56;
	[tilespmem:s4+$0xFFFFFF40] =	vst v41  }
0xa5: {  	v15 =	vmul.f32 v15, v19;
	v14 =	vmul.f32 v14, v24;
	v4 =	vmov v35;
	v18 =	vld [tilespmem:s23+$0xFFFFFFE0];
	[tilespmem:s4+$0xFFFFFF50] =	vst v36  }
0xa6: {  	v36 =	vmul.f32 v6, v1;
	v1 =	vmov v11;
	v19 =	vmul.f32 $2.000000030e-01, v43;
	[tilespmem:s4+$0xFFFFFF60] =	vst v37;
	v24 =	vld [tilespmem:s4+$0xFFFFFFC0]  }
0xa7: {  	vm0 =	vge.f32 v43, $0.0e+00;
	v37 =	vmul.f32 v5, v0;
	v0 =	vmovc v12;
	v6 =	vadd.f32 v42, v44;
	[tilespmem:s4+$0xFFFFFF70] =	vst v38;
	v11 =	vld [tilespmem:s4+$0xFFFFFFD0]  }
0xa8: {  	v35 =	vmul.f32 v8, v2;
	v38 =	vmul.f32 v7, v3;
	v5 =	vsel vm0, v43, v19;
	[tilespmem:s4+$0xFFFFFF80] =	vst v32;
	v12 =	vld [tilespmem:s4+$0xFFFFFFE0]  }
0xa9: {  	v2 =	vmovc v10;
	v3 =	vmovc v9;
	v7 =	vmul.f32 $2.000000030e-01, v6;
	v8 =	vadd.f32 v40, v34;
	v5 =	vmul.f32 $1.442695020e+00, v5;
	[tilespmem:s4+$0xFFFFFF90] =	vst v33;
	v19 =	vld [tilespmem:s4+$0xFFFFFFF0]  }
0xaa: {  	vm0 =	vge.f32 v6, $0.0e+00;
	v9 =	vadd.f32 v50, v18;
	[tilespmem:s4+$0xFFFFFFA0] =	vst v31;
	v10 =	vld [tilespmem:s4+$0x0]  }
0xab: {  	vm1 =	vge.f32 v8, $0.0e+00;
	v18 =	vmul.f32 $2.000000030e-01, v8;
	(erf) = vpow2.f32 v5;
	[tilespmem:s4+$0xFFFFFFB0] =	vst v39;
	v5 =	vld [tilespmem:s4+$0x10]  }
0xac: {  	v6 =	vsel vm0, v6, v7;
	vm2 =	vge.f32 v9, $0.0e+00;
	v31 =	vmul.f32 $2.000000030e-01, v9;
	v7 =	vld [tilespmem:s4+$0x20];
	[tilespmem:s19+$0x70] =	vst v13  }
0xad: {  	v6 =	vmul.f32 $1.442695020e+00, v6;
	v13 =	vmul.f32 v24, v30;
	v8 =	vsel vm1, v8, v18;
	v18 =	vld [tilespmem:s4+$0x30];
	[tilespmem:s4+$0x80] =	vst v16  }
0xae: {  	v11 =	vmul.f32 v11, v29;
	v9 =	vsel vm2, v9, v31;
	v8 =	vmul.f32 $1.442695020e+00, v8;
	v16 =	vld [tilespmem:s4+$0x40];
	[tilespmem:s4+$0x90] =	vst v15  }
0xaf: {  	v9 =	vmul.f32 $1.442695020e+00, v9;
	(erf) = vpow2.f32 v6;
	[tilespmem:s4+$0xFFFFFFC0] =	vst v13;
	v15 =	vld [tilespmem:s4+$0x50]  }
0xb0: {  	v6 =	vmul.f32 v12, v28;
	(erf) = vpow2.f32 v8;
	[tilespmem:s4+$0xFFFFFFD0] =	vst v11;
	v24 =	vld [tilespmem:s4+$0x60]  }
0xb1: {  	v8 =	vmul.f32 v19, v26;
	(erf) = vpow2.f32 v9;
	v13 =	vld [tilespmem:s4+$0x70];
	[tilespmem:s4+$0xA0] =	vst v14  }
0xb2: {  	v9 =	vmul.f32 v22, v10;
	v10 =	vmul.f32 v20, v5;
	[tilespmem:s4+$0xFFFFFFE0] =	vst v6;
	v6 =	vld [tilespmem:s4+$0xB0]  }
0xb3: {  	v19 =	vmul.f32 v23, v7;
	v20 =	vmul.f32 v18, v21;
	[tilespmem:s4+$0xFFFFFFF0] =	vst v8;
	v5 =	vld [tilespmem:s4+$0xC0]  }
0xb4: {  	s9 =	sadd.s32 $0x40, s9;
	v22 =	vmul.f32 v16, v27;
	v21 =	vpop (erf);
	[tilespmem:s4+$0x0] =	vst v9;
	v23 =	vmul.f32 v15, v25;
	v7 =	vld [tilespmem:s4+$0xD0]  }
0xb5: {  	s4 =	sadd.s32 $0x200, s4;
	[tilespmem:s9+$0x10] =	vst v21;
	v16 =	vbroadcast v21, $0x0;
	v15 =	vbroadcast v21, $0x1;
	v8 =	vld [tilespmem:s8+$0xE0]  }
0xb6: {  	v14 =	vbroadcast v21, $0x2;
	v11 =	vbroadcast v21, $0x3;
	v25 =	vld [tilespmem:s4+$0xF0];
	[tilespmem:s8+$0x10] =	vst v10  }
0xb7: {  	v12 =	vbroadcast v21, $0x4;
	v9 =	vbroadcast v21, $0x5;
	v18 =	vld [tilespmem:s4+$0x80];
	[tilespmem:s8+$0x20] =	vst v19  }
0xb8: {  	v17 =	vmul.f32 v24, v17;
	v10 =	vbroadcast v21, $0x6;
	v19 =	vld [tilespmem:s4+$0x90];
	v26 =	vpop (erf);
	[tilespmem:s8+$0x30] =	vst v20  }
0xb9: {  	v20 =	vbroadcast v21, $0x7;
	[tilespmem:s9+$0xFFFFFFF0] =	vst v26;
	v32 =	vbroadcast v26, $0x0;
	v24 =	vld [tilespmem:s4+$0xA0];
	v56 =	vpop (erf)  }
0xba: {  	v33 =	vbroadcast v26, $0x1;
	v31 =	vbroadcast v26, $0x2;
	v34 =	vld [tilespmem:s4+$0xFFFFFF80];
	[tilespmem:s9+$0x0] =	vst v56;
	v21 =	vpop (erf)  }
0xbb: {  	[tilespmem:s9+$0xFFFFFFE0] =	vst v21;
	v41 =	vbroadcast v21, $0x0;
	v39 =	vld [tilespmem:s4+$0xFFFFFF90];
	v20 =	vmul.f32 v25, v20  }
0xbc: {  	v47 =	vbroadcast v21, $0x1;
	v45 =	vbroadcast v21, $0x2;
	v46 =	vld [tilespmem:s4+$0xFFFFFF00];
	[tilespmem:s8+$0x40] =	vst v22  }
0xbd: {  	s13 =	simm.s32 $0x0;
	v48 =	vbroadcast v21, $0x3;
	v44 =	vbroadcast v21, $0x4;
	v50 =	vld [tilespmem:s4+$0xFFFFFF10];
	[tilespmem:s4+$0xF0] =	vst v20  }
0xbe: {  	v49 =	vbroadcast v21, $0x5;
	v42 =	vbroadcast v21, $0x6;
	v51 =	vld [tilespmem:s4+$0xFFFFFF20];
	[tilespmem:s8+$0x50] =	vst v23  }
0xbf: {  	v40 =	vbroadcast v26, $0x3;
	v43 =	vbroadcast v21, $0x7;
	v52 =	vld [tilespmem:s4+$0xFFFFFF30];
	[tilespmem:s8+$0x60] =	vst v17  }
0xc0: {  	v30 =	vbroadcast v26, $0x4;
	v29 =	vbroadcast v26, $0x5;
	v53 =	vld [tilespmem:s4+$0xFFFFFF40];
	[tilespmem:s19+$0xB0] =	vst v36  }
.Ltmp0:
0xc1: {  	v28 =	vbroadcast v26, $0x6;
	v26 =	vbroadcast v26, $0x7;
	v36 =	vld [tilespmem:s4+$0xFFFFFF50];
	[tilespmem:s19+$0xC0] =	vst v37;
	(pc) =	sbr.rel @p1 .LBB2_3-.Ltmp0, $4  }
0xc2: {  	v22 =	vbroadcast v56, $0x0;
	v20 =	vbroadcast v56, $0x1;
	v37 =	vld [tilespmem:s4+$0xFFFFFF60];
	[tilespmem:s19+$0xD0] =	vst v38  }
0xc3: {  	v21 =	vbroadcast v56, $0x3;
	v23 =	vbroadcast v56, $0x2;
	v38 =	vld [tilespmem:s4+$0xFFFFFF70];
	[tilespmem:s19+$0xE0] =	vst v35;
	s19 =	smov.u32 s8;
	s8 =	smov.u32 s4  }
0xc4: {  	v27 =	vbroadcast v56, $0x4;
	v25 =	vbroadcast v56, $0x5;
	v54 =	vld [tilespmem:s4+$0xFFFFFFA0]  }
0xc5: {  	s23 =	sadd.s32 $0x40, s23;
	v17 =	vbroadcast v56, $0x6;
	v35 =	vbroadcast v56, $0x7;
	v55 =	vld [tilespmem:s4+$0xFFFFFFB0]  }
0xc6: {  	v41 =	vmul.f32 v41, v46  }
0xc7: {  	v58 =	vmul.f32 v47, v50  }
0xc8: {  	v45 =	vmul.f32 v45, v51;
	[tilespmem:s4+$0xFFFFFF00] =	vst v41  }
0xc9: {  	v59 =	vmul.f32 v52, v48;
	[tilespmem:s4+$0xFFFFFF10] =	vst v58  }
0xca: {  	v44 =	vmul.f32 v53, v44;
	[tilespmem:s4+$0xFFFFFF20] =	vst v45  }
0xcb: {  	v36 =	vmul.f32 v36, v49;
	[tilespmem:s4+$0xFFFFFF30] =	vst v59  }
0xcc: {  	v32 =	vmul.f32 v32, v34;
	[tilespmem:s4+$0xFFFFFF40] =	vst v44  }
0xcd: {  	v33 =	vmul.f32 v33, v39;
	[tilespmem:s4+$0xFFFFFF50] =	vst v36  }
0xce: {  	v4 =	vmul.f32 v13, v4;
	[tilespmem:s4+$0xFFFFFF80] =	vst v32  }
0xcf: {  	v15 =	vmul.f32 v15, v19;
	[tilespmem:s4+$0xFFFFFF90] =	vst v33  }
0xd0: {  	v14 =	vmul.f32 v14, v24;
	[tilespmem:s19+$0x70] =	vst v4  }
0xd1: {  	v1 =	vmul.f32 v6, v1;
	[tilespmem:s4+$0x90] =	vst v15  }
0xd2: {  	v0 =	vmul.f32 v5, v0;
	[tilespmem:s4+$0xA0] =	vst v14  }
0xd3: {  	v60 =	vld [tilespmem:s4+$0xFFFFFFC0];
	v3 =	vmul.f32 v7, v3;
	[tilespmem:s19+$0xB0] =	vst v1  }
0xd4: {  	v61 =	vld [tilespmem:s4+$0xFFFFFFD0];
	v57 =	vmul.f32 v8, v2;
	[tilespmem:s19+$0xC0] =	vst v0  }
0xd5: {  	v63 =	vld [tilespmem:s4+$0xFFFFFFE0];
	v37 =	vmul.f32 v37, v42;
	[tilespmem:s19+$0xD0] =	vst v3  }
0xd6: {  	v39 =	vld [tilespmem:s4+$0xFFFFFFF0];
	v62 =	vmul.f32 v38, v43;
	[tilespmem:s19+$0xE0] =	vst v57  }
0xd7: {  	v46 =	vld [tilespmem:s4+$0x30];
	[tilespmem:s4+$0xFFFFFF60] =	vst v37;
	v31 =	vmul.f32 v31, v54  }
0xd8: {  	v47 =	vld [tilespmem:s4+$0x40];
	v38 =	vmul.f32 v55, v40;
	[tilespmem:s4+$0xFFFFFF70] =	vst v62  }
0xd9: {  	v56 =	vld [tilespmem:s4+$0xD0];
	v40 =	vmul.f32 v16, v18;
	[tilespmem:s4+$0xFFFFFFA0] =	vst v31  }
0xda: {  	v41 =	vld [tilespmem:s4+$0x0];
	v43 =	vmul.f32 v60, v30;
	[tilespmem:s4+$0xFFFFFFB0] =	vst v38  }
0xdb: {  	v42 =	vld [tilespmem:s4+$0x10];
	v45 =	vmul.f32 v61, v29;
	[tilespmem:s4+$0x80] =	vst v40  }
0xdc: {  	v44 =	vld [tilespmem:s4+$0x20];
	v48 =	vmul.f32 v63, v28;
	[tilespmem:s4+$0xFFFFFFC0] =	vst v43  }
0xdd: {  	v49 =	vld [tilespmem:s4+$0x50];
	v26 =	vmul.f32 v39, v26;
	[tilespmem:s4+$0xFFFFFFD0] =	vst v45  }
0xde: {  	v50 =	vld [tilespmem:s4+$0x60];
	v62 =	vmul.f32 v56, v9;
	[tilespmem:s4+$0xFFFFFFE0] =	vst v48  }
0xdf: {  	v54 =	vld [tilespmem:s4+$0xB0];
	v16 =	vmul.f32 v22, v41;
	[tilespmem:s4+$0xFFFFFFF0] =	vst v26  }
0xe0: {  	v55 =	vld [tilespmem:s4+$0xC0];
	v4 =	vmul.f32 v20, v42;
	[tilespmem:s8+$0xD0] =	vst v62  }
0xe1: {  	v51 =	vld [tilespmem:s4+$0x70];
	v13 =	vmul.f32 v23, v44;
	[tilespmem:s4+$0x0] =	vst v16  }
0xe2: {  	v15 =	vmul.f32 v46, v21;
	[tilespmem:s8+$0x10] =	vst v4  }
0xe3: {  	v52 =	vmul.f32 v47, v27;
	[tilespmem:s8+$0x20] =	vst v13  }
0xe4: {  	v53 =	vmul.f32 v49, v25;
	v58 =	vld [tilespmem:s8+$0xE0];
	[tilespmem:s8+$0x30] =	vst v15  }
0xe5: {  	v14 =	vmul.f32 v50, v17;
	[tilespmem:s8+$0x40] =	vst v52  }
0xe6: {  	v59 =	vmul.f32 v51, v35;
	[tilespmem:s8+$0x50] =	vst v53  }
0xe7: {  	v60 =	vmul.f32 v54, v11;
	[tilespmem:s8+$0x60] =	vst v14  }
0xe8: {  	v61 =	vmul.f32 v55, v12;
	[tilespmem:s8+$0x70] =	vst v59  }
0xe9: {  	[tilespmem:s8+$0xB0] =	vst v60;
	v63 =	vmul.f32 v58, v10  }
0xea: {  	[tilespmem:s8+$0xC0] =	vst v61  }
0xeb: {  	[tilespmem:s8+$0xE0] =	vst v63  }
.LBB2_5:
0xec: {  	s4 =	sshra.s32 s13, $0x2  }
0xed: {  	v0 =	vld [tilespmem:s4+$0x8C80]  }
0xee: {  	v1 =	vld [tilespmem:s4+$0x92C0];
	_ =	sdelay $0x4  }
0xef: {  	v0 =	vadd.f32 v1, v0;
	_ =	sdelay $0x1  }
0xf0: {  	v1 =	vmul.f32 $2.000000030e-01, v0  }
0xf1: {  	vm0 =	vge.f32 v0, $0.0e+00  }
0xf2: {  	v0 =	vsel vm0, v0, v1  }
0xf3: {  	v0 =	vmul.f32 $1.442695020e+00, v0;
	_ =	sdelay $0x1  }
0xf4: {  	(erf) = vpow2.f32 v0;
	_ =	sdelay $0x8  }
0xf5: {  	v0 =	vpop (erf)  }
0xf6: {  	[tilespmem:s4+$0x9900] =	vst v0  }
0xf7: {  	v50 =	vld [tilespmem:s21+$0xFFFFFF90];
	_ =	sdelay $0x1  }
0xf8: {  	v51 =	vld [tilespmem:s21+$0xFFFFFFA0]  }
0xf9: {  	v2 =	vbroadcast v0, $0x0  }
0xfa: {  	v53 =	vld [tilespmem:s21+$0xFFFFFFB0]  }
0xfb: {  	v52 =	vbroadcast v0, $0x1;
	v1 =	vmul.f32 v2, v50  }
0xfc: {  	v55 =	vld [tilespmem:s21+$0xFFFFFFC0]  }
0xfd: {  	v54 =	vbroadcast v0, $0x2;
	[tilespmem:s21+$0xFFFFFF90] =	vst v1;
	v1 =	vmul.f32 v52, v51  }
0xfe: {  	v57 =	vld [tilespmem:s21+$0xFFFFFFD0]  }
0xff: {  	v56 =	vbroadcast v0, $0x3;
	[tilespmem:s21+$0xFFFFFFA0] =	vst v1;
	v1 =	vmul.f32 v54, v53  }
0x100: {  	v59 =	vld [tilespmem:s21+$0xFFFFFFE0]  }
0x101: {  	v58 =	vbroadcast v0, $0x4;
	v63 =	vld [tilespmem:s21+$0x0];
	[tilespmem:s21+$0xFFFFFFB0] =	vst v1;
	v1 =	vmul.f32 v55, v56  }
0x102: {  	v61 =	vld [tilespmem:s21+$0xFFFFFFF0]  }
0x103: {  	v60 =	vbroadcast v0, $0x5;
	[tilespmem:s21+$0xFFFFFFC0] =	vst v1;
	v1 =	vmul.f32 v57, v58  }
0x104: {  	p1 =	sne.s32 s13, $0x40;
	v62 =	vbroadcast v0, $0x6;
	v0 =	vbroadcast v0, $0x7  }
.Ltmp1:
0x105: {  	[tilespmem:s21+$0xFFFFFFD0] =	vst v1;
	v1 =	vmul.f32 v59, v60;
	(pc) =	sbr.rel @p1 .LBB2_5-.Ltmp1, $4  }
0x106: {  	v0 =	vmul.f32 v63, v0  }
0x107: {  	[tilespmem:s21+$0xFFFFFFE0] =	vst v1;
	v1 =	vmul.f32 v61, v62  }
0x108: {  	[tilespmem:s21+$0x0] =	vst v0  }
0x109: {  	s13 =	sadd.s32 $0x40, s13;
	[tilespmem:s21+$0xFFFFFFF0] =	vst v1;
	s21 =	sadd.s32 $0x80, s21  }
0x10a: {  	s4 =	smul.u32 $0x1C0, s17;
	_ =	sdelay $0x1  }
0x10b: {  	s4 =	sshra.s32 s4, $0x2  }
0x10c: {  	s4 =	sadd.s32 $0x2BC0, s4  }
0x10d: {  	[spmem:s2] =	stream.indirect.scatter.add.f32 [tilespmem:s25], [sflag:$0x3], $0x80, s4, s24, $0xb8;
	[tilespmem:$0x1FBD0] =	vst v63  }
0x10e: {  	p1 =	seq.s32 s17, $0x63  }
0x10f: {  	[spmem:s3] =	stream.indirect.scatter.add.f32 [tilespmem:s0], [sflag:$0x3], $0x10, s4, s24, $0xb8;
	[tilespmem:$0x1FBD0] =	vst v63  }
0x110: {  	s4 =	simm.s32 @!p1 $0x3  }
0x111: {  	_ =	swait.ge @!p1 [sflag:s4], $0x1900  }
0x112: {  	[sflag:s4] =	ssyncset.done @!p1 $0x0  }
0x113: {  	[sflag:s4] =	ssyncadd.s32 @!p1 $0xFFFFE700  }
0x114: {  	s8 =	smul.u32 @!p1 $0x70, s17;
	_ =	swait.ge @!p1 [sflag:s4], $0x320  }
0x115: {  	s9 =	simm.s32 @!p1 $0x32;
	[sflag:s4] =	ssyncset.done @!p1 $0x0  }
0x116: {  	s10 =	simm.s32 @!p1 $0x5780;
	[sflag:s4] =	ssyncadd.s32 @!p1 $0xFFFFFCE0;
	s4 =	sadd.s32 @!p1 $0x70, s8  }
0x117: {  	[tilespmem:s10], [sflag:$0x1] =	stream.indirect.gather @!p1 [hbm4b:s5+s9], $0x80, s4, s9, $0xb8;
	[tilespmem:$0x1FBD0] =	vst v63  }
0x118: {  	s10 =	simm.s32 @!p1 $0x8980  }
0x119: {  	[tilespmem:s10], [sflag:$0x1] =	stream.indirect.gather @!p1 [hbm4b:s6+s9], $0x10, s4, s9, $0xb8;
	[tilespmem:$0x1FBD0] =	vst v63  }
0x11a: {  	s4 =	sadd.s32 @!p1 $0x2C30, s8;
	s8 =	simm.s32 @!p1 $0x8FC0  }
0x11b: {  	[tilespmem:s8], [sflag:$0x1] =	stream.indirect.gather @!p1 [hbm4b:s7+s9], $0x10, s4, s9, $0xb8;
	[tilespmem:$0x1FBD0] =	vst v63  }
0x11c: {  	_ =	swait.ge [sflag:s26], $0x1900  }
0x11d: {  	[sflag:s26] =	ssyncset.done $0x0  }
0x11e: {  	[sflag:s26] =	ssyncadd.s32 $0xFFFFE700  }
0x11f: {  	_ =	swait.ge [sflag:s26], $0x320  }
0x120: {  	[sflag:s26] =	ssyncset.done $0x0  }
0x121: {  	[sflag:s26] =	ssyncadd.s32 $0xFFFFFCE0  }
0x122: {  	_ =	swait.ge [sflag:s26], $0x320  }
0x123: {  	[sflag:s26] =	ssyncset.done $0x0  }
0x124: {  	s19 =	simm.s32 $0x8CC0;
	[sflag:s26] =	ssyncadd.s32 $0xFFFFFCE0  }
0x125: {  	s20 =	simm.s32 $0x9300;
	v0 =	vld [tilespmem:s19+$0x10]  }
0x126: {  	v1 =	vld [tilespmem:s20+$0x10];
	_ =	sdelay $0x2  }
0x127: {  	v3 =	vld [tilespmem:s19+$0xFFFFFFF0]  }
0x128: {  	v4 =	vld [tilespmem:s20+$0xFFFFFFF0]  }
0x129: {  	v5 =	vld [tilespmem:s19+$0x0];
	v0 =	vadd.f32 v1, v0  }
0x12a: {  	v6 =	vld [tilespmem:s20+$0x0]  }
0x12b: {  	v7 =	vmul.f32 $2.000000030e-01, v0  }
0x12c: {  	v2 =	vld [tilespmem:s20+$0xFFFFFFE0];
	vm0 =	vge.f32 v0, $0.0e+00  }
0x12d: {  	v1 =	vld [tilespmem:s19+$0xFFFFFFE0];
	v3 =	vadd.f32 v4, v3;
	v0 =	vsel vm0, v0, v7  }
0x12e: {  	v0 =	vmul.f32 $1.442695020e+00, v0  }
0x12f: {  	v4 =	vadd.f32 v6, v5;
	v5 =	vmul.f32 $2.000000030e-01, v3  }
0x130: {  	vm11 =	vge.f32 v3, $0.0e+00;
	(erf) = vpow2.f32 v0  }
0x131: {  	v3 =	vsel vm11, v3, v5  }
0x132: {  	v1 =	vadd.f32 v2, v1;
	v3 =	vmul.f32 $1.442695020e+00, v3  }
0x133: {  	v2 =	vmul.f32 $2.000000030e-01, v4  }
0x134: {  	vm1 =	vge.f32 v4, $0.0e+00;
	v0 =	vmul.f32 $2.000000030e-01, v1;
	(erf) = vpow2.f32 v3  }
0x135: {  	vm12 =	vge.f32 v1, $0.0e+00;
	v2 =	vsel vm1, v4, v2  }
0x136: {  	v0 =	vsel vm12, v1, v0;
	v1 =	vmul.f32 $1.442695020e+00, v2  }
0x137: {  	s23 =	simm.s32 $0x8D00  }
0x138: {  	v41 =	vld [tilespmem:s23+$0x10];
	v0 =	vmul.f32 $1.442695020e+00, v0;
	(erf) = vpow2.f32 v1  }
0x139: {  	s20 =	simm.s32 $0x9340;
	v50 =	vld [tilespmem:s23+$0xFFFFFFF0];
	v4 =	vpop (erf)  }
0x13a: {  	v44 =	vld [tilespmem:s20+$0x10];
	(erf) = vpow2.f32 v0;
	v11 =	vbroadcast v4, $0x0  }
0x13b: {  	s21 =	simm.s32 $0x9940;
	v47 =	vld [tilespmem:s20+$0xFFFFFFE0];
	v14 =	vbroadcast v4, $0x1;
	v15 =	vbroadcast v4, $0x2  }
0x13c: {  	v52 =	vld [tilespmem:s20+$0xFFFFFFF0];
	s19 =	simm.s32 $0x7180;
	[tilespmem:s21+$0x10] =	vst v4;
	v1 =	vbroadcast v4, $0x3;
	v0 =	vbroadcast v4, $0x4  }
0x13d: {  	v8 =	vpop (erf);
	v3 =	vbroadcast v4, $0x5;
	v2 =	vbroadcast v4, $0x6;
	v5 =	vld [tilespmem:s19+$0xF0]  }
0x13e: {  	v4 =	vbroadcast v4, $0x7;
	v6 =	vld [tilespmem:s19+$0x80];
	v19 =	vbroadcast v8, $0x0  }
0x13f: {  	v7 =	vld [tilespmem:s19+$0x90];
	v21 =	vbroadcast v8, $0x1;
	v22 =	vbroadcast v8, $0x2  }
0x140: {  	[tilespmem:s21+$0xFFFFFFF0] =	vst v8;
	v9 =	vld [tilespmem:s19+$0xA0];
	v35 =	vbroadcast v8, $0x3;
	v37 =	vbroadcast v8, $0x4  }
0x141: {  	v38 =	vbroadcast v8, $0x5;
	v40 =	vbroadcast v8, $0x6;
	v12 =	vld [tilespmem:s19+$0xFFFFFF80];
	v10 =	vpop (erf)  }
0x142: {  	v8 =	vbroadcast v8, $0x7;
	v16 =	vld [tilespmem:s19+$0xFFFFFF90];
	v42 =	vbroadcast v10, $0x0  }
0x143: {  	v36 =	vld [tilespmem:s19+$0xFFFFFFA0];
	v13 =	vpop (erf);
	v43 =	vbroadcast v10, $0x1;
	v45 =	vbroadcast v10, $0x2  }
0x144: {  	v39 =	vld [tilespmem:s19+$0xFFFFFFB0];
	v46 =	vbroadcast v10, $0x3;
	v48 =	vbroadcast v10, $0x4;
	[tilespmem:s21+$0xFFFFFFE0] =	vst v13  }
0x145: {  	v49 =	vbroadcast v10, $0x5;
	v51 =	vbroadcast v10, $0x6;
	v17 =	vld [tilespmem:s19+$0xFFFFFF00]  }
0x146: {  	v24 =	vbroadcast v13, $0x0;
	v26 =	vbroadcast v13, $0x1;
	v18 =	vld [tilespmem:s19+$0xFFFFFF10]  }
0x147: {  	v27 =	vbroadcast v13, $0x2;
	v29 =	vbroadcast v13, $0x3;
	v20 =	vld [tilespmem:s19+$0xFFFFFF20]  }
0x148: {  	v30 =	vbroadcast v13, $0x4;
	v32 =	vbroadcast v13, $0x5;
	v23 =	vld [tilespmem:s19+$0xFFFFFF30]  }
0x149: {  	v33 =	vbroadcast v13, $0x6;
	v13 =	vbroadcast v13, $0x7;
	v28 =	vld [tilespmem:s19+$0xFFFFFF50]  }
0x14a: {  	v5 =	vmul.f32 v5, v4;
	v34 =	vld [tilespmem:s19+$0xFFFFFF70];
	v4 =	vbroadcast v10, $0x7  }
0x14b: {  	v25 =	vld [tilespmem:s19+$0xFFFFFF40];
	v7 =	vmul.f32 v14, v7;
	v9 =	vmul.f32 v15, v9  }
0x14c: {  	v31 =	vld [tilespmem:s19+$0xFFFFFF60];
	v12 =	vmul.f32 v19, v12;
	[tilespmem:s19+$0xF0] =	vst v5;
	v5 =	vmul.f32 v11, v6  }
0x14d: {  	v6 =	vld [tilespmem:s19+$0xFFFFFFE0];
	v17 =	vmul.f32 v24, v17;
	v18 =	vmul.f32 v26, v18  }
0x14e: {  	v19 =	vadd.f32 v44, v41;
	v24 =	vld [tilespmem:s23+$0x0];
	v20 =	vmul.f32 v27, v20;
	v27 =	vmul.f32 v28, v32  }
0x14f: {  	[tilespmem:s21+$0x0] =	vst v10;
	v26 =	vld [tilespmem:s20+$0x0];
	v10 =	vmul.f32 v34, v13;
	v13 =	vmul.f32 v21, v16  }
0x150: {  	[tilespmem:s19+$0xFFFFFF80] =	vst v12;
	v28 =	vld [tilespmem:s23+$0xFFFFFFE0];
	v21 =	vmul.f32 v22, v36;
	v22 =	vmul.f32 $2.000000030e-01, v19  }
0x151: {  	v15 =	vld [tilespmem:s19+$0xFFFFFFF0];
	v11 =	vadd.f32 v52, v50;
	v12 =	vmul.f32 v39, v35;
	vm13 =	vge.f32 v19, $0.0e+00;
	[tilespmem:s19+$0xFFFFFF90] =	vst v13  }
0x152: {  	v23 =	vmul.f32 v23, v29;
	v25 =	vmul.f32 v25, v30;
	v30 =	vld [tilespmem:s19+$0xFFFFFFC0];
	v14 =	vsel vm13, v19, v22;
	[tilespmem:s19+$0xFFFFFF00] =	vst v17  }
0x153: {  	vm14 =	vge.f32 v11, $0.0e+00;
	v16 =	vld [tilespmem:s19+$0xFFFFFFD0];
	[tilespmem:s19+$0xFFFFFF10] =	vst v18;
	v17 =	vmul.f32 $2.000000030e-01, v11;
	v14 =	vmul.f32 $1.442695020e+00, v14  }
0x154: {  	v29 =	vmul.f32 v31, v33;
	v19 =	vld [tilespmem:s19+$0x0];
	[tilespmem:s19+$0xFFFFFF40] =	vst v25;
	v25 =	vmul.f32 v6, v40;
	v13 =	vadd.f32 v26, v24  }
0x155: {  	[tilespmem:s19+$0xFFFFFF30] =	vst v23;
	v23 =	vld [tilespmem:s19+$0x30];
	v11 =	vsel vm14, v11, v17;
	v18 =	vadd.f32 v47, v28;
	(erf) = vpow2.f32 v14  }
0x156: {  	[tilespmem:s19+$0xFFFFFF20] =	vst v20;
	v17 =	vld [tilespmem:s19+$0x20];
	v11 =	vmul.f32 $1.442695020e+00, v11;
	v20 =	vmul.f32 $2.000000030e-01, v13  }
0x157: {  	[tilespmem:s19+$0x90] =	vst v7;
	v14 =	vld [tilespmem:s19+$0x10];
	v26 =	vmul.f32 v15, v8;
	vm15 =	vge.f32 v13, $0.0e+00;
	v22 =	vmul.f32 $2.000000030e-01, v18  }
0x158: {  	[tilespmem:s19+$0xA0] =	vst v9;
	v24 =	vld [tilespmem:s19+$0x60];
	vm2 =	vge.f32 v18, $0.0e+00;
	(erf) = vpow2.f32 v11;
	v13 =	vsel vm15, v13, v20  }
0x159: {  	[tilespmem:s19+$0xFFFFFF50] =	vst v27;
	v11 =	vld [tilespmem:s19+$0x50];
	v27 =	vmul.f32 v42, v19;
	v18 =	vsel vm2, v18, v22;
	v13 =	vmul.f32 $1.442695020e+00, v13  }
0x15a: {  	[tilespmem:s19+$0x80] =	vst v5;
	v22 =	vmul.f32 v16, v38;
	v16 =	vld [tilespmem:s19+$0x40];
	v5 =	vmul.f32 $1.442695020e+00, v18  }
0x15b: {  	v7 =	vld [tilespmem:s19+$0xD0];
	[tilespmem:s19+$0xFFFFFFB0] =	vst v12;
	v23 =	vmul.f32 v23, v46;
	(erf) = vpow2.f32 v13  }
0x15c: {  	[tilespmem:s19+$0xFFFFFF60] =	vst v29;
	v6 =	vld [tilespmem:s19+$0xB0];
	v20 =	vmul.f32 v30, v37;
	(erf) = vpow2.f32 v5  }
0x15d: {  	[tilespmem:s19+$0xFFFFFF70] =	vst v10;
	v8 =	vld [tilespmem:s19+$0xE0];
	v17 =	vmul.f32 v45, v17;
	v28 =	vmul.f32 v43, v14  }
0x15e: {  	s9 =	simm.s32 $0x9980;
	[tilespmem:s19+$0xFFFFFFA0] =	vst v21;
	v55 =	vmul.f32 v24, v51;
	v13 =	vld [tilespmem:s19+$0x70];
	v54 =	vmul.f32 v11, v49;
	v21 =	vpop (erf)  }
0x15f: {  	s4 =	simm.s32 $0x7380;
	v5 =	vld [tilespmem:s19+$0xC0];
	v63 =	vmul.f32 v16, v48;
	[tilespmem:s9+$0x10] =	vst v21;
	v16 =	vbroadcast v21, $0x0  }
0x160: {  	[tilespmem:s19+$0xFFFFFFF0] =	vst v26;
	v15 =	vbroadcast v21, $0x1;
	v14 =	vbroadcast v21, $0x2;
	v29 =	vld [tilespmem:s4+$0xF0]  }
0x161: {  	[tilespmem:s19+$0xFFFFFFC0] =	vst v20;
	v11 =	vbroadcast v21, $0x3;
	v12 =	vbroadcast v21, $0x4;
	v18 =	vld [tilespmem:s4+$0x80]  }
0x162: {  	[tilespmem:s19+$0xFFFFFFD0] =	vst v22;
	v9 =	vbroadcast v21, $0x5;
	v10 =	vbroadcast v21, $0x6;
	v19 =	vld [tilespmem:s4+$0x90];
	v20 =	vpop (erf)  }
0x163: {  	v21 =	vbroadcast v21, $0x7;
	v24 =	vld [tilespmem:s4+$0xA0];
	[tilespmem:s9+$0xFFFFFFF0] =	vst v20;
	v32 =	vbroadcast v20, $0x0  }
0x164: {  	[tilespmem:s19+$0x10] =	vst v28;
	v33 =	vbroadcast v20, $0x1;
	v31 =	vbroadcast v20, $0x2;
	v34 =	vld [tilespmem:s4+$0xFFFFFF80];
	v56 =	vpop (erf)  }
0x165: {  	[tilespmem:s19+$0x50] =	vst v54;
	v40 =	vbroadcast v20, $0x3;
	v30 =	vbroadcast v20, $0x4;
	v39 =	vld [tilespmem:s4+$0xFFFFFF90];
	v22 =	vpop (erf)  }
0x166: {  	v28 =	vbroadcast v20, $0x6;
	v26 =	vbroadcast v20, $0x7;
	v54 =	vld [tilespmem:s4+$0xFFFFFFA0];
	[tilespmem:s9+$0xFFFFFFE0] =	vst v22  }
0x167: {  	[tilespmem:s19+$0xFFFFFFE0] =	vst v25;
	v21 =	vmul.f32 v29, v21;
	v29 =	vbroadcast v20, $0x5;
	v46 =	vld [tilespmem:s4+$0xFFFFFF00]  }
0x168: {  	[tilespmem:s19+$0x30] =	vst v23;
	v20 =	vbroadcast v56, $0x1;
	v23 =	vbroadcast v56, $0x2;
	v50 =	vld [tilespmem:s4+$0xFFFFFF10]  }
0x169: {  	[tilespmem:s19+$0x0] =	vst v27;
	v27 =	vbroadcast v56, $0x4;
	v25 =	vbroadcast v56, $0x5;
	v51 =	vld [tilespmem:s4+$0xFFFFFF20]  }
0x16a: {  	[tilespmem:s19+$0x20] =	vst v17;
	v17 =	vbroadcast v56, $0x6;
	v35 =	vbroadcast v56, $0x7;
	v52 =	vld [tilespmem:s4+$0xFFFFFF30]  }
0x16b: {  	v41 =	vbroadcast v22, $0x0;
	v47 =	vbroadcast v22, $0x1;
	v53 =	vld [tilespmem:s4+$0xFFFFFF40]  }
0x16c: {  	[tilespmem:s19+$0x60] =	vst v55;
	v45 =	vbroadcast v22, $0x2;
	v48 =	vbroadcast v22, $0x3;
	v36 =	vld [tilespmem:s4+$0xFFFFFF50]  }
0x16d: {  	[tilespmem:s19+$0x40] =	vst v63;
	v44 =	vbroadcast v22, $0x4;
	v49 =	vbroadcast v22, $0x5;
	v37 =	vld [tilespmem:s4+$0xFFFFFF60]  }
0x16e: {  	s10 =	simm.s32 $0x4;
	[tilespmem:s9+$0x0] =	vst v56;
	v42 =	vbroadcast v22, $0x6;
	v43 =	vbroadcast v22, $0x7;
	v38 =	vld [tilespmem:s4+$0xFFFFFF70]  }
0x16f: {  	s8 =	simm.s32 $0x7380;
	s21 =	simm.s32 $0x88F0;
	s23 =	simm.s32 $0x8D40;
	v55 =	vld [tilespmem:s4+$0xFFFFFFB0];
	v22 =	vbroadcast v56, $0x0;
	[tilespmem:s4+$0xF0] =	vst v21;
	v21 =	vbroadcast v56, $0x3  }
.LBB2_7:
0x170: {  	v56 =	vld [tilespmem:s23+$0x10];
	v41 =	vmul.f32 v41, v46;
	v46 =	vmul.f32 v47, v50;
	s20 =	sadd.s32 $0x40, s20  }
0x171: {  	s10 =	sadd.s32 $0x4, s10;
	v45 =	vmul.f32 v45, v51;
	v48 =	vmul.f32 v52, v48;
	v47 =	vld [tilespmem:s20+$0x10]  }
0x172: {  	v36 =	vmul.f32 v36, v49;
	p1 =	slt.u32 s10, $0x2C;
	v50 =	vld [tilespmem:s20+$0xFFFFFFE0];
	[tilespmem:s4+$0xFFFFFF00] =	vst v41;
	v41 =	vmul.f32 v53, v44  }
0x173: {  	v37 =	vmul.f32 v37, v42;
	v38 =	vmul.f32 v38, v43;
	v44 =	vld [tilespmem:s23+$0xFFFFFFF0];
	[tilespmem:s4+$0xFFFFFF10] =	vst v46  }
0x174: {  	v32 =	vmul.f32 v32, v34;
	v33 =	vmul.f32 v33, v39;
	v42 =	vld [tilespmem:s20+$0xFFFFFFF0];
	[tilespmem:s4+$0xFFFFFF20] =	vst v45  }
0x175: {  	v31 =	vmul.f32 v31, v54;
	v39 =	vmul.f32 v55, v40;
	v34 =	vld [tilespmem:s23+$0x0];
	[tilespmem:s4+$0xFFFFFF30] =	vst v48  }
0x176: {  	v16 =	vmul.f32 v16, v18;
	v13 =	vmul.f32 v13, v4;
	v40 =	vld [tilespmem:s20+$0x0];
	v43 =	vadd.f32 v47, v56;
	[tilespmem:s4+$0xFFFFFF40] =	vst v41  }
0x177: {  	v15 =	vmul.f32 v15, v19;
	v14 =	vmul.f32 v14, v24;
	v4 =	vmov v35;
	v18 =	vld [tilespmem:s23+$0xFFFFFFE0];
	[tilespmem:s4+$0xFFFFFF50] =	vst v36  }
0x178: {  	v36 =	vmul.f32 v6, v1;
	v1 =	vmov v11;
	v19 =	vmul.f32 $2.000000030e-01, v43;
	[tilespmem:s4+$0xFFFFFF60] =	vst v37;
	v24 =	vld [tilespmem:s4+$0xFFFFFFC0]  }
0x179: {  	vm0 =	vge.f32 v43, $0.0e+00;
	v37 =	vmul.f32 v5, v0;
	v0 =	vmovc v12;
	v6 =	vadd.f32 v42, v44;
	[tilespmem:s4+$0xFFFFFF70] =	vst v38;
	v11 =	vld [tilespmem:s4+$0xFFFFFFD0]  }
0x17a: {  	v35 =	vmul.f32 v8, v2;
	v38 =	vmul.f32 v7, v3;
	v5 =	vsel vm0, v43, v19;
	[tilespmem:s4+$0xFFFFFF80] =	vst v32;
	v12 =	vld [tilespmem:s4+$0xFFFFFFE0]  }
0x17b: {  	v2 =	vmovc v10;
	v3 =	vmovc v9;
	v7 =	vmul.f32 $2.000000030e-01, v6;
	v8 =	vadd.f32 v40, v34;
	v5 =	vmul.f32 $1.442695020e+00, v5;
	[tilespmem:s4+$0xFFFFFF90] =	vst v33;
	v19 =	vld [tilespmem:s4+$0xFFFFFFF0]  }
0x17c: {  	vm0 =	vge.f32 v6, $0.0e+00;
	v9 =	vadd.f32 v50, v18;
	[tilespmem:s4+$0xFFFFFFA0] =	vst v31;
	v10 =	vld [tilespmem:s4+$0x0]  }
0x17d: {  	vm1 =	vge.f32 v8, $0.0e+00;
	v18 =	vmul.f32 $2.000000030e-01, v8;
	(erf) = vpow2.f32 v5;
	[tilespmem:s4+$0xFFFFFFB0] =	vst v39;
	v5 =	vld [tilespmem:s4+$0x10]  }
0x17e: {  	v6 =	vsel vm0, v6, v7;
	vm2 =	vge.f32 v9, $0.0e+00;
	v31 =	vmul.f32 $2.000000030e-01, v9;
	v7 =	vld [tilespmem:s4+$0x20];
	[tilespmem:s19+$0x70] =	vst v13  }
0x17f: {  	v6 =	vmul.f32 $1.442695020e+00, v6;
	v13 =	vmul.f32 v24, v30;
	v8 =	vsel vm1, v8, v18;
	v18 =	vld [tilespmem:s4+$0x30];
	[tilespmem:s4+$0x80] =	vst v16  }
0x180: {  	v11 =	vmul.f32 v11, v29;
	v9 =	vsel vm2, v9, v31;
	v8 =	vmul.f32 $1.442695020e+00, v8;
	v16 =	vld [tilespmem:s4+$0x40];
	[tilespmem:s4+$0x90] =	vst v15  }
0x181: {  	v9 =	vmul.f32 $1.442695020e+00, v9;
	(erf) = vpow2.f32 v6;
	[tilespmem:s4+$0xFFFFFFC0] =	vst v13;
	v15 =	vld [tilespmem:s4+$0x50]  }
0x182: {  	v6 =	vmul.f32 v12, v28;
	(erf) = vpow2.f32 v8;
	[tilespmem:s4+$0xFFFFFFD0] =	vst v11;
	v24 =	vld [tilespmem:s4+$0x60]  }
0x183: {  	v8 =	vmul.f32 v19, v26;
	(erf) = vpow2.f32 v9;
	v13 =	vld [tilespmem:s4+$0x70];
	[tilespmem:s4+$0xA0] =	vst v14  }
0x184: {  	v9 =	vmul.f32 v22, v10;
	v10 =	vmul.f32 v20, v5;
	[tilespmem:s4+$0xFFFFFFE0] =	vst v6;
	v6 =	vld [tilespmem:s4+$0xB0]  }
0x185: {  	v19 =	vmul.f32 v23, v7;
	v20 =	vmul.f32 v18, v21;
	[tilespmem:s4+$0xFFFFFFF0] =	vst v8;
	v5 =	vld [tilespmem:s4+$0xC0]  }
0x186: {  	s9 =	sadd.s32 $0x40, s9;
	v22 =	vmul.f32 v16, v27;
	v21 =	vpop (erf);
	[tilespmem:s4+$0x0] =	vst v9;
	v23 =	vmul.f32 v15, v25;
	v7 =	vld [tilespmem:s4+$0xD0]  }
0x187: {  	s4 =	sadd.s32 $0x200, s4;
	[tilespmem:s9+$0x10] =	vst v21;
	v16 =	vbroadcast v21, $0x0;
	v15 =	vbroadcast v21, $0x1;
	v8 =	vld [tilespmem:s8+$0xE0]  }
0x188: {  	v14 =	vbroadcast v21, $0x2;
	v11 =	vbroadcast v21, $0x3;
	v25 =	vld [tilespmem:s4+$0xF0];
	[tilespmem:s8+$0x10] =	vst v10  }
0x189: {  	v12 =	vbroadcast v21, $0x4;
	v9 =	vbroadcast v21, $0x5;
	v18 =	vld [tilespmem:s4+$0x80];
	[tilespmem:s8+$0x20] =	vst v19  }
0x18a: {  	v17 =	vmul.f32 v24, v17;
	v10 =	vbroadcast v21, $0x6;
	v19 =	vld [tilespmem:s4+$0x90];
	v26 =	vpop (erf);
	[tilespmem:s8+$0x30] =	vst v20  }
0x18b: {  	v20 =	vbroadcast v21, $0x7;
	[tilespmem:s9+$0xFFFFFFF0] =	vst v26;
	v32 =	vbroadcast v26, $0x0;
	v24 =	vld [tilespmem:s4+$0xA0];
	v56 =	vpop (erf)  }
0x18c: {  	v33 =	vbroadcast v26, $0x1;
	v31 =	vbroadcast v26, $0x2;
	v34 =	vld [tilespmem:s4+$0xFFFFFF80];
	[tilespmem:s9+$0x0] =	vst v56;
	v21 =	vpop (erf)  }
0x18d: {  	[tilespmem:s9+$0xFFFFFFE0] =	vst v21;
	v41 =	vbroadcast v21, $0x0;
	v39 =	vld [tilespmem:s4+$0xFFFFFF90];
	v20 =	vmul.f32 v25, v20  }
0x18e: {  	v47 =	vbroadcast v21, $0x1;
	v45 =	vbroadcast v21, $0x2;
	v46 =	vld [tilespmem:s4+$0xFFFFFF00];
	[tilespmem:s8+$0x40] =	vst v22  }
0x18f: {  	s13 =	simm.s32 $0x0;
	v48 =	vbroadcast v21, $0x3;
	v44 =	vbroadcast v21, $0x4;
	v50 =	vld [tilespmem:s4+$0xFFFFFF10];
	[tilespmem:s4+$0xF0] =	vst v20  }
0x190: {  	v49 =	vbroadcast v21, $0x5;
	v42 =	vbroadcast v21, $0x6;
	v51 =	vld [tilespmem:s4+$0xFFFFFF20];
	[tilespmem:s8+$0x50] =	vst v23  }
0x191: {  	v40 =	vbroadcast v26, $0x3;
	v43 =	vbroadcast v21, $0x7;
	v52 =	vld [tilespmem:s4+$0xFFFFFF30];
	[tilespmem:s8+$0x60] =	vst v17  }
0x192: {  	v30 =	vbroadcast v26, $0x4;
	v29 =	vbroadcast v26, $0x5;
	v53 =	vld [tilespmem:s4+$0xFFFFFF40];
	[tilespmem:s19+$0xB0] =	vst v36  }
.Ltmp2:
0x193: {  	v28 =	vbroadcast v26, $0x6;
	v26 =	vbroadcast v26, $0x7;
	v36 =	vld [tilespmem:s4+$0xFFFFFF50];
	[tilespmem:s19+$0xC0] =	vst v37;
	(pc) =	sbr.rel @p1 .LBB2_7-.Ltmp2, $4  }
0x194: {  	v22 =	vbroadcast v56, $0x0;
	v20 =	vbroadcast v56, $0x1;
	v37 =	vld [tilespmem:s4+$0xFFFFFF60];
	[tilespmem:s19+$0xD0] =	vst v38  }
0x195: {  	v21 =	vbroadcast v56, $0x3;
	v23 =	vbroadcast v56, $0x2;
	v38 =	vld [tilespmem:s4+$0xFFFFFF70];
	[tilespmem:s19+$0xE0] =	vst v35;
	s19 =	smov.u32 s8;
	s8 =	smov.u32 s4  }
0x196: {  	v27 =	vbroadcast v56, $0x4;
	v25 =	vbroadcast v56, $0x5;
	v54 =	vld [tilespmem:s4+$0xFFFFFFA0]  }
0x197: {  	s23 =	sadd.s32 $0x40, s23;
	v17 =	vbroadcast v56, $0x6;
	v35 =	vbroadcast v56, $0x7;
	v55 =	vld [tilespmem:s4+$0xFFFFFFB0]  }
0x198: {  	v41 =	vmul.f32 v41, v46  }
0x199: {  	v58 =	vmul.f32 v47, v50  }
0x19a: {  	v45 =	vmul.f32 v45, v51;
	[tilespmem:s4+$0xFFFFFF00] =	vst v41  }
0x19b: {  	v59 =	vmul.f32 v52, v48;
	[tilespmem:s4+$0xFFFFFF10] =	vst v58  }
0x19c: {  	v44 =	vmul.f32 v53, v44;
	[tilespmem:s4+$0xFFFFFF20] =	vst v45  }
0x19d: {  	v36 =	vmul.f32 v36, v49;
	[tilespmem:s4+$0xFFFFFF30] =	vst v59  }
0x19e: {  	v32 =	vmul.f32 v32, v34;
	[tilespmem:s4+$0xFFFFFF40] =	vst v44  }
0x19f: {  	v33 =	vmul.f32 v33, v39;
	[tilespmem:s4+$0xFFFFFF50] =	vst v36  }
0x1a0: {  	v4 =	vmul.f32 v13, v4;
	[tilespmem:s4+$0xFFFFFF80] =	vst v32  }
0x1a1: {  	v15 =	vmul.f32 v15, v19;
	[tilespmem:s4+$0xFFFFFF90] =	vst v33  }
0x1a2: {  	v14 =	vmul.f32 v14, v24;
	[tilespmem:s19+$0x70] =	vst v4  }
0x1a3: {  	v1 =	vmul.f32 v6, v1;
	[tilespmem:s4+$0x90] =	vst v15  }
0x1a4: {  	v0 =	vmul.f32 v5, v0;
	[tilespmem:s4+$0xA0] =	vst v14  }
0x1a5: {  	v60 =	vld [tilespmem:s4+$0xFFFFFFC0];
	v3 =	vmul.f32 v7, v3;
	[tilespmem:s19+$0xB0] =	vst v1  }
0x1a6: {  	v61 =	vld [tilespmem:s4+$0xFFFFFFD0];
	v57 =	vmul.f32 v8, v2;
	[tilespmem:s19+$0xC0] =	vst v0  }
0x1a7: {  	v63 =	vld [tilespmem:s4+$0xFFFFFFE0];
	v37 =	vmul.f32 v37, v42;
	[tilespmem:s19+$0xD0] =	vst v3  }
0x1a8: {  	v39 =	vld [tilespmem:s4+$0xFFFFFFF0];
	v62 =	vmul.f32 v38, v43;
	[tilespmem:s19+$0xE0] =	vst v57  }
0x1a9: {  	v46 =	vld [tilespmem:s4+$0x30];
	[tilespmem:s4+$0xFFFFFF60] =	vst v37;
	v31 =	vmul.f32 v31, v54  }
0x1aa: {  	v47 =	vld [tilespmem:s4+$0x40];
	v38 =	vmul.f32 v55, v40;
	[tilespmem:s4+$0xFFFFFF70] =	vst v62  }
0x1ab: {  	v56 =	vld [tilespmem:s4+$0xD0];
	v40 =	vmul.f32 v16, v18;
	[tilespmem:s4+$0xFFFFFFA0] =	vst v31  }
0x1ac: {  	v41 =	vld [tilespmem:s4+$0x0];
	v43 =	vmul.f32 v60, v30;
	[tilespmem:s4+$0xFFFFFFB0] =	vst v38  }
0x1ad: {  	v42 =	vld [tilespmem:s4+$0x10];
	v45 =	vmul.f32 v61, v29;
	[tilespmem:s4+$0x80] =	vst v40  }
0x1ae: {  	v44 =	vld [tilespmem:s4+$0x20];
	v48 =	vmul.f32 v63, v28;
	[tilespmem:s4+$0xFFFFFFC0] =	vst v43  }
0x1af: {  	v49 =	vld [tilespmem:s4+$0x50];
	v26 =	vmul.f32 v39, v26;
	[tilespmem:s4+$0xFFFFFFD0] =	vst v45  }
0x1b0: {  	v50 =	vld [tilespmem:s4+$0x60];
	v62 =	vmul.f32 v56, v9;
	[tilespmem:s4+$0xFFFFFFE0] =	vst v48  }
0x1b1: {  	v54 =	vld [tilespmem:s4+$0xB0];
	v16 =	vmul.f32 v22, v41;
	[tilespmem:s4+$0xFFFFFFF0] =	vst v26  }
0x1b2: {  	v55 =	vld [tilespmem:s4+$0xC0];
	v4 =	vmul.f32 v20, v42;
	[tilespmem:s8+$0xD0] =	vst v62  }
0x1b3: {  	v51 =	vld [tilespmem:s4+$0x70];
	v13 =	vmul.f32 v23, v44;
	[tilespmem:s4+$0x0] =	vst v16  }
0x1b4: {  	v15 =	vmul.f32 v46, v21;
	[tilespmem:s8+$0x10] =	vst v4  }
0x1b5: {  	v52 =	vmul.f32 v47, v27;
	[tilespmem:s8+$0x20] =	vst v13  }
0x1b6: {  	v53 =	vmul.f32 v49, v25;
	v58 =	vld [tilespmem:s8+$0xE0];
	[tilespmem:s8+$0x30] =	vst v15  }
0x1b7: {  	v14 =	vmul.f32 v50, v17;
	[tilespmem:s8+$0x40] =	vst v52  }
0x1b8: {  	v59 =	vmul.f32 v51, v35;
	[tilespmem:s8+$0x50] =	vst v53  }
0x1b9: {  	v60 =	vmul.f32 v54, v11;
	[tilespmem:s8+$0x60] =	vst v14  }
0x1ba: {  	v61 =	vmul.f32 v55, v12;
	[tilespmem:s8+$0x70] =	vst v59  }
0x1bb: {  	[tilespmem:s8+$0xB0] =	vst v60;
	v63 =	vmul.f32 v58, v10  }
0x1bc: {  	[tilespmem:s8+$0xC0] =	vst v61  }
0x1bd: {  	[tilespmem:s8+$0xE0] =	vst v63  }
.LBB2_9:
0x1be: {  	s4 =	sshra.s32 s13, $0x2  }
0x1bf: {  	v0 =	vld [tilespmem:s4+$0x8FA0]  }
0x1c0: {  	v1 =	vld [tilespmem:s4+$0x95E0];
	_ =	sdelay $0x4  }
0x1c1: {  	v0 =	vadd.f32 v1, v0;
	_ =	sdelay $0x1  }
0x1c2: {  	v1 =	vmul.f32 $2.000000030e-01, v0  }
0x1c3: {  	vm0 =	vge.f32 v0, $0.0e+00  }
0x1c4: {  	v0 =	vsel vm0, v0, v1  }
0x1c5: {  	v0 =	vmul.f32 $1.442695020e+00, v0;
	_ =	sdelay $0x1  }
0x1c6: {  	(erf) = vpow2.f32 v0;
	_ =	sdelay $0x8  }
0x1c7: {  	v0 =	vpop (erf)  }
0x1c8: {  	[tilespmem:s4+$0x9C20] =	vst v0  }
0x1c9: {  	v50 =	vld [tilespmem:s21+$0xFFFFFF90];
	_ =	sdelay $0x1  }
0x1ca: {  	v51 =	vld [tilespmem:s21+$0xFFFFFFA0]  }
0x1cb: {  	v2 =	vbroadcast v0, $0x0  }
0x1cc: {  	v53 =	vld [tilespmem:s21+$0xFFFFFFB0]  }
0x1cd: {  	v52 =	vbroadcast v0, $0x1;
	v1 =	vmul.f32 v2, v50  }
0x1ce: {  	v55 =	vld [tilespmem:s21+$0xFFFFFFC0]  }
0x1cf: {  	v54 =	vbroadcast v0, $0x2;
	[tilespmem:s21+$0xFFFFFF90] =	vst v1;
	v1 =	vmul.f32 v52, v51  }
0x1d0: {  	v57 =	vld [tilespmem:s21+$0xFFFFFFD0]  }
0x1d1: {  	v56 =	vbroadcast v0, $0x3;
	[tilespmem:s21+$0xFFFFFFA0] =	vst v1;
	v1 =	vmul.f32 v54, v53  }
0x1d2: {  	v59 =	vld [tilespmem:s21+$0xFFFFFFE0]  }
0x1d3: {  	v58 =	vbroadcast v0, $0x4;
	v63 =	vld [tilespmem:s21+$0x0];
	[tilespmem:s21+$0xFFFFFFB0] =	vst v1;
	v1 =	vmul.f32 v55, v56  }
0x1d4: {  	v61 =	vld [tilespmem:s21+$0xFFFFFFF0]  }
0x1d5: {  	v60 =	vbroadcast v0, $0x5;
	[tilespmem:s21+$0xFFFFFFC0] =	vst v1;
	v1 =	vmul.f32 v57, v58  }
0x1d6: {  	p1 =	sne.s32 s13, $0x40;
	v62 =	vbroadcast v0, $0x6;
	v0 =	vbroadcast v0, $0x7  }
.Ltmp3:
0x1d7: {  	[tilespmem:s21+$0xFFFFFFD0] =	vst v1;
	v1 =	vmul.f32 v59, v60;
	(pc) =	sbr.rel @p1 .LBB2_9-.Ltmp3, $4  }
0x1d8: {  	v0 =	vmul.f32 v63, v0  }
0x1d9: {  	[tilespmem:s21+$0xFFFFFFE0] =	vst v1;
	v1 =	vmul.f32 v61, v62  }
0x1da: {  	[tilespmem:s21+$0x0] =	vst v0  }
0x1db: {  	s13 =	sadd.s32 $0x40, s13;
	[tilespmem:s21+$0xFFFFFFF0] =	vst v1;
	s21 =	sadd.s32 $0x80, s21  }
0x1dc: {  	s4 =	smul.u32 $0xE0, s18;
	s17 =	sadd.s32 $0x1, s17  }
0x1dd: {  	p1 =	sne.s32 s17, $0x64  }
.Ltmp4:
0x1de: {  	s4 =	sshra.s32 s4, $0x2;
	(pc) =	sbr.rel @p1 .LBB2_2-.Ltmp4, $4  }
0x1df: {  	s4 =	sadd.s32 $0x2BC0, s4  }
0x1e0: {  	[spmem:s2] =	stream.indirect.scatter.add.f32 [tilespmem:s29], [sflag:$0x4], $0x80, s4, s24, $0xb8;
	[tilespmem:$0x1FBD0] =	vst v63  }
0x1e1: {  	_ = 	snop  }
0x1e2: {  	[spmem:s3] =	stream.indirect.scatter.add.f32 [tilespmem:s28], [sflag:$0x4], $0x10, s4, s24, $0xb8;
	[tilespmem:$0x1FBD0] =	vst v63  }
0x1e3: {  	s4 =	simm.s32 $0x3  }
0x1e4: {  	_ =	swait.ge [sflag:s4], $0x1900  }
0x1e5: {  	[sflag:s4] =	ssyncset.done $0x0  }
0x1e6: {  	[sflag:s4] =	ssyncadd.s32 $0xFFFFE700  }
0x1e7: {  	_ =	swait.ge [sflag:s4], $0x320  }
0x1e8: {  	[sflag:s4] =	ssyncset.done $0x0  }
0x1e9: {  	s19 =	simm.s32 $0x4;
	[sflag:s4] =	ssyncadd.s32 $0xFFFFFCE0  }
0x1ea: {  	_ =	swait.ge [sflag:s19], $0x1900  }
0x1eb: {  	[sflag:s19] =	ssyncset.done $0x0  }
0x1ec: {  	[sflag:s19] =	ssyncadd.s32 $0xFFFFE700  }
0x1ed: {  	_ =	swait.ge [sflag:s19], $0x320  }
0x1ee: {  	[sflag:s19] =	ssyncset.done $0x0  }
0x1ef: {  	[sflag:s19] =	ssyncadd.s32 $0xFFFFFCE0  }
0x1f0: {  	[bflag:$0x0] =	sbarrier.arrive $0xFFFF  }
0x1f1: {  	s20 =	rddreg [dreg:$0xd]  }
0x1f2: {  	s8 =	rddreg [dreg:$0x12]  }
0x1f3: {  	[hbm:s20], [sflag:s11] =	dma.local [spmem:s8], $0x2700  }
0x1f4: {  	_ =	swait.ge [sflag:s22], $0x2700  }
0x1f5: {  	[sflag:s22] =	ssyncset.done $0x0  }
0x1f6: {  	s21 =	rddreg [dreg:$0xe];
	[sflag:s22] =	ssyncadd.s32 $0xFFFFD900  }
0x1f7: {  	[hbm:s21], [sflag:s11] =	dma.local [spmem:s14], $0x4E0  }
0x1f8: {  	_ =	swait.ge [sflag:s22], $0x4E0  }
0x1f9: {  	[sflag:s22] =	ssyncset.done $0x0  }
0x1fa: {  	s4 =	rddreg [dreg:$0xf];
	[sflag:s22] =	ssyncadd.s32 $0xFFFFFB20  }
0x1fb: {  	[hbm:s4], [sflag:s11] =	dma.local @!p0 [spmem:s15], $0x100  }
0x1fc: {  	s4 =	simm.s32 @!p0 $0x5  }
0x1fd: {  	_ =	swait.ge @!p0 [sflag:s4], $0x100  }
0x1fe: {  	[sflag:s4] =	ssyncset.done @!p0 $0x0  }
0x1ff: {  	s8 =	rddreg [dreg:$0x10];
	[sflag:s4] =	ssyncadd.s32 @!p0 $0xFFFFFF00  }
0x200: {  	[hbm:s8], [sflag:s11] =	dma.local @!p0 [spmem:s16], $0x20  }
0x201: {  	_ =	swait.ge @!p0 [sflag:s4], $0x20  }
0x202: {  	s12 =	sadd.s32 $0x1, s12;
	s23 =	rddreg [dreg:$0x11]  }
0x203: {  	p1 =	sne.s32 s12, s23  }
.Ltmp5:
0x204: {  	_ = 	snop;
	(pc) =	sbr.rel @p1 .LBB2_1-.Ltmp5, $3  }
0x205: {  	_ =	sdelay $0x1  }
0x206: {  	[sflag:s4] =	ssyncset.done @!p0 $0x0  }
0x207: {  	[sflag:s4] =	ssyncadd.s32 @!p0 $0xFFFFFFE0  }
0x208: {  	_ =	sfence.sel $0x180000  }
0x209: {  	[bflag:$0x0] =	sbarrier.arrive $0xFFFF  }
0x20a: {  	_ =	strace $0x90000047  }
0x20b: {  	s0 =	stileid.u32;
	[bflag:$0x2] =	sbarrier.arrive $0xFFFF  }
0x20c: {  	p0 =	sne.s32 s0, $0x0;
	s0 =	rddreg [dreg:$0x4]  }
0x20d: {  	s0 =	sadd.s32 @!p0 $0x100000, s0  }
0x20e: {  	[sflag:s0] =	ssyncadd.tile.s32 @!p0 $0x1;
	_ =	shalt  }
.Lfunc_end2:
_tile_overlayer_lowered:
.L_overlay_start_2:
0x20f: {  	(tag) =	ssettag $0x2  }
0x210: {  	s0 =	rddreg [dreg:$0x0];
	s2 =	stileid.u32  }
0x211: {  	s1 =	rddreg [dreg:$0x1];
	p0 =	sne.s32 s2, $0x0  }
0x212: {  	s3 =	rddreg [dreg:$0x2];
	[bflag:$0x3] =	sbarrier.arrive $0xFFFF;
	s2 =	simm.s32 @!p0 $0x1C05  }
0x213: {  	[timem:s3], [sflag:s2] =	dma.local @!p0 [hbm:s0], s1  }
0x214: {  	s0 =	simm.s32 @!p0 $0x5  }
0x215: {  	_ =	swait.ge @!p0 [sflag:s0], s1  }
0x216: {  	s1 =	ssub.s32 @!p0 $0x0, s1;
	[sflag:s0] =	ssyncset.done @!p0 $0x0  }
0x217: {  	[sflag:s0] =	ssyncadd.s32 @!p0 s1  }
0x218: {  	[bflag:$0x3] =	sbarrier.arrive $0xFFFF  }
0x219: {  	_ =	shalt  }

</sc_bundles>
